<compile_context>
chip_gen: v7x
topology: tpu7x:2x2x1
jax: 0.10.2.dev20260603
libtpu: 0.0.44.dev20260713+nightly
codegen_flags: <defaults>
</compile_context>

<pallas_src>
import functools

import jax
import jax.numpy as jnp
from jax import lax
from jax.experimental import pallas as pl
from jax.experimental.pallas import tpu as pltpu
from jax.experimental.pallas import tpu_sc as plsc

N_NODES = 10000
D_FEAT = 128
K_STEPS = 2
NC = 2
NS = 16
NW = NC * NS
N_PAD = 10240
HALF = N_PAD // NC
PAD_ROWS = N_PAD - N_NODES
ROWS_PER_TILE = N_PAD // NW
ROWS_PER_SUB = N_PAD // NS
SUB_ROWS = HALF // NS
CHUNK = 128
LANES = 16
FILL = 384

_MESH = plsc.VectorSubcoreMesh(core_axis_name="c", subcore_axis_name="s")
_f32 = jnp.float32
_i32 = jnp.int32
_PARAMS = pltpu.CompilerParams(use_tc_tiling_on_sc=False)
_PARAMS_NOLAYOUT = pltpu.CompilerParams(
    use_tc_tiling_on_sc=False, needs_layout_passes=False)


def _part_body(ept, ei_h, ones_h, zeros16_h,
               rows_l, cols_l, counts, degp,
               row1d, col1d, ra, ca, rb, cb, ones_v, cnt_v, deg_acc, sem_d):
    cid = lax.axis_index("c")
    sid = lax.axis_index("s")
    wid = cid * NS + sid
    esl = pl.ds(wid * ept, ept)
    pltpu.sync_copy(ei_h.at[0, esl], row1d)
    pltpu.sync_copy(ei_h.at[1, esl], col1d)
    pltpu.sync_copy(ones_h, ones_v)
    sl = pl.ds(sid * ROWS_PER_SUB, ROWS_PER_SUB)
    pltpu.sync_copy(zeros16_h, deg_acc.at[sl])
    plsc.subcore_barrier()

    nfull = ept // CHUNK
    ntail = (ept % CHUNK) // LANES

    def _fire_d(j):
        pltpu.async_copy(ones_v, deg_acc.at[col1d.at[pl.ds(j * CHUNK, CHUNK)]],
                         sem_d, add=True)

    def _wait_d():
        pltpu.make_async_copy(
            ones_v, deg_acc.at[col1d.at[pl.ds(0, CHUNK)]], sem_d).wait()

    _fire_d(0)
    _fire_d(1)

    def dstep(j, carry):
        _fire_d(j + 2)
        _wait_d()
        return carry

    lax.fori_loop(0, nfull - 2, dstep, 0)
    for t in range(ntail):
        pltpu.async_copy(
            ones_v.at[pl.ds(0, LANES)],
            deg_acc.at[col1d.at[pl.ds(nfull * CHUNK + t * LANES, LANES)]],
            sem_d, add=True)

    def cstep(k, carry):
        offa, offb = carry
        r16 = row1d[pl.ds(k * LANES, LANES)]
        c16 = col1d[pl.ds(k * LANES, LANES)]
        ma = r16 < HALF
        mb = jnp.logical_not(ma)
        pca = plsc.cumsum(ma.astype(_i32))
        posa = jnp.full((LANES,), offa - 1, _i32) + pca
        posb = jnp.full((LANES,), offb, _i32) + (lax.iota(_i32, LANES) - pca)
        plsc.store_scatter(ra, [posa], r16, mask=ma)
        plsc.store_scatter(ca, [posa], c16, mask=ma)
        plsc.store_scatter(rb, [posb], r16 - HALF, mask=mb)
        plsc.store_scatter(cb, [posb], c16, mask=mb)
        na = pca[LANES - 1]
        return offa + na, offb + (LANES - na)

    offa, offb = lax.fori_loop(0, ept // LANES, cstep, (0, 0))
    _wait_d()
    _wait_d()
    for t in range(ntail):
        pltpu.make_async_copy(
            ones_v.at[pl.ds(0, LANES)],
            deg_acc.at[col1d.at[pl.ds(0, LANES)]], sem_d).wait()

    iota = lax.iota(_i32, LANES)
    for k in range(FILL // LANES):
        rd = (iota * 331 + k * LANES) % HALF
        cd = N_NODES + ((iota + k) * 7) % PAD_ROWS
        ra[pl.ds(offa + k * LANES, LANES)] = rd
        ca[pl.ds(offa + k * LANES, LANES)] = cd
        rb[pl.ds(offb + k * LANES, LANES)] = rd
        cb[pl.ds(offb + k * LANES, LANES)] = cd

    def _chunks(off):
        c = (off + CHUNK - 1) // CHUNK
        c = c + (c % 2)
        return jnp.maximum(c, 2)

    cnt_v[...] = jnp.full((LANES,), _chunks(offa), _i32)
    pltpu.sync_copy(cnt_v, counts.at[0, wid])
    cnt_v[...] = jnp.full((LANES,), _chunks(offb), _i32)
    pltpu.sync_copy(cnt_v, counts.at[1, wid])
    pltpu.sync_copy(ra, rows_l.at[0, wid])
    pltpu.sync_copy(ca, cols_l.at[0, wid])
    pltpu.sync_copy(rb, rows_l.at[1, wid])
    pltpu.sync_copy(cb, cols_l.at[1, wid])

    plsc.subcore_barrier()
    pltpu.sync_copy(deg_acc.at[sl], degp.at[cid, sl])


def _make_part(ept):
    cap = ept + FILL
    return pl.kernel(
        functools.partial(_part_body, ept),
        out_type=(
            jax.ShapeDtypeStruct((NC, NW, cap), _i32),
            jax.ShapeDtypeStruct((NC, NW, cap), _i32),
            jax.ShapeDtypeStruct((NC, NW, LANES), _i32),
            jax.ShapeDtypeStruct((NC, N_PAD, LANES), _f32),
        ),
        mesh=_MESH,
        compiler_params=_PARAMS_NOLAYOUT,
        scratch_types=[
            pltpu.VMEM((ept,), _i32),
            pltpu.VMEM((ept,), _i32),
            pltpu.VMEM((cap,), _i32),
            pltpu.VMEM((cap,), _i32),
            pltpu.VMEM((cap,), _i32),
            pltpu.VMEM((cap,), _i32),
            pltpu.VMEM((CHUNK, LANES), _f32),
            pltpu.VMEM((LANES,), _i32),
            pltpu.VMEM_SHARED((N_PAD, LANES), _f32),
            pltpu.SemaphoreType.DMA,
        ],
    )


def _scale_body(x_h, degp_h, g_h, inv_h, x_v, da_v, db_v, g_v, inv_v):
    wid = lax.axis_index("c") * NS + lax.axis_index("s")
    sl = pl.ds(wid * ROWS_PER_TILE, ROWS_PER_TILE)
    pltpu.sync_copy(x_h.at[sl], x_v)
    pltpu.sync_copy(degp_h.at[0, sl], da_v)
    pltpu.sync_copy(degp_h.at[1, sl], db_v)

    def row(r, carry):
        d16 = da_v[r, :] + db_v[r, :] + 1.0
        inv16 = 1.0 / d16
        inv_v[r, :] = inv16
        for f in range(D_FEAT // LANES):
            s = pl.ds(f * LANES, LANES)
            g_v[r, s] = x_v[r, s] * inv16
        return carry

    lax.fori_loop(0, ROWS_PER_TILE, row, 0)
    pltpu.sync_copy(g_v, g_h.at[sl])
    pltpu.sync_copy(inv_v, inv_h.at[sl])


_scale_kernel = pl.kernel(
    _scale_body,
    out_type=(
        jax.ShapeDtypeStruct((N_PAD, D_FEAT), _f32),
        jax.ShapeDtypeStruct((N_PAD, LANES), _f32),
    ),
    mesh=_MESH,
    compiler_params=_PARAMS,
    scratch_types=[
        pltpu.VMEM((ROWS_PER_TILE, D_FEAT), _f32),
        pltpu.VMEM((ROWS_PER_TILE, LANES), _f32),
        pltpu.VMEM((ROWS_PER_TILE, LANES), _f32),
        pltpu.VMEM((ROWS_PER_TILE, D_FEAT), _f32),
        pltpu.VMEM((ROWS_PER_TILE, LANES), _f32),
    ],
)


def _step_body(scale_out, g_h, rows_l, cols_l, counts_h, inv_h, out_h,
               ra, ca, rb, cb, cnt0_v, cnt1_v, inv_v, buf0, buf1, acc,
               s0, s1):
    cid = lax.axis_index("c")
    sid = lax.axis_index("s")
    half0 = cid * HALF
    lsl = pl.ds(sid * SUB_ROWS, SUB_ROWS)
    gsl = pl.ds(half0 + sid * SUB_ROWS, SUB_ROWS)
    pltpu.sync_copy(g_h.at[gsl], acc.at[lsl])
    src0 = sid
    src1 = NS + sid
    pltpu.sync_copy(rows_l.at[cid, src0], ra)
    pltpu.sync_copy(cols_l.at[cid, src0], ca)
    pltpu.sync_copy(rows_l.at[cid, src1], rb)
    pltpu.sync_copy(cols_l.at[cid, src1], cb)
    pltpu.sync_copy(counts_h.at[cid, src0], cnt0_v)
    pltpu.sync_copy(counts_h.at[cid, src1], cnt1_v)
    plsc.subcore_barrier()

    for r_l, c_l, cnt_ref in ((ra, ca, cnt0_v), (rb, cb, cnt1_v)):
        cnt = cnt_ref[...][0]

        def _idx(j):
            return c_l.at[pl.ds(j * CHUNK, CHUNK)]

        def _scatter(j, buf):
            pltpu.sync_copy(buf, acc.at[r_l.at[pl.ds(j * CHUNK, CHUNK)]],
                            add=True)

        pltpu.async_copy(g_h.at[_idx(0)], buf0, s0)
        pltpu.async_copy(g_h.at[_idx(1)], buf1, s1)

        def pair(i, carry):
            j0 = i * 2
            pltpu.make_async_copy(g_h.at[_idx(j0)], buf0, s0).wait()
            _scatter(j0, buf0)
            pltpu.async_copy(g_h.at[_idx(j0 + 2)], buf0, s0)
            pltpu.make_async_copy(g_h.at[_idx(j0 + 1)], buf1, s1).wait()
            _scatter(j0 + 1, buf1)
            pltpu.async_copy(g_h.at[_idx(j0 + 3)], buf1, s1)
            return carry

        lax.fori_loop(0, cnt // 2 - 1, pair, 0)
        pltpu.make_async_copy(g_h.at[_idx(cnt - 2)], buf0, s0).wait()
        _scatter(cnt - 2, buf0)
        pltpu.make_async_copy(g_h.at[_idx(cnt - 1)], buf1, s1).wait()
        _scatter(cnt - 1, buf1)

    plsc.subcore_barrier()
    if not scale_out:
        pltpu.sync_copy(acc.at[lsl], out_h.at[gsl])
    else:
        pltpu.sync_copy(inv_h.at[gsl], inv_v)
        done = 0
        while done < SUB_ROWS:
            cn = min(CHUNK, SUB_ROWS - done)
            pltpu.sync_copy(acc.at[pl.ds(sid * SUB_ROWS + done, cn)],
                            buf0.at[pl.ds(0, cn)])

            def rower(r, carry):
                inv16 = inv_v[done + r, :]
                for f in range(D_FEAT // LANES):
                    s = pl.ds(f * LANES, LANES)
                    buf0[r, s] = buf0[r, s] * inv16
                return carry

            lax.fori_loop(0, cn, rower, 0)
            pltpu.sync_copy(
                buf0.at[pl.ds(0, cn)],
                out_h.at[pl.ds(half0 + sid * SUB_ROWS + done, cn)])
            done += cn


def _make_step(ept, scale_out):
    cap = ept + FILL
    return pl.kernel(
        functools.partial(_step_body, scale_out),
        out_type=jax.ShapeDtypeStruct((N_PAD, D_FEAT), _f32),
        mesh=_MESH,
        compiler_params=_PARAMS,
        scratch_types=[
            pltpu.VMEM((cap,), _i32),
            pltpu.VMEM((cap,), _i32),
            pltpu.VMEM((cap,), _i32),
            pltpu.VMEM((cap,), _i32),
            pltpu.VMEM((LANES,), _i32),
            pltpu.VMEM((LANES,), _i32),
            pltpu.VMEM((SUB_ROWS, LANES), _f32),
            pltpu.VMEM((CHUNK, D_FEAT), _f32),
            pltpu.VMEM((CHUNK, D_FEAT), _f32),
            pltpu.VMEM_SHARED((HALF, D_FEAT), _f32),
            pltpu.SemaphoreType.DMA,
            pltpu.SemaphoreType.DMA,
        ],
    )


def kernel(x, edge_index):
    n, d = x.shape
    e = edge_index.shape[1]
    assert n == N_NODES and d == D_FEAT

    ei = edge_index.astype(_i32)

    align = NW * LANES
    if e % align:
        flat_pad = align - e % align
        dummy = N_NODES + (jnp.arange(flat_pad, dtype=_i32) % PAD_ROWS)
        ei = jnp.concatenate([ei, jnp.stack([dummy, dummy])], axis=1)
        e += flat_pad
    ept = e // NW

    xpad = jnp.zeros((N_PAD, D_FEAT), _f32).at[:n].set(x.astype(_f32))
    zeros16 = jnp.zeros((ROWS_PER_SUB, LANES), _f32)
    ones = jnp.ones((CHUNK, LANES), _f32)

    rows_l, cols_l, counts, degp = _make_part(ept)(ei, ones, zeros16)
    g, inv = _scale_kernel(xpad, degp)
    h = None
    for k in range(K_STEPS):
        step = _make_step(ept, scale_out=(k < K_STEPS - 1))
        h = step(g, rows_l, cols_l, counts, inv)
        g = h
    return h[:n]

# --- scband reference (transcript-rebuilt; emitter-appended) ---
"""Pipeline reference for scband-feature-propagator-66864050864376 (READ-ONLY COPY).

The authoritative reference and input builder live on the scoring server;
editing this copy changes nothing except your own understanding.
"""

import jax, jax.numpy as jnp
import numpy as np

N_NODES = 10000
N_EDGES = 320000
D_FEAT = 128
K = 2
ALPHA = 0.0


def setup_inputs(seed: int = 0) -> dict:
    key = jax.random.key(seed)
    kx, ke = jax.random.split(key)
    x = jax.random.normal(kx, (N_NODES, D_FEAT), dtype=jnp.float32)
    edge_index = jax.random.randint(ke, (2, N_EDGES), 0, N_NODES, dtype=jnp.int64)
    return {"x": x, "edge_index": edge_index}


def reference(x, edge_index):
    n = x.shape[0]
    # add self loops
    loops = jnp.arange(n, dtype=edge_index.dtype)
    ei = jnp.concatenate([edge_index, jnp.stack([loops, loops], axis=0)], axis=1)
    row, col = ei[0], ei[1]
    # degree of col (in-degree over augmented edge set)
    deg = jnp.zeros((n,), dtype=x.dtype).at[col].add(jnp.ones_like(col, dtype=x.dtype))
    deg_inv_left = jnp.power(deg, -ALPHA)
    deg_inv_right = jnp.power(deg, ALPHA - 1.0)
    deg_inv_left = jnp.where(jnp.isinf(deg_inv_left), 0.0, deg_inv_left)
    deg_inv_right = jnp.where(jnp.isinf(deg_inv_right), 0.0, deg_inv_right)
    edge_weight = deg_inv_left[row] * deg_inv_right[col]
    # K-step SGC-style propagation: scatter-add of weighted gathered features
    h = x
    for _ in range(K):
        msgs = edge_weight[:, None] * h[col]
        h = jnp.zeros_like(h).at[row].add(msgs)
    return h


if False:  # reference __main__ guard neutralized (emitter)
    inp = setup_inputs()
    out = reference(**inp)
    print(out.shape, out.dtype)

if __name__ == "__main__":
    import jax
    _d = setup_inputs()
    print(jax.jit(kernel)(*tuple(_d.values())))

</pallas_src>

<mosaic_0001>
#map = affine_map<(d0, d1) -> (0, 0)>
#map1 = affine_map<(d0, d1) -> (0, 0, 0)>
module attributes {stable_mosaic.version = 14 : i64} {
  func.func @_step_body(%arg0: i32, %arg1: i32, %arg2: memref<10240x128xf32, #tpu.memory_space<hbm>>, %arg3: memref<2x32x10384xi32, #tpu.memory_space<hbm>>, %arg4: memref<2x32x10384xi32, #tpu.memory_space<hbm>>, %arg5: memref<2x32x16xi32, #tpu.memory_space<hbm>>, %arg6: memref<10240x16xf32, #tpu.memory_space<hbm>>, %arg7: memref<10240x128xf32, #tpu.memory_space<hbm>>, %arg8: memref<10384xi32, #tpu.memory_space<vmem>>, %arg9: memref<10384xi32, #tpu.memory_space<vmem>>, %arg10: memref<10384xi32, #tpu.memory_space<vmem>>, %arg11: memref<10384xi32, #tpu.memory_space<vmem>>, %arg12: memref<16xi32, #tpu.memory_space<vmem>>, %arg13: memref<16xi32, #tpu.memory_space<vmem>>, %arg14: memref<320x16xf32, #tpu.memory_space<vmem>>, %arg15: memref<128x128xf32, #tpu.memory_space<vmem>>, %arg16: memref<128x128xf32, #tpu.memory_space<vmem>>, %arg17: memref<5120x128xf32, #tpu.memory_space<vmem_shared>>, %arg18: memref<!tpu.dma_semaphore, #tpu.memory_space<semaphore_mem>>, %arg19: memref<!tpu.dma_semaphore, #tpu.memory_space<semaphore_mem>>) attributes {dimension_semantics = [#tpu.dimension_semantics<core_parallel>, #tpu.dimension_semantics<subcore_parallel>], iteration_bounds = array<i64: 2, 16>, scalar_prefetch = 0 : i64, scratch_operands = 12 : i64, tpu.core_type = #tpu.core_type<sc_vector_subcore>, window_params = [{transform_indices = #map}, {transform_indices = #map1}, {transform_indices = #map1}, {transform_indices = #map1}, {transform_indices = #map}, {transform_indices = #map}]} {
    %mul3A = arith.constant 5120 : i32
    %mul3A_0 = arith.muli %arg0, %mul3A : i32
    %mul3A_1 = arith.constant 320 : i32
    %mul3A_2 = arith.muli %arg1, %mul3A_1 : i32
    %mul3A_3 = arith.constant 320 : i32
    %mul3A_4 = arith.muli %arg1, %mul3A_3 : i32
    %add3A = arith.addi %mul3A_0, %mul3A_4 : i32
    "tpu.region"() ({
      %run_scoped3A = tpu.sem_alloc : memref<!tpu.dma_semaphore, #tpu.memory_space<semaphore_mem>>
      %dma_start3A_144 = arith.constant 0 : i32
      %dma_start3A_145 = tpu.memref_slice %arg17[%mul3A_2, %dma_start3A_144] : memref<5120x128xf32, #tpu.memory_space<vmem_shared>> -> memref<320x128xf32, #tpu.memory_space<vmem_shared>>
      %dma_start3A_146 = arith.constant 0 : i32
      %dma_start3A_147 = tpu.memref_slice %arg2[%add3A, %dma_start3A_146] : memref<10240x128xf32, #tpu.memory_space<hbm>> -> memref<320x128xf32, #tpu.memory_space<hbm>>
      tpu.enqueue_dma source(%dma_start3A_147 : memref<320x128xf32, #tpu.memory_space<hbm>>) target(%dma_start3A_145 : memref<320x128xf32, #tpu.memory_space<vmem_shared>>) target_semaphore(%run_scoped3A : memref<!tpu.dma_semaphore, #tpu.memory_space<semaphore_mem>>)
      %dma_wait3A_148 = arith.constant 0 : i32
      %dma_wait3A_149 = tpu.memref_slice %arg17[%mul3A_2, %dma_wait3A_148] : memref<5120x128xf32, #tpu.memory_space<vmem_shared>> -> memref<320x128xf32, #tpu.memory_space<vmem_shared>>
      %dma_wait3A_150 = arith.constant 0 : i32
      %dma_wait3A_151 = tpu.memref_slice %arg2[%add3A, %dma_wait3A_150] : memref<10240x128xf32, #tpu.memory_space<hbm>> -> memref<320x128xf32, #tpu.memory_space<hbm>>
      tpu.wait_dma2 semaphore(%run_scoped3A : memref<!tpu.dma_semaphore, #tpu.memory_space<semaphore_mem>>) src(%dma_wait3A_151 : memref<320x128xf32, #tpu.memory_space<hbm>>) dst(%dma_wait3A_149 : memref<320x128xf32, #tpu.memory_space<vmem_shared>>)
      tpu.yield
    }) : () -> ()
    %add3A_5 = arith.constant 16 : i32
    %add3A_6 = arith.addi %add3A_5, %arg1 : i32
    "tpu.region"() ({
      %run_scoped3A = tpu.sem_alloc : memref<!tpu.dma_semaphore, #tpu.memory_space<semaphore_mem>>
      %dma_start3A_144 = arith.constant 0 : i32
      %dma_start3A_145 = tpu.memref_slice %arg3[%arg0, %arg1, %dma_start3A_144] : memref<2x32x10384xi32, #tpu.memory_space<hbm>> -> memref<1x1x10384xi32, #tpu.memory_space<hbm>>
      %dma_start3A_146 = tpu.memref_squeeze %dma_start3A_145 : memref<1x1x10384xi32, #tpu.memory_space<hbm>> -> memref<10384xi32, #tpu.memory_space<hbm>>
      %dma_start3A_147 = arith.constant 0 : i32
      %dma_start3A_148 = tpu.memref_slice %arg3[%arg0, %arg1, %dma_start3A_147] : memref<2x32x10384xi32, #tpu.memory_space<hbm>> -> memref<1x1x10384xi32, #tpu.memory_space<hbm>>
      %dma_start3A_149 = tpu.memref_squeeze %dma_start3A_148 : memref<1x1x10384xi32, #tpu.memory_space<hbm>> -> memref<10384xi32, #tpu.memory_space<hbm>>
      tpu.enqueue_dma source(%dma_start3A_149 : memref<10384xi32, #tpu.memory_space<hbm>>) target(%arg8 : memref<10384xi32, #tpu.memory_space<vmem>>) target_semaphore(%run_scoped3A : memref<!tpu.dma_semaphore, #tpu.memory_space<semaphore_mem>>)
      %dma_wait3A_150 = arith.constant 0 : i32
      %dma_wait3A_151 = tpu.memref_slice %arg3[%arg0, %arg1, %dma_wait3A_150] : memref<2x32x10384xi32, #tpu.memory_space<hbm>> -> memref<1x1x10384xi32, #tpu.memory_space<hbm>>
      %dma_wait3A_152 = tpu.memref_squeeze %dma_wait3A_151 : memref<1x1x10384xi32, #tpu.memory_space<hbm>> -> memref<10384xi32, #tpu.memory_space<hbm>>
      %dma_wait3A_153 = arith.constant 0 : i32
      %dma_wait3A_154 = tpu.memref_slice %arg3[%arg0, %arg1, %dma_wait3A_153] : memref<2x32x10384xi32, #tpu.memory_space<hbm>> -> memref<1x1x10384xi32, #tpu.memory_space<hbm>>
      %dma_wait3A_155 = tpu.memref_squeeze %dma_wait3A_154 : memref<1x1x10384xi32, #tpu.memory_space<hbm>> -> memref<10384xi32, #tpu.memory_space<hbm>>
      tpu.wait_dma2 semaphore(%run_scoped3A : memref<!tpu.dma_semaphore, #tpu.memory_space<semaphore_mem>>) src(%dma_wait3A_155 : memref<10384xi32, #tpu.memory_space<hbm>>) dst(%arg8 : memref<10384xi32, #tpu.memory_space<vmem>>)
      tpu.yield
    }) : () -> ()
    "tpu.region"() ({
      %run_scoped3A = tpu.sem_alloc : memref<!tpu.dma_semaphore, #tpu.memory_space<semaphore_mem>>
      %dma_start3A_144 = arith.constant 0 : i32
      %dma_start3A_145 = tpu.memref_slice %arg4[%arg0, %arg1, %dma_start3A_144] : memref<2x32x10384xi32, #tpu.memory_space<hbm>> -> memref<1x1x10384xi32, #tpu.memory_space<hbm>>
      %dma_start3A_146 = tpu.memref_squeeze %dma_start3A_145 : memref<1x1x10384xi32, #tpu.memory_space<hbm>> -> memref<10384xi32, #tpu.memory_space<hbm>>
      %dma_start3A_147 = arith.constant 0 : i32
      %dma_start3A_148 = tpu.memref_slice %arg4[%arg0, %arg1, %dma_start3A_147] : memref<2x32x10384xi32, #tpu.memory_space<hbm>> -> memref<1x1x10384xi32, #tpu.memory_space<hbm>>
      %dma_start3A_149 = tpu.memref_squeeze %dma_start3A_148 : memref<1x1x10384xi32, #tpu.memory_space<hbm>> -> memref<10384xi32, #tpu.memory_space<hbm>>
      tpu.enqueue_dma source(%dma_start3A_149 : memref<10384xi32, #tpu.memory_space<hbm>>) target(%arg9 : memref<10384xi32, #tpu.memory_space<vmem>>) target_semaphore(%run_scoped3A : memref<!tpu.dma_semaphore, #tpu.memory_space<semaphore_mem>>)
      %dma_wait3A_150 = arith.constant 0 : i32
      %dma_wait3A_151 = tpu.memref_slice %arg4[%arg0, %arg1, %dma_wait3A_150] : memref<2x32x10384xi32, #tpu.memory_space<hbm>> -> memref<1x1x10384xi32, #tpu.memory_space<hbm>>
      %dma_wait3A_152 = tpu.memref_squeeze %dma_wait3A_151 : memref<1x1x10384xi32, #tpu.memory_space<hbm>> -> memref<10384xi32, #tpu.memory_space<hbm>>
      %dma_wait3A_153 = arith.constant 0 : i32
      %dma_wait3A_154 = tpu.memref_slice %arg4[%arg0, %arg1, %dma_wait3A_153] : memref<2x32x10384xi32, #tpu.memory_space<hbm>> -> memref<1x1x10384xi32, #tpu.memory_space<hbm>>
      %dma_wait3A_155 = tpu.memref_squeeze %dma_wait3A_154 : memref<1x1x10384xi32, #tpu.memory_space<hbm>> -> memref<10384xi32, #tpu.memory_space<hbm>>
      tpu.wait_dma2 semaphore(%run_scoped3A : memref<!tpu.dma_semaphore, #tpu.memory_space<semaphore_mem>>) src(%dma_wait3A_155 : memref<10384xi32, #tpu.memory_space<hbm>>) dst(%arg9 : memref<10384xi32, #tpu.memory_space<vmem>>)
      tpu.yield
    }) : () -> ()
    "tpu.region"() ({
      %run_scoped3A = tpu.sem_alloc : memref<!tpu.dma_semaphore, #tpu.memory_space<semaphore_mem>>
      %dma_start3A_144 = arith.constant 0 : i32
      %dma_start3A_145 = tpu.memref_slice %arg3[%arg0, %add3A_6, %dma_start3A_144] : memref<2x32x10384xi32, #tpu.memory_space<hbm>> -> memref<1x1x10384xi32, #tpu.memory_space<hbm>>
      %dma_start3A_146 = tpu.memref_squeeze %dma_start3A_145 : memref<1x1x10384xi32, #tpu.memory_space<hbm>> -> memref<10384xi32, #tpu.memory_space<hbm>>
      %dma_start3A_147 = arith.constant 0 : i32
      %dma_start3A_148 = tpu.memref_slice %arg3[%arg0, %add3A_6, %dma_start3A_147] : memref<2x32x10384xi32, #tpu.memory_space<hbm>> -> memref<1x1x10384xi32, #tpu.memory_space<hbm>>
      %dma_start3A_149 = tpu.memref_squeeze %dma_start3A_148 : memref<1x1x10384xi32, #tpu.memory_space<hbm>> -> memref<10384xi32, #tpu.memory_space<hbm>>
      tpu.enqueue_dma source(%dma_start3A_149 : memref<10384xi32, #tpu.memory_space<hbm>>) target(%arg10 : memref<10384xi32, #tpu.memory_space<vmem>>) target_semaphore(%run_scoped3A : memref<!tpu.dma_semaphore, #tpu.memory_space<semaphore_mem>>)
      %dma_wait3A_150 = arith.constant 0 : i32
      %dma_wait3A_151 = tpu.memref_slice %arg3[%arg0, %add3A_6, %dma_wait3A_150] : memref<2x32x10384xi32, #tpu.memory_space<hbm>> -> memref<1x1x10384xi32, #tpu.memory_space<hbm>>
      %dma_wait3A_152 = tpu.memref_squeeze %dma_wait3A_151 : memref<1x1x10384xi32, #tpu.memory_space<hbm>> -> memref<10384xi32, #tpu.memory_space<hbm>>
      %dma_wait3A_153 = arith.constant 0 : i32
      %dma_wait3A_154 = tpu.memref_slice %arg3[%arg0, %add3A_6, %dma_wait3A_153] : memref<2x32x10384xi32, #tpu.memory_space<hbm>> -> memref<1x1x10384xi32, #tpu.memory_space<hbm>>
      %dma_wait3A_155 = tpu.memref_squeeze %dma_wait3A_154 : memref<1x1x10384xi32, #tpu.memory_space<hbm>> -> memref<10384xi32, #tpu.memory_space<hbm>>
      tpu.wait_dma2 semaphore(%run_scoped3A : memref<!tpu.dma_semaphore, #tpu.memory_space<semaphore_mem>>) src(%dma_wait3A_155 : memref<10384xi32, #tpu.memory_space<hbm>>) dst(%arg10 : memref<10384xi32, #tpu.memory_space<vmem>>)
      tpu.yield
    }) : () -> ()
    "tpu.region"() ({
      %run_scoped3A = tpu.sem_alloc : memref<!tpu.dma_semaphore, #tpu.memory_space<semaphore_mem>>
      %dma_start3A_144 = arith.constant 0 : i32
      %dma_start3A_145 = tpu.memref_slice %arg4[%arg0, %add3A_6, %dma_start3A_144] : memref<2x32x10384xi32, #tpu.memory_space<hbm>> -> memref<1x1x10384xi32, #tpu.memory_space<hbm>>
      %dma_start3A_146 = tpu.memref_squeeze %dma_start3A_145 : memref<1x1x10384xi32, #tpu.memory_space<hbm>> -> memref<10384xi32, #tpu.memory_space<hbm>>
      %dma_start3A_147 = arith.constant 0 : i32
      %dma_start3A_148 = tpu.memref_slice %arg4[%arg0, %add3A_6, %dma_start3A_147] : memref<2x32x10384xi32, #tpu.memory_space<hbm>> -> memref<1x1x10384xi32, #tpu.memory_space<hbm>>
      %dma_start3A_149 = tpu.memref_squeeze %dma_start3A_148 : memref<1x1x10384xi32, #tpu.memory_space<hbm>> -> memref<10384xi32, #tpu.memory_space<hbm>>
      tpu.enqueue_dma source(%dma_start3A_149 : memref<10384xi32, #tpu.memory_space<hbm>>) target(%arg11 : memref<10384xi32, #tpu.memory_space<vmem>>) target_semaphore(%run_scoped3A : memref<!tpu.dma_semaphore, #tpu.memory_space<semaphore_mem>>)
      %dma_wait3A_150 = arith.constant 0 : i32
      %dma_wait3A_151 = tpu.memref_slice %arg4[%arg0, %add3A_6, %dma_wait3A_150] : memref<2x32x10384xi32, #tpu.memory_space<hbm>> -> memref<1x1x10384xi32, #tpu.memory_space<hbm>>
      %dma_wait3A_152 = tpu.memref_squeeze %dma_wait3A_151 : memref<1x1x10384xi32, #tpu.memory_space<hbm>> -> memref<10384xi32, #tpu.memory_space<hbm>>
      %dma_wait3A_153 = arith.constant 0 : i32
      %dma_wait3A_154 = tpu.memref_slice %arg4[%arg0, %add3A_6, %dma_wait3A_153] : memref<2x32x10384xi32, #tpu.memory_space<hbm>> -> memref<1x1x10384xi32, #tpu.memory_space<hbm>>
      %dma_wait3A_155 = tpu.memref_squeeze %dma_wait3A_154 : memref<1x1x10384xi32, #tpu.memory_space<hbm>> -> memref<10384xi32, #tpu.memory_space<hbm>>
      tpu.wait_dma2 semaphore(%run_scoped3A : memref<!tpu.dma_semaphore, #tpu.memory_space<semaphore_mem>>) src(%dma_wait3A_155 : memref<10384xi32, #tpu.memory_space<hbm>>) dst(%arg11 : memref<10384xi32, #tpu.memory_space<vmem>>)
      tpu.yield
    }) : () -> ()
    "tpu.region"() ({
      %run_scoped3A = tpu.sem_alloc : memref<!tpu.dma_semaphore, #tpu.memory_space<semaphore_mem>>
      %dma_start3A_144 = arith.constant 0 : i32
      %dma_start3A_145 = tpu.memref_slice %arg5[%arg0, %arg1, %dma_start3A_144] : memref<2x32x16xi32, #tpu.memory_space<hbm>> -> memref<1x1x16xi32, #tpu.memory_space<hbm>>
      %dma_start3A_146 = tpu.memref_squeeze %dma_start3A_145 : memref<1x1x16xi32, #tpu.memory_space<hbm>> -> memref<16xi32, #tpu.memory_space<hbm>>
      %dma_start3A_147 = arith.constant 0 : i32
      %dma_start3A_148 = tpu.memref_slice %arg5[%arg0, %arg1, %dma_start3A_147] : memref<2x32x16xi32, #tpu.memory_space<hbm>> -> memref<1x1x16xi32, #tpu.memory_space<hbm>>
      %dma_start3A_149 = tpu.memref_squeeze %dma_start3A_148 : memref<1x1x16xi32, #tpu.memory_space<hbm>> -> memref<16xi32, #tpu.memory_space<hbm>>
      tpu.enqueue_dma source(%dma_start3A_149 : memref<16xi32, #tpu.memory_space<hbm>>) target(%arg12 : memref<16xi32, #tpu.memory_space<vmem>>) target_semaphore(%run_scoped3A : memref<!tpu.dma_semaphore, #tpu.memory_space<semaphore_mem>>)
      %dma_wait3A_150 = arith.constant 0 : i32
      %dma_wait3A_151 = tpu.memref_slice %arg5[%arg0, %arg1, %dma_wait3A_150] : memref<2x32x16xi32, #tpu.memory_space<hbm>> -> memref<1x1x16xi32, #tpu.memory_space<hbm>>
      %dma_wait3A_152 = tpu.memref_squeeze %dma_wait3A_151 : memref<1x1x16xi32, #tpu.memory_space<hbm>> -> memref<16xi32, #tpu.memory_space<hbm>>
      %dma_wait3A_153 = arith.constant 0 : i32
      %dma_wait3A_154 = tpu.memref_slice %arg5[%arg0, %arg1, %dma_wait3A_153] : memref<2x32x16xi32, #tpu.memory_space<hbm>> -> memref<1x1x16xi32, #tpu.memory_space<hbm>>
      %dma_wait3A_155 = tpu.memref_squeeze %dma_wait3A_154 : memref<1x1x16xi32, #tpu.memory_space<hbm>> -> memref<16xi32, #tpu.memory_space<hbm>>
      tpu.wait_dma2 semaphore(%run_scoped3A : memref<!tpu.dma_semaphore, #tpu.memory_space<semaphore_mem>>) src(%dma_wait3A_155 : memref<16xi32, #tpu.memory_space<hbm>>) dst(%arg12 : memref<16xi32, #tpu.memory_space<vmem>>)
      tpu.yield
    }) : () -> ()
    "tpu.region"() ({
      %run_scoped3A = tpu.sem_alloc : memref<!tpu.dma_semaphore, #tpu.memory_space<semaphore_mem>>
      %dma_start3A_144 = arith.constant 0 : i32
      %dma_start3A_145 = tpu.memref_slice %arg5[%arg0, %add3A_6, %dma_start3A_144] : memref<2x32x16xi32, #tpu.memory_space<hbm>> -> memref<1x1x16xi32, #tpu.memory_space<hbm>>
      %dma_start3A_146 = tpu.memref_squeeze %dma_start3A_145 : memref<1x1x16xi32, #tpu.memory_space<hbm>> -> memref<16xi32, #tpu.memory_space<hbm>>
      %dma_start3A_147 = arith.constant 0 : i32
      %dma_start3A_148 = tpu.memref_slice %arg5[%arg0, %add3A_6, %dma_start3A_147] : memref<2x32x16xi32, #tpu.memory_space<hbm>> -> memref<1x1x16xi32, #tpu.memory_space<hbm>>
      %dma_start3A_149 = tpu.memref_squeeze %dma_start3A_148 : memref<1x1x16xi32, #tpu.memory_space<hbm>> -> memref<16xi32, #tpu.memory_space<hbm>>
      tpu.enqueue_dma source(%dma_start3A_149 : memref<16xi32, #tpu.memory_space<hbm>>) target(%arg13 : memref<16xi32, #tpu.memory_space<vmem>>) target_semaphore(%run_scoped3A : memref<!tpu.dma_semaphore, #tpu.memory_space<semaphore_mem>>)
      %dma_wait3A_150 = arith.constant 0 : i32
      %dma_wait3A_151 = tpu.memref_slice %arg5[%arg0, %add3A_6, %dma_wait3A_150] : memref<2x32x16xi32, #tpu.memory_space<hbm>> -> memref<1x1x16xi32, #tpu.memory_space<hbm>>
      %dma_wait3A_152 = tpu.memref_squeeze %dma_wait3A_151 : memref<1x1x16xi32, #tpu.memory_space<hbm>> -> memref<16xi32, #tpu.memory_space<hbm>>
      %dma_wait3A_153 = arith.constant 0 : i32
      %dma_wait3A_154 = tpu.memref_slice %arg5[%arg0, %add3A_6, %dma_wait3A_153] : memref<2x32x16xi32, #tpu.memory_space<hbm>> -> memref<1x1x16xi32, #tpu.memory_space<hbm>>
      %dma_wait3A_155 = tpu.memref_squeeze %dma_wait3A_154 : memref<1x1x16xi32, #tpu.memory_space<hbm>> -> memref<16xi32, #tpu.memory_space<hbm>>
      tpu.wait_dma2 semaphore(%run_scoped3A : memref<!tpu.dma_semaphore, #tpu.memory_space<semaphore_mem>>) src(%dma_wait3A_155 : memref<16xi32, #tpu.memory_space<hbm>>) dst(%arg13 : memref<16xi32, #tpu.memory_space<vmem>>)
      tpu.yield
    }) : () -> ()
    %barrier3A = arith.constant 0 : index
    tpu.barrier barrier_id(%barrier3A)
    %get3A = arith.constant 0 : index
    %get3A_7 = tpu.vector_load %arg12[%get3A] {strides = array<i32>} : memref<16xi32, #tpu.memory_space<vmem>>, vector<16xi32>,
    %get3A_8 = vector.shape_cast %get3A_7 : vector<16xi32> to vector<16xi32>
    %slice3A = vector.extract_strided_slice %get3A_8 {offsets = [0], sizes = [1], strides = [1]} : vector<16xi32> to vector<1xi32>
    %squeeze3A = vector.extract %slice3A[0] : i32 from vector<1xi32>
    %dma_start3A = arith.constant 0 : i32
    %dma_start3A_9 = tpu.memref_slice %arg9[%dma_start3A] : memref<10384xi32, #tpu.memory_space<vmem>> -> memref<128xi32, #tpu.memory_space<vmem>>
    %dma_start3A_10 = arith.constant 0 : i32
    %dma_start3A_11 = arith.constant 0 : i32
    %dma_start3A_12 = tpu.memref_slice %arg2[%dma_start3A_10, %dma_start3A_11] : memref<10240x128xf32, #tpu.memory_space<hbm>> -> memref<10240x128xf32, #tpu.memory_space<hbm>>
    tpu.enqueue_indirect_dma source(%dma_start3A_12 : memref<10240x128xf32, #tpu.memory_space<hbm>>) target(%arg15 : memref<128x128xf32, #tpu.memory_space<vmem>>) offsets(%dma_start3A_9 : memref<128xi32, #tpu.memory_space<vmem>>) semaphore(%arg18 : memref<!tpu.dma_semaphore, #tpu.memory_space<semaphore_mem>>)
    %dma_start3A_13 = arith.constant 128 : i32
    %dma_start3A_14 = tpu.memref_slice %arg9[%dma_start3A_13] : memref<10384xi32, #tpu.memory_space<vmem>> -> memref<128xi32, #tpu.memory_space<vmem>>
    %dma_start3A_15 = arith.constant 0 : i32
    %dma_start3A_16 = arith.constant 0 : i32
    %dma_start3A_17 = tpu.memref_slice %arg2[%dma_start3A_15, %dma_start3A_16] : memref<10240x128xf32, #tpu.memory_space<hbm>> -> memref<10240x128xf32, #tpu.memory_space<hbm>>
    tpu.enqueue_indirect_dma source(%dma_start3A_17 : memref<10240x128xf32, #tpu.memory_space<hbm>>) target(%arg16 : memref<128x128xf32, #tpu.memory_space<vmem>>) offsets(%dma_start3A_14 : memref<128xi32, #tpu.memory_space<vmem>>) semaphore(%arg19 : memref<!tpu.dma_semaphore, #tpu.memory_space<semaphore_mem>>)
    %jit3A = arith.constant 2 : i32
    %div3A = arith.divsi %squeeze3A, %jit3A : i32
    %sign3A = arith.constant 0 : i32
    %sign3A_18 = arith.cmpi sgt, %squeeze3A, %sign3A : i32
    %sign3A_19 = arith.extui %sign3A_18 : i1 to i32
    %sign3A_20 = arith.constant 0 : i32
    %sign3A_21 = arith.cmpi slt, %squeeze3A, %sign3A_20 : i32
    %sign3A_22 = arith.extui %sign3A_21 : i1 to i32
    %sign3A_23 = arith.subi %sign3A_19, %sign3A_22 : i32
    %sign3A_24 = arith.constant 0 : i32
    %sign3A_25 = arith.cmpi sgt, %jit3A, %sign3A_24 : i32
    %sign3A_26 = arith.extui %sign3A_25 : i1 to i32
    %sign3A_27 = arith.constant 0 : i32
    %sign3A_28 = arith.cmpi slt, %jit3A, %sign3A_27 : i32
    %sign3A_29 = arith.extui %sign3A_28 : i1 to i32
    %sign3A_30 = arith.subi %sign3A_26, %sign3A_29 : i32
    %ne3A = arith.cmpi ne, %sign3A_23, %sign3A_30 : i32
    %rem3A = arith.remsi %squeeze3A, %jit3A : i32
    %ne3A_31 = arith.constant 0 : i32
    %ne3A_32 = arith.cmpi ne, %rem3A, %ne3A_31 : i32
    %and3A = arith.andi %ne3A, %ne3A_32 : i1
    %sub3A = arith.constant 1 : i32
    %sub3A_33 = arith.subi %div3A, %sub3A : i32
    %select_n3A = arith.select %and3A, %sub3A_33, %div3A : i32
    %sub3A_34 = arith.constant 1 : i32
    %sub3A_35 = arith.subi %select_n3A, %sub3A_34 : i32
    %while3A = arith.constant 0 : i32
    %while3A_36 = arith.constant 0 : i32
    %while3A_37 = arith.subi %sub3A_35, %while3A_36 : i32
    %while3A_38 = arith.addi %while3A_36, %while3A_37 : i32
    %while3A_39 = arith.constant 1 : i32
    %while3A_40 = arith.divsi %while3A_37, %while3A_39 : i32
    %while3A_41 = arith.muli %while3A_40, %while3A_39 : i32
    %while3A_42 = arith.addi %while3A_36, %while3A_41 : i32
    %while3A_43 = arith.constant 1 : i32
    scf.for %while3A_144 = %while3A_36 to %while3A_42 step %while3A_43  : i32 {
      %mul3A_145 = arith.constant 2 : i32
      %mul3A_146 = arith.muli %while3A_144, %mul3A_145 : i32
      %mul3A_147 = arith.constant 128 : i32
      %mul3A_148 = arith.muli %mul3A_146, %mul3A_147 : i32
      %dma_wait3A_149 = tpu.memref_slice %arg9[%mul3A_148] : memref<10384xi32, #tpu.memory_space<vmem>> -> memref<128xi32, #tpu.memory_space<vmem>>
      %dma_wait3A_150 = arith.constant 0 : i32
      %dma_wait3A_151 = arith.constant 0 : i32
      %dma_wait3A_152 = tpu.memref_slice %arg2[%dma_wait3A_150, %dma_wait3A_151] : memref<10240x128xf32, #tpu.memory_space<hbm>> -> memref<10240x128xf32, #tpu.memory_space<hbm>>
      tpu.wait_indirect_dma semaphore(%arg18 : memref<!tpu.dma_semaphore, #tpu.memory_space<semaphore_mem>>) src(%dma_wait3A_152 : memref<10240x128xf32, #tpu.memory_space<hbm>>) dst(%arg15 : memref<128x128xf32, #tpu.memory_space<vmem>>)
      %mul3A_153 = arith.constant 128 : i32
      %mul3A_154 = arith.muli %mul3A_146, %mul3A_153 : i32
      "tpu.region"() ({
        %run_scoped3A = tpu.sem_alloc : memref<!tpu.dma_semaphore, #tpu.memory_space<semaphore_mem>>
        %dma_start3A_183 = tpu.memref_slice %arg8[%mul3A_154] : memref<10384xi32, #tpu.memory_space<vmem>> -> memref<128xi32, #tpu.memory_space<vmem>>
        %dma_start3A_184 = arith.constant 0 : i32
        %dma_start3A_185 = arith.constant 0 : i32
        %dma_start3A_186 = tpu.memref_slice %arg17[%dma_start3A_184, %dma_start3A_185] : memref<5120x128xf32, #tpu.memory_space<vmem_shared>> -> memref<5120x128xf32, #tpu.memory_space<vmem_shared>>
        tpu.enqueue_indirect_dma source(%arg15 : memref<128x128xf32, #tpu.memory_space<vmem>>) target(%dma_start3A_186 : memref<5120x128xf32, #tpu.memory_space<vmem_shared>>) offsets(%dma_start3A_183 : memref<128xi32, #tpu.memory_space<vmem>>) semaphore(%run_scoped3A : memref<!tpu.dma_semaphore, #tpu.memory_space<semaphore_mem>>) {add = true}
        %dma_wait3A_187 = tpu.memref_slice %arg8[%mul3A_154] : memref<10384xi32, #tpu.memory_space<vmem>> -> memref<128xi32, #tpu.memory_space<vmem>>
        %dma_wait3A_188 = arith.constant 0 : i32
        %dma_wait3A_189 = arith.constant 0 : i32
        %dma_wait3A_190 = tpu.memref_slice %arg17[%dma_wait3A_188, %dma_wait3A_189] : memref<5120x128xf32, #tpu.memory_space<vmem_shared>> -> memref<5120x128xf32, #tpu.memory_space<vmem_shared>>
        tpu.wait_indirect_dma semaphore(%run_scoped3A : memref<!tpu.dma_semaphore, #tpu.memory_space<semaphore_mem>>) src(%arg15 : memref<128x128xf32, #tpu.memory_space<vmem>>) dst(%dma_wait3A_190 : memref<5120x128xf32, #tpu.memory_space<vmem_shared>>)
        tpu.yield
      }) : () -> ()
      %add3A_155 = arith.constant 2 : i32
      %add3A_156 = arith.addi %mul3A_146, %add3A_155 : i32
      %mul3A_157 = arith.constant 128 : i32
      %mul3A_158 = arith.muli %add3A_156, %mul3A_157 : i32
      %dma_start3A_159 = tpu.memref_slice %arg9[%mul3A_158] : memref<10384xi32, #tpu.memory_space<vmem>> -> memref<128xi32, #tpu.memory_space<vmem>>
      %dma_start3A_160 = arith.constant 0 : i32
      %dma_start3A_161 = arith.constant 0 : i32
      %dma_start3A_162 = tpu.memref_slice %arg2[%dma_start3A_160, %dma_start3A_161] : memref<10240x128xf32, #tpu.memory_space<hbm>> -> memref<10240x128xf32, #tpu.memory_space<hbm>>
      tpu.enqueue_indirect_dma source(%dma_start3A_162 : memref<10240x128xf32, #tpu.memory_space<hbm>>) target(%arg15 : memref<128x128xf32, #tpu.memory_space<vmem>>) offsets(%dma_start3A_159 : memref<128xi32, #tpu.memory_space<vmem>>) semaphore(%arg18 : memref<!tpu.dma_semaphore, #tpu.memory_space<semaphore_mem>>)
      %add3A_163 = arith.constant 1 : i32
      %add3A_164 = arith.addi %mul3A_146, %add3A_163 : i32
      %mul3A_165 = arith.constant 128 : i32
      %mul3A_166 = arith.muli %add3A_164, %mul3A_165 : i32
      %dma_wait3A_167 = tpu.memref_slice %arg9[%mul3A_166] : memref<10384xi32, #tpu.memory_space<vmem>> -> memref<128xi32, #tpu.memory_space<vmem>>
      %dma_wait3A_168 = arith.constant 0 : i32
      %dma_wait3A_169 = arith.constant 0 : i32
      %dma_wait3A_170 = tpu.memref_slice %arg2[%dma_wait3A_168, %dma_wait3A_169] : memref<10240x128xf32, #tpu.memory_space<hbm>> -> memref<10240x128xf32, #tpu.memory_space<hbm>>
      tpu.wait_indirect_dma semaphore(%arg19 : memref<!tpu.dma_semaphore, #tpu.memory_space<semaphore_mem>>) src(%dma_wait3A_170 : memref<10240x128xf32, #tpu.memory_space<hbm>>) dst(%arg16 : memref<128x128xf32, #tpu.memory_space<vmem>>)
      %add3A_171 = arith.constant 1 : i32
      %add3A_172 = arith.addi %mul3A_146, %add3A_171 : i32
      %mul3A_173 = arith.constant 128 : i32
      %mul3A_174 = arith.muli %add3A_172, %mul3A_173 : i32
      "tpu.region"() ({
        %run_scoped3A = tpu.sem_alloc : memref<!tpu.dma_semaphore, #tpu.memory_space<semaphore_mem>>
        %dma_start3A_183 = tpu.memref_slice %arg8[%mul3A_174] : memref<10384xi32, #tpu.memory_space<vmem>> -> memref<128xi32, #tpu.memory_space<vmem>>
        %dma_start3A_184 = arith.constant 0 : i32
        %dma_start3A_185 = arith.constant 0 : i32
        %dma_start3A_186 = tpu.memref_slice %arg17[%dma_start3A_184, %dma_start3A_185] : memref<5120x128xf32, #tpu.memory_space<vmem_shared>> -> memref<5120x128xf32, #tpu.memory_space<vmem_shared>>
        tpu.enqueue_indirect_dma source(%arg16 : memref<128x128xf32, #tpu.memory_space<vmem>>) target(%dma_start3A_186 : memref<5120x128xf32, #tpu.memory_space<vmem_shared>>) offsets(%dma_start3A_183 : memref<128xi32, #tpu.memory_space<vmem>>) semaphore(%run_scoped3A : memref<!tpu.dma_semaphore, #tpu.memory_space<semaphore_mem>>) {add = true}
        %dma_wait3A_187 = tpu.memref_slice %arg8[%mul3A_174] : memref<10384xi32, #tpu.memory_space<vmem>> -> memref<128xi32, #tpu.memory_space<vmem>>
        %dma_wait3A_188 = arith.constant 0 : i32
        %dma_wait3A_189 = arith.constant 0 : i32
        %dma_wait3A_190 = tpu.memref_slice %arg17[%dma_wait3A_188, %dma_wait3A_189] : memref<5120x128xf32, #tpu.memory_space<vmem_shared>> -> memref<5120x128xf32, #tpu.memory_space<vmem_shared>>
        tpu.wait_indirect_dma semaphore(%run_scoped3A : memref<!tpu.dma_semaphore, #tpu.memory_space<semaphore_mem>>) src(%arg16 : memref<128x128xf32, #tpu.memory_space<vmem>>) dst(%dma_wait3A_190 : memref<5120x128xf32, #tpu.memory_space<vmem_shared>>)
        tpu.yield
      }) : () -> ()
      %add3A_175 = arith.constant 3 : i32
      %add3A_176 = arith.addi %mul3A_146, %add3A_175 : i32
      %mul3A_177 = arith.constant 128 : i32
      %mul3A_178 = arith.muli %add3A_176, %mul3A_177 : i32
      %dma_start3A_179 = tpu.memref_slice %arg9[%mul3A_178] : memref<10384xi32, #tpu.memory_space<vmem>> -> memref<128xi32, #tpu.memory_space<vmem>>
      %dma_start3A_180 = arith.constant 0 : i32
      %dma_start3A_181 = arith.constant 0 : i32
      %dma_start3A_182 = tpu.memref_slice %arg2[%dma_start3A_180, %dma_start3A_181] : memref<10240x128xf32, #tpu.memory_space<hbm>> -> memref<10240x128xf32, #tpu.memory_space<hbm>>
      tpu.enqueue_indirect_dma source(%dma_start3A_182 : memref<10240x128xf32, #tpu.memory_space<hbm>>) target(%arg16 : memref<128x128xf32, #tpu.memory_space<vmem>>) offsets(%dma_start3A_179 : memref<128xi32, #tpu.memory_space<vmem>>) semaphore(%arg19 : memref<!tpu.dma_semaphore, #tpu.memory_space<semaphore_mem>>)
    }
    %while3A_44 = arith.constant 1 : i32
    scf.for %while3A_144 = %while3A_42 to %while3A_38 step %while3A_44  : i32 {
      %mul3A_145 = arith.constant 2 : i32
      %mul3A_146 = arith.muli %while3A_144, %mul3A_145 : i32
      %mul3A_147 = arith.constant 128 : i32
      %mul3A_148 = arith.muli %mul3A_146, %mul3A_147 : i32
      %dma_wait3A_149 = tpu.memref_slice %arg9[%mul3A_148] : memref<10384xi32, #tpu.memory_space<vmem>> -> memref<128xi32, #tpu.memory_space<vmem>>
      %dma_wait3A_150 = arith.constant 0 : i32
      %dma_wait3A_151 = arith.constant 0 : i32
      %dma_wait3A_152 = tpu.memref_slice %arg2[%dma_wait3A_150, %dma_wait3A_151] : memref<10240x128xf32, #tpu.memory_space<hbm>> -> memref<10240x128xf32, #tpu.memory_space<hbm>>
      tpu.wait_indirect_dma semaphore(%arg18 : memref<!tpu.dma_semaphore, #tpu.memory_space<semaphore_mem>>) src(%dma_wait3A_152 : memref<10240x128xf32, #tpu.memory_space<hbm>>) dst(%arg15 : memref<128x128xf32, #tpu.memory_space<vmem>>)
      %mul3A_153 = arith.constant 128 : i32
      %mul3A_154 = arith.muli %mul3A_146, %mul3A_153 : i32
      "tpu.region"() ({
        %run_scoped3A = tpu.sem_alloc : memref<!tpu.dma_semaphore, #tpu.memory_space<semaphore_mem>>
        %dma_start3A_183 = tpu.memref_slice %arg8[%mul3A_154] : memref<10384xi32, #tpu.memory_space<vmem>> -> memref<128xi32, #tpu.memory_space<vmem>>
        %dma_start3A_184 = arith.constant 0 : i32
        %dma_start3A_185 = arith.constant 0 : i32
        %dma_start3A_186 = tpu.memref_slice %arg17[%dma_start3A_184, %dma_start3A_185] : memref<5120x128xf32, #tpu.memory_space<vmem_shared>> -> memref<5120x128xf32, #tpu.memory_space<vmem_shared>>
        tpu.enqueue_indirect_dma source(%arg15 : memref<128x128xf32, #tpu.memory_space<vmem>>) target(%dma_start3A_186 : memref<5120x128xf32, #tpu.memory_space<vmem_shared>>) offsets(%dma_start3A_183 : memref<128xi32, #tpu.memory_space<vmem>>) semaphore(%run_scoped3A : memref<!tpu.dma_semaphore, #tpu.memory_space<semaphore_mem>>) {add = true}
        %dma_wait3A_187 = tpu.memref_slice %arg8[%mul3A_154] : memref<10384xi32, #tpu.memory_space<vmem>> -> memref<128xi32, #tpu.memory_space<vmem>>
        %dma_wait3A_188 = arith.constant 0 : i32
        %dma_wait3A_189 = arith.constant 0 : i32
        %dma_wait3A_190 = tpu.memref_slice %arg17[%dma_wait3A_188, %dma_wait3A_189] : memref<5120x128xf32, #tpu.memory_space<vmem_shared>> -> memref<5120x128xf32, #tpu.memory_space<vmem_shared>>
        tpu.wait_indirect_dma semaphore(%run_scoped3A : memref<!tpu.dma_semaphore, #tpu.memory_space<semaphore_mem>>) src(%arg15 : memref<128x128xf32, #tpu.memory_space<vmem>>) dst(%dma_wait3A_190 : memref<5120x128xf32, #tpu.memory_space<vmem_shared>>)
        tpu.yield
      }) : () -> ()
      %add3A_155 = arith.constant 2 : i32
      %add3A_156 = arith.addi %mul3A_146, %add3A_155 : i32
      %mul3A_157 = arith.constant 128 : i32
      %mul3A_158 = arith.muli %add3A_156, %mul3A_157 : i32
      %dma_start3A_159 = tpu.memref_slice %arg9[%mul3A_158] : memref<10384xi32, #tpu.memory_space<vmem>> -> memref<128xi32, #tpu.memory_space<vmem>>
      %dma_start3A_160 = arith.constant 0 : i32
      %dma_start3A_161 = arith.constant 0 : i32
      %dma_start3A_162 = tpu.memref_slice %arg2[%dma_start3A_160, %dma_start3A_161] : memref<10240x128xf32, #tpu.memory_space<hbm>> -> memref<10240x128xf32, #tpu.memory_space<hbm>>
      tpu.enqueue_indirect_dma source(%dma_start3A_162 : memref<10240x128xf32, #tpu.memory_space<hbm>>) target(%arg15 : memref<128x128xf32, #tpu.memory_space<vmem>>) offsets(%dma_start3A_159 : memref<128xi32, #tpu.memory_space<vmem>>) semaphore(%arg18 : memref<!tpu.dma_semaphore, #tpu.memory_space<semaphore_mem>>)
      %add3A_163 = arith.constant 1 : i32
      %add3A_164 = arith.addi %mul3A_146, %add3A_163 : i32
      %mul3A_165 = arith.constant 128 : i32
      %mul3A_166 = arith.muli %add3A_164, %mul3A_165 : i32
      %dma_wait3A_167 = tpu.memref_slice %arg9[%mul3A_166] : memref<10384xi32, #tpu.memory_space<vmem>> -> memref<128xi32, #tpu.memory_space<vmem>>
      %dma_wait3A_168 = arith.constant 0 : i32
      %dma_wait3A_169 = arith.constant 0 : i32
      %dma_wait3A_170 = tpu.memref_slice %arg2[%dma_wait3A_168, %dma_wait3A_169] : memref<10240x128xf32, #tpu.memory_space<hbm>> -> memref<10240x128xf32, #tpu.memory_space<hbm>>
      tpu.wait_indirect_dma semaphore(%arg19 : memref<!tpu.dma_semaphore, #tpu.memory_space<semaphore_mem>>) src(%dma_wait3A_170 : memref<10240x128xf32, #tpu.memory_space<hbm>>) dst(%arg16 : memref<128x128xf32, #tpu.memory_space<vmem>>)
      %add3A_171 = arith.constant 1 : i32
      %add3A_172 = arith.addi %mul3A_146, %add3A_171 : i32
      %mul3A_173 = arith.constant 128 : i32
      %mul3A_174 = arith.muli %add3A_172, %mul3A_173 : i32
      "tpu.region"() ({
        %run_scoped3A = tpu.sem_alloc : memref<!tpu.dma_semaphore, #tpu.memory_space<semaphore_mem>>
        %dma_start3A_183 = tpu.memref_slice %arg8[%mul3A_174] : memref<10384xi32, #tpu.memory_space<vmem>> -> memref<128xi32, #tpu.memory_space<vmem>>
        %dma_start3A_184 = arith.constant 0 : i32
        %dma_start3A_185 = arith.constant 0 : i32
        %dma_start3A_186 = tpu.memref_slice %arg17[%dma_start3A_184, %dma_start3A_185] : memref<5120x128xf32, #tpu.memory_space<vmem_shared>> -> memref<5120x128xf32, #tpu.memory_space<vmem_shared>>
        tpu.enqueue_indirect_dma source(%arg16 : memref<128x128xf32, #tpu.memory_space<vmem>>) target(%dma_start3A_186 : memref<5120x128xf32, #tpu.memory_space<vmem_shared>>) offsets(%dma_start3A_183 : memref<128xi32, #tpu.memory_space<vmem>>) semaphore(%run_scoped3A : memref<!tpu.dma_semaphore, #tpu.memory_space<semaphore_mem>>) {add = true}
        %dma_wait3A_187 = tpu.memref_slice %arg8[%mul3A_174] : memref<10384xi32, #tpu.memory_space<vmem>> -> memref<128xi32, #tpu.memory_space<vmem>>
        %dma_wait3A_188 = arith.constant 0 : i32
        %dma_wait3A_189 = arith.constant 0 : i32
        %dma_wait3A_190 = tpu.memref_slice %arg17[%dma_wait3A_188, %dma_wait3A_189] : memref<5120x128xf32, #tpu.memory_space<vmem_shared>> -> memref<5120x128xf32, #tpu.memory_space<vmem_shared>>
        tpu.wait_indirect_dma semaphore(%run_scoped3A : memref<!tpu.dma_semaphore, #tpu.memory_space<semaphore_mem>>) src(%arg16 : memref<128x128xf32, #tpu.memory_space<vmem>>) dst(%dma_wait3A_190 : memref<5120x128xf32, #tpu.memory_space<vmem_shared>>)
        tpu.yield
      }) : () -> ()
      %add3A_175 = arith.constant 3 : i32
      %add3A_176 = arith.addi %mul3A_146, %add3A_175 : i32
      %mul3A_177 = arith.constant 128 : i32
      %mul3A_178 = arith.muli %add3A_176, %mul3A_177 : i32
      %dma_start3A_179 = tpu.memref_slice %arg9[%mul3A_178] : memref<10384xi32, #tpu.memory_space<vmem>> -> memref<128xi32, #tpu.memory_space<vmem>>
      %dma_start3A_180 = arith.constant 0 : i32
      %dma_start3A_181 = arith.constant 0 : i32
      %dma_start3A_182 = tpu.memref_slice %arg2[%dma_start3A_180, %dma_start3A_181] : memref<10240x128xf32, #tpu.memory_space<hbm>> -> memref<10240x128xf32, #tpu.memory_space<hbm>>
      tpu.enqueue_indirect_dma source(%dma_start3A_182 : memref<10240x128xf32, #tpu.memory_space<hbm>>) target(%arg16 : memref<128x128xf32, #tpu.memory_space<vmem>>) offsets(%dma_start3A_179 : memref<128xi32, #tpu.memory_space<vmem>>) semaphore(%arg19 : memref<!tpu.dma_semaphore, #tpu.memory_space<semaphore_mem>>)
    }
    %sub3A_45 = arith.constant 2 : i32
    %sub3A_46 = arith.subi %squeeze3A, %sub3A_45 : i32
    %mul3A_47 = arith.constant 128 : i32
    %mul3A_48 = arith.muli %sub3A_46, %mul3A_47 : i32
    %dma_wait3A = tpu.memref_slice %arg9[%mul3A_48] : memref<10384xi32, #tpu.memory_space<vmem>> -> memref<128xi32, #tpu.memory_space<vmem>>
    %dma_wait3A_49 = arith.constant 0 : i32
    %dma_wait3A_50 = arith.constant 0 : i32
    %dma_wait3A_51 = tpu.memref_slice %arg2[%dma_wait3A_49, %dma_wait3A_50] : memref<10240x128xf32, #tpu.memory_space<hbm>> -> memref<10240x128xf32, #tpu.memory_space<hbm>>
    tpu.wait_indirect_dma semaphore(%arg18 : memref<!tpu.dma_semaphore, #tpu.memory_space<semaphore_mem>>) src(%dma_wait3A_51 : memref<10240x128xf32, #tpu.memory_space<hbm>>) dst(%arg15 : memref<128x128xf32, #tpu.memory_space<vmem>>)
    %sub3A_52 = arith.constant 2 : i32
    %sub3A_53 = arith.subi %squeeze3A, %sub3A_52 : i32
    %mul3A_54 = arith.constant 128 : i32
    %mul3A_55 = arith.muli %sub3A_53, %mul3A_54 : i32
    "tpu.region"() ({
      %run_scoped3A = tpu.sem_alloc : memref<!tpu.dma_semaphore, #tpu.memory_space<semaphore_mem>>
      %dma_start3A_144 = tpu.memref_slice %arg8[%mul3A_55] : memref<10384xi32, #tpu.memory_space<vmem>> -> memref<128xi32, #tpu.memory_space<vmem>>
      %dma_start3A_145 = arith.constant 0 : i32
      %dma_start3A_146 = arith.constant 0 : i32
      %dma_start3A_147 = tpu.memref_slice %arg17[%dma_start3A_145, %dma_start3A_146] : memref<5120x128xf32, #tpu.memory_space<vmem_shared>> -> memref<5120x128xf32, #tpu.memory_space<vmem_shared>>
      tpu.enqueue_indirect_dma source(%arg15 : memref<128x128xf32, #tpu.memory_space<vmem>>) target(%dma_start3A_147 : memref<5120x128xf32, #tpu.memory_space<vmem_shared>>) offsets(%dma_start3A_144 : memref<128xi32, #tpu.memory_space<vmem>>) semaphore(%run_scoped3A : memref<!tpu.dma_semaphore, #tpu.memory_space<semaphore_mem>>) {add = true}
      %dma_wait3A_148 = tpu.memref_slice %arg8[%mul3A_55] : memref<10384xi32, #tpu.memory_space<vmem>> -> memref<128xi32, #tpu.memory_space<vmem>>
      %dma_wait3A_149 = arith.constant 0 : i32
      %dma_wait3A_150 = arith.constant 0 : i32
      %dma_wait3A_151 = tpu.memref_slice %arg17[%dma_wait3A_149, %dma_wait3A_150] : memref<5120x128xf32, #tpu.memory_space<vmem_shared>> -> memref<5120x128xf32, #tpu.memory_space<vmem_shared>>
      tpu.wait_indirect_dma semaphore(%run_scoped3A : memref<!tpu.dma_semaphore, #tpu.memory_space<semaphore_mem>>) src(%arg15 : memref<128x128xf32, #tpu.memory_space<vmem>>) dst(%dma_wait3A_151 : memref<5120x128xf32, #tpu.memory_space<vmem_shared>>)
      tpu.yield
    }) : () -> ()
    %sub3A_56 = arith.constant 1 : i32
    %sub3A_57 = arith.subi %squeeze3A, %sub3A_56 : i32
    %mul3A_58 = arith.constant 128 : i32
    %mul3A_59 = arith.muli %sub3A_57, %mul3A_58 : i32
    %dma_wait3A_60 = tpu.memref_slice %arg9[%mul3A_59] : memref<10384xi32, #tpu.memory_space<vmem>> -> memref<128xi32, #tpu.memory_space<vmem>>
    %dma_wait3A_61 = arith.constant 0 : i32
    %dma_wait3A_62 = arith.constant 0 : i32
    %dma_wait3A_63 = tpu.memref_slice %arg2[%dma_wait3A_61, %dma_wait3A_62] : memref<10240x128xf32, #tpu.memory_space<hbm>> -> memref<10240x128xf32, #tpu.memory_space<hbm>>
    tpu.wait_indirect_dma semaphore(%arg19 : memref<!tpu.dma_semaphore, #tpu.memory_space<semaphore_mem>>) src(%dma_wait3A_63 : memref<10240x128xf32, #tpu.memory_space<hbm>>) dst(%arg16 : memref<128x128xf32, #tpu.memory_space<vmem>>)
    %sub3A_64 = arith.constant 1 : i32
    %sub3A_65 = arith.subi %squeeze3A, %sub3A_64 : i32
    %mul3A_66 = arith.constant 128 : i32
    %mul3A_67 = arith.muli %sub3A_65, %mul3A_66 : i32
    "tpu.region"() ({
      %run_scoped3A = tpu.sem_alloc : memref<!tpu.dma_semaphore, #tpu.memory_space<semaphore_mem>>
      %dma_start3A_144 = tpu.memref_slice %arg8[%mul3A_67] : memref<10384xi32, #tpu.memory_space<vmem>> -> memref<128xi32, #tpu.memory_space<vmem>>
      %dma_start3A_145 = arith.constant 0 : i32
      %dma_start3A_146 = arith.constant 0 : i32
      %dma_start3A_147 = tpu.memref_slice %arg17[%dma_start3A_145, %dma_start3A_146] : memref<5120x128xf32, #tpu.memory_space<vmem_shared>> -> memref<5120x128xf32, #tpu.memory_space<vmem_shared>>
      tpu.enqueue_indirect_dma source(%arg16 : memref<128x128xf32, #tpu.memory_space<vmem>>) target(%dma_start3A_147 : memref<5120x128xf32, #tpu.memory_space<vmem_shared>>) offsets(%dma_start3A_144 : memref<128xi32, #tpu.memory_space<vmem>>) semaphore(%run_scoped3A : memref<!tpu.dma_semaphore, #tpu.memory_space<semaphore_mem>>) {add = true}
      %dma_wait3A_148 = tpu.memref_slice %arg8[%mul3A_67] : memref<10384xi32, #tpu.memory_space<vmem>> -> memref<128xi32, #tpu.memory_space<vmem>>
      %dma_wait3A_149 = arith.constant 0 : i32
      %dma_wait3A_150 = arith.constant 0 : i32
      %dma_wait3A_151 = tpu.memref_slice %arg17[%dma_wait3A_149, %dma_wait3A_150] : memref<5120x128xf32, #tpu.memory_space<vmem_shared>> -> memref<5120x128xf32, #tpu.memory_space<vmem_shared>>
      tpu.wait_indirect_dma semaphore(%run_scoped3A : memref<!tpu.dma_semaphore, #tpu.memory_space<semaphore_mem>>) src(%arg16 : memref<128x128xf32, #tpu.memory_space<vmem>>) dst(%dma_wait3A_151 : memref<5120x128xf32, #tpu.memory_space<vmem_shared>>)
      tpu.yield
    }) : () -> ()
    %get3A_68 = arith.constant 0 : index
    %get3A_69 = tpu.vector_load %arg13[%get3A_68] {strides = array<i32>} : memref<16xi32, #tpu.memory_space<vmem>>, vector<16xi32>,
    %get3A_70 = vector.shape_cast %get3A_69 : vector<16xi32> to vector<16xi32>
    %slice3A_71 = vector.extract_strided_slice %get3A_70 {offsets = [0], sizes = [1], strides = [1]} : vector<16xi32> to vector<1xi32>
    %squeeze3A_72 = vector.extract %slice3A_71[0] : i32 from vector<1xi32>
    %dma_start3A_73 = arith.constant 0 : i32
    %dma_start3A_74 = tpu.memref_slice %arg11[%dma_start3A_73] : memref<10384xi32, #tpu.memory_space<vmem>> -> memref<128xi32, #tpu.memory_space<vmem>>
    %dma_start3A_75 = arith.constant 0 : i32
    %dma_start3A_76 = arith.constant 0 : i32
    %dma_start3A_77 = tpu.memref_slice %arg2[%dma_start3A_75, %dma_start3A_76] : memref<10240x128xf32, #tpu.memory_space<hbm>> -> memref<10240x128xf32, #tpu.memory_space<hbm>>
    tpu.enqueue_indirect_dma source(%dma_start3A_77 : memref<10240x128xf32, #tpu.memory_space<hbm>>) target(%arg15 : memref<128x128xf32, #tpu.memory_space<vmem>>) offsets(%dma_start3A_74 : memref<128xi32, #tpu.memory_space<vmem>>) semaphore(%arg18 : memref<!tpu.dma_semaphore, #tpu.memory_space<semaphore_mem>>)
    %dma_start3A_78 = arith.constant 128 : i32
    %dma_start3A_79 = tpu.memref_slice %arg11[%dma_start3A_78] : memref<10384xi32, #tpu.memory_space<vmem>> -> memref<128xi32, #tpu.memory_space<vmem>>
    %dma_start3A_80 = arith.constant 0 : i32
    %dma_start3A_81 = arith.constant 0 : i32
    %dma_start3A_82 = tpu.memref_slice %arg2[%dma_start3A_80, %dma_start3A_81] : memref<10240x128xf32, #tpu.memory_space<hbm>> -> memref<10240x128xf32, #tpu.memory_space<hbm>>
    tpu.enqueue_indirect_dma source(%dma_start3A_82 : memref<10240x128xf32, #tpu.memory_space<hbm>>) target(%arg16 : memref<128x128xf32, #tpu.memory_space<vmem>>) offsets(%dma_start3A_79 : memref<128xi32, #tpu.memory_space<vmem>>) semaphore(%arg19 : memref<!tpu.dma_semaphore, #tpu.memory_space<semaphore_mem>>)
    %jit3A_83 = arith.constant 2 : i32
    %div3A_84 = arith.divsi %squeeze3A_72, %jit3A_83 : i32
    %sign3A_85 = arith.constant 0 : i32
    %sign3A_86 = arith.cmpi sgt, %squeeze3A_72, %sign3A_85 : i32
    %sign3A_87 = arith.extui %sign3A_86 : i1 to i32
    %sign3A_88 = arith.constant 0 : i32
    %sign3A_89 = arith.cmpi slt, %squeeze3A_72, %sign3A_88 : i32
    %sign3A_90 = arith.extui %sign3A_89 : i1 to i32
    %sign3A_91 = arith.subi %sign3A_87, %sign3A_90 : i32
    %sign3A_92 = arith.constant 0 : i32
    %sign3A_93 = arith.cmpi sgt, %jit3A_83, %sign3A_92 : i32
    %sign3A_94 = arith.extui %sign3A_93 : i1 to i32
    %sign3A_95 = arith.constant 0 : i32
    %sign3A_96 = arith.cmpi slt, %jit3A_83, %sign3A_95 : i32
    %sign3A_97 = arith.extui %sign3A_96 : i1 to i32
    %sign3A_98 = arith.subi %sign3A_94, %sign3A_97 : i32
    %ne3A_99 = arith.cmpi ne, %sign3A_91, %sign3A_98 : i32
    %rem3A_100 = arith.remsi %squeeze3A_72, %jit3A_83 : i32
    %ne3A_101 = arith.constant 0 : i32
    %ne3A_102 = arith.cmpi ne, %rem3A_100, %ne3A_101 : i32
    %and3A_103 = arith.andi %ne3A_99, %ne3A_102 : i1
    %sub3A_104 = arith.constant 1 : i32
    %sub3A_105 = arith.subi %div3A_84, %sub3A_104 : i32
    %select_n3A_106 = arith.select %and3A_103, %sub3A_105, %div3A_84 : i32
    %sub3A_107 = arith.constant 1 : i32
    %sub3A_108 = arith.subi %select_n3A_106, %sub3A_107 : i32
    %while3A_109 = arith.constant 0 : i32
    %while3A_110 = arith.constant 0 : i32
    %while3A_111 = arith.subi %sub3A_108, %while3A_110 : i32
    %while3A_112 = arith.addi %while3A_110, %while3A_111 : i32
    %while3A_113 = arith.constant 1 : i32
    %while3A_114 = arith.divsi %while3A_111, %while3A_113 : i32
    %while3A_115 = arith.muli %while3A_114, %while3A_113 : i32
    %while3A_116 = arith.addi %while3A_110, %while3A_115 : i32
    %while3A_117 = arith.constant 1 : i32
    scf.for %while3A_144 = %while3A_110 to %while3A_116 step %while3A_117  : i32 {
      %mul3A_145 = arith.constant 2 : i32
      %mul3A_146 = arith.muli %while3A_144, %mul3A_145 : i32
      %mul3A_147 = arith.constant 128 : i32
      %mul3A_148 = arith.muli %mul3A_146, %mul3A_147 : i32
      %dma_wait3A_149 = tpu.memref_slice %arg11[%mul3A_148] : memref<10384xi32, #tpu.memory_space<vmem>> -> memref<128xi32, #tpu.memory_space<vmem>>
      %dma_wait3A_150 = arith.constant 0 : i32
      %dma_wait3A_151 = arith.constant 0 : i32
      %dma_wait3A_152 = tpu.memref_slice %arg2[%dma_wait3A_150, %dma_wait3A_151] : memref<10240x128xf32, #tpu.memory_space<hbm>> -> memref<10240x128xf32, #tpu.memory_space<hbm>>
      tpu.wait_indirect_dma semaphore(%arg18 : memref<!tpu.dma_semaphore, #tpu.memory_space<semaphore_mem>>) src(%dma_wait3A_152 : memref<10240x128xf32, #tpu.memory_space<hbm>>) dst(%arg15 : memref<128x128xf32, #tpu.memory_space<vmem>>)
      %mul3A_153 = arith.constant 128 : i32
      %mul3A_154 = arith.muli %mul3A_146, %mul3A_153 : i32
      "tpu.region"() ({
        %run_scoped3A = tpu.sem_alloc : memref<!tpu.dma_semaphore, #tpu.memory_space<semaphore_mem>>
        %dma_start3A_183 = tpu.memref_slice %arg10[%mul3A_154] : memref<10384xi32, #tpu.memory_space<vmem>> -> memref<128xi32, #tpu.memory_space<vmem>>
        %dma_start3A_184 = arith.constant 0 : i32
        %dma_start3A_185 = arith.constant 0 : i32
        %dma_start3A_186 = tpu.memref_slice %arg17[%dma_start3A_184, %dma_start3A_185] : memref<5120x128xf32, #tpu.memory_space<vmem_shared>> -> memref<5120x128xf32, #tpu.memory_space<vmem_shared>>
        tpu.enqueue_indirect_dma source(%arg15 : memref<128x128xf32, #tpu.memory_space<vmem>>) target(%dma_start3A_186 : memref<5120x128xf32, #tpu.memory_space<vmem_shared>>) offsets(%dma_start3A_183 : memref<128xi32, #tpu.memory_space<vmem>>) semaphore(%run_scoped3A : memref<!tpu.dma_semaphore, #tpu.memory_space<semaphore_mem>>) {add = true}
        %dma_wait3A_187 = tpu.memref_slice %arg10[%mul3A_154] : memref<10384xi32, #tpu.memory_space<vmem>> -> memref<128xi32, #tpu.memory_space<vmem>>
        %dma_wait3A_188 = arith.constant 0 : i32
        %dma_wait3A_189 = arith.constant 0 : i32
        %dma_wait3A_190 = tpu.memref_slice %arg17[%dma_wait3A_188, %dma_wait3A_189] : memref<5120x128xf32, #tpu.memory_space<vmem_shared>> -> memref<5120x128xf32, #tpu.memory_space<vmem_shared>>
        tpu.wait_indirect_dma semaphore(%run_scoped3A : memref<!tpu.dma_semaphore, #tpu.memory_space<semaphore_mem>>) src(%arg15 : memref<128x128xf32, #tpu.memory_space<vmem>>) dst(%dma_wait3A_190 : memref<5120x128xf32, #tpu.memory_space<vmem_shared>>)
        tpu.yield
      }) : () -> ()
      %add3A_155 = arith.constant 2 : i32
      %add3A_156 = arith.addi %mul3A_146, %add3A_155 : i32
      %mul3A_157 = arith.constant 128 : i32
      %mul3A_158 = arith.muli %add3A_156, %mul3A_157 : i32
      %dma_start3A_159 = tpu.memref_slice %arg11[%mul3A_158] : memref<10384xi32, #tpu.memory_space<vmem>> -> memref<128xi32, #tpu.memory_space<vmem>>
      %dma_start3A_160 = arith.constant 0 : i32
      %dma_start3A_161 = arith.constant 0 : i32
      %dma_start3A_162 = tpu.memref_slice %arg2[%dma_start3A_160, %dma_start3A_161] : memref<10240x128xf32, #tpu.memory_space<hbm>> -> memref<10240x128xf32, #tpu.memory_space<hbm>>
      tpu.enqueue_indirect_dma source(%dma_start3A_162 : memref<10240x128xf32, #tpu.memory_space<hbm>>) target(%arg15 : memref<128x128xf32, #tpu.memory_space<vmem>>) offsets(%dma_start3A_159 : memref<128xi32, #tpu.memory_space<vmem>>) semaphore(%arg18 : memref<!tpu.dma_semaphore, #tpu.memory_space<semaphore_mem>>)
      %add3A_163 = arith.constant 1 : i32
      %add3A_164 = arith.addi %mul3A_146, %add3A_163 : i32
      %mul3A_165 = arith.constant 128 : i32
      %mul3A_166 = arith.muli %add3A_164, %mul3A_165 : i32
      %dma_wait3A_167 = tpu.memref_slice %arg11[%mul3A_166] : memref<10384xi32, #tpu.memory_space<vmem>> -> memref<128xi32, #tpu.memory_space<vmem>>
      %dma_wait3A_168 = arith.constant 0 : i32
      %dma_wait3A_169 = arith.constant 0 : i32
      %dma_wait3A_170 = tpu.memref_slice %arg2[%dma_wait3A_168, %dma_wait3A_169] : memref<10240x128xf32, #tpu.memory_space<hbm>> -> memref<10240x128xf32, #tpu.memory_space<hbm>>
      tpu.wait_indirect_dma semaphore(%arg19 : memref<!tpu.dma_semaphore, #tpu.memory_space<semaphore_mem>>) src(%dma_wait3A_170 : memref<10240x128xf32, #tpu.memory_space<hbm>>) dst(%arg16 : memref<128x128xf32, #tpu.memory_space<vmem>>)
      %add3A_171 = arith.constant 1 : i32
      %add3A_172 = arith.addi %mul3A_146, %add3A_171 : i32
      %mul3A_173 = arith.constant 128 : i32
      %mul3A_174 = arith.muli %add3A_172, %mul3A_173 : i32
      "tpu.region"() ({
        %run_scoped3A = tpu.sem_alloc : memref<!tpu.dma_semaphore, #tpu.memory_space<semaphore_mem>>
        %dma_start3A_183 = tpu.memref_slice %arg10[%mul3A_174] : memref<10384xi32, #tpu.memory_space<vmem>> -> memref<128xi32, #tpu.memory_space<vmem>>
        %dma_start3A_184 = arith.constant 0 : i32
        %dma_start3A_185 = arith.constant 0 : i32
        %dma_start3A_186 = tpu.memref_slice %arg17[%dma_start3A_184, %dma_start3A_185] : memref<5120x128xf32, #tpu.memory_space<vmem_shared>> -> memref<5120x128xf32, #tpu.memory_space<vmem_shared>>
        tpu.enqueue_indirect_dma source(%arg16 : memref<128x128xf32, #tpu.memory_space<vmem>>) target(%dma_start3A_186 : memref<5120x128xf32, #tpu.memory_space<vmem_shared>>) offsets(%dma_start3A_183 : memref<128xi32, #tpu.memory_space<vmem>>) semaphore(%run_scoped3A : memref<!tpu.dma_semaphore, #tpu.memory_space<semaphore_mem>>) {add = true}
        %dma_wait3A_187 = tpu.memref_slice %arg10[%mul3A_174] : memref<10384xi32, #tpu.memory_space<vmem>> -> memref<128xi32, #tpu.memory_space<vmem>>
        %dma_wait3A_188 = arith.constant 0 : i32
        %dma_wait3A_189 = arith.constant 0 : i32
        %dma_wait3A_190 = tpu.memref_slice %arg17[%dma_wait3A_188, %dma_wait3A_189] : memref<5120x128xf32, #tpu.memory_space<vmem_shared>> -> memref<5120x128xf32, #tpu.memory_space<vmem_shared>>
        tpu.wait_indirect_dma semaphore(%run_scoped3A : memref<!tpu.dma_semaphore, #tpu.memory_space<semaphore_mem>>) src(%arg16 : memref<128x128xf32, #tpu.memory_space<vmem>>) dst(%dma_wait3A_190 : memref<5120x128xf32, #tpu.memory_space<vmem_shared>>)
        tpu.yield
      }) : () -> ()
      %add3A_175 = arith.constant 3 : i32
      %add3A_176 = arith.addi %mul3A_146, %add3A_175 : i32
      %mul3A_177 = arith.constant 128 : i32
      %mul3A_178 = arith.muli %add3A_176, %mul3A_177 : i32
      %dma_start3A_179 = tpu.memref_slice %arg11[%mul3A_178] : memref<10384xi32, #tpu.memory_space<vmem>> -> memref<128xi32, #tpu.memory_space<vmem>>
      %dma_start3A_180 = arith.constant 0 : i32
      %dma_start3A_181 = arith.constant 0 : i32
      %dma_start3A_182 = tpu.memref_slice %arg2[%dma_start3A_180, %dma_start3A_181] : memref<10240x128xf32, #tpu.memory_space<hbm>> -> memref<10240x128xf32, #tpu.memory_space<hbm>>
      tpu.enqueue_indirect_dma source(%dma_start3A_182 : memref<10240x128xf32, #tpu.memory_space<hbm>>) target(%arg16 : memref<128x128xf32, #tpu.memory_space<vmem>>) offsets(%dma_start3A_179 : memref<128xi32, #tpu.memory_space<vmem>>) semaphore(%arg19 : memref<!tpu.dma_semaphore, #tpu.memory_space<semaphore_mem>>)
    }
    %while3A_118 = arith.constant 1 : i32
    scf.for %while3A_144 = %while3A_116 to %while3A_112 step %while3A_118  : i32 {
      %mul3A_145 = arith.constant 2 : i32
      %mul3A_146 = arith.muli %while3A_144, %mul3A_145 : i32
      %mul3A_147 = arith.constant 128 : i32
      %mul3A_148 = arith.muli %mul3A_146, %mul3A_147 : i32
      %dma_wait3A_149 = tpu.memref_slice %arg11[%mul3A_148] : memref<10384xi32, #tpu.memory_space<vmem>> -> memref<128xi32, #tpu.memory_space<vmem>>
      %dma_wait3A_150 = arith.constant 0 : i32
      %dma_wait3A_151 = arith.constant 0 : i32
      %dma_wait3A_152 = tpu.memref_slice %arg2[%dma_wait3A_150, %dma_wait3A_151] : memref<10240x128xf32, #tpu.memory_space<hbm>> -> memref<10240x128xf32, #tpu.memory_space<hbm>>
      tpu.wait_indirect_dma semaphore(%arg18 : memref<!tpu.dma_semaphore, #tpu.memory_space<semaphore_mem>>) src(%dma_wait3A_152 : memref<10240x128xf32, #tpu.memory_space<hbm>>) dst(%arg15 : memref<128x128xf32, #tpu.memory_space<vmem>>)
      %mul3A_153 = arith.constant 128 : i32
      %mul3A_154 = arith.muli %mul3A_146, %mul3A_153 : i32
      "tpu.region"() ({
        %run_scoped3A = tpu.sem_alloc : memref<!tpu.dma_semaphore, #tpu.memory_space<semaphore_mem>>
        %dma_start3A_183 = tpu.memref_slice %arg10[%mul3A_154] : memref<10384xi32, #tpu.memory_space<vmem>> -> memref<128xi32, #tpu.memory_space<vmem>>
        %dma_start3A_184 = arith.constant 0 : i32
        %dma_start3A_185 = arith.constant 0 : i32
        %dma_start3A_186 = tpu.memref_slice %arg17[%dma_start3A_184, %dma_start3A_185] : memref<5120x128xf32, #tpu.memory_space<vmem_shared>> -> memref<5120x128xf32, #tpu.memory_space<vmem_shared>>
        tpu.enqueue_indirect_dma source(%arg15 : memref<128x128xf32, #tpu.memory_space<vmem>>) target(%dma_start3A_186 : memref<5120x128xf32, #tpu.memory_space<vmem_shared>>) offsets(%dma_start3A_183 : memref<128xi32, #tpu.memory_space<vmem>>) semaphore(%run_scoped3A : memref<!tpu.dma_semaphore, #tpu.memory_space<semaphore_mem>>) {add = true}
        %dma_wait3A_187 = tpu.memref_slice %arg10[%mul3A_154] : memref<10384xi32, #tpu.memory_space<vmem>> -> memref<128xi32, #tpu.memory_space<vmem>>
        %dma_wait3A_188 = arith.constant 0 : i32
        %dma_wait3A_189 = arith.constant 0 : i32
        %dma_wait3A_190 = tpu.memref_slice %arg17[%dma_wait3A_188, %dma_wait3A_189] : memref<5120x128xf32, #tpu.memory_space<vmem_shared>> -> memref<5120x128xf32, #tpu.memory_space<vmem_shared>>
        tpu.wait_indirect_dma semaphore(%run_scoped3A : memref<!tpu.dma_semaphore, #tpu.memory_space<semaphore_mem>>) src(%arg15 : memref<128x128xf32, #tpu.memory_space<vmem>>) dst(%dma_wait3A_190 : memref<5120x128xf32, #tpu.memory_space<vmem_shared>>)
        tpu.yield
      }) : () -> ()
      %add3A_155 = arith.constant 2 : i32
      %add3A_156 = arith.addi %mul3A_146, %add3A_155 : i32
      %mul3A_157 = arith.constant 128 : i32
      %mul3A_158 = arith.muli %add3A_156, %mul3A_157 : i32
      %dma_start3A_159 = tpu.memref_slice %arg11[%mul3A_158] : memref<10384xi32, #tpu.memory_space<vmem>> -> memref<128xi32, #tpu.memory_space<vmem>>
      %dma_start3A_160 = arith.constant 0 : i32
      %dma_start3A_161 = arith.constant 0 : i32
      %dma_start3A_162 = tpu.memref_slice %arg2[%dma_start3A_160, %dma_start3A_161] : memref<10240x128xf32, #tpu.memory_space<hbm>> -> memref<10240x128xf32, #tpu.memory_space<hbm>>
      tpu.enqueue_indirect_dma source(%dma_start3A_162 : memref<10240x128xf32, #tpu.memory_space<hbm>>) target(%arg15 : memref<128x128xf32, #tpu.memory_space<vmem>>) offsets(%dma_start3A_159 : memref<128xi32, #tpu.memory_space<vmem>>) semaphore(%arg18 : memref<!tpu.dma_semaphore, #tpu.memory_space<semaphore_mem>>)
      %add3A_163 = arith.constant 1 : i32
      %add3A_164 = arith.addi %mul3A_146, %add3A_163 : i32
      %mul3A_165 = arith.constant 128 : i32
      %mul3A_166 = arith.muli %add3A_164, %mul3A_165 : i32
      %dma_wait3A_167 = tpu.memref_slice %arg11[%mul3A_166] : memref<10384xi32, #tpu.memory_space<vmem>> -> memref<128xi32, #tpu.memory_space<vmem>>
      %dma_wait3A_168 = arith.constant 0 : i32
      %dma_wait3A_169 = arith.constant 0 : i32
      %dma_wait3A_170 = tpu.memref_slice %arg2[%dma_wait3A_168, %dma_wait3A_169] : memref<10240x128xf32, #tpu.memory_space<hbm>> -> memref<10240x128xf32, #tpu.memory_space<hbm>>
      tpu.wait_indirect_dma semaphore(%arg19 : memref<!tpu.dma_semaphore, #tpu.memory_space<semaphore_mem>>) src(%dma_wait3A_170 : memref<10240x128xf32, #tpu.memory_space<hbm>>) dst(%arg16 : memref<128x128xf32, #tpu.memory_space<vmem>>)
      %add3A_171 = arith.constant 1 : i32
      %add3A_172 = arith.addi %mul3A_146, %add3A_171 : i32
      %mul3A_173 = arith.constant 128 : i32
      %mul3A_174 = arith.muli %add3A_172, %mul3A_173 : i32
      "tpu.region"() ({
        %run_scoped3A = tpu.sem_alloc : memref<!tpu.dma_semaphore, #tpu.memory_space<semaphore_mem>>
        %dma_start3A_183 = tpu.memref_slice %arg10[%mul3A_174] : memref<10384xi32, #tpu.memory_space<vmem>> -> memref<128xi32, #tpu.memory_space<vmem>>
        %dma_start3A_184 = arith.constant 0 : i32
        %dma_start3A_185 = arith.constant 0 : i32
        %dma_start3A_186 = tpu.memref_slice %arg17[%dma_start3A_184, %dma_start3A_185] : memref<5120x128xf32, #tpu.memory_space<vmem_shared>> -> memref<5120x128xf32, #tpu.memory_space<vmem_shared>>
        tpu.enqueue_indirect_dma source(%arg16 : memref<128x128xf32, #tpu.memory_space<vmem>>) target(%dma_start3A_186 : memref<5120x128xf32, #tpu.memory_space<vmem_shared>>) offsets(%dma_start3A_183 : memref<128xi32, #tpu.memory_space<vmem>>) semaphore(%run_scoped3A : memref<!tpu.dma_semaphore, #tpu.memory_space<semaphore_mem>>) {add = true}
        %dma_wait3A_187 = tpu.memref_slice %arg10[%mul3A_174] : memref<10384xi32, #tpu.memory_space<vmem>> -> memref<128xi32, #tpu.memory_space<vmem>>
        %dma_wait3A_188 = arith.constant 0 : i32
        %dma_wait3A_189 = arith.constant 0 : i32
        %dma_wait3A_190 = tpu.memref_slice %arg17[%dma_wait3A_188, %dma_wait3A_189] : memref<5120x128xf32, #tpu.memory_space<vmem_shared>> -> memref<5120x128xf32, #tpu.memory_space<vmem_shared>>
        tpu.wait_indirect_dma semaphore(%run_scoped3A : memref<!tpu.dma_semaphore, #tpu.memory_space<semaphore_mem>>) src(%arg16 : memref<128x128xf32, #tpu.memory_space<vmem>>) dst(%dma_wait3A_190 : memref<5120x128xf32, #tpu.memory_space<vmem_shared>>)
        tpu.yield
      }) : () -> ()
      %add3A_175 = arith.constant 3 : i32
      %add3A_176 = arith.addi %mul3A_146, %add3A_175 : i32
      %mul3A_177 = arith.constant 128 : i32
      %mul3A_178 = arith.muli %add3A_176, %mul3A_177 : i32
      %dma_start3A_179 = tpu.memref_slice %arg11[%mul3A_178] : memref<10384xi32, #tpu.memory_space<vmem>> -> memref<128xi32, #tpu.memory_space<vmem>>
      %dma_start3A_180 = arith.constant 0 : i32
      %dma_start3A_181 = arith.constant 0 : i32
      %dma_start3A_182 = tpu.memref_slice %arg2[%dma_start3A_180, %dma_start3A_181] : memref<10240x128xf32, #tpu.memory_space<hbm>> -> memref<10240x128xf32, #tpu.memory_space<hbm>>
      tpu.enqueue_indirect_dma source(%dma_start3A_182 : memref<10240x128xf32, #tpu.memory_space<hbm>>) target(%arg16 : memref<128x128xf32, #tpu.memory_space<vmem>>) offsets(%dma_start3A_179 : memref<128xi32, #tpu.memory_space<vmem>>) semaphore(%arg19 : memref<!tpu.dma_semaphore, #tpu.memory_space<semaphore_mem>>)
    }
    %sub3A_119 = arith.constant 2 : i32
    %sub3A_120 = arith.subi %squeeze3A_72, %sub3A_119 : i32
    %mul3A_121 = arith.constant 128 : i32
    %mul3A_122 = arith.muli %sub3A_120, %mul3A_121 : i32
    %dma_wait3A_123 = tpu.memref_slice %arg11[%mul3A_122] : memref<10384xi32, #tpu.memory_space<vmem>> -> memref<128xi32, #tpu.memory_space<vmem>>
    %dma_wait3A_124 = arith.constant 0 : i32
    %dma_wait3A_125 = arith.constant 0 : i32
    %dma_wait3A_126 = tpu.memref_slice %arg2[%dma_wait3A_124, %dma_wait3A_125] : memref<10240x128xf32, #tpu.memory_space<hbm>> -> memref<10240x128xf32, #tpu.memory_space<hbm>>
    tpu.wait_indirect_dma semaphore(%arg18 : memref<!tpu.dma_semaphore, #tpu.memory_space<semaphore_mem>>) src(%dma_wait3A_126 : memref<10240x128xf32, #tpu.memory_space<hbm>>) dst(%arg15 : memref<128x128xf32, #tpu.memory_space<vmem>>)
    %sub3A_127 = arith.constant 2 : i32
    %sub3A_128 = arith.subi %squeeze3A_72, %sub3A_127 : i32
    %mul3A_129 = arith.constant 128 : i32
    %mul3A_130 = arith.muli %sub3A_128, %mul3A_129 : i32
    "tpu.region"() ({
      %run_scoped3A = tpu.sem_alloc : memref<!tpu.dma_semaphore, #tpu.memory_space<semaphore_mem>>
      %dma_start3A_144 = tpu.memref_slice %arg10[%mul3A_130] : memref<10384xi32, #tpu.memory_space<vmem>> -> memref<128xi32, #tpu.memory_space<vmem>>
      %dma_start3A_145 = arith.constant 0 : i32
      %dma_start3A_146 = arith.constant 0 : i32
      %dma_start3A_147 = tpu.memref_slice %arg17[%dma_start3A_145, %dma_start3A_146] : memref<5120x128xf32, #tpu.memory_space<vmem_shared>> -> memref<5120x128xf32, #tpu.memory_space<vmem_shared>>
      tpu.enqueue_indirect_dma source(%arg15 : memref<128x128xf32, #tpu.memory_space<vmem>>) target(%dma_start3A_147 : memref<5120x128xf32, #tpu.memory_space<vmem_shared>>) offsets(%dma_start3A_144 : memref<128xi32, #tpu.memory_space<vmem>>) semaphore(%run_scoped3A : memref<!tpu.dma_semaphore, #tpu.memory_space<semaphore_mem>>) {add = true}
      %dma_wait3A_148 = tpu.memref_slice %arg10[%mul3A_130] : memref<10384xi32, #tpu.memory_space<vmem>> -> memref<128xi32, #tpu.memory_space<vmem>>
      %dma_wait3A_149 = arith.constant 0 : i32
      %dma_wait3A_150 = arith.constant 0 : i32
      %dma_wait3A_151 = tpu.memref_slice %arg17[%dma_wait3A_149, %dma_wait3A_150] : memref<5120x128xf32, #tpu.memory_space<vmem_shared>> -> memref<5120x128xf32, #tpu.memory_space<vmem_shared>>
      tpu.wait_indirect_dma semaphore(%run_scoped3A : memref<!tpu.dma_semaphore, #tpu.memory_space<semaphore_mem>>) src(%arg15 : memref<128x128xf32, #tpu.memory_space<vmem>>) dst(%dma_wait3A_151 : memref<5120x128xf32, #tpu.memory_space<vmem_shared>>)
      tpu.yield
    }) : () -> ()
    %sub3A_131 = arith.constant 1 : i32
    %sub3A_132 = arith.subi %squeeze3A_72, %sub3A_131 : i32
    %mul3A_133 = arith.constant 128 : i32
    %mul3A_134 = arith.muli %sub3A_132, %mul3A_133 : i32
    %dma_wait3A_135 = tpu.memref_slice %arg11[%mul3A_134] : memref<10384xi32, #tpu.memory_space<vmem>> -> memref<128xi32, #tpu.memory_space<vmem>>
    %dma_wait3A_136 = arith.constant 0 : i32
    %dma_wait3A_137 = arith.constant 0 : i32
    %dma_wait3A_138 = tpu.memref_slice %arg2[%dma_wait3A_136, %dma_wait3A_137] : memref<10240x128xf32, #tpu.memory_space<hbm>> -> memref<10240x128xf32, #tpu.memory_space<hbm>>
    tpu.wait_indirect_dma semaphore(%arg19 : memref<!tpu.dma_semaphore, #tpu.memory_space<semaphore_mem>>) src(%dma_wait3A_138 : memref<10240x128xf32, #tpu.memory_space<hbm>>) dst(%arg16 : memref<128x128xf32, #tpu.memory_space<vmem>>)
    %sub3A_139 = arith.constant 1 : i32
    %sub3A_140 = arith.subi %squeeze3A_72, %sub3A_139 : i32
    %mul3A_141 = arith.constant 128 : i32
    %mul3A_142 = arith.muli %sub3A_140, %mul3A_141 : i32
    "tpu.region"() ({
      %run_scoped3A = tpu.sem_alloc : memref<!tpu.dma_semaphore, #tpu.memory_space<semaphore_mem>>
      %dma_start3A_144 = tpu.memref_slice %arg10[%mul3A_142] : memref<10384xi32, #tpu.memory_space<vmem>> -> memref<128xi32, #tpu.memory_space<vmem>>
      %dma_start3A_145 = arith.constant 0 : i32
      %dma_start3A_146 = arith.constant 0 : i32
      %dma_start3A_147 = tpu.memref_slice %arg17[%dma_start3A_145, %dma_start3A_146] : memref<5120x128xf32, #tpu.memory_space<vmem_shared>> -> memref<5120x128xf32, #tpu.memory_space<vmem_shared>>
      tpu.enqueue_indirect_dma source(%arg16 : memref<128x128xf32, #tpu.memory_space<vmem>>) target(%dma_start3A_147 : memref<5120x128xf32, #tpu.memory_space<vmem_shared>>) offsets(%dma_start3A_144 : memref<128xi32, #tpu.memory_space<vmem>>) semaphore(%run_scoped3A : memref<!tpu.dma_semaphore, #tpu.memory_space<semaphore_mem>>) {add = true}
      %dma_wait3A_148 = tpu.memref_slice %arg10[%mul3A_142] : memref<10384xi32, #tpu.memory_space<vmem>> -> memref<128xi32, #tpu.memory_space<vmem>>
      %dma_wait3A_149 = arith.constant 0 : i32
      %dma_wait3A_150 = arith.constant 0 : i32
      %dma_wait3A_151 = tpu.memref_slice %arg17[%dma_wait3A_149, %dma_wait3A_150] : memref<5120x128xf32, #tpu.memory_space<vmem_shared>> -> memref<5120x128xf32, #tpu.memory_space<vmem_shared>>
      tpu.wait_indirect_dma semaphore(%run_scoped3A : memref<!tpu.dma_semaphore, #tpu.memory_space<semaphore_mem>>) src(%arg16 : memref<128x128xf32, #tpu.memory_space<vmem>>) dst(%dma_wait3A_151 : memref<5120x128xf32, #tpu.memory_space<vmem_shared>>)
      tpu.yield
    }) : () -> ()
    %barrier3A_143 = arith.constant 0 : index
    tpu.barrier barrier_id(%barrier3A_143)
    "tpu.region"() ({
      %run_scoped3A = tpu.sem_alloc : memref<!tpu.dma_semaphore, #tpu.memory_space<semaphore_mem>>
      %dma_start3A_144 = arith.constant 0 : i32
      %dma_start3A_145 = tpu.memref_slice %arg7[%add3A, %dma_start3A_144] : memref<10240x128xf32, #tpu.memory_space<hbm>> -> memref<320x128xf32, #tpu.memory_space<hbm>>
      %dma_start3A_146 = arith.constant 0 : i32
      %dma_start3A_147 = tpu.memref_slice %arg17[%mul3A_2, %dma_start3A_146] : memref<5120x128xf32, #tpu.memory_space<vmem_shared>> -> memref<320x128xf32, #tpu.memory_space<vmem_shared>>
      tpu.enqueue_dma source(%dma_start3A_147 : memref<320x128xf32, #tpu.memory_space<vmem_shared>>) target(%dma_start3A_145 : memref<320x128xf32, #tpu.memory_space<hbm>>) target_semaphore(%run_scoped3A : memref<!tpu.dma_semaphore, #tpu.memory_space<semaphore_mem>>)
      %dma_wait3A_148 = arith.constant 0 : i32
      %dma_wait3A_149 = tpu.memref_slice %arg7[%add3A, %dma_wait3A_148] : memref<10240x128xf32, #tpu.memory_space<hbm>> -> memref<320x128xf32, #tpu.memory_space<hbm>>
      %dma_wait3A_150 = arith.constant 0 : i32
      %dma_wait3A_151 = tpu.memref_slice %arg17[%mul3A_2, %dma_wait3A_150] : memref<5120x128xf32, #tpu.memory_space<vmem_shared>> -> memref<320x128xf32, #tpu.memory_space<vmem_shared>>
      tpu.wait_dma2 semaphore(%run_scoped3A : memref<!tpu.dma_semaphore, #tpu.memory_space<semaphore_mem>>) src(%dma_wait3A_151 : memref<320x128xf32, #tpu.memory_space<vmem_shared>>) dst(%dma_wait3A_149 : memref<320x128xf32, #tpu.memory_space<hbm>>)
      tpu.yield
    }) : () -> ()
    return
  }
}

#map = affine_map<(d0, d1) -> (0, 0)>
#map1 = affine_map<(d0, d1) -> (0, 0, 0)>
module attributes {stable_mosaic.version = 14 : i64} {
  func.func @_scale_body(%arg0: i32, %arg1: i32, %arg2: memref<10240x128xf32, #tpu.memory_space<hbm>>, %arg3: memref<2x10240x16xf32, #tpu.memory_space<hbm>>, %arg4: memref<10240x128xf32, #tpu.memory_space<hbm>>, %arg5: memref<10240x16xf32, #tpu.memory_space<hbm>>, %arg6: memref<320x128xf32, #tpu.memory_space<vmem>>, %arg7: memref<320x16xf32, #tpu.memory_space<vmem>>, %arg8: memref<320x16xf32, #tpu.memory_space<vmem>>, %arg9: memref<320x128xf32, #tpu.memory_space<vmem>>, %arg10: memref<320x16xf32, #tpu.memory_space<vmem>>) attributes {dimension_semantics = [#tpu.dimension_semantics<core_parallel>, #tpu.dimension_semantics<subcore_parallel>], iteration_bounds = array<i64: 2, 16>, scalar_prefetch = 0 : i64, scratch_operands = 5 : i64, tpu.core_type = #tpu.core_type<sc_vector_subcore>, window_params = [{transform_indices = #map}, {transform_indices = #map1}, {transform_indices = #map}, {transform_indices = #map}]} {
    %mul3A = arith.constant 16 : i32
    %mul3A_0 = arith.muli %arg0, %mul3A : i32
    %add3A = arith.addi %mul3A_0, %arg1 : i32
    %mul3A_1 = arith.constant 320 : i32
    %mul3A_2 = arith.muli %add3A, %mul3A_1 : i32
    "tpu.region"() ({
      %run_scoped3A_9 = tpu.sem_alloc : memref<!tpu.dma_semaphore, #tpu.memory_space<semaphore_mem>>
      %dma_start3A = arith.constant 0 : i32
      %dma_start3A_10 = tpu.memref_slice %arg2[%mul3A_2, %dma_start3A] : memref<10240x128xf32, #tpu.memory_space<hbm>> -> memref<320x128xf32, #tpu.memory_space<hbm>>
      %dma_start3A_11 = arith.constant 0 : i32
      %dma_start3A_12 = tpu.memref_slice %arg2[%mul3A_2, %dma_start3A_11] : memref<10240x128xf32, #tpu.memory_space<hbm>> -> memref<320x128xf32, #tpu.memory_space<hbm>>
      tpu.enqueue_dma source(%dma_start3A_12 : memref<320x128xf32, #tpu.memory_space<hbm>>) target(%arg6 : memref<320x128xf32, #tpu.memory_space<vmem>>) target_semaphore(%run_scoped3A_9 : memref<!tpu.dma_semaphore, #tpu.memory_space<semaphore_mem>>)
      %dma_wait3A = arith.constant 0 : i32
      %dma_wait3A_13 = tpu.memref_slice %arg2[%mul3A_2, %dma_wait3A] : memref<10240x128xf32, #tpu.memory_space<hbm>> -> memref<320x128xf32, #tpu.memory_space<hbm>>
      %dma_wait3A_14 = arith.constant 0 : i32
      %dma_wait3A_15 = tpu.memref_slice %arg2[%mul3A_2, %dma_wait3A_14] : memref<10240x128xf32, #tpu.memory_space<hbm>> -> memref<320x128xf32, #tpu.memory_space<hbm>>
      tpu.wait_dma2 semaphore(%run_scoped3A_9 : memref<!tpu.dma_semaphore, #tpu.memory_space<semaphore_mem>>) src(%dma_wait3A_15 : memref<320x128xf32, #tpu.memory_space<hbm>>) dst(%arg6 : memref<320x128xf32, #tpu.memory_space<vmem>>)
      tpu.yield
    }) : () -> ()
    %run_scoped3A = arith.constant 0 : i32
    "tpu.region"() ({
      %run_scoped3A_9 = tpu.sem_alloc : memref<!tpu.dma_semaphore, #tpu.memory_space<semaphore_mem>>
      %dma_start3A = arith.constant 0 : i32
      %dma_start3A_10 = tpu.memref_slice %arg3[%run_scoped3A, %mul3A_2, %dma_start3A] : memref<2x10240x16xf32, #tpu.memory_space<hbm>> -> memref<1x320x16xf32, #tpu.memory_space<hbm>>
      %dma_start3A_11 = tpu.memref_squeeze %dma_start3A_10 : memref<1x320x16xf32, #tpu.memory_space<hbm>> -> memref<320x16xf32, #tpu.memory_space<hbm>>
      %dma_start3A_12 = arith.constant 0 : i32
      %dma_start3A_13 = tpu.memref_slice %arg3[%run_scoped3A, %mul3A_2, %dma_start3A_12] : memref<2x10240x16xf32, #tpu.memory_space<hbm>> -> memref<1x320x16xf32, #tpu.memory_space<hbm>>
      %dma_start3A_14 = tpu.memref_squeeze %dma_start3A_13 : memref<1x320x16xf32, #tpu.memory_space<hbm>> -> memref<320x16xf32, #tpu.memory_space<hbm>>
      tpu.enqueue_dma source(%dma_start3A_14 : memref<320x16xf32, #tpu.memory_space<hbm>>) target(%arg7 : memref<320x16xf32, #tpu.memory_space<vmem>>) target_semaphore(%run_scoped3A_9 : memref<!tpu.dma_semaphore, #tpu.memory_space<semaphore_mem>>)
      %dma_wait3A = arith.constant 0 : i32
      %dma_wait3A_15 = tpu.memref_slice %arg3[%run_scoped3A, %mul3A_2, %dma_wait3A] : memref<2x10240x16xf32, #tpu.memory_space<hbm>> -> memref<1x320x16xf32, #tpu.memory_space<hbm>>
      %dma_wait3A_16 = tpu.memref_squeeze %dma_wait3A_15 : memref<1x320x16xf32, #tpu.memory_space<hbm>> -> memref<320x16xf32, #tpu.memory_space<hbm>>
      %dma_wait3A_17 = arith.constant 0 : i32
      %dma_wait3A_18 = tpu.memref_slice %arg3[%run_scoped3A, %mul3A_2, %dma_wait3A_17] : memref<2x10240x16xf32, #tpu.memory_space<hbm>> -> memref<1x320x16xf32, #tpu.memory_space<hbm>>
      %dma_wait3A_19 = tpu.memref_squeeze %dma_wait3A_18 : memref<1x320x16xf32, #tpu.memory_space<hbm>> -> memref<320x16xf32, #tpu.memory_space<hbm>>
      tpu.wait_dma2 semaphore(%run_scoped3A_9 : memref<!tpu.dma_semaphore, #tpu.memory_space<semaphore_mem>>) src(%dma_wait3A_19 : memref<320x16xf32, #tpu.memory_space<hbm>>) dst(%arg7 : memref<320x16xf32, #tpu.memory_space<vmem>>)
      tpu.yield
    }) : () -> ()
    %run_scoped3A_3 = arith.constant 1 : i32
    "tpu.region"() ({
      %run_scoped3A_9 = tpu.sem_alloc : memref<!tpu.dma_semaphore, #tpu.memory_space<semaphore_mem>>
      %dma_start3A = arith.constant 0 : i32
      %dma_start3A_10 = tpu.memref_slice %arg3[%run_scoped3A_3, %mul3A_2, %dma_start3A] : memref<2x10240x16xf32, #tpu.memory_space<hbm>> -> memref<1x320x16xf32, #tpu.memory_space<hbm>>
      %dma_start3A_11 = tpu.memref_squeeze %dma_start3A_10 : memref<1x320x16xf32, #tpu.memory_space<hbm>> -> memref<320x16xf32, #tpu.memory_space<hbm>>
      %dma_start3A_12 = arith.constant 0 : i32
      %dma_start3A_13 = tpu.memref_slice %arg3[%run_scoped3A_3, %mul3A_2, %dma_start3A_12] : memref<2x10240x16xf32, #tpu.memory_space<hbm>> -> memref<1x320x16xf32, #tpu.memory_space<hbm>>
      %dma_start3A_14 = tpu.memref_squeeze %dma_start3A_13 : memref<1x320x16xf32, #tpu.memory_space<hbm>> -> memref<320x16xf32, #tpu.memory_space<hbm>>
      tpu.enqueue_dma source(%dma_start3A_14 : memref<320x16xf32, #tpu.memory_space<hbm>>) target(%arg8 : memref<320x16xf32, #tpu.memory_space<vmem>>) target_semaphore(%run_scoped3A_9 : memref<!tpu.dma_semaphore, #tpu.memory_space<semaphore_mem>>)
      %dma_wait3A = arith.constant 0 : i32
      %dma_wait3A_15 = tpu.memref_slice %arg3[%run_scoped3A_3, %mul3A_2, %dma_wait3A] : memref<2x10240x16xf32, #tpu.memory_space<hbm>> -> memref<1x320x16xf32, #tpu.memory_space<hbm>>
      %dma_wait3A_16 = tpu.memref_squeeze %dma_wait3A_15 : memref<1x320x16xf32, #tpu.memory_space<hbm>> -> memref<320x16xf32, #tpu.memory_space<hbm>>
      %dma_wait3A_17 = arith.constant 0 : i32
      %dma_wait3A_18 = tpu.memref_slice %arg3[%run_scoped3A_3, %mul3A_2, %dma_wait3A_17] : memref<2x10240x16xf32, #tpu.memory_space<hbm>> -> memref<1x320x16xf32, #tpu.memory_space<hbm>>
      %dma_wait3A_19 = tpu.memref_squeeze %dma_wait3A_18 : memref<1x320x16xf32, #tpu.memory_space<hbm>> -> memref<320x16xf32, #tpu.memory_space<hbm>>
      tpu.wait_dma2 semaphore(%run_scoped3A_9 : memref<!tpu.dma_semaphore, #tpu.memory_space<semaphore_mem>>) src(%dma_wait3A_19 : memref<320x16xf32, #tpu.memory_space<hbm>>) dst(%arg8 : memref<320x16xf32, #tpu.memory_space<vmem>>)
      tpu.yield
    }) : () -> ()
    %scan3A = arith.constant 0 : i32
    %scan3A_4 = arith.constant 0 : i32
    %scan3A_5 = arith.constant 320 : i32
    %scan3A_6 = arith.addi %scan3A_4, %scan3A_5 : i32
    %scan3A_7 = arith.constant 1 : i32
    scf.for %scan3A_9 = %scan3A_4 to %scan3A_6 step %scan3A_7  : i32 {
      %get3A = arith.index_cast %scan3A_9 : i32 to index
      %get3A_10 = arith.constant 0 : index
      %get3A_11 = tpu.vector_load %arg7[%get3A, %get3A_10] {strides = array<i32>} : memref<320x16xf32, #tpu.memory_space<vmem>>, vector<1x16xf32>,
      %get3A_12 = vector.shape_cast %get3A_11 : vector<1x16xf32> to vector<16xf32>
      %get3A_13 = arith.index_cast %scan3A_9 : i32 to index
      %get3A_14 = arith.constant 0 : index
      %get3A_15 = tpu.vector_load %arg8[%get3A_13, %get3A_14] {strides = array<i32>} : memref<320x16xf32, #tpu.memory_space<vmem>>, vector<1x16xf32>,
      %get3A_16 = vector.shape_cast %get3A_15 : vector<1x16xf32> to vector<16xf32>
      %add3A_17 = arith.addf %get3A_12, %get3A_16 : vector<16xf32>
      %add3A_18 = arith.constant 1.000000e+00 : f32
      %add3A_19 = vector.broadcast %add3A_18 : f32 to vector<16xf32>
      %add3A_20 = arith.addf %add3A_17, %add3A_19 : vector<16xf32>
      %div3A = arith.constant 1.000000e+00 : f32
      %div3A_21 = vector.broadcast %div3A : f32 to vector<16xf32>
      %div3A_22 = arith.divf %div3A_21, %add3A_20 : vector<16xf32>
      %swap3A = arith.index_cast %scan3A_9 : i32 to index
      %swap3A_23 = arith.constant 0 : index
      %swap3A_24 = tpu.vector_load %arg10[%swap3A, %swap3A_23] {strides = array<i32>} : memref<320x16xf32, #tpu.memory_space<vmem>>, vector<1x16xf32>,
      %swap3A_25 = vector.shape_cast %swap3A_24 : vector<1x16xf32> to vector<16xf32>
      %swap3A_26 = vector.shape_cast %div3A_22 : vector<16xf32> to vector<1x16xf32>
      tpu.vector_store %arg10[%swap3A, %swap3A_23], %swap3A_26 {strides = array<i32>} : memref<320x16xf32, #tpu.memory_space<vmem>>, vector<1x16xf32>,
      %get3A_27 = arith.index_cast %scan3A_9 : i32 to index
      %get3A_28 = arith.constant 0 : index
      %get3A_29 = tpu.vector_load %arg6[%get3A_27, %get3A_28] {strides = array<i32>} : memref<320x128xf32, #tpu.memory_space<vmem>>, vector<1x16xf32>,
      %get3A_30 = vector.shape_cast %get3A_29 : vector<1x16xf32> to vector<16xf32>
      %mul3A_31 = arith.mulf %get3A_30, %div3A_22 : vector<16xf32>
      %swap3A_32 = arith.index_cast %scan3A_9 : i32 to index
      %swap3A_33 = arith.constant 0 : index
      %swap3A_34 = tpu.vector_load %arg9[%swap3A_32, %swap3A_33] {strides = array<i32>} : memref<320x128xf32, #tpu.memory_space<vmem>>, vector<1x16xf32>,
      %swap3A_35 = vector.shape_cast %swap3A_34 : vector<1x16xf32> to vector<16xf32>
      %swap3A_36 = vector.shape_cast %mul3A_31 : vector<16xf32> to vector<1x16xf32>
      tpu.vector_store %arg9[%swap3A_32, %swap3A_33], %swap3A_36 {strides = array<i32>} : memref<320x128xf32, #tpu.memory_space<vmem>>, vector<1x16xf32>,
      %get3A_37 = arith.index_cast %scan3A_9 : i32 to index
      %get3A_38 = arith.constant 16 : index
      %get3A_39 = tpu.vector_load %arg6[%get3A_37, %get3A_38] {strides = array<i32>} : memref<320x128xf32, #tpu.memory_space<vmem>>, vector<1x16xf32>,
      %get3A_40 = vector.shape_cast %get3A_39 : vector<1x16xf32> to vector<16xf32>
      %mul3A_41 = arith.mulf %get3A_40, %div3A_22 : vector<16xf32>
      %swap3A_42 = arith.index_cast %scan3A_9 : i32 to index
      %swap3A_43 = arith.constant 16 : index
      %swap3A_44 = tpu.vector_load %arg9[%swap3A_42, %swap3A_43] {strides = array<i32>} : memref<320x128xf32, #tpu.memory_space<vmem>>, vector<1x16xf32>,
      %swap3A_45 = vector.shape_cast %swap3A_44 : vector<1x16xf32> to vector<16xf32>
      %swap3A_46 = vector.shape_cast %mul3A_41 : vector<16xf32> to vector<1x16xf32>
      tpu.vector_store %arg9[%swap3A_42, %swap3A_43], %swap3A_46 {strides = array<i32>} : memref<320x128xf32, #tpu.memory_space<vmem>>, vector<1x16xf32>,
      %get3A_47 = arith.index_cast %scan3A_9 : i32 to index
      %get3A_48 = arith.constant 32 : index
      %get3A_49 = tpu.vector_load %arg6[%get3A_47, %get3A_48] {strides = array<i32>} : memref<320x128xf32, #tpu.memory_space<vmem>>, vector<1x16xf32>,
      %get3A_50 = vector.shape_cast %get3A_49 : vector<1x16xf32> to vector<16xf32>
      %mul3A_51 = arith.mulf %get3A_50, %div3A_22 : vector<16xf32>
      %swap3A_52 = arith.index_cast %scan3A_9 : i32 to index
      %swap3A_53 = arith.constant 32 : index
      %swap3A_54 = tpu.vector_load %arg9[%swap3A_52, %swap3A_53] {strides = array<i32>} : memref<320x128xf32, #tpu.memory_space<vmem>>, vector<1x16xf32>,
      %swap3A_55 = vector.shape_cast %swap3A_54 : vector<1x16xf32> to vector<16xf32>
      %swap3A_56 = vector.shape_cast %mul3A_51 : vector<16xf32> to vector<1x16xf32>
      tpu.vector_store %arg9[%swap3A_52, %swap3A_53], %swap3A_56 {strides = array<i32>} : memref<320x128xf32, #tpu.memory_space<vmem>>, vector<1x16xf32>,
      %get3A_57 = arith.index_cast %scan3A_9 : i32 to index
      %get3A_58 = arith.constant 48 : index
      %get3A_59 = tpu.vector_load %arg6[%get3A_57, %get3A_58] {strides = array<i32>} : memref<320x128xf32, #tpu.memory_space<vmem>>, vector<1x16xf32>,
      %get3A_60 = vector.shape_cast %get3A_59 : vector<1x16xf32> to vector<16xf32>
      %mul3A_61 = arith.mulf %get3A_60, %div3A_22 : vector<16xf32>
      %swap3A_62 = arith.index_cast %scan3A_9 : i32 to index
      %swap3A_63 = arith.constant 48 : index
      %swap3A_64 = tpu.vector_load %arg9[%swap3A_62, %swap3A_63] {strides = array<i32>} : memref<320x128xf32, #tpu.memory_space<vmem>>, vector<1x16xf32>,
      %swap3A_65 = vector.shape_cast %swap3A_64 : vector<1x16xf32> to vector<16xf32>
      %swap3A_66 = vector.shape_cast %mul3A_61 : vector<16xf32> to vector<1x16xf32>
      tpu.vector_store %arg9[%swap3A_62, %swap3A_63], %swap3A_66 {strides = array<i32>} : memref<320x128xf32, #tpu.memory_space<vmem>>, vector<1x16xf32>,
      %get3A_67 = arith.index_cast %scan3A_9 : i32 to index
      %get3A_68 = arith.constant 64 : index
      %get3A_69 = tpu.vector_load %arg6[%get3A_67, %get3A_68] {strides = array<i32>} : memref<320x128xf32, #tpu.memory_space<vmem>>, vector<1x16xf32>,
      %get3A_70 = vector.shape_cast %get3A_69 : vector<1x16xf32> to vector<16xf32>
      %mul3A_71 = arith.mulf %get3A_70, %div3A_22 : vector<16xf32>
      %swap3A_72 = arith.index_cast %scan3A_9 : i32 to index
      %swap3A_73 = arith.constant 64 : index
      %swap3A_74 = tpu.vector_load %arg9[%swap3A_72, %swap3A_73] {strides = array<i32>} : memref<320x128xf32, #tpu.memory_space<vmem>>, vector<1x16xf32>,
      %swap3A_75 = vector.shape_cast %swap3A_74 : vector<1x16xf32> to vector<16xf32>
      %swap3A_76 = vector.shape_cast %mul3A_71 : vector<16xf32> to vector<1x16xf32>
      tpu.vector_store %arg9[%swap3A_72, %swap3A_73], %swap3A_76 {strides = array<i32>} : memref<320x128xf32, #tpu.memory_space<vmem>>, vector<1x16xf32>,
      %get3A_77 = arith.index_cast %scan3A_9 : i32 to index
      %get3A_78 = arith.constant 80 : index
      %get3A_79 = tpu.vector_load %arg6[%get3A_77, %get3A_78] {strides = array<i32>} : memref<320x128xf32, #tpu.memory_space<vmem>>, vector<1x16xf32>,
      %get3A_80 = vector.shape_cast %get3A_79 : vector<1x16xf32> to vector<16xf32>
      %mul3A_81 = arith.mulf %get3A_80, %div3A_22 : vector<16xf32>
      %swap3A_82 = arith.index_cast %scan3A_9 : i32 to index
      %swap3A_83 = arith.constant 80 : index
      %swap3A_84 = tpu.vector_load %arg9[%swap3A_82, %swap3A_83] {strides = array<i32>} : memref<320x128xf32, #tpu.memory_space<vmem>>, vector<1x16xf32>,
      %swap3A_85 = vector.shape_cast %swap3A_84 : vector<1x16xf32> to vector<16xf32>
      %swap3A_86 = vector.shape_cast %mul3A_81 : vector<16xf32> to vector<1x16xf32>
      tpu.vector_store %arg9[%swap3A_82, %swap3A_83], %swap3A_86 {strides = array<i32>} : memref<320x128xf32, #tpu.memory_space<vmem>>, vector<1x16xf32>,
      %get3A_87 = arith.index_cast %scan3A_9 : i32 to index
      %get3A_88 = arith.constant 96 : index
      %get3A_89 = tpu.vector_load %arg6[%get3A_87, %get3A_88] {strides = array<i32>} : memref<320x128xf32, #tpu.memory_space<vmem>>, vector<1x16xf32>,
      %get3A_90 = vector.shape_cast %get3A_89 : vector<1x16xf32> to vector<16xf32>
      %mul3A_91 = arith.mulf %get3A_90, %div3A_22 : vector<16xf32>
      %swap3A_92 = arith.index_cast %scan3A_9 : i32 to index
      %swap3A_93 = arith.constant 96 : index
      %swap3A_94 = tpu.vector_load %arg9[%swap3A_92, %swap3A_93] {strides = array<i32>} : memref<320x128xf32, #tpu.memory_space<vmem>>, vector<1x16xf32>,
      %swap3A_95 = vector.shape_cast %swap3A_94 : vector<1x16xf32> to vector<16xf32>
      %swap3A_96 = vector.shape_cast %mul3A_91 : vector<16xf32> to vector<1x16xf32>
      tpu.vector_store %arg9[%swap3A_92, %swap3A_93], %swap3A_96 {strides = array<i32>} : memref<320x128xf32, #tpu.memory_space<vmem>>, vector<1x16xf32>,
      %get3A_97 = arith.index_cast %scan3A_9 : i32 to index
      %get3A_98 = arith.constant 112 : index
      %get3A_99 = tpu.vector_load %arg6[%get3A_97, %get3A_98] {strides = array<i32>} : memref<320x128xf32, #tpu.memory_space<vmem>>, vector<1x16xf32>,
      %get3A_100 = vector.shape_cast %get3A_99 : vector<1x16xf32> to vector<16xf32>
      %mul3A_101 = arith.mulf %get3A_100, %div3A_22 : vector<16xf32>
      %swap3A_102 = arith.index_cast %scan3A_9 : i32 to index
      %swap3A_103 = arith.constant 112 : index
      %swap3A_104 = tpu.vector_load %arg9[%swap3A_102, %swap3A_103] {strides = array<i32>} : memref<320x128xf32, #tpu.memory_space<vmem>>, vector<1x16xf32>,
      %swap3A_105 = vector.shape_cast %swap3A_104 : vector<1x16xf32> to vector<16xf32>
      %swap3A_106 = vector.shape_cast %mul3A_101 : vector<16xf32> to vector<1x16xf32>
      tpu.vector_store %arg9[%swap3A_102, %swap3A_103], %swap3A_106 {strides = array<i32>} : memref<320x128xf32, #tpu.memory_space<vmem>>, vector<1x16xf32>,
    }
    %scan3A_8 = arith.constant 320 : i32
    "tpu.region"() ({
      %run_scoped3A_9 = tpu.sem_alloc : memref<!tpu.dma_semaphore, #tpu.memory_space<semaphore_mem>>
      %dma_start3A = arith.constant 0 : i32
      %dma_start3A_10 = tpu.memref_slice %arg4[%mul3A_2, %dma_start3A] : memref<10240x128xf32, #tpu.memory_space<hbm>> -> memref<320x128xf32, #tpu.memory_space<hbm>>
      %dma_start3A_11 = arith.constant 0 : i32
      %dma_start3A_12 = tpu.memref_slice %arg4[%mul3A_2, %dma_start3A_11] : memref<10240x128xf32, #tpu.memory_space<hbm>> -> memref<320x128xf32, #tpu.memory_space<hbm>>
      tpu.enqueue_dma source(%arg9 : memref<320x128xf32, #tpu.memory_space<vmem>>) target(%dma_start3A_12 : memref<320x128xf32, #tpu.memory_space<hbm>>) target_semaphore(%run_scoped3A_9 : memref<!tpu.dma_semaphore, #tpu.memory_space<semaphore_mem>>)
      %dma_wait3A = arith.constant 0 : i32
      %dma_wait3A_13 = tpu.memref_slice %arg4[%mul3A_2, %dma_wait3A] : memref<10240x128xf32, #tpu.memory_space<hbm>> -> memref<320x128xf32, #tpu.memory_space<hbm>>
      %dma_wait3A_14 = arith.constant 0 : i32
      %dma_wait3A_15 = tpu.memref_slice %arg4[%mul3A_2, %dma_wait3A_14] : memref<10240x128xf32, #tpu.memory_space<hbm>> -> memref<320x128xf32, #tpu.memory_space<hbm>>
      tpu.wait_dma2 semaphore(%run_scoped3A_9 : memref<!tpu.dma_semaphore, #tpu.memory_space<semaphore_mem>>) src(%arg9 : memref<320x128xf32, #tpu.memory_space<vmem>>) dst(%dma_wait3A_15 : memref<320x128xf32, #tpu.memory_space<hbm>>)
      tpu.yield
    }) : () -> ()
    "tpu.region"() ({
      %run_scoped3A_9 = tpu.sem_alloc : memref<!tpu.dma_semaphore, #tpu.memory_space<semaphore_mem>>
      %dma_start3A = arith.constant 0 : i32
      %dma_start3A_10 = tpu.memref_slice %arg5[%mul3A_2, %dma_start3A] : memref<10240x16xf32, #tpu.memory_space<hbm>> -> memref<320x16xf32, #tpu.memory_space<hbm>>
      %dma_start3A_11 = arith.constant 0 : i32
      %dma_start3A_12 = tpu.memref_slice %arg5[%mul3A_2, %dma_start3A_11] : memref<10240x16xf32, #tpu.memory_space<hbm>> -> memref<320x16xf32, #tpu.memory_space<hbm>>
      tpu.enqueue_dma source(%arg10 : memref<320x16xf32, #tpu.memory_space<vmem>>) target(%dma_start3A_12 : memref<320x16xf32, #tpu.memory_space<hbm>>) target_semaphore(%run_scoped3A_9 : memref<!tpu.dma_semaphore, #tpu.memory_space<semaphore_mem>>)
      %dma_wait3A = arith.constant 0 : i32
      %dma_wait3A_13 = tpu.memref_slice %arg5[%mul3A_2, %dma_wait3A] : memref<10240x16xf32, #tpu.memory_space<hbm>> -> memref<320x16xf32, #tpu.memory_space<hbm>>
      %dma_wait3A_14 = arith.constant 0 : i32
      %dma_wait3A_15 = tpu.memref_slice %arg5[%mul3A_2, %dma_wait3A_14] : memref<10240x16xf32, #tpu.memory_space<hbm>> -> memref<320x16xf32, #tpu.memory_space<hbm>>
      tpu.wait_dma2 semaphore(%run_scoped3A_9 : memref<!tpu.dma_semaphore, #tpu.memory_space<semaphore_mem>>) src(%arg10 : memref<320x16xf32, #tpu.memory_space<vmem>>) dst(%dma_wait3A_15 : memref<320x16xf32, #tpu.memory_space<hbm>>)
      tpu.yield
    }) : () -> ()
    return
  }
}

#map = affine_map<(d0, d1) -> (0, 0)>
#map1 = affine_map<(d0, d1) -> (0, 0, 0)>
module attributes {stable_mosaic.version = 14 : i64} {
  func.func @_part_body(%arg0: i32, %arg1: i32, %arg2: memref<2x320000xi32, #tpu.memory_space<hbm>>, %arg3: memref<128x16xf32, #tpu.memory_space<hbm>>, %arg4: memref<640x16xf32, #tpu.memory_space<hbm>>, %arg5: memref<2x32x10384xi32, #tpu.memory_space<hbm>>, %arg6: memref<2x32x10384xi32, #tpu.memory_space<hbm>>, %arg7: memref<2x32x16xi32, #tpu.memory_space<hbm>>, %arg8: memref<2x10240x16xf32, #tpu.memory_space<hbm>>, %arg9: memref<10000xi32, #tpu.memory_space<vmem>>, %arg10: memref<10000xi32, #tpu.memory_space<vmem>>, %arg11: memref<10384xi32, #tpu.memory_space<vmem>>, %arg12: memref<10384xi32, #tpu.memory_space<vmem>>, %arg13: memref<10384xi32, #tpu.memory_space<vmem>>, %arg14: memref<10384xi32, #tpu.memory_space<vmem>>, %arg15: memref<128x16xf32, #tpu.memory_space<vmem>>, %arg16: memref<16xi32, #tpu.memory_space<vmem>>, %arg17: memref<10240x16xf32, #tpu.memory_space<vmem_shared>>, %arg18: memref<!tpu.dma_semaphore, #tpu.memory_space<semaphore_mem>>) attributes {dimension_semantics = [#tpu.dimension_semantics<core_parallel>, #tpu.dimension_semantics<subcore_parallel>], iteration_bounds = array<i64: 2, 16>, scalar_prefetch = 0 : i64, scratch_operands = 10 : i64, tpu.core_type = #tpu.core_type<sc_vector_subcore>, window_params = [{transform_indices = #map}, {transform_indices = #map}, {transform_indices = #map}, {transform_indices = #map1}, {transform_indices = #map1}, {transform_indices = #map1}, {transform_indices = #map1}]} {
    %mul3A = arith.constant 16 : i32
    %mul3A_0 = arith.muli %arg0, %mul3A : i32
    %add3A = arith.addi %mul3A_0, %arg1 : i32
    %mul3A_1 = arith.constant 10000 : i32
    %mul3A_2 = arith.muli %add3A, %mul3A_1 : i32
    %run_scoped3A = arith.constant 0 : i32
    "tpu.region"() ({
      %run_scoped3A_1947 = tpu.sem_alloc : memref<!tpu.dma_semaphore, #tpu.memory_space<semaphore_mem>>
      %dma_start3A_1948 = tpu.memref_slice %arg2[%run_scoped3A, %mul3A_2] : memref<2x320000xi32, #tpu.memory_space<hbm>> -> memref<1x10000xi32, #tpu.memory_space<hbm>>
      %dma_start3A_1949 = tpu.memref_squeeze %dma_start3A_1948 : memref<1x10000xi32, #tpu.memory_space<hbm>> -> memref<10000xi32, #tpu.memory_space<hbm>>
      %dma_start3A_1950 = tpu.memref_slice %arg2[%run_scoped3A, %mul3A_2] : memref<2x320000xi32, #tpu.memory_space<hbm>> -> memref<1x10000xi32, #tpu.memory_space<hbm>>
      %dma_start3A_1951 = tpu.memref_squeeze %dma_start3A_1950 : memref<1x10000xi32, #tpu.memory_space<hbm>> -> memref<10000xi32, #tpu.memory_space<hbm>>
      tpu.enqueue_dma source(%dma_start3A_1951 : memref<10000xi32, #tpu.memory_space<hbm>>) target(%arg9 : memref<10000xi32, #tpu.memory_space<vmem>>) target_semaphore(%run_scoped3A_1947 : memref<!tpu.dma_semaphore, #tpu.memory_space<semaphore_mem>>)
      %dma_wait3A_1952 = tpu.memref_slice %arg2[%run_scoped3A, %mul3A_2] : memref<2x320000xi32, #tpu.memory_space<hbm>> -> memref<1x10000xi32, #tpu.memory_space<hbm>>
      %dma_wait3A_1953 = tpu.memref_squeeze %dma_wait3A_1952 : memref<1x10000xi32, #tpu.memory_space<hbm>> -> memref<10000xi32, #tpu.memory_space<hbm>>
      %dma_wait3A_1954 = tpu.memref_slice %arg2[%run_scoped3A, %mul3A_2] : memref<2x320000xi32, #tpu.memory_space<hbm>> -> memref<1x10000xi32, #tpu.memory_space<hbm>>
      %dma_wait3A_1955 = tpu.memref_squeeze %dma_wait3A_1954 : memref<1x10000xi32, #tpu.memory_space<hbm>> -> memref<10000xi32, #tpu.memory_space<hbm>>
      tpu.wait_dma2 semaphore(%run_scoped3A_1947 : memref<!tpu.dma_semaphore, #tpu.memory_space<semaphore_mem>>) src(%dma_wait3A_1955 : memref<10000xi32, #tpu.memory_space<hbm>>) dst(%arg9 : memref<10000xi32, #tpu.memory_space<vmem>>)
      tpu.yield
    }) : () -> ()
    %run_scoped3A_3 = arith.constant 1 : i32
    "tpu.region"() ({
      %run_scoped3A_1947 = tpu.sem_alloc : memref<!tpu.dma_semaphore, #tpu.memory_space<semaphore_mem>>
      %dma_start3A_1948 = tpu.memref_slice %arg2[%run_scoped3A_3, %mul3A_2] : memref<2x320000xi32, #tpu.memory_space<hbm>> -> memref<1x10000xi32, #tpu.memory_space<hbm>>
      %dma_start3A_1949 = tpu.memref_squeeze %dma_start3A_1948 : memref<1x10000xi32, #tpu.memory_space<hbm>> -> memref<10000xi32, #tpu.memory_space<hbm>>
      %dma_start3A_1950 = tpu.memref_slice %arg2[%run_scoped3A_3, %mul3A_2] : memref<2x320000xi32, #tpu.memory_space<hbm>> -> memref<1x10000xi32, #tpu.memory_space<hbm>>
      %dma_start3A_1951 = tpu.memref_squeeze %dma_start3A_1950 : memref<1x10000xi32, #tpu.memory_space<hbm>> -> memref<10000xi32, #tpu.memory_space<hbm>>
      tpu.enqueue_dma source(%dma_start3A_1951 : memref<10000xi32, #tpu.memory_space<hbm>>) target(%arg10 : memref<10000xi32, #tpu.memory_space<vmem>>) target_semaphore(%run_scoped3A_1947 : memref<!tpu.dma_semaphore, #tpu.memory_space<semaphore_mem>>)
      %dma_wait3A_1952 = tpu.memref_slice %arg2[%run_scoped3A_3, %mul3A_2] : memref<2x320000xi32, #tpu.memory_space<hbm>> -> memref<1x10000xi32, #tpu.memory_space<hbm>>
      %dma_wait3A_1953 = tpu.memref_squeeze %dma_wait3A_1952 : memref<1x10000xi32, #tpu.memory_space<hbm>> -> memref<10000xi32, #tpu.memory_space<hbm>>
      %dma_wait3A_1954 = tpu.memref_slice %arg2[%run_scoped3A_3, %mul3A_2] : memref<2x320000xi32, #tpu.memory_space<hbm>> -> memref<1x10000xi32, #tpu.memory_space<hbm>>
      %dma_wait3A_1955 = tpu.memref_squeeze %dma_wait3A_1954 : memref<1x10000xi32, #tpu.memory_space<hbm>> -> memref<10000xi32, #tpu.memory_space<hbm>>
      tpu.wait_dma2 semaphore(%run_scoped3A_1947 : memref<!tpu.dma_semaphore, #tpu.memory_space<semaphore_mem>>) src(%dma_wait3A_1955 : memref<10000xi32, #tpu.memory_space<hbm>>) dst(%arg10 : memref<10000xi32, #tpu.memory_space<vmem>>)
      tpu.yield
    }) : () -> ()
    "tpu.region"() ({
      %run_scoped3A_1947 = tpu.sem_alloc : memref<!tpu.dma_semaphore, #tpu.memory_space<semaphore_mem>>
      tpu.enqueue_dma source(%arg3 : memref<128x16xf32, #tpu.memory_space<hbm>>) target(%arg15 : memref<128x16xf32, #tpu.memory_space<vmem>>) target_semaphore(%run_scoped3A_1947 : memref<!tpu.dma_semaphore, #tpu.memory_space<semaphore_mem>>)
      tpu.wait_dma2 semaphore(%run_scoped3A_1947 : memref<!tpu.dma_semaphore, #tpu.memory_space<semaphore_mem>>) src(%arg3 : memref<128x16xf32, #tpu.memory_space<hbm>>) dst(%arg15 : memref<128x16xf32, #tpu.memory_space<vmem>>)
      tpu.yield
    }) : () -> ()
    %mul3A_4 = arith.constant 640 : i32
    %mul3A_5 = arith.muli %arg1, %mul3A_4 : i32
    "tpu.region"() ({
      %run_scoped3A_1947 = tpu.sem_alloc : memref<!tpu.dma_semaphore, #tpu.memory_space<semaphore_mem>>
      %dma_start3A_1948 = arith.constant 0 : i32
      %dma_start3A_1949 = tpu.memref_slice %arg17[%mul3A_5, %dma_start3A_1948] : memref<10240x16xf32, #tpu.memory_space<vmem_shared>> -> memref<640x16xf32, #tpu.memory_space<vmem_shared>>
      tpu.enqueue_dma source(%arg4 : memref<640x16xf32, #tpu.memory_space<hbm>>) target(%dma_start3A_1949 : memref<640x16xf32, #tpu.memory_space<vmem_shared>>) target_semaphore(%run_scoped3A_1947 : memref<!tpu.dma_semaphore, #tpu.memory_space<semaphore_mem>>)
      %dma_wait3A_1950 = arith.constant 0 : i32
      %dma_wait3A_1951 = tpu.memref_slice %arg17[%mul3A_5, %dma_wait3A_1950] : memref<10240x16xf32, #tpu.memory_space<vmem_shared>> -> memref<640x16xf32, #tpu.memory_space<vmem_shared>>
      tpu.wait_dma2 semaphore(%run_scoped3A_1947 : memref<!tpu.dma_semaphore, #tpu.memory_space<semaphore_mem>>) src(%arg4 : memref<640x16xf32, #tpu.memory_space<hbm>>) dst(%dma_wait3A_1951 : memref<640x16xf32, #tpu.memory_space<vmem_shared>>)
      tpu.yield
    }) : () -> ()
    %barrier3A = arith.constant 0 : index
    tpu.barrier barrier_id(%barrier3A)
    %dma_start3A = arith.constant 0 : i32
    %dma_start3A_6 = tpu.memref_slice %arg10[%dma_start3A] : memref<10000xi32, #tpu.memory_space<vmem>> -> memref<128xi32, #tpu.memory_space<vmem>>
    %dma_start3A_7 = arith.constant 0 : i32
    %dma_start3A_8 = arith.constant 0 : i32
    %dma_start3A_9 = tpu.memref_slice %arg17[%dma_start3A_7, %dma_start3A_8] : memref<10240x16xf32, #tpu.memory_space<vmem_shared>> -> memref<10240x16xf32, #tpu.memory_space<vmem_shared>>
    tpu.enqueue_indirect_dma source(%arg15 : memref<128x16xf32, #tpu.memory_space<vmem>>) target(%dma_start3A_9 : memref<10240x16xf32, #tpu.memory_space<vmem_shared>>) offsets(%dma_start3A_6 : memref<128xi32, #tpu.memory_space<vmem>>) semaphore(%arg18 : memref<!tpu.dma_semaphore, #tpu.memory_space<semaphore_mem>>) {add = true}
    %dma_start3A_10 = arith.constant 128 : i32
    %dma_start3A_11 = tpu.memref_slice %arg10[%dma_start3A_10] : memref<10000xi32, #tpu.memory_space<vmem>> -> memref<128xi32, #tpu.memory_space<vmem>>
    %dma_start3A_12 = arith.constant 0 : i32
    %dma_start3A_13 = arith.constant 0 : i32
    %dma_start3A_14 = tpu.memref_slice %arg17[%dma_start3A_12, %dma_start3A_13] : memref<10240x16xf32, #tpu.memory_space<vmem_shared>> -> memref<10240x16xf32, #tpu.memory_space<vmem_shared>>
    tpu.enqueue_indirect_dma source(%arg15 : memref<128x16xf32, #tpu.memory_space<vmem>>) target(%dma_start3A_14 : memref<10240x16xf32, #tpu.memory_space<vmem_shared>>) offsets(%dma_start3A_11 : memref<128xi32, #tpu.memory_space<vmem>>) semaphore(%arg18 : memref<!tpu.dma_semaphore, #tpu.memory_space<semaphore_mem>>) {add = true}
    %scan3A = arith.constant 0 : i32
    %scan3A_15 = arith.constant 0 : i32
    %scan3A_16 = arith.constant 76 : i32
    %scan3A_17 = arith.addi %scan3A_15, %scan3A_16 : i32
    %scan3A_18 = arith.constant 1 : i32
    scf.for %scan3A_1947 = %scan3A_15 to %scan3A_17 step %scan3A_18  : i32 {
      %add3A_1948 = arith.constant 2 : i32
      %add3A_1949 = arith.addi %scan3A_1947, %add3A_1948 : i32
      %mul3A_1950 = arith.constant 128 : i32
      %mul3A_1951 = arith.muli %add3A_1949, %mul3A_1950 : i32
      %dma_start3A_1952 = tpu.memref_slice %arg10[%mul3A_1951] : memref<10000xi32, #tpu.memory_space<vmem>> -> memref<128xi32, #tpu.memory_space<vmem>>
      %dma_start3A_1953 = arith.constant 0 : i32
      %dma_start3A_1954 = arith.constant 0 : i32
      %dma_start3A_1955 = tpu.memref_slice %arg17[%dma_start3A_1953, %dma_start3A_1954] : memref<10240x16xf32, #tpu.memory_space<vmem_shared>> -> memref<10240x16xf32, #tpu.memory_space<vmem_shared>>
      tpu.enqueue_indirect_dma source(%arg15 : memref<128x16xf32, #tpu.memory_space<vmem>>) target(%dma_start3A_1955 : memref<10240x16xf32, #tpu.memory_space<vmem_shared>>) offsets(%dma_start3A_1952 : memref<128xi32, #tpu.memory_space<vmem>>) semaphore(%arg18 : memref<!tpu.dma_semaphore, #tpu.memory_space<semaphore_mem>>) {add = true}
      %dma_wait3A_1956 = arith.constant 0 : i32
      %dma_wait3A_1957 = tpu.memref_slice %arg10[%dma_wait3A_1956] : memref<10000xi32, #tpu.memory_space<vmem>> -> memref<128xi32, #tpu.memory_space<vmem>>
      %dma_wait3A_1958 = arith.constant 0 : i32
      %dma_wait3A_1959 = arith.constant 0 : i32
      %dma_wait3A_1960 = tpu.memref_slice %arg17[%dma_wait3A_1958, %dma_wait3A_1959] : memref<10240x16xf32, #tpu.memory_space<vmem_shared>> -> memref<10240x16xf32, #tpu.memory_space<vmem_shared>>
      tpu.wait_indirect_dma semaphore(%arg18 : memref<!tpu.dma_semaphore, #tpu.memory_space<semaphore_mem>>) src(%arg15 : memref<128x16xf32, #tpu.memory_space<vmem>>) dst(%dma_wait3A_1960 : memref<10240x16xf32, #tpu.memory_space<vmem_shared>>)
    }
    %scan3A_19 = arith.constant 76 : i32
    %dma_start3A_20 = arith.constant 0 : i32
    %dma_start3A_21 = arith.constant 0 : i32
    %dma_start3A_22 = tpu.memref_slice %arg15[%dma_start3A_20, %dma_start3A_21] : memref<128x16xf32, #tpu.memory_space<vmem>> -> memref<16x16xf32, #tpu.memory_space<vmem>>
    %dma_start3A_23 = arith.constant 9984 : i32
    %dma_start3A_24 = tpu.memref_slice %arg10[%dma_start3A_23] : memref<10000xi32, #tpu.memory_space<vmem>> -> memref<16xi32, #tpu.memory_space<vmem>>
    %dma_start3A_25 = arith.constant 0 : i32
    %dma_start3A_26 = arith.constant 0 : i32
    %dma_start3A_27 = tpu.memref_slice %arg17[%dma_start3A_25, %dma_start3A_26] : memref<10240x16xf32, #tpu.memory_space<vmem_shared>> -> memref<10240x16xf32, #tpu.memory_space<vmem_shared>>
    tpu.enqueue_indirect_dma source(%dma_start3A_22 : memref<16x16xf32, #tpu.memory_space<vmem>>) target(%dma_start3A_27 : memref<10240x16xf32, #tpu.memory_space<vmem_shared>>) offsets(%dma_start3A_24 : memref<16xi32, #tpu.memory_space<vmem>>) semaphore(%arg18 : memref<!tpu.dma_semaphore, #tpu.memory_space<semaphore_mem>>) {add = true}
    %scan3A_28 = arith.constant 0 : i32
    %scan3A_29 = arith.constant 0 : i32
    %scan3A_30 = arith.constant 0 : i32
    %scan3A_31 = arith.constant 625 : i32
    %scan3A_32 = arith.addi %scan3A_30, %scan3A_31 : i32
    %scan3A_33 = arith.constant 1 : i32
    %scan3A_34:2 = scf.for %scan3A_1947 = %scan3A_30 to %scan3A_32 step %scan3A_33 iter_args(%scan3A_1948 = %scan3A_28, %scan3A_1949 = %scan3A_29) -> (i32, i32)  : i32 {
      %mul3A_1950 = arith.constant 16 : i32
      %mul3A_1951 = arith.muli %scan3A_1947, %mul3A_1950 : i32
      %get3A = arith.index_cast %mul3A_1951 : i32 to index
      %get3A_1952 = tpu.vector_load %arg9[%get3A] {strides = array<i32>} : memref<10000xi32, #tpu.memory_space<vmem>>, vector<16xi32>,
      %mul3A_1953 = arith.constant 16 : i32
      %mul3A_1954 = arith.muli %scan3A_1947, %mul3A_1953 : i32
      %get3A_1955 = arith.index_cast %mul3A_1954 : i32 to index
      %get3A_1956 = tpu.vector_load %arg10[%get3A_1955] {strides = array<i32>} : memref<10000xi32, #tpu.memory_space<vmem>>, vector<16xi32>,
      %lt3A_1957 = arith.constant 5120 : i32
      %lt3A_1958 = vector.broadcast %lt3A_1957 : i32 to vector<16xi32>
      %lt3A_1959 = arith.cmpi slt, %get3A_1952, %lt3A_1958 : vector<16xi32>
      %not3A = arith.constant dense<true> : vector<16xi1>
      %not3A_1960 = arith.xori %lt3A_1959, %not3A : vector<16xi1>
      %convert_element_type3A = arith.extui %lt3A_1959 : vector<16xi1> to vector<16xi32>
      %broadcast_in_dim3A_1961 = arith.constant true
      %broadcast_in_dim3A_1962 = vector.broadcast %broadcast_in_dim3A_1961 : i1 to vector<16xi1>
      %masked_cumsum3A = tpu.scan <sum>, %convert_element_type3A masked %broadcast_in_dim3A_1962 : vector<16xi32>, vector<16xi1> -> vector<16xi32>
      %sub3A_1963 = arith.constant 1 : i32
      %sub3A_1964 = arith.subi %scan3A_1948, %sub3A_1963 : i32
      %broadcast_in_dim3A_1965 = vector.broadcast %sub3A_1964 : i32 to vector<16xi32>
      %add3A_1966 = arith.addi %broadcast_in_dim3A_1965, %masked_cumsum3A : vector<16xi32>
      %broadcast_in_dim3A_1967 = vector.broadcast %scan3A_1949 : i32 to vector<16xi32>
      %iota3A_1968 = tpu.iota {dimensions = array<i32: 0>} : vector<16xi32>
      %sub3A_1969 = arith.subi %iota3A_1968, %masked_cumsum3A : vector<16xi32>
      %add3A_1970 = arith.addi %broadcast_in_dim3A_1967, %sub3A_1969 : vector<16xi32>
      tpu.vector_store_idx %arg11[%add3A_1966], %get3A_1952 masked %lt3A_1959 : memref<10384xi32, #tpu.memory_space<vmem>>[vector<16xi32>], vector<16xi32>, vector<16xi1>
      tpu.vector_store_idx %arg12[%add3A_1966], %get3A_1956 masked %lt3A_1959 : memref<10384xi32, #tpu.memory_space<vmem>>[vector<16xi32>], vector<16xi32>, vector<16xi1>
      %sub3A_1971 = arith.constant 5120 : i32
      %sub3A_1972 = vector.broadcast %sub3A_1971 : i32 to vector<16xi32>
      %sub3A_1973 = arith.subi %get3A_1952, %sub3A_1972 : vector<16xi32>
      tpu.vector_store_idx %arg13[%add3A_1970], %sub3A_1973 masked %not3A_1960 : memref<10384xi32, #tpu.memory_space<vmem>>[vector<16xi32>], vector<16xi32>, vector<16xi1>
      tpu.vector_store_idx %arg14[%add3A_1970], %get3A_1956 masked %not3A_1960 : memref<10384xi32, #tpu.memory_space<vmem>>[vector<16xi32>], vector<16xi32>, vector<16xi1>
      %slice3A = vector.extract_strided_slice %masked_cumsum3A {offsets = [15], sizes = [1], strides = [1]} : vector<16xi32> to vector<1xi32>
      %squeeze3A = vector.extract %slice3A[0] : i32 from vector<1xi32>
      %add3A_1974 = arith.addi %scan3A_1948, %squeeze3A : i32
      %sub3A_1975 = arith.constant 16 : i32
      %sub3A_1976 = arith.subi %sub3A_1975, %squeeze3A : i32
      %add3A_1977 = arith.addi %scan3A_1949, %sub3A_1976 : i32
      scf.yield %add3A_1974, %add3A_1977 : i32, i32
    }
    %scan3A_35 = arith.constant 625 : i32
    %dma_wait3A = arith.constant 0 : i32
    %dma_wait3A_36 = tpu.memref_slice %arg10[%dma_wait3A] : memref<10000xi32, #tpu.memory_space<vmem>> -> memref<128xi32, #tpu.memory_space<vmem>>
    %dma_wait3A_37 = arith.constant 0 : i32
    %dma_wait3A_38 = arith.constant 0 : i32
    %dma_wait3A_39 = tpu.memref_slice %arg17[%dma_wait3A_37, %dma_wait3A_38] : memref<10240x16xf32, #tpu.memory_space<vmem_shared>> -> memref<10240x16xf32, #tpu.memory_space<vmem_shared>>
    tpu.wait_indirect_dma semaphore(%arg18 : memref<!tpu.dma_semaphore, #tpu.memory_space<semaphore_mem>>) src(%arg15 : memref<128x16xf32, #tpu.memory_space<vmem>>) dst(%dma_wait3A_39 : memref<10240x16xf32, #tpu.memory_space<vmem_shared>>)
    %dma_wait3A_40 = arith.constant 0 : i32
    %dma_wait3A_41 = tpu.memref_slice %arg10[%dma_wait3A_40] : memref<10000xi32, #tpu.memory_space<vmem>> -> memref<128xi32, #tpu.memory_space<vmem>>
    %dma_wait3A_42 = arith.constant 0 : i32
    %dma_wait3A_43 = arith.constant 0 : i32
    %dma_wait3A_44 = tpu.memref_slice %arg17[%dma_wait3A_42, %dma_wait3A_43] : memref<10240x16xf32, #tpu.memory_space<vmem_shared>> -> memref<10240x16xf32, #tpu.memory_space<vmem_shared>>
    tpu.wait_indirect_dma semaphore(%arg18 : memref<!tpu.dma_semaphore, #tpu.memory_space<semaphore_mem>>) src(%arg15 : memref<128x16xf32, #tpu.memory_space<vmem>>) dst(%dma_wait3A_44 : memref<10240x16xf32, #tpu.memory_space<vmem_shared>>)
    %dma_wait3A_45 = arith.constant 0 : i32
    %dma_wait3A_46 = arith.constant 0 : i32
    %dma_wait3A_47 = tpu.memref_slice %arg15[%dma_wait3A_45, %dma_wait3A_46] : memref<128x16xf32, #tpu.memory_space<vmem>> -> memref<16x16xf32, #tpu.memory_space<vmem>>
    %dma_wait3A_48 = arith.constant 0 : i32
    %dma_wait3A_49 = tpu.memref_slice %arg10[%dma_wait3A_48] : memref<10000xi32, #tpu.memory_space<vmem>> -> memref<16xi32, #tpu.memory_space<vmem>>
    %dma_wait3A_50 = arith.constant 0 : i32
    %dma_wait3A_51 = arith.constant 0 : i32
    %dma_wait3A_52 = tpu.memref_slice %arg17[%dma_wait3A_50, %dma_wait3A_51] : memref<10240x16xf32, #tpu.memory_space<vmem_shared>> -> memref<10240x16xf32, #tpu.memory_space<vmem_shared>>
    tpu.wait_indirect_dma semaphore(%arg18 : memref<!tpu.dma_semaphore, #tpu.memory_space<semaphore_mem>>) src(%dma_wait3A_47 : memref<16x16xf32, #tpu.memory_space<vmem>>) dst(%dma_wait3A_52 : memref<10240x16xf32, #tpu.memory_space<vmem_shared>>)
    %iota3A = tpu.iota {dimensions = array<i32: 0>} : vector<16xi32>
    %mul3A_53 = arith.constant 331 : i32
    %mul3A_54 = vector.broadcast %mul3A_53 : i32 to vector<16xi32>
    %mul3A_55 = arith.muli %iota3A, %mul3A_54 : vector<16xi32>
    %add3A_56 = arith.constant 0 : i32
    %add3A_57 = vector.broadcast %add3A_56 : i32 to vector<16xi32>
    %add3A_58 = arith.addi %mul3A_55, %add3A_57 : vector<16xi32>
    %jit3A = arith.constant 5120 : i32
    %eq3A = arith.constant 0 : i32
    %eq3A_59 = arith.cmpi eq, %jit3A, %eq3A : i32
    %jit3A_60 = arith.constant 1 : i32
    %select_n3A = arith.select %eq3A_59, %jit3A_60, %jit3A : i32
    %rem3A = vector.broadcast %select_n3A : i32 to vector<16xi32>
    %rem3A_61 = arith.remsi %add3A_58, %rem3A : vector<16xi32>
    %ne3A = arith.constant 0 : i32
    %ne3A_62 = vector.broadcast %ne3A : i32 to vector<16xi32>
    %ne3A_63 = arith.cmpi ne, %rem3A_61, %ne3A_62 : vector<16xi32>
    %lt3A = arith.constant 0 : i32
    %lt3A_64 = vector.broadcast %lt3A : i32 to vector<16xi32>
    %lt3A_65 = arith.cmpi slt, %rem3A_61, %lt3A_64 : vector<16xi32>
    %lt3A_66 = arith.constant 0 : i32
    %lt3A_67 = arith.cmpi slt, %select_n3A, %lt3A_66 : i32
    %ne3A_68 = vector.broadcast %lt3A_67 : i1 to vector<16xi1>
    %ne3A_69 = vector.broadcast %ne3A_68 : vector<16xi1> to vector<16xi1>
    %ne3A_70 = arith.xori %lt3A_65, %ne3A_69 : vector<16xi1>
    %and3A = arith.andi %ne3A_70, %ne3A_63 : vector<16xi1>
    %add3A_71 = vector.broadcast %select_n3A : i32 to vector<16xi32>
    %add3A_72 = arith.addi %rem3A_61, %add3A_71 : vector<16xi32>
    %select_n3A_73 = arith.select %and3A, %add3A_72, %rem3A_61 : vector<16xi1>, vector<16xi32>
    %add3A_74 = arith.constant 0 : i32
    %add3A_75 = vector.broadcast %add3A_74 : i32 to vector<16xi32>
    %add3A_76 = arith.addi %iota3A, %add3A_75 : vector<16xi32>
    %mul3A_77 = arith.constant 7 : i32
    %mul3A_78 = vector.broadcast %mul3A_77 : i32 to vector<16xi32>
    %mul3A_79 = arith.muli %add3A_76, %mul3A_78 : vector<16xi32>
    %jit3A_80 = arith.constant 240 : i32
    %eq3A_81 = arith.constant 0 : i32
    %eq3A_82 = arith.cmpi eq, %jit3A_80, %eq3A_81 : i32
    %jit3A_83 = arith.constant 1 : i32
    %select_n3A_84 = arith.select %eq3A_82, %jit3A_83, %jit3A_80 : i32
    %rem3A_85 = vector.broadcast %select_n3A_84 : i32 to vector<16xi32>
    %rem3A_86 = arith.remsi %mul3A_79, %rem3A_85 : vector<16xi32>
    %ne3A_87 = arith.constant 0 : i32
    %ne3A_88 = vector.broadcast %ne3A_87 : i32 to vector<16xi32>
    %ne3A_89 = arith.cmpi ne, %rem3A_86, %ne3A_88 : vector<16xi32>
    %lt3A_90 = arith.constant 0 : i32
    %lt3A_91 = vector.broadcast %lt3A_90 : i32 to vector<16xi32>
    %lt3A_92 = arith.cmpi slt, %rem3A_86, %lt3A_91 : vector<16xi32>
    %lt3A_93 = arith.constant 0 : i32
    %lt3A_94 = arith.cmpi slt, %select_n3A_84, %lt3A_93 : i32
    %ne3A_95 = vector.broadcast %lt3A_94 : i1 to vector<16xi1>
    %ne3A_96 = vector.broadcast %ne3A_95 : vector<16xi1> to vector<16xi1>
    %ne3A_97 = arith.xori %lt3A_92, %ne3A_96 : vector<16xi1>
    %and3A_98 = arith.andi %ne3A_97, %ne3A_89 : vector<16xi1>
    %add3A_99 = vector.broadcast %select_n3A_84 : i32 to vector<16xi32>
    %add3A_100 = arith.addi %rem3A_86, %add3A_99 : vector<16xi32>
    %select_n3A_101 = arith.select %and3A_98, %add3A_100, %rem3A_86 : vector<16xi1>, vector<16xi32>
    %add3A_102 = arith.constant 10000 : i32
    %add3A_103 = vector.broadcast %add3A_102 : i32 to vector<16xi32>
    %add3A_104 = arith.addi %add3A_103, %select_n3A_101 : vector<16xi32>
    %add3A_105 = arith.constant 0 : i32
    %add3A_106 = arith.addi %scan3A_34#0, %add3A_105 : i32
    %swap3A = arith.index_cast %add3A_106 : i32 to index
    %swap3A_107 = tpu.vector_load %arg11[%swap3A] {strides = array<i32>} : memref<10384xi32, #tpu.memory_space<vmem>>, vector<16xi32>,
    tpu.vector_store %arg11[%swap3A], %select_n3A_73 {strides = array<i32>} : memref<10384xi32, #tpu.memory_space<vmem>>, vector<16xi32>,
    %add3A_108 = arith.constant 0 : i32
    %add3A_109 = arith.addi %scan3A_34#0, %add3A_108 : i32
    %swap3A_110 = arith.index_cast %add3A_109 : i32 to index
    %swap3A_111 = tpu.vector_load %arg12[%swap3A_110] {strides = array<i32>} : memref<10384xi32, #tpu.memory_space<vmem>>, vector<16xi32>,
    tpu.vector_store %arg12[%swap3A_110], %add3A_104 {strides = array<i32>} : memref<10384xi32, #tpu.memory_space<vmem>>, vector<16xi32>,
    %add3A_112 = arith.constant 0 : i32
    %add3A_113 = arith.addi %scan3A_34#1, %add3A_112 : i32
    %swap3A_114 = arith.index_cast %add3A_113 : i32 to index
    %swap3A_115 = tpu.vector_load %arg13[%swap3A_114] {strides = array<i32>} : memref<10384xi32, #tpu.memory_space<vmem>>, vector<16xi32>,
    tpu.vector_store %arg13[%swap3A_114], %select_n3A_73 {strides = array<i32>} : memref<10384xi32, #tpu.memory_space<vmem>>, vector<16xi32>,
    %add3A_116 = arith.constant 0 : i32
    %add3A_117 = arith.addi %scan3A_34#1, %add3A_116 : i32
    %swap3A_118 = arith.index_cast %add3A_117 : i32 to index
    %swap3A_119 = tpu.vector_load %arg14[%swap3A_118] {strides = array<i32>} : memref<10384xi32, #tpu.memory_space<vmem>>, vector<16xi32>,
    tpu.vector_store %arg14[%swap3A_118], %add3A_104 {strides = array<i32>} : memref<10384xi32, #tpu.memory_space<vmem>>, vector<16xi32>,
    %mul3A_120 = arith.constant 331 : i32
    %mul3A_121 = vector.broadcast %mul3A_120 : i32 to vector<16xi32>
    %mul3A_122 = arith.muli %iota3A, %mul3A_121 : vector<16xi32>
    %add3A_123 = arith.constant 16 : i32
    %add3A_124 = vector.broadcast %add3A_123 : i32 to vector<16xi32>
    %add3A_125 = arith.addi %mul3A_122, %add3A_124 : vector<16xi32>
    %jit3A_126 = arith.constant 5120 : i32
    %eq3A_127 = arith.constant 0 : i32
    %eq3A_128 = arith.cmpi eq, %jit3A_126, %eq3A_127 : i32
    %jit3A_129 = arith.constant 1 : i32
    %select_n3A_130 = arith.select %eq3A_128, %jit3A_129, %jit3A_126 : i32
    %rem3A_131 = vector.broadcast %select_n3A_130 : i32 to vector<16xi32>
    %rem3A_132 = arith.remsi %add3A_125, %rem3A_131 : vector<16xi32>
    %ne3A_133 = arith.constant 0 : i32
    %ne3A_134 = vector.broadcast %ne3A_133 : i32 to vector<16xi32>
    %ne3A_135 = arith.cmpi ne, %rem3A_132, %ne3A_134 : vector<16xi32>
    %lt3A_136 = arith.constant 0 : i32
    %lt3A_137 = vector.broadcast %lt3A_136 : i32 to vector<16xi32>
    %lt3A_138 = arith.cmpi slt, %rem3A_132, %lt3A_137 : vector<16xi32>
    %lt3A_139 = arith.constant 0 : i32
    %lt3A_140 = arith.cmpi slt, %select_n3A_130, %lt3A_139 : i32
    %ne3A_141 = vector.broadcast %lt3A_140 : i1 to vector<16xi1>
    %ne3A_142 = vector.broadcast %ne3A_141 : vector<16xi1> to vector<16xi1>
    %ne3A_143 = arith.xori %lt3A_138, %ne3A_142 : vector<16xi1>
    %and3A_144 = arith.andi %ne3A_143, %ne3A_135 : vector<16xi1>
    %add3A_145 = vector.broadcast %select_n3A_130 : i32 to vector<16xi32>
    %add3A_146 = arith.addi %rem3A_132, %add3A_145 : vector<16xi32>
    %select_n3A_147 = arith.select %and3A_144, %add3A_146, %rem3A_132 : vector<16xi1>, vector<16xi32>
    %add3A_148 = arith.constant 1 : i32
    %add3A_149 = vector.broadcast %add3A_148 : i32 to vector<16xi32>
    %add3A_150 = arith.addi %iota3A, %add3A_149 : vector<16xi32>
    %mul3A_151 = arith.constant 7 : i32
    %mul3A_152 = vector.broadcast %mul3A_151 : i32 to vector<16xi32>
    %mul3A_153 = arith.muli %add3A_150, %mul3A_152 : vector<16xi32>
    %jit3A_154 = arith.constant 240 : i32
    %eq3A_155 = arith.constant 0 : i32
    %eq3A_156 = arith.cmpi eq, %jit3A_154, %eq3A_155 : i32
    %jit3A_157 = arith.constant 1 : i32
    %select_n3A_158 = arith.select %eq3A_156, %jit3A_157, %jit3A_154 : i32
    %rem3A_159 = vector.broadcast %select_n3A_158 : i32 to vector<16xi32>
    %rem3A_160 = arith.remsi %mul3A_153, %rem3A_159 : vector<16xi32>
    %ne3A_161 = arith.constant 0 : i32
    %ne3A_162 = vector.broadcast %ne3A_161 : i32 to vector<16xi32>
    %ne3A_163 = arith.cmpi ne, %rem3A_160, %ne3A_162 : vector<16xi32>
    %lt3A_164 = arith.constant 0 : i32
    %lt3A_165 = vector.broadcast %lt3A_164 : i32 to vector<16xi32>
    %lt3A_166 = arith.cmpi slt, %rem3A_160, %lt3A_165 : vector<16xi32>
    %lt3A_167 = arith.constant 0 : i32
    %lt3A_168 = arith.cmpi slt, %select_n3A_158, %lt3A_167 : i32
    %ne3A_169 = vector.broadcast %lt3A_168 : i1 to vector<16xi1>
    %ne3A_170 = vector.broadcast %ne3A_169 : vector<16xi1> to vector<16xi1>
    %ne3A_171 = arith.xori %lt3A_166, %ne3A_170 : vector<16xi1>
    %and3A_172 = arith.andi %ne3A_171, %ne3A_163 : vector<16xi1>
    %add3A_173 = vector.broadcast %select_n3A_158 : i32 to vector<16xi32>
    %add3A_174 = arith.addi %rem3A_160, %add3A_173 : vector<16xi32>
    %select_n3A_175 = arith.select %and3A_172, %add3A_174, %rem3A_160 : vector<16xi1>, vector<16xi32>
    %add3A_176 = arith.constant 10000 : i32
    %add3A_177 = vector.broadcast %add3A_176 : i32 to vector<16xi32>
    %add3A_178 = arith.addi %add3A_177, %select_n3A_175 : vector<16xi32>
    %add3A_179 = arith.constant 16 : i32
    %add3A_180 = arith.addi %scan3A_34#0, %add3A_179 : i32
    %swap3A_181 = arith.index_cast %add3A_180 : i32 to index
    %swap3A_182 = tpu.vector_load %arg11[%swap3A_181] {strides = array<i32>} : memref<10384xi32, #tpu.memory_space<vmem>>, vector<16xi32>,
    tpu.vector_store %arg11[%swap3A_181], %select_n3A_147 {strides = array<i32>} : memref<10384xi32, #tpu.memory_space<vmem>>, vector<16xi32>,
    %add3A_183 = arith.constant 16 : i32
    %add3A_184 = arith.addi %scan3A_34#0, %add3A_183 : i32
    %swap3A_185 = arith.index_cast %add3A_184 : i32 to index
    %swap3A_186 = tpu.vector_load %arg12[%swap3A_185] {strides = array<i32>} : memref<10384xi32, #tpu.memory_space<vmem>>, vector<16xi32>,
    tpu.vector_store %arg12[%swap3A_185], %add3A_178 {strides = array<i32>} : memref<10384xi32, #tpu.memory_space<vmem>>, vector<16xi32>,
    %add3A_187 = arith.constant 16 : i32
    %add3A_188 = arith.addi %scan3A_34#1, %add3A_187 : i32
    %swap3A_189 = arith.index_cast %add3A_188 : i32 to index
    %swap3A_190 = tpu.vector_load %arg13[%swap3A_189] {strides = array<i32>} : memref<10384xi32, #tpu.memory_space<vmem>>, vector<16xi32>,
    tpu.vector_store %arg13[%swap3A_189], %select_n3A_147 {strides = array<i32>} : memref<10384xi32, #tpu.memory_space<vmem>>, vector<16xi32>,
    %add3A_191 = arith.constant 16 : i32
    %add3A_192 = arith.addi %scan3A_34#1, %add3A_191 : i32
    %swap3A_193 = arith.index_cast %add3A_192 : i32 to index
    %swap3A_194 = tpu.vector_load %arg14[%swap3A_193] {strides = array<i32>} : memref<10384xi32, #tpu.memory_space<vmem>>, vector<16xi32>,
    tpu.vector_store %arg14[%swap3A_193], %add3A_178 {strides = array<i32>} : memref<10384xi32, #tpu.memory_space<vmem>>, vector<16xi32>,
    %mul3A_195 = arith.constant 331 : i32
    %mul3A_196 = vector.broadcast %mul3A_195 : i32 to vector<16xi32>
    %mul3A_197 = arith.muli %iota3A, %mul3A_196 : vector<16xi32>
    %add3A_198 = arith.constant 32 : i32
    %add3A_199 = vector.broadcast %add3A_198 : i32 to vector<16xi32>
    %add3A_200 = arith.addi %mul3A_197, %add3A_199 : vector<16xi32>
    %jit3A_201 = arith.constant 5120 : i32
    %eq3A_202 = arith.constant 0 : i32
    %eq3A_203 = arith.cmpi eq, %jit3A_201, %eq3A_202 : i32
    %jit3A_204 = arith.constant 1 : i32
    %select_n3A_205 = arith.select %eq3A_203, %jit3A_204, %jit3A_201 : i32
    %rem3A_206 = vector.broadcast %select_n3A_205 : i32 to vector<16xi32>
    %rem3A_207 = arith.remsi %add3A_200, %rem3A_206 : vector<16xi32>
    %ne3A_208 = arith.constant 0 : i32
    %ne3A_209 = vector.broadcast %ne3A_208 : i32 to vector<16xi32>
    %ne3A_210 = arith.cmpi ne, %rem3A_207, %ne3A_209 : vector<16xi32>
    %lt3A_211 = arith.constant 0 : i32
    %lt3A_212 = vector.broadcast %lt3A_211 : i32 to vector<16xi32>
    %lt3A_213 = arith.cmpi slt, %rem3A_207, %lt3A_212 : vector<16xi32>
    %lt3A_214 = arith.constant 0 : i32
    %lt3A_215 = arith.cmpi slt, %select_n3A_205, %lt3A_214 : i32
    %ne3A_216 = vector.broadcast %lt3A_215 : i1 to vector<16xi1>
    %ne3A_217 = vector.broadcast %ne3A_216 : vector<16xi1> to vector<16xi1>
    %ne3A_218 = arith.xori %lt3A_213, %ne3A_217 : vector<16xi1>
    %and3A_219 = arith.andi %ne3A_218, %ne3A_210 : vector<16xi1>
    %add3A_220 = vector.broadcast %select_n3A_205 : i32 to vector<16xi32>
    %add3A_221 = arith.addi %rem3A_207, %add3A_220 : vector<16xi32>
    %select_n3A_222 = arith.select %and3A_219, %add3A_221, %rem3A_207 : vector<16xi1>, vector<16xi32>
    %add3A_223 = arith.constant 2 : i32
    %add3A_224 = vector.broadcast %add3A_223 : i32 to vector<16xi32>
    %add3A_225 = arith.addi %iota3A, %add3A_224 : vector<16xi32>
    %mul3A_226 = arith.constant 7 : i32
    %mul3A_227 = vector.broadcast %mul3A_226 : i32 to vector<16xi32>
    %mul3A_228 = arith.muli %add3A_225, %mul3A_227 : vector<16xi32>
    %jit3A_229 = arith.constant 240 : i32
    %eq3A_230 = arith.constant 0 : i32
    %eq3A_231 = arith.cmpi eq, %jit3A_229, %eq3A_230 : i32
    %jit3A_232 = arith.constant 1 : i32
    %select_n3A_233 = arith.select %eq3A_231, %jit3A_232, %jit3A_229 : i32
    %rem3A_234 = vector.broadcast %select_n3A_233 : i32 to vector<16xi32>
    %rem3A_235 = arith.remsi %mul3A_228, %rem3A_234 : vector<16xi32>
    %ne3A_236 = arith.constant 0 : i32
    %ne3A_237 = vector.broadcast %ne3A_236 : i32 to vector<16xi32>
    %ne3A_238 = arith.cmpi ne, %rem3A_235, %ne3A_237 : vector<16xi32>
    %lt3A_239 = arith.constant 0 : i32
    %lt3A_240 = vector.broadcast %lt3A_239 : i32 to vector<16xi32>
    %lt3A_241 = arith.cmpi slt, %rem3A_235, %lt3A_240 : vector<16xi32>
    %lt3A_242 = arith.constant 0 : i32
    %lt3A_243 = arith.cmpi slt, %select_n3A_233, %lt3A_242 : i32
    %ne3A_244 = vector.broadcast %lt3A_243 : i1 to vector<16xi1>
    %ne3A_245 = vector.broadcast %ne3A_244 : vector<16xi1> to vector<16xi1>
    %ne3A_246 = arith.xori %lt3A_241, %ne3A_245 : vector<16xi1>
    %and3A_247 = arith.andi %ne3A_246, %ne3A_238 : vector<16xi1>
    %add3A_248 = vector.broadcast %select_n3A_233 : i32 to vector<16xi32>
    %add3A_249 = arith.addi %rem3A_235, %add3A_248 : vector<16xi32>
    %select_n3A_250 = arith.select %and3A_247, %add3A_249, %rem3A_235 : vector<16xi1>, vector<16xi32>
    %add3A_251 = arith.constant 10000 : i32
    %add3A_252 = vector.broadcast %add3A_251 : i32 to vector<16xi32>
    %add3A_253 = arith.addi %add3A_252, %select_n3A_250 : vector<16xi32>
    %add3A_254 = arith.constant 32 : i32
    %add3A_255 = arith.addi %scan3A_34#0, %add3A_254 : i32
    %swap3A_256 = arith.index_cast %add3A_255 : i32 to index
    %swap3A_257 = tpu.vector_load %arg11[%swap3A_256] {strides = array<i32>} : memref<10384xi32, #tpu.memory_space<vmem>>, vector<16xi32>,
    tpu.vector_store %arg11[%swap3A_256], %select_n3A_222 {strides = array<i32>} : memref<10384xi32, #tpu.memory_space<vmem>>, vector<16xi32>,
    %add3A_258 = arith.constant 32 : i32
    %add3A_259 = arith.addi %scan3A_34#0, %add3A_258 : i32
    %swap3A_260 = arith.index_cast %add3A_259 : i32 to index
    %swap3A_261 = tpu.vector_load %arg12[%swap3A_260] {strides = array<i32>} : memref<10384xi32, #tpu.memory_space<vmem>>, vector<16xi32>,
    tpu.vector_store %arg12[%swap3A_260], %add3A_253 {strides = array<i32>} : memref<10384xi32, #tpu.memory_space<vmem>>, vector<16xi32>,
    %add3A_262 = arith.constant 32 : i32
    %add3A_263 = arith.addi %scan3A_34#1, %add3A_262 : i32
    %swap3A_264 = arith.index_cast %add3A_263 : i32 to index
    %swap3A_265 = tpu.vector_load %arg13[%swap3A_264] {strides = array<i32>} : memref<10384xi32, #tpu.memory_space<vmem>>, vector<16xi32>,
    tpu.vector_store %arg13[%swap3A_264], %select_n3A_222 {strides = array<i32>} : memref<10384xi32, #tpu.memory_space<vmem>>, vector<16xi32>,
    %add3A_266 = arith.constant 32 : i32
    %add3A_267 = arith.addi %scan3A_34#1, %add3A_266 : i32
    %swap3A_268 = arith.index_cast %add3A_267 : i32 to index
    %swap3A_269 = tpu.vector_load %arg14[%swap3A_268] {strides = array<i32>} : memref<10384xi32, #tpu.memory_space<vmem>>, vector<16xi32>,
    tpu.vector_store %arg14[%swap3A_268], %add3A_253 {strides = array<i32>} : memref<10384xi32, #tpu.memory_space<vmem>>, vector<16xi32>,
    %mul3A_270 = arith.constant 331 : i32
    %mul3A_271 = vector.broadcast %mul3A_270 : i32 to vector<16xi32>
    %mul3A_272 = arith.muli %iota3A, %mul3A_271 : vector<16xi32>
    %add3A_273 = arith.constant 48 : i32
    %add3A_274 = vector.broadcast %add3A_273 : i32 to vector<16xi32>
    %add3A_275 = arith.addi %mul3A_272, %add3A_274 : vector<16xi32>
    %jit3A_276 = arith.constant 5120 : i32
    %eq3A_277 = arith.constant 0 : i32
    %eq3A_278 = arith.cmpi eq, %jit3A_276, %eq3A_277 : i32
    %jit3A_279 = arith.constant 1 : i32
    %select_n3A_280 = arith.select %eq3A_278, %jit3A_279, %jit3A_276 : i32
    %rem3A_281 = vector.broadcast %select_n3A_280 : i32 to vector<16xi32>
    %rem3A_282 = arith.remsi %add3A_275, %rem3A_281 : vector<16xi32>
    %ne3A_283 = arith.constant 0 : i32
    %ne3A_284 = vector.broadcast %ne3A_283 : i32 to vector<16xi32>
    %ne3A_285 = arith.cmpi ne, %rem3A_282, %ne3A_284 : vector<16xi32>
    %lt3A_286 = arith.constant 0 : i32
    %lt3A_287 = vector.broadcast %lt3A_286 : i32 to vector<16xi32>
    %lt3A_288 = arith.cmpi slt, %rem3A_282, %lt3A_287 : vector<16xi32>
    %lt3A_289 = arith.constant 0 : i32
    %lt3A_290 = arith.cmpi slt, %select_n3A_280, %lt3A_289 : i32
    %ne3A_291 = vector.broadcast %lt3A_290 : i1 to vector<16xi1>
    %ne3A_292 = vector.broadcast %ne3A_291 : vector<16xi1> to vector<16xi1>
    %ne3A_293 = arith.xori %lt3A_288, %ne3A_292 : vector<16xi1>
    %and3A_294 = arith.andi %ne3A_293, %ne3A_285 : vector<16xi1>
    %add3A_295 = vector.broadcast %select_n3A_280 : i32 to vector<16xi32>
    %add3A_296 = arith.addi %rem3A_282, %add3A_295 : vector<16xi32>
    %select_n3A_297 = arith.select %and3A_294, %add3A_296, %rem3A_282 : vector<16xi1>, vector<16xi32>
    %add3A_298 = arith.constant 3 : i32
    %add3A_299 = vector.broadcast %add3A_298 : i32 to vector<16xi32>
    %add3A_300 = arith.addi %iota3A, %add3A_299 : vector<16xi32>
    %mul3A_301 = arith.constant 7 : i32
    %mul3A_302 = vector.broadcast %mul3A_301 : i32 to vector<16xi32>
    %mul3A_303 = arith.muli %add3A_300, %mul3A_302 : vector<16xi32>
    %jit3A_304 = arith.constant 240 : i32
    %eq3A_305 = arith.constant 0 : i32
    %eq3A_306 = arith.cmpi eq, %jit3A_304, %eq3A_305 : i32
    %jit3A_307 = arith.constant 1 : i32
    %select_n3A_308 = arith.select %eq3A_306, %jit3A_307, %jit3A_304 : i32
    %rem3A_309 = vector.broadcast %select_n3A_308 : i32 to vector<16xi32>
    %rem3A_310 = arith.remsi %mul3A_303, %rem3A_309 : vector<16xi32>
    %ne3A_311 = arith.constant 0 : i32
    %ne3A_312 = vector.broadcast %ne3A_311 : i32 to vector<16xi32>
    %ne3A_313 = arith.cmpi ne, %rem3A_310, %ne3A_312 : vector<16xi32>
    %lt3A_314 = arith.constant 0 : i32
    %lt3A_315 = vector.broadcast %lt3A_314 : i32 to vector<16xi32>
    %lt3A_316 = arith.cmpi slt, %rem3A_310, %lt3A_315 : vector<16xi32>
    %lt3A_317 = arith.constant 0 : i32
    %lt3A_318 = arith.cmpi slt, %select_n3A_308, %lt3A_317 : i32
    %ne3A_319 = vector.broadcast %lt3A_318 : i1 to vector<16xi1>
    %ne3A_320 = vector.broadcast %ne3A_319 : vector<16xi1> to vector<16xi1>
    %ne3A_321 = arith.xori %lt3A_316, %ne3A_320 : vector<16xi1>
    %and3A_322 = arith.andi %ne3A_321, %ne3A_313 : vector<16xi1>
    %add3A_323 = vector.broadcast %select_n3A_308 : i32 to vector<16xi32>
    %add3A_324 = arith.addi %rem3A_310, %add3A_323 : vector<16xi32>
    %select_n3A_325 = arith.select %and3A_322, %add3A_324, %rem3A_310 : vector<16xi1>, vector<16xi32>
    %add3A_326 = arith.constant 10000 : i32
    %add3A_327 = vector.broadcast %add3A_326 : i32 to vector<16xi32>
    %add3A_328 = arith.addi %add3A_327, %select_n3A_325 : vector<16xi32>
    %add3A_329 = arith.constant 48 : i32
    %add3A_330 = arith.addi %scan3A_34#0, %add3A_329 : i32
    %swap3A_331 = arith.index_cast %add3A_330 : i32 to index
    %swap3A_332 = tpu.vector_load %arg11[%swap3A_331] {strides = array<i32>} : memref<10384xi32, #tpu.memory_space<vmem>>, vector<16xi32>,
    tpu.vector_store %arg11[%swap3A_331], %select_n3A_297 {strides = array<i32>} : memref<10384xi32, #tpu.memory_space<vmem>>, vector<16xi32>,
    %add3A_333 = arith.constant 48 : i32
    %add3A_334 = arith.addi %scan3A_34#0, %add3A_333 : i32
    %swap3A_335 = arith.index_cast %add3A_334 : i32 to index
    %swap3A_336 = tpu.vector_load %arg12[%swap3A_335] {strides = array<i32>} : memref<10384xi32, #tpu.memory_space<vmem>>, vector<16xi32>,
    tpu.vector_store %arg12[%swap3A_335], %add3A_328 {strides = array<i32>} : memref<10384xi32, #tpu.memory_space<vmem>>, vector<16xi32>,
    %add3A_337 = arith.constant 48 : i32
    %add3A_338 = arith.addi %scan3A_34#1, %add3A_337 : i32
    %swap3A_339 = arith.index_cast %add3A_338 : i32 to index
    %swap3A_340 = tpu.vector_load %arg13[%swap3A_339] {strides = array<i32>} : memref<10384xi32, #tpu.memory_space<vmem>>, vector<16xi32>,
    tpu.vector_store %arg13[%swap3A_339], %select_n3A_297 {strides = array<i32>} : memref<10384xi32, #tpu.memory_space<vmem>>, vector<16xi32>,
    %add3A_341 = arith.constant 48 : i32
    %add3A_342 = arith.addi %scan3A_34#1, %add3A_341 : i32
    %swap3A_343 = arith.index_cast %add3A_342 : i32 to index
    %swap3A_344 = tpu.vector_load %arg14[%swap3A_343] {strides = array<i32>} : memref<10384xi32, #tpu.memory_space<vmem>>, vector<16xi32>,
    tpu.vector_store %arg14[%swap3A_343], %add3A_328 {strides = array<i32>} : memref<10384xi32, #tpu.memory_space<vmem>>, vector<16xi32>,
    %mul3A_345 = arith.constant 331 : i32
    %mul3A_346 = vector.broadcast %mul3A_345 : i32 to vector<16xi32>
    %mul3A_347 = arith.muli %iota3A, %mul3A_346 : vector<16xi32>
    %add3A_348 = arith.constant 64 : i32
    %add3A_349 = vector.broadcast %add3A_348 : i32 to vector<16xi32>
    %add3A_350 = arith.addi %mul3A_347, %add3A_349 : vector<16xi32>
    %jit3A_351 = arith.constant 5120 : i32
    %eq3A_352 = arith.constant 0 : i32
    %eq3A_353 = arith.cmpi eq, %jit3A_351, %eq3A_352 : i32
    %jit3A_354 = arith.constant 1 : i32
    %select_n3A_355 = arith.select %eq3A_353, %jit3A_354, %jit3A_351 : i32
    %rem3A_356 = vector.broadcast %select_n3A_355 : i32 to vector<16xi32>
    %rem3A_357 = arith.remsi %add3A_350, %rem3A_356 : vector<16xi32>
    %ne3A_358 = arith.constant 0 : i32
    %ne3A_359 = vector.broadcast %ne3A_358 : i32 to vector<16xi32>
    %ne3A_360 = arith.cmpi ne, %rem3A_357, %ne3A_359 : vector<16xi32>
    %lt3A_361 = arith.constant 0 : i32
    %lt3A_362 = vector.broadcast %lt3A_361 : i32 to vector<16xi32>
    %lt3A_363 = arith.cmpi slt, %rem3A_357, %lt3A_362 : vector<16xi32>
    %lt3A_364 = arith.constant 0 : i32
    %lt3A_365 = arith.cmpi slt, %select_n3A_355, %lt3A_364 : i32
    %ne3A_366 = vector.broadcast %lt3A_365 : i1 to vector<16xi1>
    %ne3A_367 = vector.broadcast %ne3A_366 : vector<16xi1> to vector<16xi1>
    %ne3A_368 = arith.xori %lt3A_363, %ne3A_367 : vector<16xi1>
    %and3A_369 = arith.andi %ne3A_368, %ne3A_360 : vector<16xi1>
    %add3A_370 = vector.broadcast %select_n3A_355 : i32 to vector<16xi32>
    %add3A_371 = arith.addi %rem3A_357, %add3A_370 : vector<16xi32>
    %select_n3A_372 = arith.select %and3A_369, %add3A_371, %rem3A_357 : vector<16xi1>, vector<16xi32>
    %add3A_373 = arith.constant 4 : i32
    %add3A_374 = vector.broadcast %add3A_373 : i32 to vector<16xi32>
    %add3A_375 = arith.addi %iota3A, %add3A_374 : vector<16xi32>
    %mul3A_376 = arith.constant 7 : i32
    %mul3A_377 = vector.broadcast %mul3A_376 : i32 to vector<16xi32>
    %mul3A_378 = arith.muli %add3A_375, %mul3A_377 : vector<16xi32>
    %jit3A_379 = arith.constant 240 : i32
    %eq3A_380 = arith.constant 0 : i32
    %eq3A_381 = arith.cmpi eq, %jit3A_379, %eq3A_380 : i32
    %jit3A_382 = arith.constant 1 : i32
    %select_n3A_383 = arith.select %eq3A_381, %jit3A_382, %jit3A_379 : i32
    %rem3A_384 = vector.broadcast %select_n3A_383 : i32 to vector<16xi32>
    %rem3A_385 = arith.remsi %mul3A_378, %rem3A_384 : vector<16xi32>
    %ne3A_386 = arith.constant 0 : i32
    %ne3A_387 = vector.broadcast %ne3A_386 : i32 to vector<16xi32>
    %ne3A_388 = arith.cmpi ne, %rem3A_385, %ne3A_387 : vector<16xi32>
    %lt3A_389 = arith.constant 0 : i32
    %lt3A_390 = vector.broadcast %lt3A_389 : i32 to vector<16xi32>
    %lt3A_391 = arith.cmpi slt, %rem3A_385, %lt3A_390 : vector<16xi32>
    %lt3A_392 = arith.constant 0 : i32
    %lt3A_393 = arith.cmpi slt, %select_n3A_383, %lt3A_392 : i32
    %ne3A_394 = vector.broadcast %lt3A_393 : i1 to vector<16xi1>
    %ne3A_395 = vector.broadcast %ne3A_394 : vector<16xi1> to vector<16xi1>
    %ne3A_396 = arith.xori %lt3A_391, %ne3A_395 : vector<16xi1>
    %and3A_397 = arith.andi %ne3A_396, %ne3A_388 : vector<16xi1>
    %add3A_398 = vector.broadcast %select_n3A_383 : i32 to vector<16xi32>
    %add3A_399 = arith.addi %rem3A_385, %add3A_398 : vector<16xi32>
    %select_n3A_400 = arith.select %and3A_397, %add3A_399, %rem3A_385 : vector<16xi1>, vector<16xi32>
    %add3A_401 = arith.constant 10000 : i32
    %add3A_402 = vector.broadcast %add3A_401 : i32 to vector<16xi32>
    %add3A_403 = arith.addi %add3A_402, %select_n3A_400 : vector<16xi32>
    %add3A_404 = arith.constant 64 : i32
    %add3A_405 = arith.addi %scan3A_34#0, %add3A_404 : i32
    %swap3A_406 = arith.index_cast %add3A_405 : i32 to index
    %swap3A_407 = tpu.vector_load %arg11[%swap3A_406] {strides = array<i32>} : memref<10384xi32, #tpu.memory_space<vmem>>, vector<16xi32>,
    tpu.vector_store %arg11[%swap3A_406], %select_n3A_372 {strides = array<i32>} : memref<10384xi32, #tpu.memory_space<vmem>>, vector<16xi32>,
    %add3A_408 = arith.constant 64 : i32
    %add3A_409 = arith.addi %scan3A_34#0, %add3A_408 : i32
    %swap3A_410 = arith.index_cast %add3A_409 : i32 to index
    %swap3A_411 = tpu.vector_load %arg12[%swap3A_410] {strides = array<i32>} : memref<10384xi32, #tpu.memory_space<vmem>>, vector<16xi32>,
    tpu.vector_store %arg12[%swap3A_410], %add3A_403 {strides = array<i32>} : memref<10384xi32, #tpu.memory_space<vmem>>, vector<16xi32>,
    %add3A_412 = arith.constant 64 : i32
    %add3A_413 = arith.addi %scan3A_34#1, %add3A_412 : i32
    %swap3A_414 = arith.index_cast %add3A_413 : i32 to index
    %swap3A_415 = tpu.vector_load %arg13[%swap3A_414] {strides = array<i32>} : memref<10384xi32, #tpu.memory_space<vmem>>, vector<16xi32>,
    tpu.vector_store %arg13[%swap3A_414], %select_n3A_372 {strides = array<i32>} : memref<10384xi32, #tpu.memory_space<vmem>>, vector<16xi32>,
    %add3A_416 = arith.constant 64 : i32
    %add3A_417 = arith.addi %scan3A_34#1, %add3A_416 : i32
    %swap3A_418 = arith.index_cast %add3A_417 : i32 to index
    %swap3A_419 = tpu.vector_load %arg14[%swap3A_418] {strides = array<i32>} : memref<10384xi32, #tpu.memory_space<vmem>>, vector<16xi32>,
    tpu.vector_store %arg14[%swap3A_418], %add3A_403 {strides = array<i32>} : memref<10384xi32, #tpu.memory_space<vmem>>, vector<16xi32>,
    %mul3A_420 = arith.constant 331 : i32
    %mul3A_421 = vector.broadcast %mul3A_420 : i32 to vector<16xi32>
    %mul3A_422 = arith.muli %iota3A, %mul3A_421 : vector<16xi32>
    %add3A_423 = arith.constant 80 : i32
    %add3A_424 = vector.broadcast %add3A_423 : i32 to vector<16xi32>
    %add3A_425 = arith.addi %mul3A_422, %add3A_424 : vector<16xi32>
    %jit3A_426 = arith.constant 5120 : i32
    %eq3A_427 = arith.constant 0 : i32
    %eq3A_428 = arith.cmpi eq, %jit3A_426, %eq3A_427 : i32
    %jit3A_429 = arith.constant 1 : i32
    %select_n3A_430 = arith.select %eq3A_428, %jit3A_429, %jit3A_426 : i32
    %rem3A_431 = vector.broadcast %select_n3A_430 : i32 to vector<16xi32>
    %rem3A_432 = arith.remsi %add3A_425, %rem3A_431 : vector<16xi32>
    %ne3A_433 = arith.constant 0 : i32
    %ne3A_434 = vector.broadcast %ne3A_433 : i32 to vector<16xi32>
    %ne3A_435 = arith.cmpi ne, %rem3A_432, %ne3A_434 : vector<16xi32>
    %lt3A_436 = arith.constant 0 : i32
    %lt3A_437 = vector.broadcast %lt3A_436 : i32 to vector<16xi32>
    %lt3A_438 = arith.cmpi slt, %rem3A_432, %lt3A_437 : vector<16xi32>
    %lt3A_439 = arith.constant 0 : i32
    %lt3A_440 = arith.cmpi slt, %select_n3A_430, %lt3A_439 : i32
    %ne3A_441 = vector.broadcast %lt3A_440 : i1 to vector<16xi1>
    %ne3A_442 = vector.broadcast %ne3A_441 : vector<16xi1> to vector<16xi1>
    %ne3A_443 = arith.xori %lt3A_438, %ne3A_442 : vector<16xi1>
    %and3A_444 = arith.andi %ne3A_443, %ne3A_435 : vector<16xi1>
    %add3A_445 = vector.broadcast %select_n3A_430 : i32 to vector<16xi32>
    %add3A_446 = arith.addi %rem3A_432, %add3A_445 : vector<16xi32>
    %select_n3A_447 = arith.select %and3A_444, %add3A_446, %rem3A_432 : vector<16xi1>, vector<16xi32>
    %add3A_448 = arith.constant 5 : i32
    %add3A_449 = vector.broadcast %add3A_448 : i32 to vector<16xi32>
    %add3A_450 = arith.addi %iota3A, %add3A_449 : vector<16xi32>
    %mul3A_451 = arith.constant 7 : i32
    %mul3A_452 = vector.broadcast %mul3A_451 : i32 to vector<16xi32>
    %mul3A_453 = arith.muli %add3A_450, %mul3A_452 : vector<16xi32>
    %jit3A_454 = arith.constant 240 : i32
    %eq3A_455 = arith.constant 0 : i32
    %eq3A_456 = arith.cmpi eq, %jit3A_454, %eq3A_455 : i32
    %jit3A_457 = arith.constant 1 : i32
    %select_n3A_458 = arith.select %eq3A_456, %jit3A_457, %jit3A_454 : i32
    %rem3A_459 = vector.broadcast %select_n3A_458 : i32 to vector<16xi32>
    %rem3A_460 = arith.remsi %mul3A_453, %rem3A_459 : vector<16xi32>
    %ne3A_461 = arith.constant 0 : i32
    %ne3A_462 = vector.broadcast %ne3A_461 : i32 to vector<16xi32>
    %ne3A_463 = arith.cmpi ne, %rem3A_460, %ne3A_462 : vector<16xi32>
    %lt3A_464 = arith.constant 0 : i32
    %lt3A_465 = vector.broadcast %lt3A_464 : i32 to vector<16xi32>
    %lt3A_466 = arith.cmpi slt, %rem3A_460, %lt3A_465 : vector<16xi32>
    %lt3A_467 = arith.constant 0 : i32
    %lt3A_468 = arith.cmpi slt, %select_n3A_458, %lt3A_467 : i32
    %ne3A_469 = vector.broadcast %lt3A_468 : i1 to vector<16xi1>
    %ne3A_470 = vector.broadcast %ne3A_469 : vector<16xi1> to vector<16xi1>
    %ne3A_471 = arith.xori %lt3A_466, %ne3A_470 : vector<16xi1>
    %and3A_472 = arith.andi %ne3A_471, %ne3A_463 : vector<16xi1>
    %add3A_473 = vector.broadcast %select_n3A_458 : i32 to vector<16xi32>
    %add3A_474 = arith.addi %rem3A_460, %add3A_473 : vector<16xi32>
    %select_n3A_475 = arith.select %and3A_472, %add3A_474, %rem3A_460 : vector<16xi1>, vector<16xi32>
    %add3A_476 = arith.constant 10000 : i32
    %add3A_477 = vector.broadcast %add3A_476 : i32 to vector<16xi32>
    %add3A_478 = arith.addi %add3A_477, %select_n3A_475 : vector<16xi32>
    %add3A_479 = arith.constant 80 : i32
    %add3A_480 = arith.addi %scan3A_34#0, %add3A_479 : i32
    %swap3A_481 = arith.index_cast %add3A_480 : i32 to index
    %swap3A_482 = tpu.vector_load %arg11[%swap3A_481] {strides = array<i32>} : memref<10384xi32, #tpu.memory_space<vmem>>, vector<16xi32>,
    tpu.vector_store %arg11[%swap3A_481], %select_n3A_447 {strides = array<i32>} : memref<10384xi32, #tpu.memory_space<vmem>>, vector<16xi32>,
    %add3A_483 = arith.constant 80 : i32
    %add3A_484 = arith.addi %scan3A_34#0, %add3A_483 : i32
    %swap3A_485 = arith.index_cast %add3A_484 : i32 to index
    %swap3A_486 = tpu.vector_load %arg12[%swap3A_485] {strides = array<i32>} : memref<10384xi32, #tpu.memory_space<vmem>>, vector<16xi32>,
    tpu.vector_store %arg12[%swap3A_485], %add3A_478 {strides = array<i32>} : memref<10384xi32, #tpu.memory_space<vmem>>, vector<16xi32>,
    %add3A_487 = arith.constant 80 : i32
    %add3A_488 = arith.addi %scan3A_34#1, %add3A_487 : i32
    %swap3A_489 = arith.index_cast %add3A_488 : i32 to index
    %swap3A_490 = tpu.vector_load %arg13[%swap3A_489] {strides = array<i32>} : memref<10384xi32, #tpu.memory_space<vmem>>, vector<16xi32>,
    tpu.vector_store %arg13[%swap3A_489], %select_n3A_447 {strides = array<i32>} : memref<10384xi32, #tpu.memory_space<vmem>>, vector<16xi32>,
    %add3A_491 = arith.constant 80 : i32
    %add3A_492 = arith.addi %scan3A_34#1, %add3A_491 : i32
    %swap3A_493 = arith.index_cast %add3A_492 : i32 to index
    %swap3A_494 = tpu.vector_load %arg14[%swap3A_493] {strides = array<i32>} : memref<10384xi32, #tpu.memory_space<vmem>>, vector<16xi32>,
    tpu.vector_store %arg14[%swap3A_493], %add3A_478 {strides = array<i32>} : memref<10384xi32, #tpu.memory_space<vmem>>, vector<16xi32>,
    %mul3A_495 = arith.constant 331 : i32
    %mul3A_496 = vector.broadcast %mul3A_495 : i32 to vector<16xi32>
    %mul3A_497 = arith.muli %iota3A, %mul3A_496 : vector<16xi32>
    %add3A_498 = arith.constant 96 : i32
    %add3A_499 = vector.broadcast %add3A_498 : i32 to vector<16xi32>
    %add3A_500 = arith.addi %mul3A_497, %add3A_499 : vector<16xi32>
    %jit3A_501 = arith.constant 5120 : i32
    %eq3A_502 = arith.constant 0 : i32
    %eq3A_503 = arith.cmpi eq, %jit3A_501, %eq3A_502 : i32
    %jit3A_504 = arith.constant 1 : i32
    %select_n3A_505 = arith.select %eq3A_503, %jit3A_504, %jit3A_501 : i32
    %rem3A_506 = vector.broadcast %select_n3A_505 : i32 to vector<16xi32>
    %rem3A_507 = arith.remsi %add3A_500, %rem3A_506 : vector<16xi32>
    %ne3A_508 = arith.constant 0 : i32
    %ne3A_509 = vector.broadcast %ne3A_508 : i32 to vector<16xi32>
    %ne3A_510 = arith.cmpi ne, %rem3A_507, %ne3A_509 : vector<16xi32>
    %lt3A_511 = arith.constant 0 : i32
    %lt3A_512 = vector.broadcast %lt3A_511 : i32 to vector<16xi32>
    %lt3A_513 = arith.cmpi slt, %rem3A_507, %lt3A_512 : vector<16xi32>
    %lt3A_514 = arith.constant 0 : i32
    %lt3A_515 = arith.cmpi slt, %select_n3A_505, %lt3A_514 : i32
    %ne3A_516 = vector.broadcast %lt3A_515 : i1 to vector<16xi1>
    %ne3A_517 = vector.broadcast %ne3A_516 : vector<16xi1> to vector<16xi1>
    %ne3A_518 = arith.xori %lt3A_513, %ne3A_517 : vector<16xi1>
    %and3A_519 = arith.andi %ne3A_518, %ne3A_510 : vector<16xi1>
    %add3A_520 = vector.broadcast %select_n3A_505 : i32 to vector<16xi32>
    %add3A_521 = arith.addi %rem3A_507, %add3A_520 : vector<16xi32>
    %select_n3A_522 = arith.select %and3A_519, %add3A_521, %rem3A_507 : vector<16xi1>, vector<16xi32>
    %add3A_523 = arith.constant 6 : i32
    %add3A_524 = vector.broadcast %add3A_523 : i32 to vector<16xi32>
    %add3A_525 = arith.addi %iota3A, %add3A_524 : vector<16xi32>
    %mul3A_526 = arith.constant 7 : i32
    %mul3A_527 = vector.broadcast %mul3A_526 : i32 to vector<16xi32>
    %mul3A_528 = arith.muli %add3A_525, %mul3A_527 : vector<16xi32>
    %jit3A_529 = arith.constant 240 : i32
    %eq3A_530 = arith.constant 0 : i32
    %eq3A_531 = arith.cmpi eq, %jit3A_529, %eq3A_530 : i32
    %jit3A_532 = arith.constant 1 : i32
    %select_n3A_533 = arith.select %eq3A_531, %jit3A_532, %jit3A_529 : i32
    %rem3A_534 = vector.broadcast %select_n3A_533 : i32 to vector<16xi32>
    %rem3A_535 = arith.remsi %mul3A_528, %rem3A_534 : vector<16xi32>
    %ne3A_536 = arith.constant 0 : i32
    %ne3A_537 = vector.broadcast %ne3A_536 : i32 to vector<16xi32>
    %ne3A_538 = arith.cmpi ne, %rem3A_535, %ne3A_537 : vector<16xi32>
    %lt3A_539 = arith.constant 0 : i32
    %lt3A_540 = vector.broadcast %lt3A_539 : i32 to vector<16xi32>
    %lt3A_541 = arith.cmpi slt, %rem3A_535, %lt3A_540 : vector<16xi32>
    %lt3A_542 = arith.constant 0 : i32
    %lt3A_543 = arith.cmpi slt, %select_n3A_533, %lt3A_542 : i32
    %ne3A_544 = vector.broadcast %lt3A_543 : i1 to vector<16xi1>
    %ne3A_545 = vector.broadcast %ne3A_544 : vector<16xi1> to vector<16xi1>
    %ne3A_546 = arith.xori %lt3A_541, %ne3A_545 : vector<16xi1>
    %and3A_547 = arith.andi %ne3A_546, %ne3A_538 : vector<16xi1>
    %add3A_548 = vector.broadcast %select_n3A_533 : i32 to vector<16xi32>
    %add3A_549 = arith.addi %rem3A_535, %add3A_548 : vector<16xi32>
    %select_n3A_550 = arith.select %and3A_547, %add3A_549, %rem3A_535 : vector<16xi1>, vector<16xi32>
    %add3A_551 = arith.constant 10000 : i32
    %add3A_552 = vector.broadcast %add3A_551 : i32 to vector<16xi32>
    %add3A_553 = arith.addi %add3A_552, %select_n3A_550 : vector<16xi32>
    %add3A_554 = arith.constant 96 : i32
    %add3A_555 = arith.addi %scan3A_34#0, %add3A_554 : i32
    %swap3A_556 = arith.index_cast %add3A_555 : i32 to index
    %swap3A_557 = tpu.vector_load %arg11[%swap3A_556] {strides = array<i32>} : memref<10384xi32, #tpu.memory_space<vmem>>, vector<16xi32>,
    tpu.vector_store %arg11[%swap3A_556], %select_n3A_522 {strides = array<i32>} : memref<10384xi32, #tpu.memory_space<vmem>>, vector<16xi32>,
    %add3A_558 = arith.constant 96 : i32
    %add3A_559 = arith.addi %scan3A_34#0, %add3A_558 : i32
    %swap3A_560 = arith.index_cast %add3A_559 : i32 to index
    %swap3A_561 = tpu.vector_load %arg12[%swap3A_560] {strides = array<i32>} : memref<10384xi32, #tpu.memory_space<vmem>>, vector<16xi32>,
    tpu.vector_store %arg12[%swap3A_560], %add3A_553 {strides = array<i32>} : memref<10384xi32, #tpu.memory_space<vmem>>, vector<16xi32>,
    %add3A_562 = arith.constant 96 : i32
    %add3A_563 = arith.addi %scan3A_34#1, %add3A_562 : i32
    %swap3A_564 = arith.index_cast %add3A_563 : i32 to index
    %swap3A_565 = tpu.vector_load %arg13[%swap3A_564] {strides = array<i32>} : memref<10384xi32, #tpu.memory_space<vmem>>, vector<16xi32>,
    tpu.vector_store %arg13[%swap3A_564], %select_n3A_522 {strides = array<i32>} : memref<10384xi32, #tpu.memory_space<vmem>>, vector<16xi32>,
    %add3A_566 = arith.constant 96 : i32
    %add3A_567 = arith.addi %scan3A_34#1, %add3A_566 : i32
    %swap3A_568 = arith.index_cast %add3A_567 : i32 to index
    %swap3A_569 = tpu.vector_load %arg14[%swap3A_568] {strides = array<i32>} : memref<10384xi32, #tpu.memory_space<vmem>>, vector<16xi32>,
    tpu.vector_store %arg14[%swap3A_568], %add3A_553 {strides = array<i32>} : memref<10384xi32, #tpu.memory_space<vmem>>, vector<16xi32>,
    %mul3A_570 = arith.constant 331 : i32
    %mul3A_571 = vector.broadcast %mul3A_570 : i32 to vector<16xi32>
    %mul3A_572 = arith.muli %iota3A, %mul3A_571 : vector<16xi32>
    %add3A_573 = arith.constant 112 : i32
    %add3A_574 = vector.broadcast %add3A_573 : i32 to vector<16xi32>
    %add3A_575 = arith.addi %mul3A_572, %add3A_574 : vector<16xi32>
    %jit3A_576 = arith.constant 5120 : i32
    %eq3A_577 = arith.constant 0 : i32
    %eq3A_578 = arith.cmpi eq, %jit3A_576, %eq3A_577 : i32
    %jit3A_579 = arith.constant 1 : i32
    %select_n3A_580 = arith.select %eq3A_578, %jit3A_579, %jit3A_576 : i32
    %rem3A_581 = vector.broadcast %select_n3A_580 : i32 to vector<16xi32>
    %rem3A_582 = arith.remsi %add3A_575, %rem3A_581 : vector<16xi32>
    %ne3A_583 = arith.constant 0 : i32
    %ne3A_584 = vector.broadcast %ne3A_583 : i32 to vector<16xi32>
    %ne3A_585 = arith.cmpi ne, %rem3A_582, %ne3A_584 : vector<16xi32>
    %lt3A_586 = arith.constant 0 : i32
    %lt3A_587 = vector.broadcast %lt3A_586 : i32 to vector<16xi32>
    %lt3A_588 = arith.cmpi slt, %rem3A_582, %lt3A_587 : vector<16xi32>
    %lt3A_589 = arith.constant 0 : i32
    %lt3A_590 = arith.cmpi slt, %select_n3A_580, %lt3A_589 : i32
    %ne3A_591 = vector.broadcast %lt3A_590 : i1 to vector<16xi1>
    %ne3A_592 = vector.broadcast %ne3A_591 : vector<16xi1> to vector<16xi1>
    %ne3A_593 = arith.xori %lt3A_588, %ne3A_592 : vector<16xi1>
    %and3A_594 = arith.andi %ne3A_593, %ne3A_585 : vector<16xi1>
    %add3A_595 = vector.broadcast %select_n3A_580 : i32 to vector<16xi32>
    %add3A_596 = arith.addi %rem3A_582, %add3A_595 : vector<16xi32>
    %select_n3A_597 = arith.select %and3A_594, %add3A_596, %rem3A_582 : vector<16xi1>, vector<16xi32>
    %add3A_598 = arith.constant 7 : i32
    %add3A_599 = vector.broadcast %add3A_598 : i32 to vector<16xi32>
    %add3A_600 = arith.addi %iota3A, %add3A_599 : vector<16xi32>
    %mul3A_601 = arith.constant 7 : i32
    %mul3A_602 = vector.broadcast %mul3A_601 : i32 to vector<16xi32>
    %mul3A_603 = arith.muli %add3A_600, %mul3A_602 : vector<16xi32>
    %jit3A_604 = arith.constant 240 : i32
    %eq3A_605 = arith.constant 0 : i32
    %eq3A_606 = arith.cmpi eq, %jit3A_604, %eq3A_605 : i32
    %jit3A_607 = arith.constant 1 : i32
    %select_n3A_608 = arith.select %eq3A_606, %jit3A_607, %jit3A_604 : i32
    %rem3A_609 = vector.broadcast %select_n3A_608 : i32 to vector<16xi32>
    %rem3A_610 = arith.remsi %mul3A_603, %rem3A_609 : vector<16xi32>
    %ne3A_611 = arith.constant 0 : i32
    %ne3A_612 = vector.broadcast %ne3A_611 : i32 to vector<16xi32>
    %ne3A_613 = arith.cmpi ne, %rem3A_610, %ne3A_612 : vector<16xi32>
    %lt3A_614 = arith.constant 0 : i32
    %lt3A_615 = vector.broadcast %lt3A_614 : i32 to vector<16xi32>
    %lt3A_616 = arith.cmpi slt, %rem3A_610, %lt3A_615 : vector<16xi32>
    %lt3A_617 = arith.constant 0 : i32
    %lt3A_618 = arith.cmpi slt, %select_n3A_608, %lt3A_617 : i32
    %ne3A_619 = vector.broadcast %lt3A_618 : i1 to vector<16xi1>
    %ne3A_620 = vector.broadcast %ne3A_619 : vector<16xi1> to vector<16xi1>
    %ne3A_621 = arith.xori %lt3A_616, %ne3A_620 : vector<16xi1>
    %and3A_622 = arith.andi %ne3A_621, %ne3A_613 : vector<16xi1>
    %add3A_623 = vector.broadcast %select_n3A_608 : i32 to vector<16xi32>
    %add3A_624 = arith.addi %rem3A_610, %add3A_623 : vector<16xi32>
    %select_n3A_625 = arith.select %and3A_622, %add3A_624, %rem3A_610 : vector<16xi1>, vector<16xi32>
    %add3A_626 = arith.constant 10000 : i32
    %add3A_627 = vector.broadcast %add3A_626 : i32 to vector<16xi32>
    %add3A_628 = arith.addi %add3A_627, %select_n3A_625 : vector<16xi32>
    %add3A_629 = arith.constant 112 : i32
    %add3A_630 = arith.addi %scan3A_34#0, %add3A_629 : i32
    %swap3A_631 = arith.index_cast %add3A_630 : i32 to index
    %swap3A_632 = tpu.vector_load %arg11[%swap3A_631] {strides = array<i32>} : memref<10384xi32, #tpu.memory_space<vmem>>, vector<16xi32>,
    tpu.vector_store %arg11[%swap3A_631], %select_n3A_597 {strides = array<i32>} : memref<10384xi32, #tpu.memory_space<vmem>>, vector<16xi32>,
    %add3A_633 = arith.constant 112 : i32
    %add3A_634 = arith.addi %scan3A_34#0, %add3A_633 : i32
    %swap3A_635 = arith.index_cast %add3A_634 : i32 to index
    %swap3A_636 = tpu.vector_load %arg12[%swap3A_635] {strides = array<i32>} : memref<10384xi32, #tpu.memory_space<vmem>>, vector<16xi32>,
    tpu.vector_store %arg12[%swap3A_635], %add3A_628 {strides = array<i32>} : memref<10384xi32, #tpu.memory_space<vmem>>, vector<16xi32>,
    %add3A_637 = arith.constant 112 : i32
    %add3A_638 = arith.addi %scan3A_34#1, %add3A_637 : i32
    %swap3A_639 = arith.index_cast %add3A_638 : i32 to index
    %swap3A_640 = tpu.vector_load %arg13[%swap3A_639] {strides = array<i32>} : memref<10384xi32, #tpu.memory_space<vmem>>, vector<16xi32>,
    tpu.vector_store %arg13[%swap3A_639], %select_n3A_597 {strides = array<i32>} : memref<10384xi32, #tpu.memory_space<vmem>>, vector<16xi32>,
    %add3A_641 = arith.constant 112 : i32
    %add3A_642 = arith.addi %scan3A_34#1, %add3A_641 : i32
    %swap3A_643 = arith.index_cast %add3A_642 : i32 to index
    %swap3A_644 = tpu.vector_load %arg14[%swap3A_643] {strides = array<i32>} : memref<10384xi32, #tpu.memory_space<vmem>>, vector<16xi32>,
    tpu.vector_store %arg14[%swap3A_643], %add3A_628 {strides = array<i32>} : memref<10384xi32, #tpu.memory_space<vmem>>, vector<16xi32>,
    %mul3A_645 = arith.constant 331 : i32
    %mul3A_646 = vector.broadcast %mul3A_645 : i32 to vector<16xi32>
    %mul3A_647 = arith.muli %iota3A, %mul3A_646 : vector<16xi32>
    %add3A_648 = arith.constant 128 : i32
    %add3A_649 = vector.broadcast %add3A_648 : i32 to vector<16xi32>
    %add3A_650 = arith.addi %mul3A_647, %add3A_649 : vector<16xi32>
    %jit3A_651 = arith.constant 5120 : i32
    %eq3A_652 = arith.constant 0 : i32
    %eq3A_653 = arith.cmpi eq, %jit3A_651, %eq3A_652 : i32
    %jit3A_654 = arith.constant 1 : i32
    %select_n3A_655 = arith.select %eq3A_653, %jit3A_654, %jit3A_651 : i32
    %rem3A_656 = vector.broadcast %select_n3A_655 : i32 to vector<16xi32>
    %rem3A_657 = arith.remsi %add3A_650, %rem3A_656 : vector<16xi32>
    %ne3A_658 = arith.constant 0 : i32
    %ne3A_659 = vector.broadcast %ne3A_658 : i32 to vector<16xi32>
    %ne3A_660 = arith.cmpi ne, %rem3A_657, %ne3A_659 : vector<16xi32>
    %lt3A_661 = arith.constant 0 : i32
    %lt3A_662 = vector.broadcast %lt3A_661 : i32 to vector<16xi32>
    %lt3A_663 = arith.cmpi slt, %rem3A_657, %lt3A_662 : vector<16xi32>
    %lt3A_664 = arith.constant 0 : i32
    %lt3A_665 = arith.cmpi slt, %select_n3A_655, %lt3A_664 : i32
    %ne3A_666 = vector.broadcast %lt3A_665 : i1 to vector<16xi1>
    %ne3A_667 = vector.broadcast %ne3A_666 : vector<16xi1> to vector<16xi1>
    %ne3A_668 = arith.xori %lt3A_663, %ne3A_667 : vector<16xi1>
    %and3A_669 = arith.andi %ne3A_668, %ne3A_660 : vector<16xi1>
    %add3A_670 = vector.broadcast %select_n3A_655 : i32 to vector<16xi32>
    %add3A_671 = arith.addi %rem3A_657, %add3A_670 : vector<16xi32>
    %select_n3A_672 = arith.select %and3A_669, %add3A_671, %rem3A_657 : vector<16xi1>, vector<16xi32>
    %add3A_673 = arith.constant 8 : i32
    %add3A_674 = vector.broadcast %add3A_673 : i32 to vector<16xi32>
    %add3A_675 = arith.addi %iota3A, %add3A_674 : vector<16xi32>
    %mul3A_676 = arith.constant 7 : i32
    %mul3A_677 = vector.broadcast %mul3A_676 : i32 to vector<16xi32>
    %mul3A_678 = arith.muli %add3A_675, %mul3A_677 : vector<16xi32>
    %jit3A_679 = arith.constant 240 : i32
    %eq3A_680 = arith.constant 0 : i32
    %eq3A_681 = arith.cmpi eq, %jit3A_679, %eq3A_680 : i32
    %jit3A_682 = arith.constant 1 : i32
    %select_n3A_683 = arith.select %eq3A_681, %jit3A_682, %jit3A_679 : i32
    %rem3A_684 = vector.broadcast %select_n3A_683 : i32 to vector<16xi32>
    %rem3A_685 = arith.remsi %mul3A_678, %rem3A_684 : vector<16xi32>
    %ne3A_686 = arith.constant 0 : i32
    %ne3A_687 = vector.broadcast %ne3A_686 : i32 to vector<16xi32>
    %ne3A_688 = arith.cmpi ne, %rem3A_685, %ne3A_687 : vector<16xi32>
    %lt3A_689 = arith.constant 0 : i32
    %lt3A_690 = vector.broadcast %lt3A_689 : i32 to vector<16xi32>
    %lt3A_691 = arith.cmpi slt, %rem3A_685, %lt3A_690 : vector<16xi32>
    %lt3A_692 = arith.constant 0 : i32
    %lt3A_693 = arith.cmpi slt, %select_n3A_683, %lt3A_692 : i32
    %ne3A_694 = vector.broadcast %lt3A_693 : i1 to vector<16xi1>
    %ne3A_695 = vector.broadcast %ne3A_694 : vector<16xi1> to vector<16xi1>
    %ne3A_696 = arith.xori %lt3A_691, %ne3A_695 : vector<16xi1>
    %and3A_697 = arith.andi %ne3A_696, %ne3A_688 : vector<16xi1>
    %add3A_698 = vector.broadcast %select_n3A_683 : i32 to vector<16xi32>
    %add3A_699 = arith.addi %rem3A_685, %add3A_698 : vector<16xi32>
    %select_n3A_700 = arith.select %and3A_697, %add3A_699, %rem3A_685 : vector<16xi1>, vector<16xi32>
    %add3A_701 = arith.constant 10000 : i32
    %add3A_702 = vector.broadcast %add3A_701 : i32 to vector<16xi32>
    %add3A_703 = arith.addi %add3A_702, %select_n3A_700 : vector<16xi32>
    %add3A_704 = arith.constant 128 : i32
    %add3A_705 = arith.addi %scan3A_34#0, %add3A_704 : i32
    %swap3A_706 = arith.index_cast %add3A_705 : i32 to index
    %swap3A_707 = tpu.vector_load %arg11[%swap3A_706] {strides = array<i32>} : memref<10384xi32, #tpu.memory_space<vmem>>, vector<16xi32>,
    tpu.vector_store %arg11[%swap3A_706], %select_n3A_672 {strides = array<i32>} : memref<10384xi32, #tpu.memory_space<vmem>>, vector<16xi32>,
    %add3A_708 = arith.constant 128 : i32
    %add3A_709 = arith.addi %scan3A_34#0, %add3A_708 : i32
    %swap3A_710 = arith.index_cast %add3A_709 : i32 to index
    %swap3A_711 = tpu.vector_load %arg12[%swap3A_710] {strides = array<i32>} : memref<10384xi32, #tpu.memory_space<vmem>>, vector<16xi32>,
    tpu.vector_store %arg12[%swap3A_710], %add3A_703 {strides = array<i32>} : memref<10384xi32, #tpu.memory_space<vmem>>, vector<16xi32>,
    %add3A_712 = arith.constant 128 : i32
    %add3A_713 = arith.addi %scan3A_34#1, %add3A_712 : i32
    %swap3A_714 = arith.index_cast %add3A_713 : i32 to index
    %swap3A_715 = tpu.vector_load %arg13[%swap3A_714] {strides = array<i32>} : memref<10384xi32, #tpu.memory_space<vmem>>, vector<16xi32>,
    tpu.vector_store %arg13[%swap3A_714], %select_n3A_672 {strides = array<i32>} : memref<10384xi32, #tpu.memory_space<vmem>>, vector<16xi32>,
    %add3A_716 = arith.constant 128 : i32
    %add3A_717 = arith.addi %scan3A_34#1, %add3A_716 : i32
    %swap3A_718 = arith.index_cast %add3A_717 : i32 to index
    %swap3A_719 = tpu.vector_load %arg14[%swap3A_718] {strides = array<i32>} : memref<10384xi32, #tpu.memory_space<vmem>>, vector<16xi32>,
    tpu.vector_store %arg14[%swap3A_718], %add3A_703 {strides = array<i32>} : memref<10384xi32, #tpu.memory_space<vmem>>, vector<16xi32>,
    %mul3A_720 = arith.constant 331 : i32
    %mul3A_721 = vector.broadcast %mul3A_720 : i32 to vector<16xi32>
    %mul3A_722 = arith.muli %iota3A, %mul3A_721 : vector<16xi32>
    %add3A_723 = arith.constant 144 : i32
    %add3A_724 = vector.broadcast %add3A_723 : i32 to vector<16xi32>
    %add3A_725 = arith.addi %mul3A_722, %add3A_724 : vector<16xi32>
    %jit3A_726 = arith.constant 5120 : i32
    %eq3A_727 = arith.constant 0 : i32
    %eq3A_728 = arith.cmpi eq, %jit3A_726, %eq3A_727 : i32
    %jit3A_729 = arith.constant 1 : i32
    %select_n3A_730 = arith.select %eq3A_728, %jit3A_729, %jit3A_726 : i32
    %rem3A_731 = vector.broadcast %select_n3A_730 : i32 to vector<16xi32>
    %rem3A_732 = arith.remsi %add3A_725, %rem3A_731 : vector<16xi32>
    %ne3A_733 = arith.constant 0 : i32
    %ne3A_734 = vector.broadcast %ne3A_733 : i32 to vector<16xi32>
    %ne3A_735 = arith.cmpi ne, %rem3A_732, %ne3A_734 : vector<16xi32>
    %lt3A_736 = arith.constant 0 : i32
    %lt3A_737 = vector.broadcast %lt3A_736 : i32 to vector<16xi32>
    %lt3A_738 = arith.cmpi slt, %rem3A_732, %lt3A_737 : vector<16xi32>
    %lt3A_739 = arith.constant 0 : i32
    %lt3A_740 = arith.cmpi slt, %select_n3A_730, %lt3A_739 : i32
    %ne3A_741 = vector.broadcast %lt3A_740 : i1 to vector<16xi1>
    %ne3A_742 = vector.broadcast %ne3A_741 : vector<16xi1> to vector<16xi1>
    %ne3A_743 = arith.xori %lt3A_738, %ne3A_742 : vector<16xi1>
    %and3A_744 = arith.andi %ne3A_743, %ne3A_735 : vector<16xi1>
    %add3A_745 = vector.broadcast %select_n3A_730 : i32 to vector<16xi32>
    %add3A_746 = arith.addi %rem3A_732, %add3A_745 : vector<16xi32>
    %select_n3A_747 = arith.select %and3A_744, %add3A_746, %rem3A_732 : vector<16xi1>, vector<16xi32>
    %add3A_748 = arith.constant 9 : i32
    %add3A_749 = vector.broadcast %add3A_748 : i32 to vector<16xi32>
    %add3A_750 = arith.addi %iota3A, %add3A_749 : vector<16xi32>
    %mul3A_751 = arith.constant 7 : i32
    %mul3A_752 = vector.broadcast %mul3A_751 : i32 to vector<16xi32>
    %mul3A_753 = arith.muli %add3A_750, %mul3A_752 : vector<16xi32>
    %jit3A_754 = arith.constant 240 : i32
    %eq3A_755 = arith.constant 0 : i32
    %eq3A_756 = arith.cmpi eq, %jit3A_754, %eq3A_755 : i32
    %jit3A_757 = arith.constant 1 : i32
    %select_n3A_758 = arith.select %eq3A_756, %jit3A_757, %jit3A_754 : i32
    %rem3A_759 = vector.broadcast %select_n3A_758 : i32 to vector<16xi32>
    %rem3A_760 = arith.remsi %mul3A_753, %rem3A_759 : vector<16xi32>
    %ne3A_761 = arith.constant 0 : i32
    %ne3A_762 = vector.broadcast %ne3A_761 : i32 to vector<16xi32>
    %ne3A_763 = arith.cmpi ne, %rem3A_760, %ne3A_762 : vector<16xi32>
    %lt3A_764 = arith.constant 0 : i32
    %lt3A_765 = vector.broadcast %lt3A_764 : i32 to vector<16xi32>
    %lt3A_766 = arith.cmpi slt, %rem3A_760, %lt3A_765 : vector<16xi32>
    %lt3A_767 = arith.constant 0 : i32
    %lt3A_768 = arith.cmpi slt, %select_n3A_758, %lt3A_767 : i32
    %ne3A_769 = vector.broadcast %lt3A_768 : i1 to vector<16xi1>
    %ne3A_770 = vector.broadcast %ne3A_769 : vector<16xi1> to vector<16xi1>
    %ne3A_771 = arith.xori %lt3A_766, %ne3A_770 : vector<16xi1>
    %and3A_772 = arith.andi %ne3A_771, %ne3A_763 : vector<16xi1>
    %add3A_773 = vector.broadcast %select_n3A_758 : i32 to vector<16xi32>
    %add3A_774 = arith.addi %rem3A_760, %add3A_773 : vector<16xi32>
    %select_n3A_775 = arith.select %and3A_772, %add3A_774, %rem3A_760 : vector<16xi1>, vector<16xi32>
    %add3A_776 = arith.constant 10000 : i32
    %add3A_777 = vector.broadcast %add3A_776 : i32 to vector<16xi32>
    %add3A_778 = arith.addi %add3A_777, %select_n3A_775 : vector<16xi32>
    %add3A_779 = arith.constant 144 : i32
    %add3A_780 = arith.addi %scan3A_34#0, %add3A_779 : i32
    %swap3A_781 = arith.index_cast %add3A_780 : i32 to index
    %swap3A_782 = tpu.vector_load %arg11[%swap3A_781] {strides = array<i32>} : memref<10384xi32, #tpu.memory_space<vmem>>, vector<16xi32>,
    tpu.vector_store %arg11[%swap3A_781], %select_n3A_747 {strides = array<i32>} : memref<10384xi32, #tpu.memory_space<vmem>>, vector<16xi32>,
    %add3A_783 = arith.constant 144 : i32
    %add3A_784 = arith.addi %scan3A_34#0, %add3A_783 : i32
    %swap3A_785 = arith.index_cast %add3A_784 : i32 to index
    %swap3A_786 = tpu.vector_load %arg12[%swap3A_785] {strides = array<i32>} : memref<10384xi32, #tpu.memory_space<vmem>>, vector<16xi32>,
    tpu.vector_store %arg12[%swap3A_785], %add3A_778 {strides = array<i32>} : memref<10384xi32, #tpu.memory_space<vmem>>, vector<16xi32>,
    %add3A_787 = arith.constant 144 : i32
    %add3A_788 = arith.addi %scan3A_34#1, %add3A_787 : i32
    %swap3A_789 = arith.index_cast %add3A_788 : i32 to index
    %swap3A_790 = tpu.vector_load %arg13[%swap3A_789] {strides = array<i32>} : memref<10384xi32, #tpu.memory_space<vmem>>, vector<16xi32>,
    tpu.vector_store %arg13[%swap3A_789], %select_n3A_747 {strides = array<i32>} : memref<10384xi32, #tpu.memory_space<vmem>>, vector<16xi32>,
    %add3A_791 = arith.constant 144 : i32
    %add3A_792 = arith.addi %scan3A_34#1, %add3A_791 : i32
    %swap3A_793 = arith.index_cast %add3A_792 : i32 to index
    %swap3A_794 = tpu.vector_load %arg14[%swap3A_793] {strides = array<i32>} : memref<10384xi32, #tpu.memory_space<vmem>>, vector<16xi32>,
    tpu.vector_store %arg14[%swap3A_793], %add3A_778 {strides = array<i32>} : memref<10384xi32, #tpu.memory_space<vmem>>, vector<16xi32>,
    %mul3A_795 = arith.constant 331 : i32
    %mul3A_796 = vector.broadcast %mul3A_795 : i32 to vector<16xi32>
    %mul3A_797 = arith.muli %iota3A, %mul3A_796 : vector<16xi32>
    %add3A_798 = arith.constant 160 : i32
    %add3A_799 = vector.broadcast %add3A_798 : i32 to vector<16xi32>
    %add3A_800 = arith.addi %mul3A_797, %add3A_799 : vector<16xi32>
    %jit3A_801 = arith.constant 5120 : i32
    %eq3A_802 = arith.constant 0 : i32
    %eq3A_803 = arith.cmpi eq, %jit3A_801, %eq3A_802 : i32
    %jit3A_804 = arith.constant 1 : i32
    %select_n3A_805 = arith.select %eq3A_803, %jit3A_804, %jit3A_801 : i32
    %rem3A_806 = vector.broadcast %select_n3A_805 : i32 to vector<16xi32>
    %rem3A_807 = arith.remsi %add3A_800, %rem3A_806 : vector<16xi32>
    %ne3A_808 = arith.constant 0 : i32
    %ne3A_809 = vector.broadcast %ne3A_808 : i32 to vector<16xi32>
    %ne3A_810 = arith.cmpi ne, %rem3A_807, %ne3A_809 : vector<16xi32>
    %lt3A_811 = arith.constant 0 : i32
    %lt3A_812 = vector.broadcast %lt3A_811 : i32 to vector<16xi32>
    %lt3A_813 = arith.cmpi slt, %rem3A_807, %lt3A_812 : vector<16xi32>
    %lt3A_814 = arith.constant 0 : i32
    %lt3A_815 = arith.cmpi slt, %select_n3A_805, %lt3A_814 : i32
    %ne3A_816 = vector.broadcast %lt3A_815 : i1 to vector<16xi1>
    %ne3A_817 = vector.broadcast %ne3A_816 : vector<16xi1> to vector<16xi1>
    %ne3A_818 = arith.xori %lt3A_813, %ne3A_817 : vector<16xi1>
    %and3A_819 = arith.andi %ne3A_818, %ne3A_810 : vector<16xi1>
    %add3A_820 = vector.broadcast %select_n3A_805 : i32 to vector<16xi32>
    %add3A_821 = arith.addi %rem3A_807, %add3A_820 : vector<16xi32>
    %select_n3A_822 = arith.select %and3A_819, %add3A_821, %rem3A_807 : vector<16xi1>, vector<16xi32>
    %add3A_823 = arith.constant 10 : i32
    %add3A_824 = vector.broadcast %add3A_823 : i32 to vector<16xi32>
    %add3A_825 = arith.addi %iota3A, %add3A_824 : vector<16xi32>
    %mul3A_826 = arith.constant 7 : i32
    %mul3A_827 = vector.broadcast %mul3A_826 : i32 to vector<16xi32>
    %mul3A_828 = arith.muli %add3A_825, %mul3A_827 : vector<16xi32>
    %jit3A_829 = arith.constant 240 : i32
    %eq3A_830 = arith.constant 0 : i32
    %eq3A_831 = arith.cmpi eq, %jit3A_829, %eq3A_830 : i32
    %jit3A_832 = arith.constant 1 : i32
    %select_n3A_833 = arith.select %eq3A_831, %jit3A_832, %jit3A_829 : i32
    %rem3A_834 = vector.broadcast %select_n3A_833 : i32 to vector<16xi32>
    %rem3A_835 = arith.remsi %mul3A_828, %rem3A_834 : vector<16xi32>
    %ne3A_836 = arith.constant 0 : i32
    %ne3A_837 = vector.broadcast %ne3A_836 : i32 to vector<16xi32>
    %ne3A_838 = arith.cmpi ne, %rem3A_835, %ne3A_837 : vector<16xi32>
    %lt3A_839 = arith.constant 0 : i32
    %lt3A_840 = vector.broadcast %lt3A_839 : i32 to vector<16xi32>
    %lt3A_841 = arith.cmpi slt, %rem3A_835, %lt3A_840 : vector<16xi32>
    %lt3A_842 = arith.constant 0 : i32
    %lt3A_843 = arith.cmpi slt, %select_n3A_833, %lt3A_842 : i32
    %ne3A_844 = vector.broadcast %lt3A_843 : i1 to vector<16xi1>
    %ne3A_845 = vector.broadcast %ne3A_844 : vector<16xi1> to vector<16xi1>
    %ne3A_846 = arith.xori %lt3A_841, %ne3A_845 : vector<16xi1>
    %and3A_847 = arith.andi %ne3A_846, %ne3A_838 : vector<16xi1>
    %add3A_848 = vector.broadcast %select_n3A_833 : i32 to vector<16xi32>
    %add3A_849 = arith.addi %rem3A_835, %add3A_848 : vector<16xi32>
    %select_n3A_850 = arith.select %and3A_847, %add3A_849, %rem3A_835 : vector<16xi1>, vector<16xi32>
    %add3A_851 = arith.constant 10000 : i32
    %add3A_852 = vector.broadcast %add3A_851 : i32 to vector<16xi32>
    %add3A_853 = arith.addi %add3A_852, %select_n3A_850 : vector<16xi32>
    %add3A_854 = arith.constant 160 : i32
    %add3A_855 = arith.addi %scan3A_34#0, %add3A_854 : i32
    %swap3A_856 = arith.index_cast %add3A_855 : i32 to index
    %swap3A_857 = tpu.vector_load %arg11[%swap3A_856] {strides = array<i32>} : memref<10384xi32, #tpu.memory_space<vmem>>, vector<16xi32>,
    tpu.vector_store %arg11[%swap3A_856], %select_n3A_822 {strides = array<i32>} : memref<10384xi32, #tpu.memory_space<vmem>>, vector<16xi32>,
    %add3A_858 = arith.constant 160 : i32
    %add3A_859 = arith.addi %scan3A_34#0, %add3A_858 : i32
    %swap3A_860 = arith.index_cast %add3A_859 : i32 to index
    %swap3A_861 = tpu.vector_load %arg12[%swap3A_860] {strides = array<i32>} : memref<10384xi32, #tpu.memory_space<vmem>>, vector<16xi32>,
    tpu.vector_store %arg12[%swap3A_860], %add3A_853 {strides = array<i32>} : memref<10384xi32, #tpu.memory_space<vmem>>, vector<16xi32>,
    %add3A_862 = arith.constant 160 : i32
    %add3A_863 = arith.addi %scan3A_34#1, %add3A_862 : i32
    %swap3A_864 = arith.index_cast %add3A_863 : i32 to index
    %swap3A_865 = tpu.vector_load %arg13[%swap3A_864] {strides = array<i32>} : memref<10384xi32, #tpu.memory_space<vmem>>, vector<16xi32>,
    tpu.vector_store %arg13[%swap3A_864], %select_n3A_822 {strides = array<i32>} : memref<10384xi32, #tpu.memory_space<vmem>>, vector<16xi32>,
    %add3A_866 = arith.constant 160 : i32
    %add3A_867 = arith.addi %scan3A_34#1, %add3A_866 : i32
    %swap3A_868 = arith.index_cast %add3A_867 : i32 to index
    %swap3A_869 = tpu.vector_load %arg14[%swap3A_868] {strides = array<i32>} : memref<10384xi32, #tpu.memory_space<vmem>>, vector<16xi32>,
    tpu.vector_store %arg14[%swap3A_868], %add3A_853 {strides = array<i32>} : memref<10384xi32, #tpu.memory_space<vmem>>, vector<16xi32>,
    %mul3A_870 = arith.constant 331 : i32
    %mul3A_871 = vector.broadcast %mul3A_870 : i32 to vector<16xi32>
    %mul3A_872 = arith.muli %iota3A, %mul3A_871 : vector<16xi32>
    %add3A_873 = arith.constant 176 : i32
    %add3A_874 = vector.broadcast %add3A_873 : i32 to vector<16xi32>
    %add3A_875 = arith.addi %mul3A_872, %add3A_874 : vector<16xi32>
    %jit3A_876 = arith.constant 5120 : i32
    %eq3A_877 = arith.constant 0 : i32
    %eq3A_878 = arith.cmpi eq, %jit3A_876, %eq3A_877 : i32
    %jit3A_879 = arith.constant 1 : i32
    %select_n3A_880 = arith.select %eq3A_878, %jit3A_879, %jit3A_876 : i32
    %rem3A_881 = vector.broadcast %select_n3A_880 : i32 to vector<16xi32>
    %rem3A_882 = arith.remsi %add3A_875, %rem3A_881 : vector<16xi32>
    %ne3A_883 = arith.constant 0 : i32
    %ne3A_884 = vector.broadcast %ne3A_883 : i32 to vector<16xi32>
    %ne3A_885 = arith.cmpi ne, %rem3A_882, %ne3A_884 : vector<16xi32>
    %lt3A_886 = arith.constant 0 : i32
    %lt3A_887 = vector.broadcast %lt3A_886 : i32 to vector<16xi32>
    %lt3A_888 = arith.cmpi slt, %rem3A_882, %lt3A_887 : vector<16xi32>
    %lt3A_889 = arith.constant 0 : i32
    %lt3A_890 = arith.cmpi slt, %select_n3A_880, %lt3A_889 : i32
    %ne3A_891 = vector.broadcast %lt3A_890 : i1 to vector<16xi1>
    %ne3A_892 = vector.broadcast %ne3A_891 : vector<16xi1> to vector<16xi1>
    %ne3A_893 = arith.xori %lt3A_888, %ne3A_892 : vector<16xi1>
    %and3A_894 = arith.andi %ne3A_893, %ne3A_885 : vector<16xi1>
    %add3A_895 = vector.broadcast %select_n3A_880 : i32 to vector<16xi32>
    %add3A_896 = arith.addi %rem3A_882, %add3A_895 : vector<16xi32>
    %select_n3A_897 = arith.select %and3A_894, %add3A_896, %rem3A_882 : vector<16xi1>, vector<16xi32>
    %add3A_898 = arith.constant 11 : i32
    %add3A_899 = vector.broadcast %add3A_898 : i32 to vector<16xi32>
    %add3A_900 = arith.addi %iota3A, %add3A_899 : vector<16xi32>
    %mul3A_901 = arith.constant 7 : i32
    %mul3A_902 = vector.broadcast %mul3A_901 : i32 to vector<16xi32>
    %mul3A_903 = arith.muli %add3A_900, %mul3A_902 : vector<16xi32>
    %jit3A_904 = arith.constant 240 : i32
    %eq3A_905 = arith.constant 0 : i32
    %eq3A_906 = arith.cmpi eq, %jit3A_904, %eq3A_905 : i32
    %jit3A_907 = arith.constant 1 : i32
    %select_n3A_908 = arith.select %eq3A_906, %jit3A_907, %jit3A_904 : i32
    %rem3A_909 = vector.broadcast %select_n3A_908 : i32 to vector<16xi32>
    %rem3A_910 = arith.remsi %mul3A_903, %rem3A_909 : vector<16xi32>
    %ne3A_911 = arith.constant 0 : i32
    %ne3A_912 = vector.broadcast %ne3A_911 : i32 to vector<16xi32>
    %ne3A_913 = arith.cmpi ne, %rem3A_910, %ne3A_912 : vector<16xi32>
    %lt3A_914 = arith.constant 0 : i32
    %lt3A_915 = vector.broadcast %lt3A_914 : i32 to vector<16xi32>
    %lt3A_916 = arith.cmpi slt, %rem3A_910, %lt3A_915 : vector<16xi32>
    %lt3A_917 = arith.constant 0 : i32
    %lt3A_918 = arith.cmpi slt, %select_n3A_908, %lt3A_917 : i32
    %ne3A_919 = vector.broadcast %lt3A_918 : i1 to vector<16xi1>
    %ne3A_920 = vector.broadcast %ne3A_919 : vector<16xi1> to vector<16xi1>
    %ne3A_921 = arith.xori %lt3A_916, %ne3A_920 : vector<16xi1>
    %and3A_922 = arith.andi %ne3A_921, %ne3A_913 : vector<16xi1>
    %add3A_923 = vector.broadcast %select_n3A_908 : i32 to vector<16xi32>
    %add3A_924 = arith.addi %rem3A_910, %add3A_923 : vector<16xi32>
    %select_n3A_925 = arith.select %and3A_922, %add3A_924, %rem3A_910 : vector<16xi1>, vector<16xi32>
    %add3A_926 = arith.constant 10000 : i32
    %add3A_927 = vector.broadcast %add3A_926 : i32 to vector<16xi32>
    %add3A_928 = arith.addi %add3A_927, %select_n3A_925 : vector<16xi32>
    %add3A_929 = arith.constant 176 : i32
    %add3A_930 = arith.addi %scan3A_34#0, %add3A_929 : i32
    %swap3A_931 = arith.index_cast %add3A_930 : i32 to index
    %swap3A_932 = tpu.vector_load %arg11[%swap3A_931] {strides = array<i32>} : memref<10384xi32, #tpu.memory_space<vmem>>, vector<16xi32>,
    tpu.vector_store %arg11[%swap3A_931], %select_n3A_897 {strides = array<i32>} : memref<10384xi32, #tpu.memory_space<vmem>>, vector<16xi32>,
    %add3A_933 = arith.constant 176 : i32
    %add3A_934 = arith.addi %scan3A_34#0, %add3A_933 : i32
    %swap3A_935 = arith.index_cast %add3A_934 : i32 to index
    %swap3A_936 = tpu.vector_load %arg12[%swap3A_935] {strides = array<i32>} : memref<10384xi32, #tpu.memory_space<vmem>>, vector<16xi32>,
    tpu.vector_store %arg12[%swap3A_935], %add3A_928 {strides = array<i32>} : memref<10384xi32, #tpu.memory_space<vmem>>, vector<16xi32>,
    %add3A_937 = arith.constant 176 : i32
    %add3A_938 = arith.addi %scan3A_34#1, %add3A_937 : i32
    %swap3A_939 = arith.index_cast %add3A_938 : i32 to index
    %swap3A_940 = tpu.vector_load %arg13[%swap3A_939] {strides = array<i32>} : memref<10384xi32, #tpu.memory_space<vmem>>, vector<16xi32>,
    tpu.vector_store %arg13[%swap3A_939], %select_n3A_897 {strides = array<i32>} : memref<10384xi32, #tpu.memory_space<vmem>>, vector<16xi32>,
    %add3A_941 = arith.constant 176 : i32
    %add3A_942 = arith.addi %scan3A_34#1, %add3A_941 : i32
    %swap3A_943 = arith.index_cast %add3A_942 : i32 to index
    %swap3A_944 = tpu.vector_load %arg14[%swap3A_943] {strides = array<i32>} : memref<10384xi32, #tpu.memory_space<vmem>>, vector<16xi32>,
    tpu.vector_store %arg14[%swap3A_943], %add3A_928 {strides = array<i32>} : memref<10384xi32, #tpu.memory_space<vmem>>, vector<16xi32>,
    %mul3A_945 = arith.constant 331 : i32
    %mul3A_946 = vector.broadcast %mul3A_945 : i32 to vector<16xi32>
    %mul3A_947 = arith.muli %iota3A, %mul3A_946 : vector<16xi32>
    %add3A_948 = arith.constant 192 : i32
    %add3A_949 = vector.broadcast %add3A_948 : i32 to vector<16xi32>
    %add3A_950 = arith.addi %mul3A_947, %add3A_949 : vector<16xi32>
    %jit3A_951 = arith.constant 5120 : i32
    %eq3A_952 = arith.constant 0 : i32
    %eq3A_953 = arith.cmpi eq, %jit3A_951, %eq3A_952 : i32
    %jit3A_954 = arith.constant 1 : i32
    %select_n3A_955 = arith.select %eq3A_953, %jit3A_954, %jit3A_951 : i32
    %rem3A_956 = vector.broadcast %select_n3A_955 : i32 to vector<16xi32>
    %rem3A_957 = arith.remsi %add3A_950, %rem3A_956 : vector<16xi32>
    %ne3A_958 = arith.constant 0 : i32
    %ne3A_959 = vector.broadcast %ne3A_958 : i32 to vector<16xi32>
    %ne3A_960 = arith.cmpi ne, %rem3A_957, %ne3A_959 : vector<16xi32>
    %lt3A_961 = arith.constant 0 : i32
    %lt3A_962 = vector.broadcast %lt3A_961 : i32 to vector<16xi32>
    %lt3A_963 = arith.cmpi slt, %rem3A_957, %lt3A_962 : vector<16xi32>
    %lt3A_964 = arith.constant 0 : i32
    %lt3A_965 = arith.cmpi slt, %select_n3A_955, %lt3A_964 : i32
    %ne3A_966 = vector.broadcast %lt3A_965 : i1 to vector<16xi1>
    %ne3A_967 = vector.broadcast %ne3A_966 : vector<16xi1> to vector<16xi1>
    %ne3A_968 = arith.xori %lt3A_963, %ne3A_967 : vector<16xi1>
    %and3A_969 = arith.andi %ne3A_968, %ne3A_960 : vector<16xi1>
    %add3A_970 = vector.broadcast %select_n3A_955 : i32 to vector<16xi32>
    %add3A_971 = arith.addi %rem3A_957, %add3A_970 : vector<16xi32>
    %select_n3A_972 = arith.select %and3A_969, %add3A_971, %rem3A_957 : vector<16xi1>, vector<16xi32>
    %add3A_973 = arith.constant 12 : i32
    %add3A_974 = vector.broadcast %add3A_973 : i32 to vector<16xi32>
    %add3A_975 = arith.addi %iota3A, %add3A_974 : vector<16xi32>
    %mul3A_976 = arith.constant 7 : i32
    %mul3A_977 = vector.broadcast %mul3A_976 : i32 to vector<16xi32>
    %mul3A_978 = arith.muli %add3A_975, %mul3A_977 : vector<16xi32>
    %jit3A_979 = arith.constant 240 : i32
    %eq3A_980 = arith.constant 0 : i32
    %eq3A_981 = arith.cmpi eq, %jit3A_979, %eq3A_980 : i32
    %jit3A_982 = arith.constant 1 : i32
    %select_n3A_983 = arith.select %eq3A_981, %jit3A_982, %jit3A_979 : i32
    %rem3A_984 = vector.broadcast %select_n3A_983 : i32 to vector<16xi32>
    %rem3A_985 = arith.remsi %mul3A_978, %rem3A_984 : vector<16xi32>
    %ne3A_986 = arith.constant 0 : i32
    %ne3A_987 = vector.broadcast %ne3A_986 : i32 to vector<16xi32>
    %ne3A_988 = arith.cmpi ne, %rem3A_985, %ne3A_987 : vector<16xi32>
    %lt3A_989 = arith.constant 0 : i32
    %lt3A_990 = vector.broadcast %lt3A_989 : i32 to vector<16xi32>
    %lt3A_991 = arith.cmpi slt, %rem3A_985, %lt3A_990 : vector<16xi32>
    %lt3A_992 = arith.constant 0 : i32
    %lt3A_993 = arith.cmpi slt, %select_n3A_983, %lt3A_992 : i32
    %ne3A_994 = vector.broadcast %lt3A_993 : i1 to vector<16xi1>
    %ne3A_995 = vector.broadcast %ne3A_994 : vector<16xi1> to vector<16xi1>
    %ne3A_996 = arith.xori %lt3A_991, %ne3A_995 : vector<16xi1>
    %and3A_997 = arith.andi %ne3A_996, %ne3A_988 : vector<16xi1>
    %add3A_998 = vector.broadcast %select_n3A_983 : i32 to vector<16xi32>
    %add3A_999 = arith.addi %rem3A_985, %add3A_998 : vector<16xi32>
    %select_n3A_1000 = arith.select %and3A_997, %add3A_999, %rem3A_985 : vector<16xi1>, vector<16xi32>
    %add3A_1001 = arith.constant 10000 : i32
    %add3A_1002 = vector.broadcast %add3A_1001 : i32 to vector<16xi32>
    %add3A_1003 = arith.addi %add3A_1002, %select_n3A_1000 : vector<16xi32>
    %add3A_1004 = arith.constant 192 : i32
    %add3A_1005 = arith.addi %scan3A_34#0, %add3A_1004 : i32
    %swap3A_1006 = arith.index_cast %add3A_1005 : i32 to index
    %swap3A_1007 = tpu.vector_load %arg11[%swap3A_1006] {strides = array<i32>} : memref<10384xi32, #tpu.memory_space<vmem>>, vector<16xi32>,
    tpu.vector_store %arg11[%swap3A_1006], %select_n3A_972 {strides = array<i32>} : memref<10384xi32, #tpu.memory_space<vmem>>, vector<16xi32>,
    %add3A_1008 = arith.constant 192 : i32
    %add3A_1009 = arith.addi %scan3A_34#0, %add3A_1008 : i32
    %swap3A_1010 = arith.index_cast %add3A_1009 : i32 to index
    %swap3A_1011 = tpu.vector_load %arg12[%swap3A_1010] {strides = array<i32>} : memref<10384xi32, #tpu.memory_space<vmem>>, vector<16xi32>,
    tpu.vector_store %arg12[%swap3A_1010], %add3A_1003 {strides = array<i32>} : memref<10384xi32, #tpu.memory_space<vmem>>, vector<16xi32>,
    %add3A_1012 = arith.constant 192 : i32
    %add3A_1013 = arith.addi %scan3A_34#1, %add3A_1012 : i32
    %swap3A_1014 = arith.index_cast %add3A_1013 : i32 to index
    %swap3A_1015 = tpu.vector_load %arg13[%swap3A_1014] {strides = array<i32>} : memref<10384xi32, #tpu.memory_space<vmem>>, vector<16xi32>,
    tpu.vector_store %arg13[%swap3A_1014], %select_n3A_972 {strides = array<i32>} : memref<10384xi32, #tpu.memory_space<vmem>>, vector<16xi32>,
    %add3A_1016 = arith.constant 192 : i32
    %add3A_1017 = arith.addi %scan3A_34#1, %add3A_1016 : i32
    %swap3A_1018 = arith.index_cast %add3A_1017 : i32 to index
    %swap3A_1019 = tpu.vector_load %arg14[%swap3A_1018] {strides = array<i32>} : memref<10384xi32, #tpu.memory_space<vmem>>, vector<16xi32>,
    tpu.vector_store %arg14[%swap3A_1018], %add3A_1003 {strides = array<i32>} : memref<10384xi32, #tpu.memory_space<vmem>>, vector<16xi32>,
    %mul3A_1020 = arith.constant 331 : i32
    %mul3A_1021 = vector.broadcast %mul3A_1020 : i32 to vector<16xi32>
    %mul3A_1022 = arith.muli %iota3A, %mul3A_1021 : vector<16xi32>
    %add3A_1023 = arith.constant 208 : i32
    %add3A_1024 = vector.broadcast %add3A_1023 : i32 to vector<16xi32>
    %add3A_1025 = arith.addi %mul3A_1022, %add3A_1024 : vector<16xi32>
    %jit3A_1026 = arith.constant 5120 : i32
    %eq3A_1027 = arith.constant 0 : i32
    %eq3A_1028 = arith.cmpi eq, %jit3A_1026, %eq3A_1027 : i32
    %jit3A_1029 = arith.constant 1 : i32
    %select_n3A_1030 = arith.select %eq3A_1028, %jit3A_1029, %jit3A_1026 : i32
    %rem3A_1031 = vector.broadcast %select_n3A_1030 : i32 to vector<16xi32>
    %rem3A_1032 = arith.remsi %add3A_1025, %rem3A_1031 : vector<16xi32>
    %ne3A_1033 = arith.constant 0 : i32
    %ne3A_1034 = vector.broadcast %ne3A_1033 : i32 to vector<16xi32>
    %ne3A_1035 = arith.cmpi ne, %rem3A_1032, %ne3A_1034 : vector<16xi32>
    %lt3A_1036 = arith.constant 0 : i32
    %lt3A_1037 = vector.broadcast %lt3A_1036 : i32 to vector<16xi32>
    %lt3A_1038 = arith.cmpi slt, %rem3A_1032, %lt3A_1037 : vector<16xi32>
    %lt3A_1039 = arith.constant 0 : i32
    %lt3A_1040 = arith.cmpi slt, %select_n3A_1030, %lt3A_1039 : i32
    %ne3A_1041 = vector.broadcast %lt3A_1040 : i1 to vector<16xi1>
    %ne3A_1042 = vector.broadcast %ne3A_1041 : vector<16xi1> to vector<16xi1>
    %ne3A_1043 = arith.xori %lt3A_1038, %ne3A_1042 : vector<16xi1>
    %and3A_1044 = arith.andi %ne3A_1043, %ne3A_1035 : vector<16xi1>
    %add3A_1045 = vector.broadcast %select_n3A_1030 : i32 to vector<16xi32>
    %add3A_1046 = arith.addi %rem3A_1032, %add3A_1045 : vector<16xi32>
    %select_n3A_1047 = arith.select %and3A_1044, %add3A_1046, %rem3A_1032 : vector<16xi1>, vector<16xi32>
    %add3A_1048 = arith.constant 13 : i32
    %add3A_1049 = vector.broadcast %add3A_1048 : i32 to vector<16xi32>
    %add3A_1050 = arith.addi %iota3A, %add3A_1049 : vector<16xi32>
    %mul3A_1051 = arith.constant 7 : i32
    %mul3A_1052 = vector.broadcast %mul3A_1051 : i32 to vector<16xi32>
    %mul3A_1053 = arith.muli %add3A_1050, %mul3A_1052 : vector<16xi32>
    %jit3A_1054 = arith.constant 240 : i32
    %eq3A_1055 = arith.constant 0 : i32
    %eq3A_1056 = arith.cmpi eq, %jit3A_1054, %eq3A_1055 : i32
    %jit3A_1057 = arith.constant 1 : i32
    %select_n3A_1058 = arith.select %eq3A_1056, %jit3A_1057, %jit3A_1054 : i32
    %rem3A_1059 = vector.broadcast %select_n3A_1058 : i32 to vector<16xi32>
    %rem3A_1060 = arith.remsi %mul3A_1053, %rem3A_1059 : vector<16xi32>
    %ne3A_1061 = arith.constant 0 : i32
    %ne3A_1062 = vector.broadcast %ne3A_1061 : i32 to vector<16xi32>
    %ne3A_1063 = arith.cmpi ne, %rem3A_1060, %ne3A_1062 : vector<16xi32>
    %lt3A_1064 = arith.constant 0 : i32
    %lt3A_1065 = vector.broadcast %lt3A_1064 : i32 to vector<16xi32>
    %lt3A_1066 = arith.cmpi slt, %rem3A_1060, %lt3A_1065 : vector<16xi32>
    %lt3A_1067 = arith.constant 0 : i32
    %lt3A_1068 = arith.cmpi slt, %select_n3A_1058, %lt3A_1067 : i32
    %ne3A_1069 = vector.broadcast %lt3A_1068 : i1 to vector<16xi1>
    %ne3A_1070 = vector.broadcast %ne3A_1069 : vector<16xi1> to vector<16xi1>
    %ne3A_1071 = arith.xori %lt3A_1066, %ne3A_1070 : vector<16xi1>
    %and3A_1072 = arith.andi %ne3A_1071, %ne3A_1063 : vector<16xi1>
    %add3A_1073 = vector.broadcast %select_n3A_1058 : i32 to vector<16xi32>
    %add3A_1074 = arith.addi %rem3A_1060, %add3A_1073 : vector<16xi32>
    %select_n3A_1075 = arith.select %and3A_1072, %add3A_1074, %rem3A_1060 : vector<16xi1>, vector<16xi32>
    %add3A_1076 = arith.constant 10000 : i32
    %add3A_1077 = vector.broadcast %add3A_1076 : i32 to vector<16xi32>
    %add3A_1078 = arith.addi %add3A_1077, %select_n3A_1075 : vector<16xi32>
    %add3A_1079 = arith.constant 208 : i32
    %add3A_1080 = arith.addi %scan3A_34#0, %add3A_1079 : i32
    %swap3A_1081 = arith.index_cast %add3A_1080 : i32 to index
    %swap3A_1082 = tpu.vector_load %arg11[%swap3A_1081] {strides = array<i32>} : memref<10384xi32, #tpu.memory_space<vmem>>, vector<16xi32>,
    tpu.vector_store %arg11[%swap3A_1081], %select_n3A_1047 {strides = array<i32>} : memref<10384xi32, #tpu.memory_space<vmem>>, vector<16xi32>,
    %add3A_1083 = arith.constant 208 : i32
    %add3A_1084 = arith.addi %scan3A_34#0, %add3A_1083 : i32
    %swap3A_1085 = arith.index_cast %add3A_1084 : i32 to index
    %swap3A_1086 = tpu.vector_load %arg12[%swap3A_1085] {strides = array<i32>} : memref<10384xi32, #tpu.memory_space<vmem>>, vector<16xi32>,
    tpu.vector_store %arg12[%swap3A_1085], %add3A_1078 {strides = array<i32>} : memref<10384xi32, #tpu.memory_space<vmem>>, vector<16xi32>,
    %add3A_1087 = arith.constant 208 : i32
    %add3A_1088 = arith.addi %scan3A_34#1, %add3A_1087 : i32
    %swap3A_1089 = arith.index_cast %add3A_1088 : i32 to index
    %swap3A_1090 = tpu.vector_load %arg13[%swap3A_1089] {strides = array<i32>} : memref<10384xi32, #tpu.memory_space<vmem>>, vector<16xi32>,
    tpu.vector_store %arg13[%swap3A_1089], %select_n3A_1047 {strides = array<i32>} : memref<10384xi32, #tpu.memory_space<vmem>>, vector<16xi32>,
    %add3A_1091 = arith.constant 208 : i32
    %add3A_1092 = arith.addi %scan3A_34#1, %add3A_1091 : i32
    %swap3A_1093 = arith.index_cast %add3A_1092 : i32 to index
    %swap3A_1094 = tpu.vector_load %arg14[%swap3A_1093] {strides = array<i32>} : memref<10384xi32, #tpu.memory_space<vmem>>, vector<16xi32>,
    tpu.vector_store %arg14[%swap3A_1093], %add3A_1078 {strides = array<i32>} : memref<10384xi32, #tpu.memory_space<vmem>>, vector<16xi32>,
    %mul3A_1095 = arith.constant 331 : i32
    %mul3A_1096 = vector.broadcast %mul3A_1095 : i32 to vector<16xi32>
    %mul3A_1097 = arith.muli %iota3A, %mul3A_1096 : vector<16xi32>
    %add3A_1098 = arith.constant 224 : i32
    %add3A_1099 = vector.broadcast %add3A_1098 : i32 to vector<16xi32>
    %add3A_1100 = arith.addi %mul3A_1097, %add3A_1099 : vector<16xi32>
    %jit3A_1101 = arith.constant 5120 : i32
    %eq3A_1102 = arith.constant 0 : i32
    %eq3A_1103 = arith.cmpi eq, %jit3A_1101, %eq3A_1102 : i32
    %jit3A_1104 = arith.constant 1 : i32
    %select_n3A_1105 = arith.select %eq3A_1103, %jit3A_1104, %jit3A_1101 : i32
    %rem3A_1106 = vector.broadcast %select_n3A_1105 : i32 to vector<16xi32>
    %rem3A_1107 = arith.remsi %add3A_1100, %rem3A_1106 : vector<16xi32>
    %ne3A_1108 = arith.constant 0 : i32
    %ne3A_1109 = vector.broadcast %ne3A_1108 : i32 to vector<16xi32>
    %ne3A_1110 = arith.cmpi ne, %rem3A_1107, %ne3A_1109 : vector<16xi32>
    %lt3A_1111 = arith.constant 0 : i32
    %lt3A_1112 = vector.broadcast %lt3A_1111 : i32 to vector<16xi32>
    %lt3A_1113 = arith.cmpi slt, %rem3A_1107, %lt3A_1112 : vector<16xi32>
    %lt3A_1114 = arith.constant 0 : i32
    %lt3A_1115 = arith.cmpi slt, %select_n3A_1105, %lt3A_1114 : i32
    %ne3A_1116 = vector.broadcast %lt3A_1115 : i1 to vector<16xi1>
    %ne3A_1117 = vector.broadcast %ne3A_1116 : vector<16xi1> to vector<16xi1>
    %ne3A_1118 = arith.xori %lt3A_1113, %ne3A_1117 : vector<16xi1>
    %and3A_1119 = arith.andi %ne3A_1118, %ne3A_1110 : vector<16xi1>
    %add3A_1120 = vector.broadcast %select_n3A_1105 : i32 to vector<16xi32>
    %add3A_1121 = arith.addi %rem3A_1107, %add3A_1120 : vector<16xi32>
    %select_n3A_1122 = arith.select %and3A_1119, %add3A_1121, %rem3A_1107 : vector<16xi1>, vector<16xi32>
    %add3A_1123 = arith.constant 14 : i32
    %add3A_1124 = vector.broadcast %add3A_1123 : i32 to vector<16xi32>
    %add3A_1125 = arith.addi %iota3A, %add3A_1124 : vector<16xi32>
    %mul3A_1126 = arith.constant 7 : i32
    %mul3A_1127 = vector.broadcast %mul3A_1126 : i32 to vector<16xi32>
    %mul3A_1128 = arith.muli %add3A_1125, %mul3A_1127 : vector<16xi32>
    %jit3A_1129 = arith.constant 240 : i32
    %eq3A_1130 = arith.constant 0 : i32
    %eq3A_1131 = arith.cmpi eq, %jit3A_1129, %eq3A_1130 : i32
    %jit3A_1132 = arith.constant 1 : i32
    %select_n3A_1133 = arith.select %eq3A_1131, %jit3A_1132, %jit3A_1129 : i32
    %rem3A_1134 = vector.broadcast %select_n3A_1133 : i32 to vector<16xi32>
    %rem3A_1135 = arith.remsi %mul3A_1128, %rem3A_1134 : vector<16xi32>
    %ne3A_1136 = arith.constant 0 : i32
    %ne3A_1137 = vector.broadcast %ne3A_1136 : i32 to vector<16xi32>
    %ne3A_1138 = arith.cmpi ne, %rem3A_1135, %ne3A_1137 : vector<16xi32>
    %lt3A_1139 = arith.constant 0 : i32
    %lt3A_1140 = vector.broadcast %lt3A_1139 : i32 to vector<16xi32>
    %lt3A_1141 = arith.cmpi slt, %rem3A_1135, %lt3A_1140 : vector<16xi32>
    %lt3A_1142 = arith.constant 0 : i32
    %lt3A_1143 = arith.cmpi slt, %select_n3A_1133, %lt3A_1142 : i32
    %ne3A_1144 = vector.broadcast %lt3A_1143 : i1 to vector<16xi1>
    %ne3A_1145 = vector.broadcast %ne3A_1144 : vector<16xi1> to vector<16xi1>
    %ne3A_1146 = arith.xori %lt3A_1141, %ne3A_1145 : vector<16xi1>
    %and3A_1147 = arith.andi %ne3A_1146, %ne3A_1138 : vector<16xi1>
    %add3A_1148 = vector.broadcast %select_n3A_1133 : i32 to vector<16xi32>
    %add3A_1149 = arith.addi %rem3A_1135, %add3A_1148 : vector<16xi32>
    %select_n3A_1150 = arith.select %and3A_1147, %add3A_1149, %rem3A_1135 : vector<16xi1>, vector<16xi32>
    %add3A_1151 = arith.constant 10000 : i32
    %add3A_1152 = vector.broadcast %add3A_1151 : i32 to vector<16xi32>
    %add3A_1153 = arith.addi %add3A_1152, %select_n3A_1150 : vector<16xi32>
    %add3A_1154 = arith.constant 224 : i32
    %add3A_1155 = arith.addi %scan3A_34#0, %add3A_1154 : i32
    %swap3A_1156 = arith.index_cast %add3A_1155 : i32 to index
    %swap3A_1157 = tpu.vector_load %arg11[%swap3A_1156] {strides = array<i32>} : memref<10384xi32, #tpu.memory_space<vmem>>, vector<16xi32>,
    tpu.vector_store %arg11[%swap3A_1156], %select_n3A_1122 {strides = array<i32>} : memref<10384xi32, #tpu.memory_space<vmem>>, vector<16xi32>,
    %add3A_1158 = arith.constant 224 : i32
    %add3A_1159 = arith.addi %scan3A_34#0, %add3A_1158 : i32
    %swap3A_1160 = arith.index_cast %add3A_1159 : i32 to index
    %swap3A_1161 = tpu.vector_load %arg12[%swap3A_1160] {strides = array<i32>} : memref<10384xi32, #tpu.memory_space<vmem>>, vector<16xi32>,
    tpu.vector_store %arg12[%swap3A_1160], %add3A_1153 {strides = array<i32>} : memref<10384xi32, #tpu.memory_space<vmem>>, vector<16xi32>,
    %add3A_1162 = arith.constant 224 : i32
    %add3A_1163 = arith.addi %scan3A_34#1, %add3A_1162 : i32
    %swap3A_1164 = arith.index_cast %add3A_1163 : i32 to index
    %swap3A_1165 = tpu.vector_load %arg13[%swap3A_1164] {strides = array<i32>} : memref<10384xi32, #tpu.memory_space<vmem>>, vector<16xi32>,
    tpu.vector_store %arg13[%swap3A_1164], %select_n3A_1122 {strides = array<i32>} : memref<10384xi32, #tpu.memory_space<vmem>>, vector<16xi32>,
    %add3A_1166 = arith.constant 224 : i32
    %add3A_1167 = arith.addi %scan3A_34#1, %add3A_1166 : i32
    %swap3A_1168 = arith.index_cast %add3A_1167 : i32 to index
    %swap3A_1169 = tpu.vector_load %arg14[%swap3A_1168] {strides = array<i32>} : memref<10384xi32, #tpu.memory_space<vmem>>, vector<16xi32>,
    tpu.vector_store %arg14[%swap3A_1168], %add3A_1153 {strides = array<i32>} : memref<10384xi32, #tpu.memory_space<vmem>>, vector<16xi32>,
    %mul3A_1170 = arith.constant 331 : i32
    %mul3A_1171 = vector.broadcast %mul3A_1170 : i32 to vector<16xi32>
    %mul3A_1172 = arith.muli %iota3A, %mul3A_1171 : vector<16xi32>
    %add3A_1173 = arith.constant 240 : i32
    %add3A_1174 = vector.broadcast %add3A_1173 : i32 to vector<16xi32>
    %add3A_1175 = arith.addi %mul3A_1172, %add3A_1174 : vector<16xi32>
    %jit3A_1176 = arith.constant 5120 : i32
    %eq3A_1177 = arith.constant 0 : i32
    %eq3A_1178 = arith.cmpi eq, %jit3A_1176, %eq3A_1177 : i32
    %jit3A_1179 = arith.constant 1 : i32
    %select_n3A_1180 = arith.select %eq3A_1178, %jit3A_1179, %jit3A_1176 : i32
    %rem3A_1181 = vector.broadcast %select_n3A_1180 : i32 to vector<16xi32>
    %rem3A_1182 = arith.remsi %add3A_1175, %rem3A_1181 : vector<16xi32>
    %ne3A_1183 = arith.constant 0 : i32
    %ne3A_1184 = vector.broadcast %ne3A_1183 : i32 to vector<16xi32>
    %ne3A_1185 = arith.cmpi ne, %rem3A_1182, %ne3A_1184 : vector<16xi32>
    %lt3A_1186 = arith.constant 0 : i32
    %lt3A_1187 = vector.broadcast %lt3A_1186 : i32 to vector<16xi32>
    %lt3A_1188 = arith.cmpi slt, %rem3A_1182, %lt3A_1187 : vector<16xi32>
    %lt3A_1189 = arith.constant 0 : i32
    %lt3A_1190 = arith.cmpi slt, %select_n3A_1180, %lt3A_1189 : i32
    %ne3A_1191 = vector.broadcast %lt3A_1190 : i1 to vector<16xi1>
    %ne3A_1192 = vector.broadcast %ne3A_1191 : vector<16xi1> to vector<16xi1>
    %ne3A_1193 = arith.xori %lt3A_1188, %ne3A_1192 : vector<16xi1>
    %and3A_1194 = arith.andi %ne3A_1193, %ne3A_1185 : vector<16xi1>
    %add3A_1195 = vector.broadcast %select_n3A_1180 : i32 to vector<16xi32>
    %add3A_1196 = arith.addi %rem3A_1182, %add3A_1195 : vector<16xi32>
    %select_n3A_1197 = arith.select %and3A_1194, %add3A_1196, %rem3A_1182 : vector<16xi1>, vector<16xi32>
    %add3A_1198 = arith.constant 15 : i32
    %add3A_1199 = vector.broadcast %add3A_1198 : i32 to vector<16xi32>
    %add3A_1200 = arith.addi %iota3A, %add3A_1199 : vector<16xi32>
    %mul3A_1201 = arith.constant 7 : i32
    %mul3A_1202 = vector.broadcast %mul3A_1201 : i32 to vector<16xi32>
    %mul3A_1203 = arith.muli %add3A_1200, %mul3A_1202 : vector<16xi32>
    %jit3A_1204 = arith.constant 240 : i32
    %eq3A_1205 = arith.constant 0 : i32
    %eq3A_1206 = arith.cmpi eq, %jit3A_1204, %eq3A_1205 : i32
    %jit3A_1207 = arith.constant 1 : i32
    %select_n3A_1208 = arith.select %eq3A_1206, %jit3A_1207, %jit3A_1204 : i32
    %rem3A_1209 = vector.broadcast %select_n3A_1208 : i32 to vector<16xi32>
    %rem3A_1210 = arith.remsi %mul3A_1203, %rem3A_1209 : vector<16xi32>
    %ne3A_1211 = arith.constant 0 : i32
    %ne3A_1212 = vector.broadcast %ne3A_1211 : i32 to vector<16xi32>
    %ne3A_1213 = arith.cmpi ne, %rem3A_1210, %ne3A_1212 : vector<16xi32>
    %lt3A_1214 = arith.constant 0 : i32
    %lt3A_1215 = vector.broadcast %lt3A_1214 : i32 to vector<16xi32>
    %lt3A_1216 = arith.cmpi slt, %rem3A_1210, %lt3A_1215 : vector<16xi32>
    %lt3A_1217 = arith.constant 0 : i32
    %lt3A_1218 = arith.cmpi slt, %select_n3A_1208, %lt3A_1217 : i32
    %ne3A_1219 = vector.broadcast %lt3A_1218 : i1 to vector<16xi1>
    %ne3A_1220 = vector.broadcast %ne3A_1219 : vector<16xi1> to vector<16xi1>
    %ne3A_1221 = arith.xori %lt3A_1216, %ne3A_1220 : vector<16xi1>
    %and3A_1222 = arith.andi %ne3A_1221, %ne3A_1213 : vector<16xi1>
    %add3A_1223 = vector.broadcast %select_n3A_1208 : i32 to vector<16xi32>
    %add3A_1224 = arith.addi %rem3A_1210, %add3A_1223 : vector<16xi32>
    %select_n3A_1225 = arith.select %and3A_1222, %add3A_1224, %rem3A_1210 : vector<16xi1>, vector<16xi32>
    %add3A_1226 = arith.constant 10000 : i32
    %add3A_1227 = vector.broadcast %add3A_1226 : i32 to vector<16xi32>
    %add3A_1228 = arith.addi %add3A_1227, %select_n3A_1225 : vector<16xi32>
    %add3A_1229 = arith.constant 240 : i32
    %add3A_1230 = arith.addi %scan3A_34#0, %add3A_1229 : i32
    %swap3A_1231 = arith.index_cast %add3A_1230 : i32 to index
    %swap3A_1232 = tpu.vector_load %arg11[%swap3A_1231] {strides = array<i32>} : memref<10384xi32, #tpu.memory_space<vmem>>, vector<16xi32>,
    tpu.vector_store %arg11[%swap3A_1231], %select_n3A_1197 {strides = array<i32>} : memref<10384xi32, #tpu.memory_space<vmem>>, vector<16xi32>,
    %add3A_1233 = arith.constant 240 : i32
    %add3A_1234 = arith.addi %scan3A_34#0, %add3A_1233 : i32
    %swap3A_1235 = arith.index_cast %add3A_1234 : i32 to index
    %swap3A_1236 = tpu.vector_load %arg12[%swap3A_1235] {strides = array<i32>} : memref<10384xi32, #tpu.memory_space<vmem>>, vector<16xi32>,
    tpu.vector_store %arg12[%swap3A_1235], %add3A_1228 {strides = array<i32>} : memref<10384xi32, #tpu.memory_space<vmem>>, vector<16xi32>,
    %add3A_1237 = arith.constant 240 : i32
    %add3A_1238 = arith.addi %scan3A_34#1, %add3A_1237 : i32
    %swap3A_1239 = arith.index_cast %add3A_1238 : i32 to index
    %swap3A_1240 = tpu.vector_load %arg13[%swap3A_1239] {strides = array<i32>} : memref<10384xi32, #tpu.memory_space<vmem>>, vector<16xi32>,
    tpu.vector_store %arg13[%swap3A_1239], %select_n3A_1197 {strides = array<i32>} : memref<10384xi32, #tpu.memory_space<vmem>>, vector<16xi32>,
    %add3A_1241 = arith.constant 240 : i32
    %add3A_1242 = arith.addi %scan3A_34#1, %add3A_1241 : i32
    %swap3A_1243 = arith.index_cast %add3A_1242 : i32 to index
    %swap3A_1244 = tpu.vector_load %arg14[%swap3A_1243] {strides = array<i32>} : memref<10384xi32, #tpu.memory_space<vmem>>, vector<16xi32>,
    tpu.vector_store %arg14[%swap3A_1243], %add3A_1228 {strides = array<i32>} : memref<10384xi32, #tpu.memory_space<vmem>>, vector<16xi32>,
    %mul3A_1245 = arith.constant 331 : i32
    %mul3A_1246 = vector.broadcast %mul3A_1245 : i32 to vector<16xi32>
    %mul3A_1247 = arith.muli %iota3A, %mul3A_1246 : vector<16xi32>
    %add3A_1248 = arith.constant 256 : i32
    %add3A_1249 = vector.broadcast %add3A_1248 : i32 to vector<16xi32>
    %add3A_1250 = arith.addi %mul3A_1247, %add3A_1249 : vector<16xi32>
    %jit3A_1251 = arith.constant 5120 : i32
    %eq3A_1252 = arith.constant 0 : i32
    %eq3A_1253 = arith.cmpi eq, %jit3A_1251, %eq3A_1252 : i32
    %jit3A_1254 = arith.constant 1 : i32
    %select_n3A_1255 = arith.select %eq3A_1253, %jit3A_1254, %jit3A_1251 : i32
    %rem3A_1256 = vector.broadcast %select_n3A_1255 : i32 to vector<16xi32>
    %rem3A_1257 = arith.remsi %add3A_1250, %rem3A_1256 : vector<16xi32>
    %ne3A_1258 = arith.constant 0 : i32
    %ne3A_1259 = vector.broadcast %ne3A_1258 : i32 to vector<16xi32>
    %ne3A_1260 = arith.cmpi ne, %rem3A_1257, %ne3A_1259 : vector<16xi32>
    %lt3A_1261 = arith.constant 0 : i32
    %lt3A_1262 = vector.broadcast %lt3A_1261 : i32 to vector<16xi32>
    %lt3A_1263 = arith.cmpi slt, %rem3A_1257, %lt3A_1262 : vector<16xi32>
    %lt3A_1264 = arith.constant 0 : i32
    %lt3A_1265 = arith.cmpi slt, %select_n3A_1255, %lt3A_1264 : i32
    %ne3A_1266 = vector.broadcast %lt3A_1265 : i1 to vector<16xi1>
    %ne3A_1267 = vector.broadcast %ne3A_1266 : vector<16xi1> to vector<16xi1>
    %ne3A_1268 = arith.xori %lt3A_1263, %ne3A_1267 : vector<16xi1>
    %and3A_1269 = arith.andi %ne3A_1268, %ne3A_1260 : vector<16xi1>
    %add3A_1270 = vector.broadcast %select_n3A_1255 : i32 to vector<16xi32>
    %add3A_1271 = arith.addi %rem3A_1257, %add3A_1270 : vector<16xi32>
    %select_n3A_1272 = arith.select %and3A_1269, %add3A_1271, %rem3A_1257 : vector<16xi1>, vector<16xi32>
    %add3A_1273 = arith.constant 16 : i32
    %add3A_1274 = vector.broadcast %add3A_1273 : i32 to vector<16xi32>
    %add3A_1275 = arith.addi %iota3A, %add3A_1274 : vector<16xi32>
    %mul3A_1276 = arith.constant 7 : i32
    %mul3A_1277 = vector.broadcast %mul3A_1276 : i32 to vector<16xi32>
    %mul3A_1278 = arith.muli %add3A_1275, %mul3A_1277 : vector<16xi32>
    %jit3A_1279 = arith.constant 240 : i32
    %eq3A_1280 = arith.constant 0 : i32
    %eq3A_1281 = arith.cmpi eq, %jit3A_1279, %eq3A_1280 : i32
    %jit3A_1282 = arith.constant 1 : i32
    %select_n3A_1283 = arith.select %eq3A_1281, %jit3A_1282, %jit3A_1279 : i32
    %rem3A_1284 = vector.broadcast %select_n3A_1283 : i32 to vector<16xi32>
    %rem3A_1285 = arith.remsi %mul3A_1278, %rem3A_1284 : vector<16xi32>
    %ne3A_1286 = arith.constant 0 : i32
    %ne3A_1287 = vector.broadcast %ne3A_1286 : i32 to vector<16xi32>
    %ne3A_1288 = arith.cmpi ne, %rem3A_1285, %ne3A_1287 : vector<16xi32>
    %lt3A_1289 = arith.constant 0 : i32
    %lt3A_1290 = vector.broadcast %lt3A_1289 : i32 to vector<16xi32>
    %lt3A_1291 = arith.cmpi slt, %rem3A_1285, %lt3A_1290 : vector<16xi32>
    %lt3A_1292 = arith.constant 0 : i32
    %lt3A_1293 = arith.cmpi slt, %select_n3A_1283, %lt3A_1292 : i32
    %ne3A_1294 = vector.broadcast %lt3A_1293 : i1 to vector<16xi1>
    %ne3A_1295 = vector.broadcast %ne3A_1294 : vector<16xi1> to vector<16xi1>
    %ne3A_1296 = arith.xori %lt3A_1291, %ne3A_1295 : vector<16xi1>
    %and3A_1297 = arith.andi %ne3A_1296, %ne3A_1288 : vector<16xi1>
    %add3A_1298 = vector.broadcast %select_n3A_1283 : i32 to vector<16xi32>
    %add3A_1299 = arith.addi %rem3A_1285, %add3A_1298 : vector<16xi32>
    %select_n3A_1300 = arith.select %and3A_1297, %add3A_1299, %rem3A_1285 : vector<16xi1>, vector<16xi32>
    %add3A_1301 = arith.constant 10000 : i32
    %add3A_1302 = vector.broadcast %add3A_1301 : i32 to vector<16xi32>
    %add3A_1303 = arith.addi %add3A_1302, %select_n3A_1300 : vector<16xi32>
    %add3A_1304 = arith.constant 256 : i32
    %add3A_1305 = arith.addi %scan3A_34#0, %add3A_1304 : i32
    %swap3A_1306 = arith.index_cast %add3A_1305 : i32 to index
    %swap3A_1307 = tpu.vector_load %arg11[%swap3A_1306] {strides = array<i32>} : memref<10384xi32, #tpu.memory_space<vmem>>, vector<16xi32>,
    tpu.vector_store %arg11[%swap3A_1306], %select_n3A_1272 {strides = array<i32>} : memref<10384xi32, #tpu.memory_space<vmem>>, vector<16xi32>,
    %add3A_1308 = arith.constant 256 : i32
    %add3A_1309 = arith.addi %scan3A_34#0, %add3A_1308 : i32
    %swap3A_1310 = arith.index_cast %add3A_1309 : i32 to index
    %swap3A_1311 = tpu.vector_load %arg12[%swap3A_1310] {strides = array<i32>} : memref<10384xi32, #tpu.memory_space<vmem>>, vector<16xi32>,
    tpu.vector_store %arg12[%swap3A_1310], %add3A_1303 {strides = array<i32>} : memref<10384xi32, #tpu.memory_space<vmem>>, vector<16xi32>,
    %add3A_1312 = arith.constant 256 : i32
    %add3A_1313 = arith.addi %scan3A_34#1, %add3A_1312 : i32
    %swap3A_1314 = arith.index_cast %add3A_1313 : i32 to index
    %swap3A_1315 = tpu.vector_load %arg13[%swap3A_1314] {strides = array<i32>} : memref<10384xi32, #tpu.memory_space<vmem>>, vector<16xi32>,
    tpu.vector_store %arg13[%swap3A_1314], %select_n3A_1272 {strides = array<i32>} : memref<10384xi32, #tpu.memory_space<vmem>>, vector<16xi32>,
    %add3A_1316 = arith.constant 256 : i32
    %add3A_1317 = arith.addi %scan3A_34#1, %add3A_1316 : i32
    %swap3A_1318 = arith.index_cast %add3A_1317 : i32 to index
    %swap3A_1319 = tpu.vector_load %arg14[%swap3A_1318] {strides = array<i32>} : memref<10384xi32, #tpu.memory_space<vmem>>, vector<16xi32>,
    tpu.vector_store %arg14[%swap3A_1318], %add3A_1303 {strides = array<i32>} : memref<10384xi32, #tpu.memory_space<vmem>>, vector<16xi32>,
    %mul3A_1320 = arith.constant 331 : i32
    %mul3A_1321 = vector.broadcast %mul3A_1320 : i32 to vector<16xi32>
    %mul3A_1322 = arith.muli %iota3A, %mul3A_1321 : vector<16xi32>
    %add3A_1323 = arith.constant 272 : i32
    %add3A_1324 = vector.broadcast %add3A_1323 : i32 to vector<16xi32>
    %add3A_1325 = arith.addi %mul3A_1322, %add3A_1324 : vector<16xi32>
    %jit3A_1326 = arith.constant 5120 : i32
    %eq3A_1327 = arith.constant 0 : i32
    %eq3A_1328 = arith.cmpi eq, %jit3A_1326, %eq3A_1327 : i32
    %jit3A_1329 = arith.constant 1 : i32
    %select_n3A_1330 = arith.select %eq3A_1328, %jit3A_1329, %jit3A_1326 : i32
    %rem3A_1331 = vector.broadcast %select_n3A_1330 : i32 to vector<16xi32>
    %rem3A_1332 = arith.remsi %add3A_1325, %rem3A_1331 : vector<16xi32>
    %ne3A_1333 = arith.constant 0 : i32
    %ne3A_1334 = vector.broadcast %ne3A_1333 : i32 to vector<16xi32>
    %ne3A_1335 = arith.cmpi ne, %rem3A_1332, %ne3A_1334 : vector<16xi32>
    %lt3A_1336 = arith.constant 0 : i32
    %lt3A_1337 = vector.broadcast %lt3A_1336 : i32 to vector<16xi32>
    %lt3A_1338 = arith.cmpi slt, %rem3A_1332, %lt3A_1337 : vector<16xi32>
    %lt3A_1339 = arith.constant 0 : i32
    %lt3A_1340 = arith.cmpi slt, %select_n3A_1330, %lt3A_1339 : i32
    %ne3A_1341 = vector.broadcast %lt3A_1340 : i1 to vector<16xi1>
    %ne3A_1342 = vector.broadcast %ne3A_1341 : vector<16xi1> to vector<16xi1>
    %ne3A_1343 = arith.xori %lt3A_1338, %ne3A_1342 : vector<16xi1>
    %and3A_1344 = arith.andi %ne3A_1343, %ne3A_1335 : vector<16xi1>
    %add3A_1345 = vector.broadcast %select_n3A_1330 : i32 to vector<16xi32>
    %add3A_1346 = arith.addi %rem3A_1332, %add3A_1345 : vector<16xi32>
    %select_n3A_1347 = arith.select %and3A_1344, %add3A_1346, %rem3A_1332 : vector<16xi1>, vector<16xi32>
    %add3A_1348 = arith.constant 17 : i32
    %add3A_1349 = vector.broadcast %add3A_1348 : i32 to vector<16xi32>
    %add3A_1350 = arith.addi %iota3A, %add3A_1349 : vector<16xi32>
    %mul3A_1351 = arith.constant 7 : i32
    %mul3A_1352 = vector.broadcast %mul3A_1351 : i32 to vector<16xi32>
    %mul3A_1353 = arith.muli %add3A_1350, %mul3A_1352 : vector<16xi32>
    %jit3A_1354 = arith.constant 240 : i32
    %eq3A_1355 = arith.constant 0 : i32
    %eq3A_1356 = arith.cmpi eq, %jit3A_1354, %eq3A_1355 : i32
    %jit3A_1357 = arith.constant 1 : i32
    %select_n3A_1358 = arith.select %eq3A_1356, %jit3A_1357, %jit3A_1354 : i32
    %rem3A_1359 = vector.broadcast %select_n3A_1358 : i32 to vector<16xi32>
    %rem3A_1360 = arith.remsi %mul3A_1353, %rem3A_1359 : vector<16xi32>
    %ne3A_1361 = arith.constant 0 : i32
    %ne3A_1362 = vector.broadcast %ne3A_1361 : i32 to vector<16xi32>
    %ne3A_1363 = arith.cmpi ne, %rem3A_1360, %ne3A_1362 : vector<16xi32>
    %lt3A_1364 = arith.constant 0 : i32
    %lt3A_1365 = vector.broadcast %lt3A_1364 : i32 to vector<16xi32>
    %lt3A_1366 = arith.cmpi slt, %rem3A_1360, %lt3A_1365 : vector<16xi32>
    %lt3A_1367 = arith.constant 0 : i32
    %lt3A_1368 = arith.cmpi slt, %select_n3A_1358, %lt3A_1367 : i32
    %ne3A_1369 = vector.broadcast %lt3A_1368 : i1 to vector<16xi1>
    %ne3A_1370 = vector.broadcast %ne3A_1369 : vector<16xi1> to vector<16xi1>
    %ne3A_1371 = arith.xori %lt3A_1366, %ne3A_1370 : vector<16xi1>
    %and3A_1372 = arith.andi %ne3A_1371, %ne3A_1363 : vector<16xi1>
    %add3A_1373 = vector.broadcast %select_n3A_1358 : i32 to vector<16xi32>
    %add3A_1374 = arith.addi %rem3A_1360, %add3A_1373 : vector<16xi32>
    %select_n3A_1375 = arith.select %and3A_1372, %add3A_1374, %rem3A_1360 : vector<16xi1>, vector<16xi32>
    %add3A_1376 = arith.constant 10000 : i32
    %add3A_1377 = vector.broadcast %add3A_1376 : i32 to vector<16xi32>
    %add3A_1378 = arith.addi %add3A_1377, %select_n3A_1375 : vector<16xi32>
    %add3A_1379 = arith.constant 272 : i32
    %add3A_1380 = arith.addi %scan3A_34#0, %add3A_1379 : i32
    %swap3A_1381 = arith.index_cast %add3A_1380 : i32 to index
    %swap3A_1382 = tpu.vector_load %arg11[%swap3A_1381] {strides = array<i32>} : memref<10384xi32, #tpu.memory_space<vmem>>, vector<16xi32>,
    tpu.vector_store %arg11[%swap3A_1381], %select_n3A_1347 {strides = array<i32>} : memref<10384xi32, #tpu.memory_space<vmem>>, vector<16xi32>,
    %add3A_1383 = arith.constant 272 : i32
    %add3A_1384 = arith.addi %scan3A_34#0, %add3A_1383 : i32
    %swap3A_1385 = arith.index_cast %add3A_1384 : i32 to index
    %swap3A_1386 = tpu.vector_load %arg12[%swap3A_1385] {strides = array<i32>} : memref<10384xi32, #tpu.memory_space<vmem>>, vector<16xi32>,
    tpu.vector_store %arg12[%swap3A_1385], %add3A_1378 {strides = array<i32>} : memref<10384xi32, #tpu.memory_space<vmem>>, vector<16xi32>,
    %add3A_1387 = arith.constant 272 : i32
    %add3A_1388 = arith.addi %scan3A_34#1, %add3A_1387 : i32
    %swap3A_1389 = arith.index_cast %add3A_1388 : i32 to index
    %swap3A_1390 = tpu.vector_load %arg13[%swap3A_1389] {strides = array<i32>} : memref<10384xi32, #tpu.memory_space<vmem>>, vector<16xi32>,
    tpu.vector_store %arg13[%swap3A_1389], %select_n3A_1347 {strides = array<i32>} : memref<10384xi32, #tpu.memory_space<vmem>>, vector<16xi32>,
    %add3A_1391 = arith.constant 272 : i32
    %add3A_1392 = arith.addi %scan3A_34#1, %add3A_1391 : i32
    %swap3A_1393 = arith.index_cast %add3A_1392 : i32 to index
    %swap3A_1394 = tpu.vector_load %arg14[%swap3A_1393] {strides = array<i32>} : memref<10384xi32, #tpu.memory_space<vmem>>, vector<16xi32>,
    tpu.vector_store %arg14[%swap3A_1393], %add3A_1378 {strides = array<i32>} : memref<10384xi32, #tpu.memory_space<vmem>>, vector<16xi32>,
    %mul3A_1395 = arith.constant 331 : i32
    %mul3A_1396 = vector.broadcast %mul3A_1395 : i32 to vector<16xi32>
    %mul3A_1397 = arith.muli %iota3A, %mul3A_1396 : vector<16xi32>
    %add3A_1398 = arith.constant 288 : i32
    %add3A_1399 = vector.broadcast %add3A_1398 : i32 to vector<16xi32>
    %add3A_1400 = arith.addi %mul3A_1397, %add3A_1399 : vector<16xi32>
    %jit3A_1401 = arith.constant 5120 : i32
    %eq3A_1402 = arith.constant 0 : i32
    %eq3A_1403 = arith.cmpi eq, %jit3A_1401, %eq3A_1402 : i32
    %jit3A_1404 = arith.constant 1 : i32
    %select_n3A_1405 = arith.select %eq3A_1403, %jit3A_1404, %jit3A_1401 : i32
    %rem3A_1406 = vector.broadcast %select_n3A_1405 : i32 to vector<16xi32>
    %rem3A_1407 = arith.remsi %add3A_1400, %rem3A_1406 : vector<16xi32>
    %ne3A_1408 = arith.constant 0 : i32
    %ne3A_1409 = vector.broadcast %ne3A_1408 : i32 to vector<16xi32>
    %ne3A_1410 = arith.cmpi ne, %rem3A_1407, %ne3A_1409 : vector<16xi32>
    %lt3A_1411 = arith.constant 0 : i32
    %lt3A_1412 = vector.broadcast %lt3A_1411 : i32 to vector<16xi32>
    %lt3A_1413 = arith.cmpi slt, %rem3A_1407, %lt3A_1412 : vector<16xi32>
    %lt3A_1414 = arith.constant 0 : i32
    %lt3A_1415 = arith.cmpi slt, %select_n3A_1405, %lt3A_1414 : i32
    %ne3A_1416 = vector.broadcast %lt3A_1415 : i1 to vector<16xi1>
    %ne3A_1417 = vector.broadcast %ne3A_1416 : vector<16xi1> to vector<16xi1>
    %ne3A_1418 = arith.xori %lt3A_1413, %ne3A_1417 : vector<16xi1>
    %and3A_1419 = arith.andi %ne3A_1418, %ne3A_1410 : vector<16xi1>
    %add3A_1420 = vector.broadcast %select_n3A_1405 : i32 to vector<16xi32>
    %add3A_1421 = arith.addi %rem3A_1407, %add3A_1420 : vector<16xi32>
    %select_n3A_1422 = arith.select %and3A_1419, %add3A_1421, %rem3A_1407 : vector<16xi1>, vector<16xi32>
    %add3A_1423 = arith.constant 18 : i32
    %add3A_1424 = vector.broadcast %add3A_1423 : i32 to vector<16xi32>
    %add3A_1425 = arith.addi %iota3A, %add3A_1424 : vector<16xi32>
    %mul3A_1426 = arith.constant 7 : i32
    %mul3A_1427 = vector.broadcast %mul3A_1426 : i32 to vector<16xi32>
    %mul3A_1428 = arith.muli %add3A_1425, %mul3A_1427 : vector<16xi32>
    %jit3A_1429 = arith.constant 240 : i32
    %eq3A_1430 = arith.constant 0 : i32
    %eq3A_1431 = arith.cmpi eq, %jit3A_1429, %eq3A_1430 : i32
    %jit3A_1432 = arith.constant 1 : i32
    %select_n3A_1433 = arith.select %eq3A_1431, %jit3A_1432, %jit3A_1429 : i32
    %rem3A_1434 = vector.broadcast %select_n3A_1433 : i32 to vector<16xi32>
    %rem3A_1435 = arith.remsi %mul3A_1428, %rem3A_1434 : vector<16xi32>
    %ne3A_1436 = arith.constant 0 : i32
    %ne3A_1437 = vector.broadcast %ne3A_1436 : i32 to vector<16xi32>
    %ne3A_1438 = arith.cmpi ne, %rem3A_1435, %ne3A_1437 : vector<16xi32>
    %lt3A_1439 = arith.constant 0 : i32
    %lt3A_1440 = vector.broadcast %lt3A_1439 : i32 to vector<16xi32>
    %lt3A_1441 = arith.cmpi slt, %rem3A_1435, %lt3A_1440 : vector<16xi32>
    %lt3A_1442 = arith.constant 0 : i32
    %lt3A_1443 = arith.cmpi slt, %select_n3A_1433, %lt3A_1442 : i32
    %ne3A_1444 = vector.broadcast %lt3A_1443 : i1 to vector<16xi1>
    %ne3A_1445 = vector.broadcast %ne3A_1444 : vector<16xi1> to vector<16xi1>
    %ne3A_1446 = arith.xori %lt3A_1441, %ne3A_1445 : vector<16xi1>
    %and3A_1447 = arith.andi %ne3A_1446, %ne3A_1438 : vector<16xi1>
    %add3A_1448 = vector.broadcast %select_n3A_1433 : i32 to vector<16xi32>
    %add3A_1449 = arith.addi %rem3A_1435, %add3A_1448 : vector<16xi32>
    %select_n3A_1450 = arith.select %and3A_1447, %add3A_1449, %rem3A_1435 : vector<16xi1>, vector<16xi32>
    %add3A_1451 = arith.constant 10000 : i32
    %add3A_1452 = vector.broadcast %add3A_1451 : i32 to vector<16xi32>
    %add3A_1453 = arith.addi %add3A_1452, %select_n3A_1450 : vector<16xi32>
    %add3A_1454 = arith.constant 288 : i32
    %add3A_1455 = arith.addi %scan3A_34#0, %add3A_1454 : i32
    %swap3A_1456 = arith.index_cast %add3A_1455 : i32 to index
    %swap3A_1457 = tpu.vector_load %arg11[%swap3A_1456] {strides = array<i32>} : memref<10384xi32, #tpu.memory_space<vmem>>, vector<16xi32>,
    tpu.vector_store %arg11[%swap3A_1456], %select_n3A_1422 {strides = array<i32>} : memref<10384xi32, #tpu.memory_space<vmem>>, vector<16xi32>,
    %add3A_1458 = arith.constant 288 : i32
    %add3A_1459 = arith.addi %scan3A_34#0, %add3A_1458 : i32
    %swap3A_1460 = arith.index_cast %add3A_1459 : i32 to index
    %swap3A_1461 = tpu.vector_load %arg12[%swap3A_1460] {strides = array<i32>} : memref<10384xi32, #tpu.memory_space<vmem>>, vector<16xi32>,
    tpu.vector_store %arg12[%swap3A_1460], %add3A_1453 {strides = array<i32>} : memref<10384xi32, #tpu.memory_space<vmem>>, vector<16xi32>,
    %add3A_1462 = arith.constant 288 : i32
    %add3A_1463 = arith.addi %scan3A_34#1, %add3A_1462 : i32
    %swap3A_1464 = arith.index_cast %add3A_1463 : i32 to index
    %swap3A_1465 = tpu.vector_load %arg13[%swap3A_1464] {strides = array<i32>} : memref<10384xi32, #tpu.memory_space<vmem>>, vector<16xi32>,
    tpu.vector_store %arg13[%swap3A_1464], %select_n3A_1422 {strides = array<i32>} : memref<10384xi32, #tpu.memory_space<vmem>>, vector<16xi32>,
    %add3A_1466 = arith.constant 288 : i32
    %add3A_1467 = arith.addi %scan3A_34#1, %add3A_1466 : i32
    %swap3A_1468 = arith.index_cast %add3A_1467 : i32 to index
    %swap3A_1469 = tpu.vector_load %arg14[%swap3A_1468] {strides = array<i32>} : memref<10384xi32, #tpu.memory_space<vmem>>, vector<16xi32>,
    tpu.vector_store %arg14[%swap3A_1468], %add3A_1453 {strides = array<i32>} : memref<10384xi32, #tpu.memory_space<vmem>>, vector<16xi32>,
    %mul3A_1470 = arith.constant 331 : i32
    %mul3A_1471 = vector.broadcast %mul3A_1470 : i32 to vector<16xi32>
    %mul3A_1472 = arith.muli %iota3A, %mul3A_1471 : vector<16xi32>
    %add3A_1473 = arith.constant 304 : i32
    %add3A_1474 = vector.broadcast %add3A_1473 : i32 to vector<16xi32>
    %add3A_1475 = arith.addi %mul3A_1472, %add3A_1474 : vector<16xi32>
    %jit3A_1476 = arith.constant 5120 : i32
    %eq3A_1477 = arith.constant 0 : i32
    %eq3A_1478 = arith.cmpi eq, %jit3A_1476, %eq3A_1477 : i32
    %jit3A_1479 = arith.constant 1 : i32
    %select_n3A_1480 = arith.select %eq3A_1478, %jit3A_1479, %jit3A_1476 : i32
    %rem3A_1481 = vector.broadcast %select_n3A_1480 : i32 to vector<16xi32>
    %rem3A_1482 = arith.remsi %add3A_1475, %rem3A_1481 : vector<16xi32>
    %ne3A_1483 = arith.constant 0 : i32
    %ne3A_1484 = vector.broadcast %ne3A_1483 : i32 to vector<16xi32>
    %ne3A_1485 = arith.cmpi ne, %rem3A_1482, %ne3A_1484 : vector<16xi32>
    %lt3A_1486 = arith.constant 0 : i32
    %lt3A_1487 = vector.broadcast %lt3A_1486 : i32 to vector<16xi32>
    %lt3A_1488 = arith.cmpi slt, %rem3A_1482, %lt3A_1487 : vector<16xi32>
    %lt3A_1489 = arith.constant 0 : i32
    %lt3A_1490 = arith.cmpi slt, %select_n3A_1480, %lt3A_1489 : i32
    %ne3A_1491 = vector.broadcast %lt3A_1490 : i1 to vector<16xi1>
    %ne3A_1492 = vector.broadcast %ne3A_1491 : vector<16xi1> to vector<16xi1>
    %ne3A_1493 = arith.xori %lt3A_1488, %ne3A_1492 : vector<16xi1>
    %and3A_1494 = arith.andi %ne3A_1493, %ne3A_1485 : vector<16xi1>
    %add3A_1495 = vector.broadcast %select_n3A_1480 : i32 to vector<16xi32>
    %add3A_1496 = arith.addi %rem3A_1482, %add3A_1495 : vector<16xi32>
    %select_n3A_1497 = arith.select %and3A_1494, %add3A_1496, %rem3A_1482 : vector<16xi1>, vector<16xi32>
    %add3A_1498 = arith.constant 19 : i32
    %add3A_1499 = vector.broadcast %add3A_1498 : i32 to vector<16xi32>
    %add3A_1500 = arith.addi %iota3A, %add3A_1499 : vector<16xi32>
    %mul3A_1501 = arith.constant 7 : i32
    %mul3A_1502 = vector.broadcast %mul3A_1501 : i32 to vector<16xi32>
    %mul3A_1503 = arith.muli %add3A_1500, %mul3A_1502 : vector<16xi32>
    %jit3A_1504 = arith.constant 240 : i32
    %eq3A_1505 = arith.constant 0 : i32
    %eq3A_1506 = arith.cmpi eq, %jit3A_1504, %eq3A_1505 : i32
    %jit3A_1507 = arith.constant 1 : i32
    %select_n3A_1508 = arith.select %eq3A_1506, %jit3A_1507, %jit3A_1504 : i32
    %rem3A_1509 = vector.broadcast %select_n3A_1508 : i32 to vector<16xi32>
    %rem3A_1510 = arith.remsi %mul3A_1503, %rem3A_1509 : vector<16xi32>
    %ne3A_1511 = arith.constant 0 : i32
    %ne3A_1512 = vector.broadcast %ne3A_1511 : i32 to vector<16xi32>
    %ne3A_1513 = arith.cmpi ne, %rem3A_1510, %ne3A_1512 : vector<16xi32>
    %lt3A_1514 = arith.constant 0 : i32
    %lt3A_1515 = vector.broadcast %lt3A_1514 : i32 to vector<16xi32>
    %lt3A_1516 = arith.cmpi slt, %rem3A_1510, %lt3A_1515 : vector<16xi32>
    %lt3A_1517 = arith.constant 0 : i32
    %lt3A_1518 = arith.cmpi slt, %select_n3A_1508, %lt3A_1517 : i32
    %ne3A_1519 = vector.broadcast %lt3A_1518 : i1 to vector<16xi1>
    %ne3A_1520 = vector.broadcast %ne3A_1519 : vector<16xi1> to vector<16xi1>
    %ne3A_1521 = arith.xori %lt3A_1516, %ne3A_1520 : vector<16xi1>
    %and3A_1522 = arith.andi %ne3A_1521, %ne3A_1513 : vector<16xi1>
    %add3A_1523 = vector.broadcast %select_n3A_1508 : i32 to vector<16xi32>
    %add3A_1524 = arith.addi %rem3A_1510, %add3A_1523 : vector<16xi32>
    %select_n3A_1525 = arith.select %and3A_1522, %add3A_1524, %rem3A_1510 : vector<16xi1>, vector<16xi32>
    %add3A_1526 = arith.constant 10000 : i32
    %add3A_1527 = vector.broadcast %add3A_1526 : i32 to vector<16xi32>
    %add3A_1528 = arith.addi %add3A_1527, %select_n3A_1525 : vector<16xi32>
    %add3A_1529 = arith.constant 304 : i32
    %add3A_1530 = arith.addi %scan3A_34#0, %add3A_1529 : i32
    %swap3A_1531 = arith.index_cast %add3A_1530 : i32 to index
    %swap3A_1532 = tpu.vector_load %arg11[%swap3A_1531] {strides = array<i32>} : memref<10384xi32, #tpu.memory_space<vmem>>, vector<16xi32>,
    tpu.vector_store %arg11[%swap3A_1531], %select_n3A_1497 {strides = array<i32>} : memref<10384xi32, #tpu.memory_space<vmem>>, vector<16xi32>,
    %add3A_1533 = arith.constant 304 : i32
    %add3A_1534 = arith.addi %scan3A_34#0, %add3A_1533 : i32
    %swap3A_1535 = arith.index_cast %add3A_1534 : i32 to index
    %swap3A_1536 = tpu.vector_load %arg12[%swap3A_1535] {strides = array<i32>} : memref<10384xi32, #tpu.memory_space<vmem>>, vector<16xi32>,
    tpu.vector_store %arg12[%swap3A_1535], %add3A_1528 {strides = array<i32>} : memref<10384xi32, #tpu.memory_space<vmem>>, vector<16xi32>,
    %add3A_1537 = arith.constant 304 : i32
    %add3A_1538 = arith.addi %scan3A_34#1, %add3A_1537 : i32
    %swap3A_1539 = arith.index_cast %add3A_1538 : i32 to index
    %swap3A_1540 = tpu.vector_load %arg13[%swap3A_1539] {strides = array<i32>} : memref<10384xi32, #tpu.memory_space<vmem>>, vector<16xi32>,
    tpu.vector_store %arg13[%swap3A_1539], %select_n3A_1497 {strides = array<i32>} : memref<10384xi32, #tpu.memory_space<vmem>>, vector<16xi32>,
    %add3A_1541 = arith.constant 304 : i32
    %add3A_1542 = arith.addi %scan3A_34#1, %add3A_1541 : i32
    %swap3A_1543 = arith.index_cast %add3A_1542 : i32 to index
    %swap3A_1544 = tpu.vector_load %arg14[%swap3A_1543] {strides = array<i32>} : memref<10384xi32, #tpu.memory_space<vmem>>, vector<16xi32>,
    tpu.vector_store %arg14[%swap3A_1543], %add3A_1528 {strides = array<i32>} : memref<10384xi32, #tpu.memory_space<vmem>>, vector<16xi32>,
    %mul3A_1545 = arith.constant 331 : i32
    %mul3A_1546 = vector.broadcast %mul3A_1545 : i32 to vector<16xi32>
    %mul3A_1547 = arith.muli %iota3A, %mul3A_1546 : vector<16xi32>
    %add3A_1548 = arith.constant 320 : i32
    %add3A_1549 = vector.broadcast %add3A_1548 : i32 to vector<16xi32>
    %add3A_1550 = arith.addi %mul3A_1547, %add3A_1549 : vector<16xi32>
    %jit3A_1551 = arith.constant 5120 : i32
    %eq3A_1552 = arith.constant 0 : i32
    %eq3A_1553 = arith.cmpi eq, %jit3A_1551, %eq3A_1552 : i32
    %jit3A_1554 = arith.constant 1 : i32
    %select_n3A_1555 = arith.select %eq3A_1553, %jit3A_1554, %jit3A_1551 : i32
    %rem3A_1556 = vector.broadcast %select_n3A_1555 : i32 to vector<16xi32>
    %rem3A_1557 = arith.remsi %add3A_1550, %rem3A_1556 : vector<16xi32>
    %ne3A_1558 = arith.constant 0 : i32
    %ne3A_1559 = vector.broadcast %ne3A_1558 : i32 to vector<16xi32>
    %ne3A_1560 = arith.cmpi ne, %rem3A_1557, %ne3A_1559 : vector<16xi32>
    %lt3A_1561 = arith.constant 0 : i32
    %lt3A_1562 = vector.broadcast %lt3A_1561 : i32 to vector<16xi32>
    %lt3A_1563 = arith.cmpi slt, %rem3A_1557, %lt3A_1562 : vector<16xi32>
    %lt3A_1564 = arith.constant 0 : i32
    %lt3A_1565 = arith.cmpi slt, %select_n3A_1555, %lt3A_1564 : i32
    %ne3A_1566 = vector.broadcast %lt3A_1565 : i1 to vector<16xi1>
    %ne3A_1567 = vector.broadcast %ne3A_1566 : vector<16xi1> to vector<16xi1>
    %ne3A_1568 = arith.xori %lt3A_1563, %ne3A_1567 : vector<16xi1>
    %and3A_1569 = arith.andi %ne3A_1568, %ne3A_1560 : vector<16xi1>
    %add3A_1570 = vector.broadcast %select_n3A_1555 : i32 to vector<16xi32>
    %add3A_1571 = arith.addi %rem3A_1557, %add3A_1570 : vector<16xi32>
    %select_n3A_1572 = arith.select %and3A_1569, %add3A_1571, %rem3A_1557 : vector<16xi1>, vector<16xi32>
    %add3A_1573 = arith.constant 20 : i32
    %add3A_1574 = vector.broadcast %add3A_1573 : i32 to vector<16xi32>
    %add3A_1575 = arith.addi %iota3A, %add3A_1574 : vector<16xi32>
    %mul3A_1576 = arith.constant 7 : i32
    %mul3A_1577 = vector.broadcast %mul3A_1576 : i32 to vector<16xi32>
    %mul3A_1578 = arith.muli %add3A_1575, %mul3A_1577 : vector<16xi32>
    %jit3A_1579 = arith.constant 240 : i32
    %eq3A_1580 = arith.constant 0 : i32
    %eq3A_1581 = arith.cmpi eq, %jit3A_1579, %eq3A_1580 : i32
    %jit3A_1582 = arith.constant 1 : i32
    %select_n3A_1583 = arith.select %eq3A_1581, %jit3A_1582, %jit3A_1579 : i32
    %rem3A_1584 = vector.broadcast %select_n3A_1583 : i32 to vector<16xi32>
    %rem3A_1585 = arith.remsi %mul3A_1578, %rem3A_1584 : vector<16xi32>
    %ne3A_1586 = arith.constant 0 : i32
    %ne3A_1587 = vector.broadcast %ne3A_1586 : i32 to vector<16xi32>
    %ne3A_1588 = arith.cmpi ne, %rem3A_1585, %ne3A_1587 : vector<16xi32>
    %lt3A_1589 = arith.constant 0 : i32
    %lt3A_1590 = vector.broadcast %lt3A_1589 : i32 to vector<16xi32>
    %lt3A_1591 = arith.cmpi slt, %rem3A_1585, %lt3A_1590 : vector<16xi32>
    %lt3A_1592 = arith.constant 0 : i32
    %lt3A_1593 = arith.cmpi slt, %select_n3A_1583, %lt3A_1592 : i32
    %ne3A_1594 = vector.broadcast %lt3A_1593 : i1 to vector<16xi1>
    %ne3A_1595 = vector.broadcast %ne3A_1594 : vector<16xi1> to vector<16xi1>
    %ne3A_1596 = arith.xori %lt3A_1591, %ne3A_1595 : vector<16xi1>
    %and3A_1597 = arith.andi %ne3A_1596, %ne3A_1588 : vector<16xi1>
    %add3A_1598 = vector.broadcast %select_n3A_1583 : i32 to vector<16xi32>
    %add3A_1599 = arith.addi %rem3A_1585, %add3A_1598 : vector<16xi32>
    %select_n3A_1600 = arith.select %and3A_1597, %add3A_1599, %rem3A_1585 : vector<16xi1>, vector<16xi32>
    %add3A_1601 = arith.constant 10000 : i32
    %add3A_1602 = vector.broadcast %add3A_1601 : i32 to vector<16xi32>
    %add3A_1603 = arith.addi %add3A_1602, %select_n3A_1600 : vector<16xi32>
    %add3A_1604 = arith.constant 320 : i32
    %add3A_1605 = arith.addi %scan3A_34#0, %add3A_1604 : i32
    %swap3A_1606 = arith.index_cast %add3A_1605 : i32 to index
    %swap3A_1607 = tpu.vector_load %arg11[%swap3A_1606] {strides = array<i32>} : memref<10384xi32, #tpu.memory_space<vmem>>, vector<16xi32>,
    tpu.vector_store %arg11[%swap3A_1606], %select_n3A_1572 {strides = array<i32>} : memref<10384xi32, #tpu.memory_space<vmem>>, vector<16xi32>,
    %add3A_1608 = arith.constant 320 : i32
    %add3A_1609 = arith.addi %scan3A_34#0, %add3A_1608 : i32
    %swap3A_1610 = arith.index_cast %add3A_1609 : i32 to index
    %swap3A_1611 = tpu.vector_load %arg12[%swap3A_1610] {strides = array<i32>} : memref<10384xi32, #tpu.memory_space<vmem>>, vector<16xi32>,
    tpu.vector_store %arg12[%swap3A_1610], %add3A_1603 {strides = array<i32>} : memref<10384xi32, #tpu.memory_space<vmem>>, vector<16xi32>,
    %add3A_1612 = arith.constant 320 : i32
    %add3A_1613 = arith.addi %scan3A_34#1, %add3A_1612 : i32
    %swap3A_1614 = arith.index_cast %add3A_1613 : i32 to index
    %swap3A_1615 = tpu.vector_load %arg13[%swap3A_1614] {strides = array<i32>} : memref<10384xi32, #tpu.memory_space<vmem>>, vector<16xi32>,
    tpu.vector_store %arg13[%swap3A_1614], %select_n3A_1572 {strides = array<i32>} : memref<10384xi32, #tpu.memory_space<vmem>>, vector<16xi32>,
    %add3A_1616 = arith.constant 320 : i32
    %add3A_1617 = arith.addi %scan3A_34#1, %add3A_1616 : i32
    %swap3A_1618 = arith.index_cast %add3A_1617 : i32 to index
    %swap3A_1619 = tpu.vector_load %arg14[%swap3A_1618] {strides = array<i32>} : memref<10384xi32, #tpu.memory_space<vmem>>, vector<16xi32>,
    tpu.vector_store %arg14[%swap3A_1618], %add3A_1603 {strides = array<i32>} : memref<10384xi32, #tpu.memory_space<vmem>>, vector<16xi32>,
    %mul3A_1620 = arith.constant 331 : i32
    %mul3A_1621 = vector.broadcast %mul3A_1620 : i32 to vector<16xi32>
    %mul3A_1622 = arith.muli %iota3A, %mul3A_1621 : vector<16xi32>
    %add3A_1623 = arith.constant 336 : i32
    %add3A_1624 = vector.broadcast %add3A_1623 : i32 to vector<16xi32>
    %add3A_1625 = arith.addi %mul3A_1622, %add3A_1624 : vector<16xi32>
    %jit3A_1626 = arith.constant 5120 : i32
    %eq3A_1627 = arith.constant 0 : i32
    %eq3A_1628 = arith.cmpi eq, %jit3A_1626, %eq3A_1627 : i32
    %jit3A_1629 = arith.constant 1 : i32
    %select_n3A_1630 = arith.select %eq3A_1628, %jit3A_1629, %jit3A_1626 : i32
    %rem3A_1631 = vector.broadcast %select_n3A_1630 : i32 to vector<16xi32>
    %rem3A_1632 = arith.remsi %add3A_1625, %rem3A_1631 : vector<16xi32>
    %ne3A_1633 = arith.constant 0 : i32
    %ne3A_1634 = vector.broadcast %ne3A_1633 : i32 to vector<16xi32>
    %ne3A_1635 = arith.cmpi ne, %rem3A_1632, %ne3A_1634 : vector<16xi32>
    %lt3A_1636 = arith.constant 0 : i32
    %lt3A_1637 = vector.broadcast %lt3A_1636 : i32 to vector<16xi32>
    %lt3A_1638 = arith.cmpi slt, %rem3A_1632, %lt3A_1637 : vector<16xi32>
    %lt3A_1639 = arith.constant 0 : i32
    %lt3A_1640 = arith.cmpi slt, %select_n3A_1630, %lt3A_1639 : i32
    %ne3A_1641 = vector.broadcast %lt3A_1640 : i1 to vector<16xi1>
    %ne3A_1642 = vector.broadcast %ne3A_1641 : vector<16xi1> to vector<16xi1>
    %ne3A_1643 = arith.xori %lt3A_1638, %ne3A_1642 : vector<16xi1>
    %and3A_1644 = arith.andi %ne3A_1643, %ne3A_1635 : vector<16xi1>
    %add3A_1645 = vector.broadcast %select_n3A_1630 : i32 to vector<16xi32>
    %add3A_1646 = arith.addi %rem3A_1632, %add3A_1645 : vector<16xi32>
    %select_n3A_1647 = arith.select %and3A_1644, %add3A_1646, %rem3A_1632 : vector<16xi1>, vector<16xi32>
    %add3A_1648 = arith.constant 21 : i32
    %add3A_1649 = vector.broadcast %add3A_1648 : i32 to vector<16xi32>
    %add3A_1650 = arith.addi %iota3A, %add3A_1649 : vector<16xi32>
    %mul3A_1651 = arith.constant 7 : i32
    %mul3A_1652 = vector.broadcast %mul3A_1651 : i32 to vector<16xi32>
    %mul3A_1653 = arith.muli %add3A_1650, %mul3A_1652 : vector<16xi32>
    %jit3A_1654 = arith.constant 240 : i32
    %eq3A_1655 = arith.constant 0 : i32
    %eq3A_1656 = arith.cmpi eq, %jit3A_1654, %eq3A_1655 : i32
    %jit3A_1657 = arith.constant 1 : i32
    %select_n3A_1658 = arith.select %eq3A_1656, %jit3A_1657, %jit3A_1654 : i32
    %rem3A_1659 = vector.broadcast %select_n3A_1658 : i32 to vector<16xi32>
    %rem3A_1660 = arith.remsi %mul3A_1653, %rem3A_1659 : vector<16xi32>
    %ne3A_1661 = arith.constant 0 : i32
    %ne3A_1662 = vector.broadcast %ne3A_1661 : i32 to vector<16xi32>
    %ne3A_1663 = arith.cmpi ne, %rem3A_1660, %ne3A_1662 : vector<16xi32>
    %lt3A_1664 = arith.constant 0 : i32
    %lt3A_1665 = vector.broadcast %lt3A_1664 : i32 to vector<16xi32>
    %lt3A_1666 = arith.cmpi slt, %rem3A_1660, %lt3A_1665 : vector<16xi32>
    %lt3A_1667 = arith.constant 0 : i32
    %lt3A_1668 = arith.cmpi slt, %select_n3A_1658, %lt3A_1667 : i32
    %ne3A_1669 = vector.broadcast %lt3A_1668 : i1 to vector<16xi1>
    %ne3A_1670 = vector.broadcast %ne3A_1669 : vector<16xi1> to vector<16xi1>
    %ne3A_1671 = arith.xori %lt3A_1666, %ne3A_1670 : vector<16xi1>
    %and3A_1672 = arith.andi %ne3A_1671, %ne3A_1663 : vector<16xi1>
    %add3A_1673 = vector.broadcast %select_n3A_1658 : i32 to vector<16xi32>
    %add3A_1674 = arith.addi %rem3A_1660, %add3A_1673 : vector<16xi32>
    %select_n3A_1675 = arith.select %and3A_1672, %add3A_1674, %rem3A_1660 : vector<16xi1>, vector<16xi32>
    %add3A_1676 = arith.constant 10000 : i32
    %add3A_1677 = vector.broadcast %add3A_1676 : i32 to vector<16xi32>
    %add3A_1678 = arith.addi %add3A_1677, %select_n3A_1675 : vector<16xi32>
    %add3A_1679 = arith.constant 336 : i32
    %add3A_1680 = arith.addi %scan3A_34#0, %add3A_1679 : i32
    %swap3A_1681 = arith.index_cast %add3A_1680 : i32 to index
    %swap3A_1682 = tpu.vector_load %arg11[%swap3A_1681] {strides = array<i32>} : memref<10384xi32, #tpu.memory_space<vmem>>, vector<16xi32>,
    tpu.vector_store %arg11[%swap3A_1681], %select_n3A_1647 {strides = array<i32>} : memref<10384xi32, #tpu.memory_space<vmem>>, vector<16xi32>,
    %add3A_1683 = arith.constant 336 : i32
    %add3A_1684 = arith.addi %scan3A_34#0, %add3A_1683 : i32
    %swap3A_1685 = arith.index_cast %add3A_1684 : i32 to index
    %swap3A_1686 = tpu.vector_load %arg12[%swap3A_1685] {strides = array<i32>} : memref<10384xi32, #tpu.memory_space<vmem>>, vector<16xi32>,
    tpu.vector_store %arg12[%swap3A_1685], %add3A_1678 {strides = array<i32>} : memref<10384xi32, #tpu.memory_space<vmem>>, vector<16xi32>,
    %add3A_1687 = arith.constant 336 : i32
    %add3A_1688 = arith.addi %scan3A_34#1, %add3A_1687 : i32
    %swap3A_1689 = arith.index_cast %add3A_1688 : i32 to index
    %swap3A_1690 = tpu.vector_load %arg13[%swap3A_1689] {strides = array<i32>} : memref<10384xi32, #tpu.memory_space<vmem>>, vector<16xi32>,
    tpu.vector_store %arg13[%swap3A_1689], %select_n3A_1647 {strides = array<i32>} : memref<10384xi32, #tpu.memory_space<vmem>>, vector<16xi32>,
    %add3A_1691 = arith.constant 336 : i32
    %add3A_1692 = arith.addi %scan3A_34#1, %add3A_1691 : i32
    %swap3A_1693 = arith.index_cast %add3A_1692 : i32 to index
    %swap3A_1694 = tpu.vector_load %arg14[%swap3A_1693] {strides = array<i32>} : memref<10384xi32, #tpu.memory_space<vmem>>, vector<16xi32>,
    tpu.vector_store %arg14[%swap3A_1693], %add3A_1678 {strides = array<i32>} : memref<10384xi32, #tpu.memory_space<vmem>>, vector<16xi32>,
    %mul3A_1695 = arith.constant 331 : i32
    %mul3A_1696 = vector.broadcast %mul3A_1695 : i32 to vector<16xi32>
    %mul3A_1697 = arith.muli %iota3A, %mul3A_1696 : vector<16xi32>
    %add3A_1698 = arith.constant 352 : i32
    %add3A_1699 = vector.broadcast %add3A_1698 : i32 to vector<16xi32>
    %add3A_1700 = arith.addi %mul3A_1697, %add3A_1699 : vector<16xi32>
    %jit3A_1701 = arith.constant 5120 : i32
    %eq3A_1702 = arith.constant 0 : i32
    %eq3A_1703 = arith.cmpi eq, %jit3A_1701, %eq3A_1702 : i32
    %jit3A_1704 = arith.constant 1 : i32
    %select_n3A_1705 = arith.select %eq3A_1703, %jit3A_1704, %jit3A_1701 : i32
    %rem3A_1706 = vector.broadcast %select_n3A_1705 : i32 to vector<16xi32>
    %rem3A_1707 = arith.remsi %add3A_1700, %rem3A_1706 : vector<16xi32>
    %ne3A_1708 = arith.constant 0 : i32
    %ne3A_1709 = vector.broadcast %ne3A_1708 : i32 to vector<16xi32>
    %ne3A_1710 = arith.cmpi ne, %rem3A_1707, %ne3A_1709 : vector<16xi32>
    %lt3A_1711 = arith.constant 0 : i32
    %lt3A_1712 = vector.broadcast %lt3A_1711 : i32 to vector<16xi32>
    %lt3A_1713 = arith.cmpi slt, %rem3A_1707, %lt3A_1712 : vector<16xi32>
    %lt3A_1714 = arith.constant 0 : i32
    %lt3A_1715 = arith.cmpi slt, %select_n3A_1705, %lt3A_1714 : i32
    %ne3A_1716 = vector.broadcast %lt3A_1715 : i1 to vector<16xi1>
    %ne3A_1717 = vector.broadcast %ne3A_1716 : vector<16xi1> to vector<16xi1>
    %ne3A_1718 = arith.xori %lt3A_1713, %ne3A_1717 : vector<16xi1>
    %and3A_1719 = arith.andi %ne3A_1718, %ne3A_1710 : vector<16xi1>
    %add3A_1720 = vector.broadcast %select_n3A_1705 : i32 to vector<16xi32>
    %add3A_1721 = arith.addi %rem3A_1707, %add3A_1720 : vector<16xi32>
    %select_n3A_1722 = arith.select %and3A_1719, %add3A_1721, %rem3A_1707 : vector<16xi1>, vector<16xi32>
    %add3A_1723 = arith.constant 22 : i32
    %add3A_1724 = vector.broadcast %add3A_1723 : i32 to vector<16xi32>
    %add3A_1725 = arith.addi %iota3A, %add3A_1724 : vector<16xi32>
    %mul3A_1726 = arith.constant 7 : i32
    %mul3A_1727 = vector.broadcast %mul3A_1726 : i32 to vector<16xi32>
    %mul3A_1728 = arith.muli %add3A_1725, %mul3A_1727 : vector<16xi32>
    %jit3A_1729 = arith.constant 240 : i32
    %eq3A_1730 = arith.constant 0 : i32
    %eq3A_1731 = arith.cmpi eq, %jit3A_1729, %eq3A_1730 : i32
    %jit3A_1732 = arith.constant 1 : i32
    %select_n3A_1733 = arith.select %eq3A_1731, %jit3A_1732, %jit3A_1729 : i32
    %rem3A_1734 = vector.broadcast %select_n3A_1733 : i32 to vector<16xi32>
    %rem3A_1735 = arith.remsi %mul3A_1728, %rem3A_1734 : vector<16xi32>
    %ne3A_1736 = arith.constant 0 : i32
    %ne3A_1737 = vector.broadcast %ne3A_1736 : i32 to vector<16xi32>
    %ne3A_1738 = arith.cmpi ne, %rem3A_1735, %ne3A_1737 : vector<16xi32>
    %lt3A_1739 = arith.constant 0 : i32
    %lt3A_1740 = vector.broadcast %lt3A_1739 : i32 to vector<16xi32>
    %lt3A_1741 = arith.cmpi slt, %rem3A_1735, %lt3A_1740 : vector<16xi32>
    %lt3A_1742 = arith.constant 0 : i32
    %lt3A_1743 = arith.cmpi slt, %select_n3A_1733, %lt3A_1742 : i32
    %ne3A_1744 = vector.broadcast %lt3A_1743 : i1 to vector<16xi1>
    %ne3A_1745 = vector.broadcast %ne3A_1744 : vector<16xi1> to vector<16xi1>
    %ne3A_1746 = arith.xori %lt3A_1741, %ne3A_1745 : vector<16xi1>
    %and3A_1747 = arith.andi %ne3A_1746, %ne3A_1738 : vector<16xi1>
    %add3A_1748 = vector.broadcast %select_n3A_1733 : i32 to vector<16xi32>
    %add3A_1749 = arith.addi %rem3A_1735, %add3A_1748 : vector<16xi32>
    %select_n3A_1750 = arith.select %and3A_1747, %add3A_1749, %rem3A_1735 : vector<16xi1>, vector<16xi32>
    %add3A_1751 = arith.constant 10000 : i32
    %add3A_1752 = vector.broadcast %add3A_1751 : i32 to vector<16xi32>
    %add3A_1753 = arith.addi %add3A_1752, %select_n3A_1750 : vector<16xi32>
    %add3A_1754 = arith.constant 352 : i32
    %add3A_1755 = arith.addi %scan3A_34#0, %add3A_1754 : i32
    %swap3A_1756 = arith.index_cast %add3A_1755 : i32 to index
    %swap3A_1757 = tpu.vector_load %arg11[%swap3A_1756] {strides = array<i32>} : memref<10384xi32, #tpu.memory_space<vmem>>, vector<16xi32>,
    tpu.vector_store %arg11[%swap3A_1756], %select_n3A_1722 {strides = array<i32>} : memref<10384xi32, #tpu.memory_space<vmem>>, vector<16xi32>,
    %add3A_1758 = arith.constant 352 : i32
    %add3A_1759 = arith.addi %scan3A_34#0, %add3A_1758 : i32
    %swap3A_1760 = arith.index_cast %add3A_1759 : i32 to index
    %swap3A_1761 = tpu.vector_load %arg12[%swap3A_1760] {strides = array<i32>} : memref<10384xi32, #tpu.memory_space<vmem>>, vector<16xi32>,
    tpu.vector_store %arg12[%swap3A_1760], %add3A_1753 {strides = array<i32>} : memref<10384xi32, #tpu.memory_space<vmem>>, vector<16xi32>,
    %add3A_1762 = arith.constant 352 : i32
    %add3A_1763 = arith.addi %scan3A_34#1, %add3A_1762 : i32
    %swap3A_1764 = arith.index_cast %add3A_1763 : i32 to index
    %swap3A_1765 = tpu.vector_load %arg13[%swap3A_1764] {strides = array<i32>} : memref<10384xi32, #tpu.memory_space<vmem>>, vector<16xi32>,
    tpu.vector_store %arg13[%swap3A_1764], %select_n3A_1722 {strides = array<i32>} : memref<10384xi32, #tpu.memory_space<vmem>>, vector<16xi32>,
    %add3A_1766 = arith.constant 352 : i32
    %add3A_1767 = arith.addi %scan3A_34#1, %add3A_1766 : i32
    %swap3A_1768 = arith.index_cast %add3A_1767 : i32 to index
    %swap3A_1769 = tpu.vector_load %arg14[%swap3A_1768] {strides = array<i32>} : memref<10384xi32, #tpu.memory_space<vmem>>, vector<16xi32>,
    tpu.vector_store %arg14[%swap3A_1768], %add3A_1753 {strides = array<i32>} : memref<10384xi32, #tpu.memory_space<vmem>>, vector<16xi32>,
    %mul3A_1770 = arith.constant 331 : i32
    %mul3A_1771 = vector.broadcast %mul3A_1770 : i32 to vector<16xi32>
    %mul3A_1772 = arith.muli %iota3A, %mul3A_1771 : vector<16xi32>
    %add3A_1773 = arith.constant 368 : i32
    %add3A_1774 = vector.broadcast %add3A_1773 : i32 to vector<16xi32>
    %add3A_1775 = arith.addi %mul3A_1772, %add3A_1774 : vector<16xi32>
    %jit3A_1776 = arith.constant 5120 : i32
    %eq3A_1777 = arith.constant 0 : i32
    %eq3A_1778 = arith.cmpi eq, %jit3A_1776, %eq3A_1777 : i32
    %jit3A_1779 = arith.constant 1 : i32
    %select_n3A_1780 = arith.select %eq3A_1778, %jit3A_1779, %jit3A_1776 : i32
    %rem3A_1781 = vector.broadcast %select_n3A_1780 : i32 to vector<16xi32>
    %rem3A_1782 = arith.remsi %add3A_1775, %rem3A_1781 : vector<16xi32>
    %ne3A_1783 = arith.constant 0 : i32
    %ne3A_1784 = vector.broadcast %ne3A_1783 : i32 to vector<16xi32>
    %ne3A_1785 = arith.cmpi ne, %rem3A_1782, %ne3A_1784 : vector<16xi32>
    %lt3A_1786 = arith.constant 0 : i32
    %lt3A_1787 = vector.broadcast %lt3A_1786 : i32 to vector<16xi32>
    %lt3A_1788 = arith.cmpi slt, %rem3A_1782, %lt3A_1787 : vector<16xi32>
    %lt3A_1789 = arith.constant 0 : i32
    %lt3A_1790 = arith.cmpi slt, %select_n3A_1780, %lt3A_1789 : i32
    %ne3A_1791 = vector.broadcast %lt3A_1790 : i1 to vector<16xi1>
    %ne3A_1792 = vector.broadcast %ne3A_1791 : vector<16xi1> to vector<16xi1>
    %ne3A_1793 = arith.xori %lt3A_1788, %ne3A_1792 : vector<16xi1>
    %and3A_1794 = arith.andi %ne3A_1793, %ne3A_1785 : vector<16xi1>
    %add3A_1795 = vector.broadcast %select_n3A_1780 : i32 to vector<16xi32>
    %add3A_1796 = arith.addi %rem3A_1782, %add3A_1795 : vector<16xi32>
    %select_n3A_1797 = arith.select %and3A_1794, %add3A_1796, %rem3A_1782 : vector<16xi1>, vector<16xi32>
    %add3A_1798 = arith.constant 23 : i32
    %add3A_1799 = vector.broadcast %add3A_1798 : i32 to vector<16xi32>
    %add3A_1800 = arith.addi %iota3A, %add3A_1799 : vector<16xi32>
    %mul3A_1801 = arith.constant 7 : i32
    %mul3A_1802 = vector.broadcast %mul3A_1801 : i32 to vector<16xi32>
    %mul3A_1803 = arith.muli %add3A_1800, %mul3A_1802 : vector<16xi32>
    %jit3A_1804 = arith.constant 240 : i32
    %eq3A_1805 = arith.constant 0 : i32
    %eq3A_1806 = arith.cmpi eq, %jit3A_1804, %eq3A_1805 : i32
    %jit3A_1807 = arith.constant 1 : i32
    %select_n3A_1808 = arith.select %eq3A_1806, %jit3A_1807, %jit3A_1804 : i32
    %rem3A_1809 = vector.broadcast %select_n3A_1808 : i32 to vector<16xi32>
    %rem3A_1810 = arith.remsi %mul3A_1803, %rem3A_1809 : vector<16xi32>
    %ne3A_1811 = arith.constant 0 : i32
    %ne3A_1812 = vector.broadcast %ne3A_1811 : i32 to vector<16xi32>
    %ne3A_1813 = arith.cmpi ne, %rem3A_1810, %ne3A_1812 : vector<16xi32>
    %lt3A_1814 = arith.constant 0 : i32
    %lt3A_1815 = vector.broadcast %lt3A_1814 : i32 to vector<16xi32>
    %lt3A_1816 = arith.cmpi slt, %rem3A_1810, %lt3A_1815 : vector<16xi32>
    %lt3A_1817 = arith.constant 0 : i32
    %lt3A_1818 = arith.cmpi slt, %select_n3A_1808, %lt3A_1817 : i32
    %ne3A_1819 = vector.broadcast %lt3A_1818 : i1 to vector<16xi1>
    %ne3A_1820 = vector.broadcast %ne3A_1819 : vector<16xi1> to vector<16xi1>
    %ne3A_1821 = arith.xori %lt3A_1816, %ne3A_1820 : vector<16xi1>
    %and3A_1822 = arith.andi %ne3A_1821, %ne3A_1813 : vector<16xi1>
    %add3A_1823 = vector.broadcast %select_n3A_1808 : i32 to vector<16xi32>
    %add3A_1824 = arith.addi %rem3A_1810, %add3A_1823 : vector<16xi32>
    %select_n3A_1825 = arith.select %and3A_1822, %add3A_1824, %rem3A_1810 : vector<16xi1>, vector<16xi32>
    %add3A_1826 = arith.constant 10000 : i32
    %add3A_1827 = vector.broadcast %add3A_1826 : i32 to vector<16xi32>
    %add3A_1828 = arith.addi %add3A_1827, %select_n3A_1825 : vector<16xi32>
    %add3A_1829 = arith.constant 368 : i32
    %add3A_1830 = arith.addi %scan3A_34#0, %add3A_1829 : i32
    %swap3A_1831 = arith.index_cast %add3A_1830 : i32 to index
    %swap3A_1832 = tpu.vector_load %arg11[%swap3A_1831] {strides = array<i32>} : memref<10384xi32, #tpu.memory_space<vmem>>, vector<16xi32>,
    tpu.vector_store %arg11[%swap3A_1831], %select_n3A_1797 {strides = array<i32>} : memref<10384xi32, #tpu.memory_space<vmem>>, vector<16xi32>,
    %add3A_1833 = arith.constant 368 : i32
    %add3A_1834 = arith.addi %scan3A_34#0, %add3A_1833 : i32
    %swap3A_1835 = arith.index_cast %add3A_1834 : i32 to index
    %swap3A_1836 = tpu.vector_load %arg12[%swap3A_1835] {strides = array<i32>} : memref<10384xi32, #tpu.memory_space<vmem>>, vector<16xi32>,
    tpu.vector_store %arg12[%swap3A_1835], %add3A_1828 {strides = array<i32>} : memref<10384xi32, #tpu.memory_space<vmem>>, vector<16xi32>,
    %add3A_1837 = arith.constant 368 : i32
    %add3A_1838 = arith.addi %scan3A_34#1, %add3A_1837 : i32
    %swap3A_1839 = arith.index_cast %add3A_1838 : i32 to index
    %swap3A_1840 = tpu.vector_load %arg13[%swap3A_1839] {strides = array<i32>} : memref<10384xi32, #tpu.memory_space<vmem>>, vector<16xi32>,
    tpu.vector_store %arg13[%swap3A_1839], %select_n3A_1797 {strides = array<i32>} : memref<10384xi32, #tpu.memory_space<vmem>>, vector<16xi32>,
    %add3A_1841 = arith.constant 368 : i32
    %add3A_1842 = arith.addi %scan3A_34#1, %add3A_1841 : i32
    %swap3A_1843 = arith.index_cast %add3A_1842 : i32 to index
    %swap3A_1844 = tpu.vector_load %arg14[%swap3A_1843] {strides = array<i32>} : memref<10384xi32, #tpu.memory_space<vmem>>, vector<16xi32>,
    tpu.vector_store %arg14[%swap3A_1843], %add3A_1828 {strides = array<i32>} : memref<10384xi32, #tpu.memory_space<vmem>>, vector<16xi32>,
    %add3A_1845 = arith.constant 128 : i32
    %add3A_1846 = arith.addi %scan3A_34#0, %add3A_1845 : i32
    %sub3A = arith.constant 1 : i32
    %sub3A_1847 = arith.subi %add3A_1846, %sub3A : i32
    %jit3A_1848 = arith.constant 128 : i32
    %div3A = arith.divsi %sub3A_1847, %jit3A_1848 : i32
    %sign3A = arith.constant 0 : i32
    %sign3A_1849 = arith.cmpi sgt, %sub3A_1847, %sign3A : i32
    %sign3A_1850 = arith.extui %sign3A_1849 : i1 to i32
    %sign3A_1851 = arith.constant 0 : i32
    %sign3A_1852 = arith.cmpi slt, %sub3A_1847, %sign3A_1851 : i32
    %sign3A_1853 = arith.extui %sign3A_1852 : i1 to i32
    %sign3A_1854 = arith.subi %sign3A_1850, %sign3A_1853 : i32
    %sign3A_1855 = arith.constant 0 : i32
    %sign3A_1856 = arith.cmpi sgt, %jit3A_1848, %sign3A_1855 : i32
    %sign3A_1857 = arith.extui %sign3A_1856 : i1 to i32
    %sign3A_1858 = arith.constant 0 : i32
    %sign3A_1859 = arith.cmpi slt, %jit3A_1848, %sign3A_1858 : i32
    %sign3A_1860 = arith.extui %sign3A_1859 : i1 to i32
    %sign3A_1861 = arith.subi %sign3A_1857, %sign3A_1860 : i32
    %ne3A_1862 = arith.cmpi ne, %sign3A_1854, %sign3A_1861 : i32
    %rem3A_1863 = arith.remsi %sub3A_1847, %jit3A_1848 : i32
    %ne3A_1864 = arith.constant 0 : i32
    %ne3A_1865 = arith.cmpi ne, %rem3A_1863, %ne3A_1864 : i32
    %and3A_1866 = arith.andi %ne3A_1862, %ne3A_1865 : i1
    %sub3A_1867 = arith.constant 1 : i32
    %sub3A_1868 = arith.subi %div3A, %sub3A_1867 : i32
    %select_n3A_1869 = arith.select %and3A_1866, %sub3A_1868, %div3A : i32
    %jit3A_1870 = arith.constant 2 : i32
    %eq3A_1871 = arith.constant 0 : i32
    %eq3A_1872 = arith.cmpi eq, %jit3A_1870, %eq3A_1871 : i32
    %jit3A_1873 = arith.constant 1 : i32
    %select_n3A_1874 = arith.select %eq3A_1872, %jit3A_1873, %jit3A_1870 : i32
    %rem3A_1875 = arith.remsi %select_n3A_1869, %select_n3A_1874 : i32
    %ne3A_1876 = arith.constant 0 : i32
    %ne3A_1877 = arith.cmpi ne, %rem3A_1875, %ne3A_1876 : i32
    %lt3A_1878 = arith.constant 0 : i32
    %lt3A_1879 = arith.cmpi slt, %rem3A_1875, %lt3A_1878 : i32
    %lt3A_1880 = arith.constant 0 : i32
    %lt3A_1881 = arith.cmpi slt, %select_n3A_1874, %lt3A_1880 : i32
    %ne3A_1882 = arith.xori %lt3A_1879, %lt3A_1881 : i1
    %and3A_1883 = arith.andi %ne3A_1882, %ne3A_1877 : i1
    %add3A_1884 = arith.addi %rem3A_1875, %select_n3A_1874 : i32
    %select_n3A_1885 = arith.select %and3A_1883, %add3A_1884, %rem3A_1875 : i32
    %add3A_1886 = arith.addi %select_n3A_1869, %select_n3A_1885 : i32
    %max3A = arith.constant 2 : i32
    %max3A_1887 = arith.maxsi %add3A_1886, %max3A : i32
    %broadcast_in_dim3A = vector.broadcast %max3A_1887 : i32 to vector<16xi32>
    %swap3A_1888 = arith.constant 0 : index
    %swap3A_1889 = tpu.vector_load %arg16[%swap3A_1888] {strides = array<i32>} : memref<16xi32, #tpu.memory_space<vmem>>, vector<16xi32>,
    tpu.vector_store %arg16[%swap3A_1888], %broadcast_in_dim3A {strides = array<i32>} : memref<16xi32, #tpu.memory_space<vmem>>, vector<16xi32>,
    %run_scoped3A_1890 = arith.constant 0 : i32
    "tpu.region"() ({
      %run_scoped3A_1947 = tpu.sem_alloc : memref<!tpu.dma_semaphore, #tpu.memory_space<semaphore_mem>>
      %dma_start3A_1948 = arith.constant 0 : i32
      %dma_start3A_1949 = tpu.memref_slice %arg7[%run_scoped3A_1890, %add3A, %dma_start3A_1948] : memref<2x32x16xi32, #tpu.memory_space<hbm>> -> memref<1x1x16xi32, #tpu.memory_space<hbm>>
      %dma_start3A_1950 = tpu.memref_squeeze %dma_start3A_1949 : memref<1x1x16xi32, #tpu.memory_space<hbm>> -> memref<16xi32, #tpu.memory_space<hbm>>
      %dma_start3A_1951 = arith.constant 0 : i32
      %dma_start3A_1952 = tpu.memref_slice %arg7[%run_scoped3A_1890, %add3A, %dma_start3A_1951] : memref<2x32x16xi32, #tpu.memory_space<hbm>> -> memref<1x1x16xi32, #tpu.memory_space<hbm>>
      %dma_start3A_1953 = tpu.memref_squeeze %dma_start3A_1952 : memref<1x1x16xi32, #tpu.memory_space<hbm>> -> memref<16xi32, #tpu.memory_space<hbm>>
      tpu.enqueue_dma source(%arg16 : memref<16xi32, #tpu.memory_space<vmem>>) target(%dma_start3A_1953 : memref<16xi32, #tpu.memory_space<hbm>>) target_semaphore(%run_scoped3A_1947 : memref<!tpu.dma_semaphore, #tpu.memory_space<semaphore_mem>>)
      %dma_wait3A_1954 = arith.constant 0 : i32
      %dma_wait3A_1955 = tpu.memref_slice %arg7[%run_scoped3A_1890, %add3A, %dma_wait3A_1954] : memref<2x32x16xi32, #tpu.memory_space<hbm>> -> memref<1x1x16xi32, #tpu.memory_space<hbm>>
      %dma_wait3A_1956 = tpu.memref_squeeze %dma_wait3A_1955 : memref<1x1x16xi32, #tpu.memory_space<hbm>> -> memref<16xi32, #tpu.memory_space<hbm>>
      %dma_wait3A_1957 = arith.constant 0 : i32
      %dma_wait3A_1958 = tpu.memref_slice %arg7[%run_scoped3A_1890, %add3A, %dma_wait3A_1957] : memref<2x32x16xi32, #tpu.memory_space<hbm>> -> memref<1x1x16xi32, #tpu.memory_space<hbm>>
      %dma_wait3A_1959 = tpu.memref_squeeze %dma_wait3A_1958 : memref<1x1x16xi32, #tpu.memory_space<hbm>> -> memref<16xi32, #tpu.memory_space<hbm>>
      tpu.wait_dma2 semaphore(%run_scoped3A_1947 : memref<!tpu.dma_semaphore, #tpu.memory_space<semaphore_mem>>) src(%arg16 : memref<16xi32, #tpu.memory_space<vmem>>) dst(%dma_wait3A_1959 : memref<16xi32, #tpu.memory_space<hbm>>)
      tpu.yield
    }) : () -> ()
    %add3A_1891 = arith.constant 128 : i32
    %add3A_1892 = arith.addi %scan3A_34#1, %add3A_1891 : i32
    %sub3A_1893 = arith.constant 1 : i32
    %sub3A_1894 = arith.subi %add3A_1892, %sub3A_1893 : i32
    %jit3A_1895 = arith.constant 128 : i32
    %div3A_1896 = arith.divsi %sub3A_1894, %jit3A_1895 : i32
    %sign3A_1897 = arith.constant 0 : i32
    %sign3A_1898 = arith.cmpi sgt, %sub3A_1894, %sign3A_1897 : i32
    %sign3A_1899 = arith.extui %sign3A_1898 : i1 to i32
    %sign3A_1900 = arith.constant 0 : i32
    %sign3A_1901 = arith.cmpi slt, %sub3A_1894, %sign3A_1900 : i32
    %sign3A_1902 = arith.extui %sign3A_1901 : i1 to i32
    %sign3A_1903 = arith.subi %sign3A_1899, %sign3A_1902 : i32
    %sign3A_1904 = arith.constant 0 : i32
    %sign3A_1905 = arith.cmpi sgt, %jit3A_1895, %sign3A_1904 : i32
    %sign3A_1906 = arith.extui %sign3A_1905 : i1 to i32
    %sign3A_1907 = arith.constant 0 : i32
    %sign3A_1908 = arith.cmpi slt, %jit3A_1895, %sign3A_1907 : i32
    %sign3A_1909 = arith.extui %sign3A_1908 : i1 to i32
    %sign3A_1910 = arith.subi %sign3A_1906, %sign3A_1909 : i32
    %ne3A_1911 = arith.cmpi ne, %sign3A_1903, %sign3A_1910 : i32
    %rem3A_1912 = arith.remsi %sub3A_1894, %jit3A_1895 : i32
    %ne3A_1913 = arith.constant 0 : i32
    %ne3A_1914 = arith.cmpi ne, %rem3A_1912, %ne3A_1913 : i32
    %and3A_1915 = arith.andi %ne3A_1911, %ne3A_1914 : i1
    %sub3A_1916 = arith.constant 1 : i32
    %sub3A_1917 = arith.subi %div3A_1896, %sub3A_1916 : i32
    %select_n3A_1918 = arith.select %and3A_1915, %sub3A_1917, %div3A_1896 : i32
    %jit3A_1919 = arith.constant 2 : i32
    %eq3A_1920 = arith.constant 0 : i32
    %eq3A_1921 = arith.cmpi eq, %jit3A_1919, %eq3A_1920 : i32
    %jit3A_1922 = arith.constant 1 : i32
    %select_n3A_1923 = arith.select %eq3A_1921, %jit3A_1922, %jit3A_1919 : i32
    %rem3A_1924 = arith.remsi %select_n3A_1918, %select_n3A_1923 : i32
    %ne3A_1925 = arith.constant 0 : i32
    %ne3A_1926 = arith.cmpi ne, %rem3A_1924, %ne3A_1925 : i32
    %lt3A_1927 = arith.constant 0 : i32
    %lt3A_1928 = arith.cmpi slt, %rem3A_1924, %lt3A_1927 : i32
    %lt3A_1929 = arith.constant 0 : i32
    %lt3A_1930 = arith.cmpi slt, %select_n3A_1923, %lt3A_1929 : i32
    %ne3A_1931 = arith.xori %lt3A_1928, %lt3A_1930 : i1
    %and3A_1932 = arith.andi %ne3A_1931, %ne3A_1926 : i1
    %add3A_1933 = arith.addi %rem3A_1924, %select_n3A_1923 : i32
    %select_n3A_1934 = arith.select %and3A_1932, %add3A_1933, %rem3A_1924 : i32
    %add3A_1935 = arith.addi %select_n3A_1918, %select_n3A_1934 : i32
    %max3A_1936 = arith.constant 2 : i32
    %max3A_1937 = arith.maxsi %add3A_1935, %max3A_1936 : i32
    %broadcast_in_dim3A_1938 = vector.broadcast %max3A_1937 : i32 to vector<16xi32>
    %swap3A_1939 = arith.constant 0 : index
    %swap3A_1940 = tpu.vector_load %arg16[%swap3A_1939] {strides = array<i32>} : memref<16xi32, #tpu.memory_space<vmem>>, vector<16xi32>,
    tpu.vector_store %arg16[%swap3A_1939], %broadcast_in_dim3A_1938 {strides = array<i32>} : memref<16xi32, #tpu.memory_space<vmem>>, vector<16xi32>,
    %run_scoped3A_1941 = arith.constant 1 : i32
    "tpu.region"() ({
      %run_scoped3A_1947 = tpu.sem_alloc : memref<!tpu.dma_semaphore, #tpu.memory_space<semaphore_mem>>
      %dma_start3A_1948 = arith.constant 0 : i32
      %dma_start3A_1949 = tpu.memref_slice %arg7[%run_scoped3A_1941, %add3A, %dma_start3A_1948] : memref<2x32x16xi32, #tpu.memory_space<hbm>> -> memref<1x1x16xi32, #tpu.memory_space<hbm>>
      %dma_start3A_1950 = tpu.memref_squeeze %dma_start3A_1949 : memref<1x1x16xi32, #tpu.memory_space<hbm>> -> memref<16xi32, #tpu.memory_space<hbm>>
      %dma_start3A_1951 = arith.constant 0 : i32
      %dma_start3A_1952 = tpu.memref_slice %arg7[%run_scoped3A_1941, %add3A, %dma_start3A_1951] : memref<2x32x16xi32, #tpu.memory_space<hbm>> -> memref<1x1x16xi32, #tpu.memory_space<hbm>>
      %dma_start3A_1953 = tpu.memref_squeeze %dma_start3A_1952 : memref<1x1x16xi32, #tpu.memory_space<hbm>> -> memref<16xi32, #tpu.memory_space<hbm>>
      tpu.enqueue_dma source(%arg16 : memref<16xi32, #tpu.memory_space<vmem>>) target(%dma_start3A_1953 : memref<16xi32, #tpu.memory_space<hbm>>) target_semaphore(%run_scoped3A_1947 : memref<!tpu.dma_semaphore, #tpu.memory_space<semaphore_mem>>)
      %dma_wait3A_1954 = arith.constant 0 : i32
      %dma_wait3A_1955 = tpu.memref_slice %arg7[%run_scoped3A_1941, %add3A, %dma_wait3A_1954] : memref<2x32x16xi32, #tpu.memory_space<hbm>> -> memref<1x1x16xi32, #tpu.memory_space<hbm>>
      %dma_wait3A_1956 = tpu.memref_squeeze %dma_wait3A_1955 : memref<1x1x16xi32, #tpu.memory_space<hbm>> -> memref<16xi32, #tpu.memory_space<hbm>>
      %dma_wait3A_1957 = arith.constant 0 : i32
      %dma_wait3A_1958 = tpu.memref_slice %arg7[%run_scoped3A_1941, %add3A, %dma_wait3A_1957] : memref<2x32x16xi32, #tpu.memory_space<hbm>> -> memref<1x1x16xi32, #tpu.memory_space<hbm>>
      %dma_wait3A_1959 = tpu.memref_squeeze %dma_wait3A_1958 : memref<1x1x16xi32, #tpu.memory_space<hbm>> -> memref<16xi32, #tpu.memory_space<hbm>>
      tpu.wait_dma2 semaphore(%run_scoped3A_1947 : memref<!tpu.dma_semaphore, #tpu.memory_space<semaphore_mem>>) src(%arg16 : memref<16xi32, #tpu.memory_space<vmem>>) dst(%dma_wait3A_1959 : memref<16xi32, #tpu.memory_space<hbm>>)
      tpu.yield
    }) : () -> ()
    %run_scoped3A_1942 = arith.constant 0 : i32
    "tpu.region"() ({
      %run_scoped3A_1947 = tpu.sem_alloc : memref<!tpu.dma_semaphore, #tpu.memory_space<semaphore_mem>>
      %dma_start3A_1948 = arith.constant 0 : i32
      %dma_start3A_1949 = tpu.memref_slice %arg5[%run_scoped3A_1942, %add3A, %dma_start3A_1948] : memref<2x32x10384xi32, #tpu.memory_space<hbm>> -> memref<1x1x10384xi32, #tpu.memory_space<hbm>>
      %dma_start3A_1950 = tpu.memref_squeeze %dma_start3A_1949 : memref<1x1x10384xi32, #tpu.memory_space<hbm>> -> memref<10384xi32, #tpu.memory_space<hbm>>
      %dma_start3A_1951 = arith.constant 0 : i32
      %dma_start3A_1952 = tpu.memref_slice %arg5[%run_scoped3A_1942, %add3A, %dma_start3A_1951] : memref<2x32x10384xi32, #tpu.memory_space<hbm>> -> memref<1x1x10384xi32, #tpu.memory_space<hbm>>
      %dma_start3A_1953 = tpu.memref_squeeze %dma_start3A_1952 : memref<1x1x10384xi32, #tpu.memory_space<hbm>> -> memref<10384xi32, #tpu.memory_space<hbm>>
      tpu.enqueue_dma source(%arg11 : memref<10384xi32, #tpu.memory_space<vmem>>) target(%dma_start3A_1953 : memref<10384xi32, #tpu.memory_space<hbm>>) target_semaphore(%run_scoped3A_1947 : memref<!tpu.dma_semaphore, #tpu.memory_space<semaphore_mem>>)
      %dma_wait3A_1954 = arith.constant 0 : i32
      %dma_wait3A_1955 = tpu.memref_slice %arg5[%run_scoped3A_1942, %add3A, %dma_wait3A_1954] : memref<2x32x10384xi32, #tpu.memory_space<hbm>> -> memref<1x1x10384xi32, #tpu.memory_space<hbm>>
      %dma_wait3A_1956 = tpu.memref_squeeze %dma_wait3A_1955 : memref<1x1x10384xi32, #tpu.memory_space<hbm>> -> memref<10384xi32, #tpu.memory_space<hbm>>
      %dma_wait3A_1957 = arith.constant 0 : i32
      %dma_wait3A_1958 = tpu.memref_slice %arg5[%run_scoped3A_1942, %add3A, %dma_wait3A_1957] : memref<2x32x10384xi32, #tpu.memory_space<hbm>> -> memref<1x1x10384xi32, #tpu.memory_space<hbm>>
      %dma_wait3A_1959 = tpu.memref_squeeze %dma_wait3A_1958 : memref<1x1x10384xi32, #tpu.memory_space<hbm>> -> memref<10384xi32, #tpu.memory_space<hbm>>
      tpu.wait_dma2 semaphore(%run_scoped3A_1947 : memref<!tpu.dma_semaphore, #tpu.memory_space<semaphore_mem>>) src(%arg11 : memref<10384xi32, #tpu.memory_space<vmem>>) dst(%dma_wait3A_1959 : memref<10384xi32, #tpu.memory_space<hbm>>)
      tpu.yield
    }) : () -> ()
    %run_scoped3A_1943 = arith.constant 0 : i32
    "tpu.region"() ({
      %run_scoped3A_1947 = tpu.sem_alloc : memref<!tpu.dma_semaphore, #tpu.memory_space<semaphore_mem>>
      %dma_start3A_1948 = arith.constant 0 : i32
      %dma_start3A_1949 = tpu.memref_slice %arg6[%run_scoped3A_1943, %add3A, %dma_start3A_1948] : memref<2x32x10384xi32, #tpu.memory_space<hbm>> -> memref<1x1x10384xi32, #tpu.memory_space<hbm>>
      %dma_start3A_1950 = tpu.memref_squeeze %dma_start3A_1949 : memref<1x1x10384xi32, #tpu.memory_space<hbm>> -> memref<10384xi32, #tpu.memory_space<hbm>>
      %dma_start3A_1951 = arith.constant 0 : i32
      %dma_start3A_1952 = tpu.memref_slice %arg6[%run_scoped3A_1943, %add3A, %dma_start3A_1951] : memref<2x32x10384xi32, #tpu.memory_space<hbm>> -> memref<1x1x10384xi32, #tpu.memory_space<hbm>>
      %dma_start3A_1953 = tpu.memref_squeeze %dma_start3A_1952 : memref<1x1x10384xi32, #tpu.memory_space<hbm>> -> memref<10384xi32, #tpu.memory_space<hbm>>
      tpu.enqueue_dma source(%arg12 : memref<10384xi32, #tpu.memory_space<vmem>>) target(%dma_start3A_1953 : memref<10384xi32, #tpu.memory_space<hbm>>) target_semaphore(%run_scoped3A_1947 : memref<!tpu.dma_semaphore, #tpu.memory_space<semaphore_mem>>)
      %dma_wait3A_1954 = arith.constant 0 : i32
      %dma_wait3A_1955 = tpu.memref_slice %arg6[%run_scoped3A_1943, %add3A, %dma_wait3A_1954] : memref<2x32x10384xi32, #tpu.memory_space<hbm>> -> memref<1x1x10384xi32, #tpu.memory_space<hbm>>
      %dma_wait3A_1956 = tpu.memref_squeeze %dma_wait3A_1955 : memref<1x1x10384xi32, #tpu.memory_space<hbm>> -> memref<10384xi32, #tpu.memory_space<hbm>>
      %dma_wait3A_1957 = arith.constant 0 : i32
      %dma_wait3A_1958 = tpu.memref_slice %arg6[%run_scoped3A_1943, %add3A, %dma_wait3A_1957] : memref<2x32x10384xi32, #tpu.memory_space<hbm>> -> memref<1x1x10384xi32, #tpu.memory_space<hbm>>
      %dma_wait3A_1959 = tpu.memref_squeeze %dma_wait3A_1958 : memref<1x1x10384xi32, #tpu.memory_space<hbm>> -> memref<10384xi32, #tpu.memory_space<hbm>>
      tpu.wait_dma2 semaphore(%run_scoped3A_1947 : memref<!tpu.dma_semaphore, #tpu.memory_space<semaphore_mem>>) src(%arg12 : memref<10384xi32, #tpu.memory_space<vmem>>) dst(%dma_wait3A_1959 : memref<10384xi32, #tpu.memory_space<hbm>>)
      tpu.yield
    }) : () -> ()
    %run_scoped3A_1944 = arith.constant 1 : i32
    "tpu.region"() ({
      %run_scoped3A_1947 = tpu.sem_alloc : memref<!tpu.dma_semaphore, #tpu.memory_space<semaphore_mem>>
      %dma_start3A_1948 = arith.constant 0 : i32
      %dma_start3A_1949 = tpu.memref_slice %arg5[%run_scoped3A_1944, %add3A, %dma_start3A_1948] : memref<2x32x10384xi32, #tpu.memory_space<hbm>> -> memref<1x1x10384xi32, #tpu.memory_space<hbm>>
      %dma_start3A_1950 = tpu.memref_squeeze %dma_start3A_1949 : memref<1x1x10384xi32, #tpu.memory_space<hbm>> -> memref<10384xi32, #tpu.memory_space<hbm>>
      %dma_start3A_1951 = arith.constant 0 : i32
      %dma_start3A_1952 = tpu.memref_slice %arg5[%run_scoped3A_1944, %add3A, %dma_start3A_1951] : memref<2x32x10384xi32, #tpu.memory_space<hbm>> -> memref<1x1x10384xi32, #tpu.memory_space<hbm>>
      %dma_start3A_1953 = tpu.memref_squeeze %dma_start3A_1952 : memref<1x1x10384xi32, #tpu.memory_space<hbm>> -> memref<10384xi32, #tpu.memory_space<hbm>>
      tpu.enqueue_dma source(%arg13 : memref<10384xi32, #tpu.memory_space<vmem>>) target(%dma_start3A_1953 : memref<10384xi32, #tpu.memory_space<hbm>>) target_semaphore(%run_scoped3A_1947 : memref<!tpu.dma_semaphore, #tpu.memory_space<semaphore_mem>>)
      %dma_wait3A_1954 = arith.constant 0 : i32
      %dma_wait3A_1955 = tpu.memref_slice %arg5[%run_scoped3A_1944, %add3A, %dma_wait3A_1954] : memref<2x32x10384xi32, #tpu.memory_space<hbm>> -> memref<1x1x10384xi32, #tpu.memory_space<hbm>>
      %dma_wait3A_1956 = tpu.memref_squeeze %dma_wait3A_1955 : memref<1x1x10384xi32, #tpu.memory_space<hbm>> -> memref<10384xi32, #tpu.memory_space<hbm>>
      %dma_wait3A_1957 = arith.constant 0 : i32
      %dma_wait3A_1958 = tpu.memref_slice %arg5[%run_scoped3A_1944, %add3A, %dma_wait3A_1957] : memref<2x32x10384xi32, #tpu.memory_space<hbm>> -> memref<1x1x10384xi32, #tpu.memory_space<hbm>>
      %dma_wait3A_1959 = tpu.memref_squeeze %dma_wait3A_1958 : memref<1x1x10384xi32, #tpu.memory_space<hbm>> -> memref<10384xi32, #tpu.memory_space<hbm>>
      tpu.wait_dma2 semaphore(%run_scoped3A_1947 : memref<!tpu.dma_semaphore, #tpu.memory_space<semaphore_mem>>) src(%arg13 : memref<10384xi32, #tpu.memory_space<vmem>>) dst(%dma_wait3A_1959 : memref<10384xi32, #tpu.memory_space<hbm>>)
      tpu.yield
    }) : () -> ()
    %run_scoped3A_1945 = arith.constant 1 : i32
    "tpu.region"() ({
      %run_scoped3A_1947 = tpu.sem_alloc : memref<!tpu.dma_semaphore, #tpu.memory_space<semaphore_mem>>
      %dma_start3A_1948 = arith.constant 0 : i32
      %dma_start3A_1949 = tpu.memref_slice %arg6[%run_scoped3A_1945, %add3A, %dma_start3A_1948] : memref<2x32x10384xi32, #tpu.memory_space<hbm>> -> memref<1x1x10384xi32, #tpu.memory_space<hbm>>
      %dma_start3A_1950 = tpu.memref_squeeze %dma_start3A_1949 : memref<1x1x10384xi32, #tpu.memory_space<hbm>> -> memref<10384xi32, #tpu.memory_space<hbm>>
      %dma_start3A_1951 = arith.constant 0 : i32
      %dma_start3A_1952 = tpu.memref_slice %arg6[%run_scoped3A_1945, %add3A, %dma_start3A_1951] : memref<2x32x10384xi32, #tpu.memory_space<hbm>> -> memref<1x1x10384xi32, #tpu.memory_space<hbm>>
      %dma_start3A_1953 = tpu.memref_squeeze %dma_start3A_1952 : memref<1x1x10384xi32, #tpu.memory_space<hbm>> -> memref<10384xi32, #tpu.memory_space<hbm>>
      tpu.enqueue_dma source(%arg14 : memref<10384xi32, #tpu.memory_space<vmem>>) target(%dma_start3A_1953 : memref<10384xi32, #tpu.memory_space<hbm>>) target_semaphore(%run_scoped3A_1947 : memref<!tpu.dma_semaphore, #tpu.memory_space<semaphore_mem>>)
      %dma_wait3A_1954 = arith.constant 0 : i32
      %dma_wait3A_1955 = tpu.memref_slice %arg6[%run_scoped3A_1945, %add3A, %dma_wait3A_1954] : memref<2x32x10384xi32, #tpu.memory_space<hbm>> -> memref<1x1x10384xi32, #tpu.memory_space<hbm>>
      %dma_wait3A_1956 = tpu.memref_squeeze %dma_wait3A_1955 : memref<1x1x10384xi32, #tpu.memory_space<hbm>> -> memref<10384xi32, #tpu.memory_space<hbm>>
      %dma_wait3A_1957 = arith.constant 0 : i32
      %dma_wait3A_1958 = tpu.memref_slice %arg6[%run_scoped3A_1945, %add3A, %dma_wait3A_1957] : memref<2x32x10384xi32, #tpu.memory_space<hbm>> -> memref<1x1x10384xi32, #tpu.memory_space<hbm>>
      %dma_wait3A_1959 = tpu.memref_squeeze %dma_wait3A_1958 : memref<1x1x10384xi32, #tpu.memory_space<hbm>> -> memref<10384xi32, #tpu.memory_space<hbm>>
      tpu.wait_dma2 semaphore(%run_scoped3A_1947 : memref<!tpu.dma_semaphore, #tpu.memory_space<semaphore_mem>>) src(%arg14 : memref<10384xi32, #tpu.memory_space<vmem>>) dst(%dma_wait3A_1959 : memref<10384xi32, #tpu.memory_space<hbm>>)
      tpu.yield
    }) : () -> ()
    %barrier3A_1946 = arith.constant 0 : index
    tpu.barrier barrier_id(%barrier3A_1946)
    "tpu.region"() ({
      %run_scoped3A_1947 = tpu.sem_alloc : memref<!tpu.dma_semaphore, #tpu.memory_space<semaphore_mem>>
      %dma_start3A_1948 = arith.constant 0 : i32
      %dma_start3A_1949 = tpu.memref_slice %arg8[%arg0, %mul3A_5, %dma_start3A_1948] : memref<2x10240x16xf32, #tpu.memory_space<hbm>> -> memref<1x640x16xf32, #tpu.memory_space<hbm>>
      %dma_start3A_1950 = tpu.memref_squeeze %dma_start3A_1949 : memref<1x640x16xf32, #tpu.memory_space<hbm>> -> memref<640x16xf32, #tpu.memory_space<hbm>>
      %dma_start3A_1951 = arith.constant 0 : i32
      %dma_start3A_1952 = tpu.memref_slice %arg17[%mul3A_5, %dma_start3A_1951] : memref<10240x16xf32, #tpu.memory_space<vmem_shared>> -> memref<640x16xf32, #tpu.memory_space<vmem_shared>>
      tpu.enqueue_dma source(%dma_start3A_1952 : memref<640x16xf32, #tpu.memory_space<vmem_shared>>) target(%dma_start3A_1950 : memref<640x16xf32, #tpu.memory_space<hbm>>) target_semaphore(%run_scoped3A_1947 : memref<!tpu.dma_semaphore, #tpu.memory_space<semaphore_mem>>)
      %dma_wait3A_1953 = arith.constant 0 : i32
      %dma_wait3A_1954 = tpu.memref_slice %arg8[%arg0, %mul3A_5, %dma_wait3A_1953] : memref<2x10240x16xf32, #tpu.memory_space<hbm>> -> memref<1x640x16xf32, #tpu.memory_space<hbm>>
      %dma_wait3A_1955 = tpu.memref_squeeze %dma_wait3A_1954 : memref<1x640x16xf32, #tpu.memory_space<hbm>> -> memref<640x16xf32, #tpu.memory_space<hbm>>
      %dma_wait3A_1956 = arith.constant 0 : i32
      %dma_wait3A_1957 = tpu.memref_slice %arg17[%mul3A_5, %dma_wait3A_1956] : memref<10240x16xf32, #tpu.memory_space<vmem_shared>> -> memref<640x16xf32, #tpu.memory_space<vmem_shared>>
      tpu.wait_dma2 semaphore(%run_scoped3A_1947 : memref<!tpu.dma_semaphore, #tpu.memory_space<semaphore_mem>>) src(%dma_wait3A_1957 : memref<640x16xf32, #tpu.memory_space<vmem_shared>>) dst(%dma_wait3A_1955 : memref<640x16xf32, #tpu.memory_space<hbm>>)
      tpu.yield
    }) : () -> ()
    return
  }
}

#map = affine_map<(d0, d1) -> (0, 0)>
#map1 = affine_map<(d0, d1) -> (0, 0, 0)>
module attributes {stable_mosaic.version = 14 : i64} {
  func.func @_step_body(%arg0: i32, %arg1: i32, %arg2: memref<10240x128xf32, #tpu.memory_space<hbm>>, %arg3: memref<2x32x10384xi32, #tpu.memory_space<hbm>>, %arg4: memref<2x32x10384xi32, #tpu.memory_space<hbm>>, %arg5: memref<2x32x16xi32, #tpu.memory_space<hbm>>, %arg6: memref<10240x16xf32, #tpu.memory_space<hbm>>, %arg7: memref<10240x128xf32, #tpu.memory_space<hbm>>, %arg8: memref<10384xi32, #tpu.memory_space<vmem>>, %arg9: memref<10384xi32, #tpu.memory_space<vmem>>, %arg10: memref<10384xi32, #tpu.memory_space<vmem>>, %arg11: memref<10384xi32, #tpu.memory_space<vmem>>, %arg12: memref<16xi32, #tpu.memory_space<vmem>>, %arg13: memref<16xi32, #tpu.memory_space<vmem>>, %arg14: memref<320x16xf32, #tpu.memory_space<vmem>>, %arg15: memref<128x128xf32, #tpu.memory_space<vmem>>, %arg16: memref<128x128xf32, #tpu.memory_space<vmem>>, %arg17: memref<5120x128xf32, #tpu.memory_space<vmem_shared>>, %arg18: memref<!tpu.dma_semaphore, #tpu.memory_space<semaphore_mem>>, %arg19: memref<!tpu.dma_semaphore, #tpu.memory_space<semaphore_mem>>) attributes {dimension_semantics = [#tpu.dimension_semantics<core_parallel>, #tpu.dimension_semantics<subcore_parallel>], iteration_bounds = array<i64: 2, 16>, scalar_prefetch = 0 : i64, scratch_operands = 12 : i64, tpu.core_type = #tpu.core_type<sc_vector_subcore>, window_params = [{transform_indices = #map}, {transform_indices = #map1}, {transform_indices = #map1}, {transform_indices = #map1}, {transform_indices = #map}, {transform_indices = #map}]} {
    %mul3A = arith.constant 5120 : i32
    %mul3A_0 = arith.muli %arg0, %mul3A : i32
    %mul3A_1 = arith.constant 320 : i32
    %mul3A_2 = arith.muli %arg1, %mul3A_1 : i32
    %mul3A_3 = arith.constant 320 : i32
    %mul3A_4 = arith.muli %arg1, %mul3A_3 : i32
    %add3A = arith.addi %mul3A_0, %mul3A_4 : i32
    "tpu.region"() ({
      %run_scoped3A = tpu.sem_alloc : memref<!tpu.dma_semaphore, #tpu.memory_space<semaphore_mem>>
      %dma_start3A_188 = arith.constant 0 : i32
      %dma_start3A_189 = tpu.memref_slice %arg17[%mul3A_2, %dma_start3A_188] : memref<5120x128xf32, #tpu.memory_space<vmem_shared>> -> memref<320x128xf32, #tpu.memory_space<vmem_shared>>
      %dma_start3A_190 = arith.constant 0 : i32
      %dma_start3A_191 = tpu.memref_slice %arg2[%add3A, %dma_start3A_190] : memref<10240x128xf32, #tpu.memory_space<hbm>> -> memref<320x128xf32, #tpu.memory_space<hbm>>
      tpu.enqueue_dma source(%dma_start3A_191 : memref<320x128xf32, #tpu.memory_space<hbm>>) target(%dma_start3A_189 : memref<320x128xf32, #tpu.memory_space<vmem_shared>>) target_semaphore(%run_scoped3A : memref<!tpu.dma_semaphore, #tpu.memory_space<semaphore_mem>>)
      %dma_wait3A_192 = arith.constant 0 : i32
      %dma_wait3A_193 = tpu.memref_slice %arg17[%mul3A_2, %dma_wait3A_192] : memref<5120x128xf32, #tpu.memory_space<vmem_shared>> -> memref<320x128xf32, #tpu.memory_space<vmem_shared>>
      %dma_wait3A_194 = arith.constant 0 : i32
      %dma_wait3A_195 = tpu.memref_slice %arg2[%add3A, %dma_wait3A_194] : memref<10240x128xf32, #tpu.memory_space<hbm>> -> memref<320x128xf32, #tpu.memory_space<hbm>>
      tpu.wait_dma2 semaphore(%run_scoped3A : memref<!tpu.dma_semaphore, #tpu.memory_space<semaphore_mem>>) src(%dma_wait3A_195 : memref<320x128xf32, #tpu.memory_space<hbm>>) dst(%dma_wait3A_193 : memref<320x128xf32, #tpu.memory_space<vmem_shared>>)
      tpu.yield
    }) : () -> ()
    %add3A_5 = arith.constant 16 : i32
    %add3A_6 = arith.addi %add3A_5, %arg1 : i32
    "tpu.region"() ({
      %run_scoped3A = tpu.sem_alloc : memref<!tpu.dma_semaphore, #tpu.memory_space<semaphore_mem>>
      %dma_start3A_188 = arith.constant 0 : i32
      %dma_start3A_189 = tpu.memref_slice %arg3[%arg0, %arg1, %dma_start3A_188] : memref<2x32x10384xi32, #tpu.memory_space<hbm>> -> memref<1x1x10384xi32, #tpu.memory_space<hbm>>
      %dma_start3A_190 = tpu.memref_squeeze %dma_start3A_189 : memref<1x1x10384xi32, #tpu.memory_space<hbm>> -> memref<10384xi32, #tpu.memory_space<hbm>>
      %dma_start3A_191 = arith.constant 0 : i32
      %dma_start3A_192 = tpu.memref_slice %arg3[%arg0, %arg1, %dma_start3A_191] : memref<2x32x10384xi32, #tpu.memory_space<hbm>> -> memref<1x1x10384xi32, #tpu.memory_space<hbm>>
      %dma_start3A_193 = tpu.memref_squeeze %dma_start3A_192 : memref<1x1x10384xi32, #tpu.memory_space<hbm>> -> memref<10384xi32, #tpu.memory_space<hbm>>
      tpu.enqueue_dma source(%dma_start3A_193 : memref<10384xi32, #tpu.memory_space<hbm>>) target(%arg8 : memref<10384xi32, #tpu.memory_space<vmem>>) target_semaphore(%run_scoped3A : memref<!tpu.dma_semaphore, #tpu.memory_space<semaphore_mem>>)
      %dma_wait3A_194 = arith.constant 0 : i32
      %dma_wait3A_195 = tpu.memref_slice %arg3[%arg0, %arg1, %dma_wait3A_194] : memref<2x32x10384xi32, #tpu.memory_space<hbm>> -> memref<1x1x10384xi32, #tpu.memory_space<hbm>>
      %dma_wait3A_196 = tpu.memref_squeeze %dma_wait3A_195 : memref<1x1x10384xi32, #tpu.memory_space<hbm>> -> memref<10384xi32, #tpu.memory_space<hbm>>
      %dma_wait3A_197 = arith.constant 0 : i32
      %dma_wait3A_198 = tpu.memref_slice %arg3[%arg0, %arg1, %dma_wait3A_197] : memref<2x32x10384xi32, #tpu.memory_space<hbm>> -> memref<1x1x10384xi32, #tpu.memory_space<hbm>>
      %dma_wait3A_199 = tpu.memref_squeeze %dma_wait3A_198 : memref<1x1x10384xi32, #tpu.memory_space<hbm>> -> memref<10384xi32, #tpu.memory_space<hbm>>
      tpu.wait_dma2 semaphore(%run_scoped3A : memref<!tpu.dma_semaphore, #tpu.memory_space<semaphore_mem>>) src(%dma_wait3A_199 : memref<10384xi32, #tpu.memory_space<hbm>>) dst(%arg8 : memref<10384xi32, #tpu.memory_space<vmem>>)
      tpu.yield
    }) : () -> ()
    "tpu.region"() ({
      %run_scoped3A = tpu.sem_alloc : memref<!tpu.dma_semaphore, #tpu.memory_space<semaphore_mem>>
      %dma_start3A_188 = arith.constant 0 : i32
      %dma_start3A_189 = tpu.memref_slice %arg4[%arg0, %arg1, %dma_start3A_188] : memref<2x32x10384xi32, #tpu.memory_space<hbm>> -> memref<1x1x10384xi32, #tpu.memory_space<hbm>>
      %dma_start3A_190 = tpu.memref_squeeze %dma_start3A_189 : memref<1x1x10384xi32, #tpu.memory_space<hbm>> -> memref<10384xi32, #tpu.memory_space<hbm>>
      %dma_start3A_191 = arith.constant 0 : i32
      %dma_start3A_192 = tpu.memref_slice %arg4[%arg0, %arg1, %dma_start3A_191] : memref<2x32x10384xi32, #tpu.memory_space<hbm>> -> memref<1x1x10384xi32, #tpu.memory_space<hbm>>
      %dma_start3A_193 = tpu.memref_squeeze %dma_start3A_192 : memref<1x1x10384xi32, #tpu.memory_space<hbm>> -> memref<10384xi32, #tpu.memory_space<hbm>>
      tpu.enqueue_dma source(%dma_start3A_193 : memref<10384xi32, #tpu.memory_space<hbm>>) target(%arg9 : memref<10384xi32, #tpu.memory_space<vmem>>) target_semaphore(%run_scoped3A : memref<!tpu.dma_semaphore, #tpu.memory_space<semaphore_mem>>)
      %dma_wait3A_194 = arith.constant 0 : i32
      %dma_wait3A_195 = tpu.memref_slice %arg4[%arg0, %arg1, %dma_wait3A_194] : memref<2x32x10384xi32, #tpu.memory_space<hbm>> -> memref<1x1x10384xi32, #tpu.memory_space<hbm>>
      %dma_wait3A_196 = tpu.memref_squeeze %dma_wait3A_195 : memref<1x1x10384xi32, #tpu.memory_space<hbm>> -> memref<10384xi32, #tpu.memory_space<hbm>>
      %dma_wait3A_197 = arith.constant 0 : i32
      %dma_wait3A_198 = tpu.memref_slice %arg4[%arg0, %arg1, %dma_wait3A_197] : memref<2x32x10384xi32, #tpu.memory_space<hbm>> -> memref<1x1x10384xi32, #tpu.memory_space<hbm>>
      %dma_wait3A_199 = tpu.memref_squeeze %dma_wait3A_198 : memref<1x1x10384xi32, #tpu.memory_space<hbm>> -> memref<10384xi32, #tpu.memory_space<hbm>>
      tpu.wait_dma2 semaphore(%run_scoped3A : memref<!tpu.dma_semaphore, #tpu.memory_space<semaphore_mem>>) src(%dma_wait3A_199 : memref<10384xi32, #tpu.memory_space<hbm>>) dst(%arg9 : memref<10384xi32, #tpu.memory_space<vmem>>)
      tpu.yield
    }) : () -> ()
    "tpu.region"() ({
      %run_scoped3A = tpu.sem_alloc : memref<!tpu.dma_semaphore, #tpu.memory_space<semaphore_mem>>
      %dma_start3A_188 = arith.constant 0 : i32
      %dma_start3A_189 = tpu.memref_slice %arg3[%arg0, %add3A_6, %dma_start3A_188] : memref<2x32x10384xi32, #tpu.memory_space<hbm>> -> memref<1x1x10384xi32, #tpu.memory_space<hbm>>
      %dma_start3A_190 = tpu.memref_squeeze %dma_start3A_189 : memref<1x1x10384xi32, #tpu.memory_space<hbm>> -> memref<10384xi32, #tpu.memory_space<hbm>>
      %dma_start3A_191 = arith.constant 0 : i32
      %dma_start3A_192 = tpu.memref_slice %arg3[%arg0, %add3A_6, %dma_start3A_191] : memref<2x32x10384xi32, #tpu.memory_space<hbm>> -> memref<1x1x10384xi32, #tpu.memory_space<hbm>>
      %dma_start3A_193 = tpu.memref_squeeze %dma_start3A_192 : memref<1x1x10384xi32, #tpu.memory_space<hbm>> -> memref<10384xi32, #tpu.memory_space<hbm>>
      tpu.enqueue_dma source(%dma_start3A_193 : memref<10384xi32, #tpu.memory_space<hbm>>) target(%arg10 : memref<10384xi32, #tpu.memory_space<vmem>>) target_semaphore(%run_scoped3A : memref<!tpu.dma_semaphore, #tpu.memory_space<semaphore_mem>>)
      %dma_wait3A_194 = arith.constant 0 : i32
      %dma_wait3A_195 = tpu.memref_slice %arg3[%arg0, %add3A_6, %dma_wait3A_194] : memref<2x32x10384xi32, #tpu.memory_space<hbm>> -> memref<1x1x10384xi32, #tpu.memory_space<hbm>>
      %dma_wait3A_196 = tpu.memref_squeeze %dma_wait3A_195 : memref<1x1x10384xi32, #tpu.memory_space<hbm>> -> memref<10384xi32, #tpu.memory_space<hbm>>
      %dma_wait3A_197 = arith.constant 0 : i32
      %dma_wait3A_198 = tpu.memref_slice %arg3[%arg0, %add3A_6, %dma_wait3A_197] : memref<2x32x10384xi32, #tpu.memory_space<hbm>> -> memref<1x1x10384xi32, #tpu.memory_space<hbm>>
      %dma_wait3A_199 = tpu.memref_squeeze %dma_wait3A_198 : memref<1x1x10384xi32, #tpu.memory_space<hbm>> -> memref<10384xi32, #tpu.memory_space<hbm>>
      tpu.wait_dma2 semaphore(%run_scoped3A : memref<!tpu.dma_semaphore, #tpu.memory_space<semaphore_mem>>) src(%dma_wait3A_199 : memref<10384xi32, #tpu.memory_space<hbm>>) dst(%arg10 : memref<10384xi32, #tpu.memory_space<vmem>>)
      tpu.yield
    }) : () -> ()
    "tpu.region"() ({
      %run_scoped3A = tpu.sem_alloc : memref<!tpu.dma_semaphore, #tpu.memory_space<semaphore_mem>>
      %dma_start3A_188 = arith.constant 0 : i32
      %dma_start3A_189 = tpu.memref_slice %arg4[%arg0, %add3A_6, %dma_start3A_188] : memref<2x32x10384xi32, #tpu.memory_space<hbm>> -> memref<1x1x10384xi32, #tpu.memory_space<hbm>>
      %dma_start3A_190 = tpu.memref_squeeze %dma_start3A_189 : memref<1x1x10384xi32, #tpu.memory_space<hbm>> -> memref<10384xi32, #tpu.memory_space<hbm>>
      %dma_start3A_191 = arith.constant 0 : i32
      %dma_start3A_192 = tpu.memref_slice %arg4[%arg0, %add3A_6, %dma_start3A_191] : memref<2x32x10384xi32, #tpu.memory_space<hbm>> -> memref<1x1x10384xi32, #tpu.memory_space<hbm>>
      %dma_start3A_193 = tpu.memref_squeeze %dma_start3A_192 : memref<1x1x10384xi32, #tpu.memory_space<hbm>> -> memref<10384xi32, #tpu.memory_space<hbm>>
      tpu.enqueue_dma source(%dma_start3A_193 : memref<10384xi32, #tpu.memory_space<hbm>>) target(%arg11 : memref<10384xi32, #tpu.memory_space<vmem>>) target_semaphore(%run_scoped3A : memref<!tpu.dma_semaphore, #tpu.memory_space<semaphore_mem>>)
      %dma_wait3A_194 = arith.constant 0 : i32
      %dma_wait3A_195 = tpu.memref_slice %arg4[%arg0, %add3A_6, %dma_wait3A_194] : memref<2x32x10384xi32, #tpu.memory_space<hbm>> -> memref<1x1x10384xi32, #tpu.memory_space<hbm>>
      %dma_wait3A_196 = tpu.memref_squeeze %dma_wait3A_195 : memref<1x1x10384xi32, #tpu.memory_space<hbm>> -> memref<10384xi32, #tpu.memory_space<hbm>>
      %dma_wait3A_197 = arith.constant 0 : i32
      %dma_wait3A_198 = tpu.memref_slice %arg4[%arg0, %add3A_6, %dma_wait3A_197] : memref<2x32x10384xi32, #tpu.memory_space<hbm>> -> memref<1x1x10384xi32, #tpu.memory_space<hbm>>
      %dma_wait3A_199 = tpu.memref_squeeze %dma_wait3A_198 : memref<1x1x10384xi32, #tpu.memory_space<hbm>> -> memref<10384xi32, #tpu.memory_space<hbm>>
      tpu.wait_dma2 semaphore(%run_scoped3A : memref<!tpu.dma_semaphore, #tpu.memory_space<semaphore_mem>>) src(%dma_wait3A_199 : memref<10384xi32, #tpu.memory_space<hbm>>) dst(%arg11 : memref<10384xi32, #tpu.memory_space<vmem>>)
      tpu.yield
    }) : () -> ()
    "tpu.region"() ({
      %run_scoped3A = tpu.sem_alloc : memref<!tpu.dma_semaphore, #tpu.memory_space<semaphore_mem>>
      %dma_start3A_188 = arith.constant 0 : i32
      %dma_start3A_189 = tpu.memref_slice %arg5[%arg0, %arg1, %dma_start3A_188] : memref<2x32x16xi32, #tpu.memory_space<hbm>> -> memref<1x1x16xi32, #tpu.memory_space<hbm>>
      %dma_start3A_190 = tpu.memref_squeeze %dma_start3A_189 : memref<1x1x16xi32, #tpu.memory_space<hbm>> -> memref<16xi32, #tpu.memory_space<hbm>>
      %dma_start3A_191 = arith.constant 0 : i32
      %dma_start3A_192 = tpu.memref_slice %arg5[%arg0, %arg1, %dma_start3A_191] : memref<2x32x16xi32, #tpu.memory_space<hbm>> -> memref<1x1x16xi32, #tpu.memory_space<hbm>>
      %dma_start3A_193 = tpu.memref_squeeze %dma_start3A_192 : memref<1x1x16xi32, #tpu.memory_space<hbm>> -> memref<16xi32, #tpu.memory_space<hbm>>
      tpu.enqueue_dma source(%dma_start3A_193 : memref<16xi32, #tpu.memory_space<hbm>>) target(%arg12 : memref<16xi32, #tpu.memory_space<vmem>>) target_semaphore(%run_scoped3A : memref<!tpu.dma_semaphore, #tpu.memory_space<semaphore_mem>>)
      %dma_wait3A_194 = arith.constant 0 : i32
      %dma_wait3A_195 = tpu.memref_slice %arg5[%arg0, %arg1, %dma_wait3A_194] : memref<2x32x16xi32, #tpu.memory_space<hbm>> -> memref<1x1x16xi32, #tpu.memory_space<hbm>>
      %dma_wait3A_196 = tpu.memref_squeeze %dma_wait3A_195 : memref<1x1x16xi32, #tpu.memory_space<hbm>> -> memref<16xi32, #tpu.memory_space<hbm>>
      %dma_wait3A_197 = arith.constant 0 : i32
      %dma_wait3A_198 = tpu.memref_slice %arg5[%arg0, %arg1, %dma_wait3A_197] : memref<2x32x16xi32, #tpu.memory_space<hbm>> -> memref<1x1x16xi32, #tpu.memory_space<hbm>>
      %dma_wait3A_199 = tpu.memref_squeeze %dma_wait3A_198 : memref<1x1x16xi32, #tpu.memory_space<hbm>> -> memref<16xi32, #tpu.memory_space<hbm>>
      tpu.wait_dma2 semaphore(%run_scoped3A : memref<!tpu.dma_semaphore, #tpu.memory_space<semaphore_mem>>) src(%dma_wait3A_199 : memref<16xi32, #tpu.memory_space<hbm>>) dst(%arg12 : memref<16xi32, #tpu.memory_space<vmem>>)
      tpu.yield
    }) : () -> ()
    "tpu.region"() ({
      %run_scoped3A = tpu.sem_alloc : memref<!tpu.dma_semaphore, #tpu.memory_space<semaphore_mem>>
      %dma_start3A_188 = arith.constant 0 : i32
      %dma_start3A_189 = tpu.memref_slice %arg5[%arg0, %add3A_6, %dma_start3A_188] : memref<2x32x16xi32, #tpu.memory_space<hbm>> -> memref<1x1x16xi32, #tpu.memory_space<hbm>>
      %dma_start3A_190 = tpu.memref_squeeze %dma_start3A_189 : memref<1x1x16xi32, #tpu.memory_space<hbm>> -> memref<16xi32, #tpu.memory_space<hbm>>
      %dma_start3A_191 = arith.constant 0 : i32
      %dma_start3A_192 = tpu.memref_slice %arg5[%arg0, %add3A_6, %dma_start3A_191] : memref<2x32x16xi32, #tpu.memory_space<hbm>> -> memref<1x1x16xi32, #tpu.memory_space<hbm>>
      %dma_start3A_193 = tpu.memref_squeeze %dma_start3A_192 : memref<1x1x16xi32, #tpu.memory_space<hbm>> -> memref<16xi32, #tpu.memory_space<hbm>>
      tpu.enqueue_dma source(%dma_start3A_193 : memref<16xi32, #tpu.memory_space<hbm>>) target(%arg13 : memref<16xi32, #tpu.memory_space<vmem>>) target_semaphore(%run_scoped3A : memref<!tpu.dma_semaphore, #tpu.memory_space<semaphore_mem>>)
      %dma_wait3A_194 = arith.constant 0 : i32
      %dma_wait3A_195 = tpu.memref_slice %arg5[%arg0, %add3A_6, %dma_wait3A_194] : memref<2x32x16xi32, #tpu.memory_space<hbm>> -> memref<1x1x16xi32, #tpu.memory_space<hbm>>
      %dma_wait3A_196 = tpu.memref_squeeze %dma_wait3A_195 : memref<1x1x16xi32, #tpu.memory_space<hbm>> -> memref<16xi32, #tpu.memory_space<hbm>>
      %dma_wait3A_197 = arith.constant 0 : i32
      %dma_wait3A_198 = tpu.memref_slice %arg5[%arg0, %add3A_6, %dma_wait3A_197] : memref<2x32x16xi32, #tpu.memory_space<hbm>> -> memref<1x1x16xi32, #tpu.memory_space<hbm>>
      %dma_wait3A_199 = tpu.memref_squeeze %dma_wait3A_198 : memref<1x1x16xi32, #tpu.memory_space<hbm>> -> memref<16xi32, #tpu.memory_space<hbm>>
      tpu.wait_dma2 semaphore(%run_scoped3A : memref<!tpu.dma_semaphore, #tpu.memory_space<semaphore_mem>>) src(%dma_wait3A_199 : memref<16xi32, #tpu.memory_space<hbm>>) dst(%arg13 : memref<16xi32, #tpu.memory_space<vmem>>)
      tpu.yield
    }) : () -> ()
    %barrier3A = arith.constant 0 : index
    tpu.barrier barrier_id(%barrier3A)
    %get3A = arith.constant 0 : index
    %get3A_7 = tpu.vector_load %arg12[%get3A] {strides = array<i32>} : memref<16xi32, #tpu.memory_space<vmem>>, vector<16xi32>,
    %get3A_8 = vector.shape_cast %get3A_7 : vector<16xi32> to vector<16xi32>
    %slice3A = vector.extract_strided_slice %get3A_8 {offsets = [0], sizes = [1], strides = [1]} : vector<16xi32> to vector<1xi32>
    %squeeze3A = vector.extract %slice3A[0] : i32 from vector<1xi32>
    %dma_start3A = arith.constant 0 : i32
    %dma_start3A_9 = tpu.memref_slice %arg9[%dma_start3A] : memref<10384xi32, #tpu.memory_space<vmem>> -> memref<128xi32, #tpu.memory_space<vmem>>
    %dma_start3A_10 = arith.constant 0 : i32
    %dma_start3A_11 = arith.constant 0 : i32
    %dma_start3A_12 = tpu.memref_slice %arg2[%dma_start3A_10, %dma_start3A_11] : memref<10240x128xf32, #tpu.memory_space<hbm>> -> memref<10240x128xf32, #tpu.memory_space<hbm>>
    tpu.enqueue_indirect_dma source(%dma_start3A_12 : memref<10240x128xf32, #tpu.memory_space<hbm>>) target(%arg15 : memref<128x128xf32, #tpu.memory_space<vmem>>) offsets(%dma_start3A_9 : memref<128xi32, #tpu.memory_space<vmem>>) semaphore(%arg18 : memref<!tpu.dma_semaphore, #tpu.memory_space<semaphore_mem>>)
    %dma_start3A_13 = arith.constant 128 : i32
    %dma_start3A_14 = tpu.memref_slice %arg9[%dma_start3A_13] : memref<10384xi32, #tpu.memory_space<vmem>> -> memref<128xi32, #tpu.memory_space<vmem>>
    %dma_start3A_15 = arith.constant 0 : i32
    %dma_start3A_16 = arith.constant 0 : i32
    %dma_start3A_17 = tpu.memref_slice %arg2[%dma_start3A_15, %dma_start3A_16] : memref<10240x128xf32, #tpu.memory_space<hbm>> -> memref<10240x128xf32, #tpu.memory_space<hbm>>
    tpu.enqueue_indirect_dma source(%dma_start3A_17 : memref<10240x128xf32, #tpu.memory_space<hbm>>) target(%arg16 : memref<128x128xf32, #tpu.memory_space<vmem>>) offsets(%dma_start3A_14 : memref<128xi32, #tpu.memory_space<vmem>>) semaphore(%arg19 : memref<!tpu.dma_semaphore, #tpu.memory_space<semaphore_mem>>)
    %jit3A = arith.constant 2 : i32
    %div3A = arith.divsi %squeeze3A, %jit3A : i32
    %sign3A = arith.constant 0 : i32
    %sign3A_18 = arith.cmpi sgt, %squeeze3A, %sign3A : i32
    %sign3A_19 = arith.extui %sign3A_18 : i1 to i32
    %sign3A_20 = arith.constant 0 : i32
    %sign3A_21 = arith.cmpi slt, %squeeze3A, %sign3A_20 : i32
    %sign3A_22 = arith.extui %sign3A_21 : i1 to i32
    %sign3A_23 = arith.subi %sign3A_19, %sign3A_22 : i32
    %sign3A_24 = arith.constant 0 : i32
    %sign3A_25 = arith.cmpi sgt, %jit3A, %sign3A_24 : i32
    %sign3A_26 = arith.extui %sign3A_25 : i1 to i32
    %sign3A_27 = arith.constant 0 : i32
    %sign3A_28 = arith.cmpi slt, %jit3A, %sign3A_27 : i32
    %sign3A_29 = arith.extui %sign3A_28 : i1 to i32
    %sign3A_30 = arith.subi %sign3A_26, %sign3A_29 : i32
    %ne3A = arith.cmpi ne, %sign3A_23, %sign3A_30 : i32
    %rem3A = arith.remsi %squeeze3A, %jit3A : i32
    %ne3A_31 = arith.constant 0 : i32
    %ne3A_32 = arith.cmpi ne, %rem3A, %ne3A_31 : i32
    %and3A = arith.andi %ne3A, %ne3A_32 : i1
    %sub3A = arith.constant 1 : i32
    %sub3A_33 = arith.subi %div3A, %sub3A : i32
    %select_n3A = arith.select %and3A, %sub3A_33, %div3A : i32
    %sub3A_34 = arith.constant 1 : i32
    %sub3A_35 = arith.subi %select_n3A, %sub3A_34 : i32
    %while3A = arith.constant 0 : i32
    %while3A_36 = arith.constant 0 : i32
    %while3A_37 = arith.subi %sub3A_35, %while3A_36 : i32
    %while3A_38 = arith.addi %while3A_36, %while3A_37 : i32
    %while3A_39 = arith.constant 1 : i32
    %while3A_40 = arith.divsi %while3A_37, %while3A_39 : i32
    %while3A_41 = arith.muli %while3A_40, %while3A_39 : i32
    %while3A_42 = arith.addi %while3A_36, %while3A_41 : i32
    %while3A_43 = arith.constant 1 : i32
    scf.for %while3A_188 = %while3A_36 to %while3A_42 step %while3A_43  : i32 {
      %mul3A_189 = arith.constant 2 : i32
      %mul3A_190 = arith.muli %while3A_188, %mul3A_189 : i32
      %mul3A_191 = arith.constant 128 : i32
      %mul3A_192 = arith.muli %mul3A_190, %mul3A_191 : i32
      %dma_wait3A_193 = tpu.memref_slice %arg9[%mul3A_192] : memref<10384xi32, #tpu.memory_space<vmem>> -> memref<128xi32, #tpu.memory_space<vmem>>
      %dma_wait3A_194 = arith.constant 0 : i32
      %dma_wait3A_195 = arith.constant 0 : i32
      %dma_wait3A_196 = tpu.memref_slice %arg2[%dma_wait3A_194, %dma_wait3A_195] : memref<10240x128xf32, #tpu.memory_space<hbm>> -> memref<10240x128xf32, #tpu.memory_space<hbm>>
      tpu.wait_indirect_dma semaphore(%arg18 : memref<!tpu.dma_semaphore, #tpu.memory_space<semaphore_mem>>) src(%dma_wait3A_196 : memref<10240x128xf32, #tpu.memory_space<hbm>>) dst(%arg15 : memref<128x128xf32, #tpu.memory_space<vmem>>)
      %mul3A_197 = arith.constant 128 : i32
      %mul3A_198 = arith.muli %mul3A_190, %mul3A_197 : i32
      "tpu.region"() ({
        %run_scoped3A = tpu.sem_alloc : memref<!tpu.dma_semaphore, #tpu.memory_space<semaphore_mem>>
        %dma_start3A_227 = tpu.memref_slice %arg8[%mul3A_198] : memref<10384xi32, #tpu.memory_space<vmem>> -> memref<128xi32, #tpu.memory_space<vmem>>
        %dma_start3A_228 = arith.constant 0 : i32
        %dma_start3A_229 = arith.constant 0 : i32
        %dma_start3A_230 = tpu.memref_slice %arg17[%dma_start3A_228, %dma_start3A_229] : memref<5120x128xf32, #tpu.memory_space<vmem_shared>> -> memref<5120x128xf32, #tpu.memory_space<vmem_shared>>
        tpu.enqueue_indirect_dma source(%arg15 : memref<128x128xf32, #tpu.memory_space<vmem>>) target(%dma_start3A_230 : memref<5120x128xf32, #tpu.memory_space<vmem_shared>>) offsets(%dma_start3A_227 : memref<128xi32, #tpu.memory_space<vmem>>) semaphore(%run_scoped3A : memref<!tpu.dma_semaphore, #tpu.memory_space<semaphore_mem>>) {add = true}
        %dma_wait3A_231 = tpu.memref_slice %arg8[%mul3A_198] : memref<10384xi32, #tpu.memory_space<vmem>> -> memref<128xi32, #tpu.memory_space<vmem>>
        %dma_wait3A_232 = arith.constant 0 : i32
        %dma_wait3A_233 = arith.constant 0 : i32
        %dma_wait3A_234 = tpu.memref_slice %arg17[%dma_wait3A_232, %dma_wait3A_233] : memref<5120x128xf32, #tpu.memory_space<vmem_shared>> -> memref<5120x128xf32, #tpu.memory_space<vmem_shared>>
        tpu.wait_indirect_dma semaphore(%run_scoped3A : memref<!tpu.dma_semaphore, #tpu.memory_space<semaphore_mem>>) src(%arg15 : memref<128x128xf32, #tpu.memory_space<vmem>>) dst(%dma_wait3A_234 : memref<5120x128xf32, #tpu.memory_space<vmem_shared>>)
        tpu.yield
      }) : () -> ()
      %add3A_199 = arith.constant 2 : i32
      %add3A_200 = arith.addi %mul3A_190, %add3A_199 : i32
      %mul3A_201 = arith.constant 128 : i32
      %mul3A_202 = arith.muli %add3A_200, %mul3A_201 : i32
      %dma_start3A_203 = tpu.memref_slice %arg9[%mul3A_202] : memref<10384xi32, #tpu.memory_space<vmem>> -> memref<128xi32, #tpu.memory_space<vmem>>
      %dma_start3A_204 = arith.constant 0 : i32
      %dma_start3A_205 = arith.constant 0 : i32
      %dma_start3A_206 = tpu.memref_slice %arg2[%dma_start3A_204, %dma_start3A_205] : memref<10240x128xf32, #tpu.memory_space<hbm>> -> memref<10240x128xf32, #tpu.memory_space<hbm>>
      tpu.enqueue_indirect_dma source(%dma_start3A_206 : memref<10240x128xf32, #tpu.memory_space<hbm>>) target(%arg15 : memref<128x128xf32, #tpu.memory_space<vmem>>) offsets(%dma_start3A_203 : memref<128xi32, #tpu.memory_space<vmem>>) semaphore(%arg18 : memref<!tpu.dma_semaphore, #tpu.memory_space<semaphore_mem>>)
      %add3A_207 = arith.constant 1 : i32
      %add3A_208 = arith.addi %mul3A_190, %add3A_207 : i32
      %mul3A_209 = arith.constant 128 : i32
      %mul3A_210 = arith.muli %add3A_208, %mul3A_209 : i32
      %dma_wait3A_211 = tpu.memref_slice %arg9[%mul3A_210] : memref<10384xi32, #tpu.memory_space<vmem>> -> memref<128xi32, #tpu.memory_space<vmem>>
      %dma_wait3A_212 = arith.constant 0 : i32
      %dma_wait3A_213 = arith.constant 0 : i32
      %dma_wait3A_214 = tpu.memref_slice %arg2[%dma_wait3A_212, %dma_wait3A_213] : memref<10240x128xf32, #tpu.memory_space<hbm>> -> memref<10240x128xf32, #tpu.memory_space<hbm>>
      tpu.wait_indirect_dma semaphore(%arg19 : memref<!tpu.dma_semaphore, #tpu.memory_space<semaphore_mem>>) src(%dma_wait3A_214 : memref<10240x128xf32, #tpu.memory_space<hbm>>) dst(%arg16 : memref<128x128xf32, #tpu.memory_space<vmem>>)
      %add3A_215 = arith.constant 1 : i32
      %add3A_216 = arith.addi %mul3A_190, %add3A_215 : i32
      %mul3A_217 = arith.constant 128 : i32
      %mul3A_218 = arith.muli %add3A_216, %mul3A_217 : i32
      "tpu.region"() ({
        %run_scoped3A = tpu.sem_alloc : memref<!tpu.dma_semaphore, #tpu.memory_space<semaphore_mem>>
        %dma_start3A_227 = tpu.memref_slice %arg8[%mul3A_218] : memref<10384xi32, #tpu.memory_space<vmem>> -> memref<128xi32, #tpu.memory_space<vmem>>
        %dma_start3A_228 = arith.constant 0 : i32
        %dma_start3A_229 = arith.constant 0 : i32
        %dma_start3A_230 = tpu.memref_slice %arg17[%dma_start3A_228, %dma_start3A_229] : memref<5120x128xf32, #tpu.memory_space<vmem_shared>> -> memref<5120x128xf32, #tpu.memory_space<vmem_shared>>
        tpu.enqueue_indirect_dma source(%arg16 : memref<128x128xf32, #tpu.memory_space<vmem>>) target(%dma_start3A_230 : memref<5120x128xf32, #tpu.memory_space<vmem_shared>>) offsets(%dma_start3A_227 : memref<128xi32, #tpu.memory_space<vmem>>) semaphore(%run_scoped3A : memref<!tpu.dma_semaphore, #tpu.memory_space<semaphore_mem>>) {add = true}
        %dma_wait3A_231 = tpu.memref_slice %arg8[%mul3A_218] : memref<10384xi32, #tpu.memory_space<vmem>> -> memref<128xi32, #tpu.memory_space<vmem>>
        %dma_wait3A_232 = arith.constant 0 : i32
        %dma_wait3A_233 = arith.constant 0 : i32
        %dma_wait3A_234 = tpu.memref_slice %arg17[%dma_wait3A_232, %dma_wait3A_233] : memref<5120x128xf32, #tpu.memory_space<vmem_shared>> -> memref<5120x128xf32, #tpu.memory_space<vmem_shared>>
        tpu.wait_indirect_dma semaphore(%run_scoped3A : memref<!tpu.dma_semaphore, #tpu.memory_space<semaphore_mem>>) src(%arg16 : memref<128x128xf32, #tpu.memory_space<vmem>>) dst(%dma_wait3A_234 : memref<5120x128xf32, #tpu.memory_space<vmem_shared>>)
        tpu.yield
      }) : () -> ()
      %add3A_219 = arith.constant 3 : i32
      %add3A_220 = arith.addi %mul3A_190, %add3A_219 : i32
      %mul3A_221 = arith.constant 128 : i32
      %mul3A_222 = arith.muli %add3A_220, %mul3A_221 : i32
      %dma_start3A_223 = tpu.memref_slice %arg9[%mul3A_222] : memref<10384xi32, #tpu.memory_space<vmem>> -> memref<128xi32, #tpu.memory_space<vmem>>
      %dma_start3A_224 = arith.constant 0 : i32
      %dma_start3A_225 = arith.constant 0 : i32
      %dma_start3A_226 = tpu.memref_slice %arg2[%dma_start3A_224, %dma_start3A_225] : memref<10240x128xf32, #tpu.memory_space<hbm>> -> memref<10240x128xf32, #tpu.memory_space<hbm>>
      tpu.enqueue_indirect_dma source(%dma_start3A_226 : memref<10240x128xf32, #tpu.memory_space<hbm>>) target(%arg16 : memref<128x128xf32, #tpu.memory_space<vmem>>) offsets(%dma_start3A_223 : memref<128xi32, #tpu.memory_space<vmem>>) semaphore(%arg19 : memref<!tpu.dma_semaphore, #tpu.memory_space<semaphore_mem>>)
    }
    %while3A_44 = arith.constant 1 : i32
    scf.for %while3A_188 = %while3A_42 to %while3A_38 step %while3A_44  : i32 {
      %mul3A_189 = arith.constant 2 : i32
      %mul3A_190 = arith.muli %while3A_188, %mul3A_189 : i32
      %mul3A_191 = arith.constant 128 : i32
      %mul3A_192 = arith.muli %mul3A_190, %mul3A_191 : i32
      %dma_wait3A_193 = tpu.memref_slice %arg9[%mul3A_192] : memref<10384xi32, #tpu.memory_space<vmem>> -> memref<128xi32, #tpu.memory_space<vmem>>
      %dma_wait3A_194 = arith.constant 0 : i32
      %dma_wait3A_195 = arith.constant 0 : i32
      %dma_wait3A_196 = tpu.memref_slice %arg2[%dma_wait3A_194, %dma_wait3A_195] : memref<10240x128xf32, #tpu.memory_space<hbm>> -> memref<10240x128xf32, #tpu.memory_space<hbm>>
      tpu.wait_indirect_dma semaphore(%arg18 : memref<!tpu.dma_semaphore, #tpu.memory_space<semaphore_mem>>) src(%dma_wait3A_196 : memref<10240x128xf32, #tpu.memory_space<hbm>>) dst(%arg15 : memref<128x128xf32, #tpu.memory_space<vmem>>)
      %mul3A_197 = arith.constant 128 : i32
      %mul3A_198 = arith.muli %mul3A_190, %mul3A_197 : i32
      "tpu.region"() ({
        %run_scoped3A = tpu.sem_alloc : memref<!tpu.dma_semaphore, #tpu.memory_space<semaphore_mem>>
        %dma_start3A_227 = tpu.memref_slice %arg8[%mul3A_198] : memref<10384xi32, #tpu.memory_space<vmem>> -> memref<128xi32, #tpu.memory_space<vmem>>
        %dma_start3A_228 = arith.constant 0 : i32
        %dma_start3A_229 = arith.constant 0 : i32
        %dma_start3A_230 = tpu.memref_slice %arg17[%dma_start3A_228, %dma_start3A_229] : memref<5120x128xf32, #tpu.memory_space<vmem_shared>> -> memref<5120x128xf32, #tpu.memory_space<vmem_shared>>
        tpu.enqueue_indirect_dma source(%arg15 : memref<128x128xf32, #tpu.memory_space<vmem>>) target(%dma_start3A_230 : memref<5120x128xf32, #tpu.memory_space<vmem_shared>>) offsets(%dma_start3A_227 : memref<128xi32, #tpu.memory_space<vmem>>) semaphore(%run_scoped3A : memref<!tpu.dma_semaphore, #tpu.memory_space<semaphore_mem>>) {add = true}
        %dma_wait3A_231 = tpu.memref_slice %arg8[%mul3A_198] : memref<10384xi32, #tpu.memory_space<vmem>> -> memref<128xi32, #tpu.memory_space<vmem>>
        %dma_wait3A_232 = arith.constant 0 : i32
        %dma_wait3A_233 = arith.constant 0 : i32
        %dma_wait3A_234 = tpu.memref_slice %arg17[%dma_wait3A_232, %dma_wait3A_233] : memref<5120x128xf32, #tpu.memory_space<vmem_shared>> -> memref<5120x128xf32, #tpu.memory_space<vmem_shared>>
        tpu.wait_indirect_dma semaphore(%run_scoped3A : memref<!tpu.dma_semaphore, #tpu.memory_space<semaphore_mem>>) src(%arg15 : memref<128x128xf32, #tpu.memory_space<vmem>>) dst(%dma_wait3A_234 : memref<5120x128xf32, #tpu.memory_space<vmem_shared>>)
        tpu.yield
      }) : () -> ()
      %add3A_199 = arith.constant 2 : i32
      %add3A_200 = arith.addi %mul3A_190, %add3A_199 : i32
      %mul3A_201 = arith.constant 128 : i32
      %mul3A_202 = arith.muli %add3A_200, %mul3A_201 : i32
      %dma_start3A_203 = tpu.memref_slice %arg9[%mul3A_202] : memref<10384xi32, #tpu.memory_space<vmem>> -> memref<128xi32, #tpu.memory_space<vmem>>
      %dma_start3A_204 = arith.constant 0 : i32
      %dma_start3A_205 = arith.constant 0 : i32
      %dma_start3A_206 = tpu.memref_slice %arg2[%dma_start3A_204, %dma_start3A_205] : memref<10240x128xf32, #tpu.memory_space<hbm>> -> memref<10240x128xf32, #tpu.memory_space<hbm>>
      tpu.enqueue_indirect_dma source(%dma_start3A_206 : memref<10240x128xf32, #tpu.memory_space<hbm>>) target(%arg15 : memref<128x128xf32, #tpu.memory_space<vmem>>) offsets(%dma_start3A_203 : memref<128xi32, #tpu.memory_space<vmem>>) semaphore(%arg18 : memref<!tpu.dma_semaphore, #tpu.memory_space<semaphore_mem>>)
      %add3A_207 = arith.constant 1 : i32
      %add3A_208 = arith.addi %mul3A_190, %add3A_207 : i32
      %mul3A_209 = arith.constant 128 : i32
      %mul3A_210 = arith.muli %add3A_208, %mul3A_209 : i32
      %dma_wait3A_211 = tpu.memref_slice %arg9[%mul3A_210] : memref<10384xi32, #tpu.memory_space<vmem>> -> memref<128xi32, #tpu.memory_space<vmem>>
      %dma_wait3A_212 = arith.constant 0 : i32
      %dma_wait3A_213 = arith.constant 0 : i32
      %dma_wait3A_214 = tpu.memref_slice %arg2[%dma_wait3A_212, %dma_wait3A_213] : memref<10240x128xf32, #tpu.memory_space<hbm>> -> memref<10240x128xf32, #tpu.memory_space<hbm>>
      tpu.wait_indirect_dma semaphore(%arg19 : memref<!tpu.dma_semaphore, #tpu.memory_space<semaphore_mem>>) src(%dma_wait3A_214 : memref<10240x128xf32, #tpu.memory_space<hbm>>) dst(%arg16 : memref<128x128xf32, #tpu.memory_space<vmem>>)
      %add3A_215 = arith.constant 1 : i32
      %add3A_216 = arith.addi %mul3A_190, %add3A_215 : i32
      %mul3A_217 = arith.constant 128 : i32
      %mul3A_218 = arith.muli %add3A_216, %mul3A_217 : i32
      "tpu.region"() ({
        %run_scoped3A = tpu.sem_alloc : memref<!tpu.dma_semaphore, #tpu.memory_space<semaphore_mem>>
        %dma_start3A_227 = tpu.memref_slice %arg8[%mul3A_218] : memref<10384xi32, #tpu.memory_space<vmem>> -> memref<128xi32, #tpu.memory_space<vmem>>
        %dma_start3A_228 = arith.constant 0 : i32
        %dma_start3A_229 = arith.constant 0 : i32
        %dma_start3A_230 = tpu.memref_slice %arg17[%dma_start3A_228, %dma_start3A_229] : memref<5120x128xf32, #tpu.memory_space<vmem_shared>> -> memref<5120x128xf32, #tpu.memory_space<vmem_shared>>
        tpu.enqueue_indirect_dma source(%arg16 : memref<128x128xf32, #tpu.memory_space<vmem>>) target(%dma_start3A_230 : memref<5120x128xf32, #tpu.memory_space<vmem_shared>>) offsets(%dma_start3A_227 : memref<128xi32, #tpu.memory_space<vmem>>) semaphore(%run_scoped3A : memref<!tpu.dma_semaphore, #tpu.memory_space<semaphore_mem>>) {add = true}
        %dma_wait3A_231 = tpu.memref_slice %arg8[%mul3A_218] : memref<10384xi32, #tpu.memory_space<vmem>> -> memref<128xi32, #tpu.memory_space<vmem>>
        %dma_wait3A_232 = arith.constant 0 : i32
        %dma_wait3A_233 = arith.constant 0 : i32
        %dma_wait3A_234 = tpu.memref_slice %arg17[%dma_wait3A_232, %dma_wait3A_233] : memref<5120x128xf32, #tpu.memory_space<vmem_shared>> -> memref<5120x128xf32, #tpu.memory_space<vmem_shared>>
        tpu.wait_indirect_dma semaphore(%run_scoped3A : memref<!tpu.dma_semaphore, #tpu.memory_space<semaphore_mem>>) src(%arg16 : memref<128x128xf32, #tpu.memory_space<vmem>>) dst(%dma_wait3A_234 : memref<5120x128xf32, #tpu.memory_space<vmem_shared>>)
        tpu.yield
      }) : () -> ()
      %add3A_219 = arith.constant 3 : i32
      %add3A_220 = arith.addi %mul3A_190, %add3A_219 : i32
      %mul3A_221 = arith.constant 128 : i32
      %mul3A_222 = arith.muli %add3A_220, %mul3A_221 : i32
      %dma_start3A_223 = tpu.memref_slice %arg9[%mul3A_222] : memref<10384xi32, #tpu.memory_space<vmem>> -> memref<128xi32, #tpu.memory_space<vmem>>
      %dma_start3A_224 = arith.constant 0 : i32
      %dma_start3A_225 = arith.constant 0 : i32
      %dma_start3A_226 = tpu.memref_slice %arg2[%dma_start3A_224, %dma_start3A_225] : memref<10240x128xf32, #tpu.memory_space<hbm>> -> memref<10240x128xf32, #tpu.memory_space<hbm>>
      tpu.enqueue_indirect_dma source(%dma_start3A_226 : memref<10240x128xf32, #tpu.memory_space<hbm>>) target(%arg16 : memref<128x128xf32, #tpu.memory_space<vmem>>) offsets(%dma_start3A_223 : memref<128xi32, #tpu.memory_space<vmem>>) semaphore(%arg19 : memref<!tpu.dma_semaphore, #tpu.memory_space<semaphore_mem>>)
    }
    %sub3A_45 = arith.constant 2 : i32
    %sub3A_46 = arith.subi %squeeze3A, %sub3A_45 : i32
    %mul3A_47 = arith.constant 128 : i32
    %mul3A_48 = arith.muli %sub3A_46, %mul3A_47 : i32
    %dma_wait3A = tpu.memref_slice %arg9[%mul3A_48] : memref<10384xi32, #tpu.memory_space<vmem>> -> memref<128xi32, #tpu.memory_space<vmem>>
    %dma_wait3A_49 = arith.constant 0 : i32
    %dma_wait3A_50 = arith.constant 0 : i32
    %dma_wait3A_51 = tpu.memref_slice %arg2[%dma_wait3A_49, %dma_wait3A_50] : memref<10240x128xf32, #tpu.memory_space<hbm>> -> memref<10240x128xf32, #tpu.memory_space<hbm>>
    tpu.wait_indirect_dma semaphore(%arg18 : memref<!tpu.dma_semaphore, #tpu.memory_space<semaphore_mem>>) src(%dma_wait3A_51 : memref<10240x128xf32, #tpu.memory_space<hbm>>) dst(%arg15 : memref<128x128xf32, #tpu.memory_space<vmem>>)
    %sub3A_52 = arith.constant 2 : i32
    %sub3A_53 = arith.subi %squeeze3A, %sub3A_52 : i32
    %mul3A_54 = arith.constant 128 : i32
    %mul3A_55 = arith.muli %sub3A_53, %mul3A_54 : i32
    "tpu.region"() ({
      %run_scoped3A = tpu.sem_alloc : memref<!tpu.dma_semaphore, #tpu.memory_space<semaphore_mem>>
      %dma_start3A_188 = tpu.memref_slice %arg8[%mul3A_55] : memref<10384xi32, #tpu.memory_space<vmem>> -> memref<128xi32, #tpu.memory_space<vmem>>
      %dma_start3A_189 = arith.constant 0 : i32
      %dma_start3A_190 = arith.constant 0 : i32
      %dma_start3A_191 = tpu.memref_slice %arg17[%dma_start3A_189, %dma_start3A_190] : memref<5120x128xf32, #tpu.memory_space<vmem_shared>> -> memref<5120x128xf32, #tpu.memory_space<vmem_shared>>
      tpu.enqueue_indirect_dma source(%arg15 : memref<128x128xf32, #tpu.memory_space<vmem>>) target(%dma_start3A_191 : memref<5120x128xf32, #tpu.memory_space<vmem_shared>>) offsets(%dma_start3A_188 : memref<128xi32, #tpu.memory_space<vmem>>) semaphore(%run_scoped3A : memref<!tpu.dma_semaphore, #tpu.memory_space<semaphore_mem>>) {add = true}
      %dma_wait3A_192 = tpu.memref_slice %arg8[%mul3A_55] : memref<10384xi32, #tpu.memory_space<vmem>> -> memref<128xi32, #tpu.memory_space<vmem>>
      %dma_wait3A_193 = arith.constant 0 : i32
      %dma_wait3A_194 = arith.constant 0 : i32
      %dma_wait3A_195 = tpu.memref_slice %arg17[%dma_wait3A_193, %dma_wait3A_194] : memref<5120x128xf32, #tpu.memory_space<vmem_shared>> -> memref<5120x128xf32, #tpu.memory_space<vmem_shared>>
      tpu.wait_indirect_dma semaphore(%run_scoped3A : memref<!tpu.dma_semaphore, #tpu.memory_space<semaphore_mem>>) src(%arg15 : memref<128x128xf32, #tpu.memory_space<vmem>>) dst(%dma_wait3A_195 : memref<5120x128xf32, #tpu.memory_space<vmem_shared>>)
      tpu.yield
    }) : () -> ()
    %sub3A_56 = arith.constant 1 : i32
    %sub3A_57 = arith.subi %squeeze3A, %sub3A_56 : i32
    %mul3A_58 = arith.constant 128 : i32
    %mul3A_59 = arith.muli %sub3A_57, %mul3A_58 : i32
    %dma_wait3A_60 = tpu.memref_slice %arg9[%mul3A_59] : memref<10384xi32, #tpu.memory_space<vmem>> -> memref<128xi32, #tpu.memory_space<vmem>>
    %dma_wait3A_61 = arith.constant 0 : i32
    %dma_wait3A_62 = arith.constant 0 : i32
    %dma_wait3A_63 = tpu.memref_slice %arg2[%dma_wait3A_61, %dma_wait3A_62] : memref<10240x128xf32, #tpu.memory_space<hbm>> -> memref<10240x128xf32, #tpu.memory_space<hbm>>
    tpu.wait_indirect_dma semaphore(%arg19 : memref<!tpu.dma_semaphore, #tpu.memory_space<semaphore_mem>>) src(%dma_wait3A_63 : memref<10240x128xf32, #tpu.memory_space<hbm>>) dst(%arg16 : memref<128x128xf32, #tpu.memory_space<vmem>>)
    %sub3A_64 = arith.constant 1 : i32
    %sub3A_65 = arith.subi %squeeze3A, %sub3A_64 : i32
    %mul3A_66 = arith.constant 128 : i32
    %mul3A_67 = arith.muli %sub3A_65, %mul3A_66 : i32
    "tpu.region"() ({
      %run_scoped3A = tpu.sem_alloc : memref<!tpu.dma_semaphore, #tpu.memory_space<semaphore_mem>>
      %dma_start3A_188 = tpu.memref_slice %arg8[%mul3A_67] : memref<10384xi32, #tpu.memory_space<vmem>> -> memref<128xi32, #tpu.memory_space<vmem>>
      %dma_start3A_189 = arith.constant 0 : i32
      %dma_start3A_190 = arith.constant 0 : i32
      %dma_start3A_191 = tpu.memref_slice %arg17[%dma_start3A_189, %dma_start3A_190] : memref<5120x128xf32, #tpu.memory_space<vmem_shared>> -> memref<5120x128xf32, #tpu.memory_space<vmem_shared>>
      tpu.enqueue_indirect_dma source(%arg16 : memref<128x128xf32, #tpu.memory_space<vmem>>) target(%dma_start3A_191 : memref<5120x128xf32, #tpu.memory_space<vmem_shared>>) offsets(%dma_start3A_188 : memref<128xi32, #tpu.memory_space<vmem>>) semaphore(%run_scoped3A : memref<!tpu.dma_semaphore, #tpu.memory_space<semaphore_mem>>) {add = true}
      %dma_wait3A_192 = tpu.memref_slice %arg8[%mul3A_67] : memref<10384xi32, #tpu.memory_space<vmem>> -> memref<128xi32, #tpu.memory_space<vmem>>
      %dma_wait3A_193 = arith.constant 0 : i32
      %dma_wait3A_194 = arith.constant 0 : i32
      %dma_wait3A_195 = tpu.memref_slice %arg17[%dma_wait3A_193, %dma_wait3A_194] : memref<5120x128xf32, #tpu.memory_space<vmem_shared>> -> memref<5120x128xf32, #tpu.memory_space<vmem_shared>>
      tpu.wait_indirect_dma semaphore(%run_scoped3A : memref<!tpu.dma_semaphore, #tpu.memory_space<semaphore_mem>>) src(%arg16 : memref<128x128xf32, #tpu.memory_space<vmem>>) dst(%dma_wait3A_195 : memref<5120x128xf32, #tpu.memory_space<vmem_shared>>)
      tpu.yield
    }) : () -> ()
    %get3A_68 = arith.constant 0 : index
    %get3A_69 = tpu.vector_load %arg13[%get3A_68] {strides = array<i32>} : memref<16xi32, #tpu.memory_space<vmem>>, vector<16xi32>,
    %get3A_70 = vector.shape_cast %get3A_69 : vector<16xi32> to vector<16xi32>
    %slice3A_71 = vector.extract_strided_slice %get3A_70 {offsets = [0], sizes = [1], strides = [1]} : vector<16xi32> to vector<1xi32>
    %squeeze3A_72 = vector.extract %slice3A_71[0] : i32 from vector<1xi32>
    %dma_start3A_73 = arith.constant 0 : i32
    %dma_start3A_74 = tpu.memref_slice %arg11[%dma_start3A_73] : memref<10384xi32, #tpu.memory_space<vmem>> -> memref<128xi32, #tpu.memory_space<vmem>>
    %dma_start3A_75 = arith.constant 0 : i32
    %dma_start3A_76 = arith.constant 0 : i32
    %dma_start3A_77 = tpu.memref_slice %arg2[%dma_start3A_75, %dma_start3A_76] : memref<10240x128xf32, #tpu.memory_space<hbm>> -> memref<10240x128xf32, #tpu.memory_space<hbm>>
    tpu.enqueue_indirect_dma source(%dma_start3A_77 : memref<10240x128xf32, #tpu.memory_space<hbm>>) target(%arg15 : memref<128x128xf32, #tpu.memory_space<vmem>>) offsets(%dma_start3A_74 : memref<128xi32, #tpu.memory_space<vmem>>) semaphore(%arg18 : memref<!tpu.dma_semaphore, #tpu.memory_space<semaphore_mem>>)
    %dma_start3A_78 = arith.constant 128 : i32
    %dma_start3A_79 = tpu.memref_slice %arg11[%dma_start3A_78] : memref<10384xi32, #tpu.memory_space<vmem>> -> memref<128xi32, #tpu.memory_space<vmem>>
    %dma_start3A_80 = arith.constant 0 : i32
    %dma_start3A_81 = arith.constant 0 : i32
    %dma_start3A_82 = tpu.memref_slice %arg2[%dma_start3A_80, %dma_start3A_81] : memref<10240x128xf32, #tpu.memory_space<hbm>> -> memref<10240x128xf32, #tpu.memory_space<hbm>>
    tpu.enqueue_indirect_dma source(%dma_start3A_82 : memref<10240x128xf32, #tpu.memory_space<hbm>>) target(%arg16 : memref<128x128xf32, #tpu.memory_space<vmem>>) offsets(%dma_start3A_79 : memref<128xi32, #tpu.memory_space<vmem>>) semaphore(%arg19 : memref<!tpu.dma_semaphore, #tpu.memory_space<semaphore_mem>>)
    %jit3A_83 = arith.constant 2 : i32
    %div3A_84 = arith.divsi %squeeze3A_72, %jit3A_83 : i32
    %sign3A_85 = arith.constant 0 : i32
    %sign3A_86 = arith.cmpi sgt, %squeeze3A_72, %sign3A_85 : i32
    %sign3A_87 = arith.extui %sign3A_86 : i1 to i32
    %sign3A_88 = arith.constant 0 : i32
    %sign3A_89 = arith.cmpi slt, %squeeze3A_72, %sign3A_88 : i32
    %sign3A_90 = arith.extui %sign3A_89 : i1 to i32
    %sign3A_91 = arith.subi %sign3A_87, %sign3A_90 : i32
    %sign3A_92 = arith.constant 0 : i32
    %sign3A_93 = arith.cmpi sgt, %jit3A_83, %sign3A_92 : i32
    %sign3A_94 = arith.extui %sign3A_93 : i1 to i32
    %sign3A_95 = arith.constant 0 : i32
    %sign3A_96 = arith.cmpi slt, %jit3A_83, %sign3A_95 : i32
    %sign3A_97 = arith.extui %sign3A_96 : i1 to i32
    %sign3A_98 = arith.subi %sign3A_94, %sign3A_97 : i32
    %ne3A_99 = arith.cmpi ne, %sign3A_91, %sign3A_98 : i32
    %rem3A_100 = arith.remsi %squeeze3A_72, %jit3A_83 : i32
    %ne3A_101 = arith.constant 0 : i32
    %ne3A_102 = arith.cmpi ne, %rem3A_100, %ne3A_101 : i32
    %and3A_103 = arith.andi %ne3A_99, %ne3A_102 : i1
    %sub3A_104 = arith.constant 1 : i32
    %sub3A_105 = arith.subi %div3A_84, %sub3A_104 : i32
    %select_n3A_106 = arith.select %and3A_103, %sub3A_105, %div3A_84 : i32
    %sub3A_107 = arith.constant 1 : i32
    %sub3A_108 = arith.subi %select_n3A_106, %sub3A_107 : i32
    %while3A_109 = arith.constant 0 : i32
    %while3A_110 = arith.constant 0 : i32
    %while3A_111 = arith.subi %sub3A_108, %while3A_110 : i32
    %while3A_112 = arith.addi %while3A_110, %while3A_111 : i32
    %while3A_113 = arith.constant 1 : i32
    %while3A_114 = arith.divsi %while3A_111, %while3A_113 : i32
    %while3A_115 = arith.muli %while3A_114, %while3A_113 : i32
    %while3A_116 = arith.addi %while3A_110, %while3A_115 : i32
    %while3A_117 = arith.constant 1 : i32
    scf.for %while3A_188 = %while3A_110 to %while3A_116 step %while3A_117  : i32 {
      %mul3A_189 = arith.constant 2 : i32
      %mul3A_190 = arith.muli %while3A_188, %mul3A_189 : i32
      %mul3A_191 = arith.constant 128 : i32
      %mul3A_192 = arith.muli %mul3A_190, %mul3A_191 : i32
      %dma_wait3A_193 = tpu.memref_slice %arg11[%mul3A_192] : memref<10384xi32, #tpu.memory_space<vmem>> -> memref<128xi32, #tpu.memory_space<vmem>>
      %dma_wait3A_194 = arith.constant 0 : i32
      %dma_wait3A_195 = arith.constant 0 : i32
      %dma_wait3A_196 = tpu.memref_slice %arg2[%dma_wait3A_194, %dma_wait3A_195] : memref<10240x128xf32, #tpu.memory_space<hbm>> -> memref<10240x128xf32, #tpu.memory_space<hbm>>
      tpu.wait_indirect_dma semaphore(%arg18 : memref<!tpu.dma_semaphore, #tpu.memory_space<semaphore_mem>>) src(%dma_wait3A_196 : memref<10240x128xf32, #tpu.memory_space<hbm>>) dst(%arg15 : memref<128x128xf32, #tpu.memory_space<vmem>>)
      %mul3A_197 = arith.constant 128 : i32
      %mul3A_198 = arith.muli %mul3A_190, %mul3A_197 : i32
      "tpu.region"() ({
        %run_scoped3A = tpu.sem_alloc : memref<!tpu.dma_semaphore, #tpu.memory_space<semaphore_mem>>
        %dma_start3A_227 = tpu.memref_slice %arg10[%mul3A_198] : memref<10384xi32, #tpu.memory_space<vmem>> -> memref<128xi32, #tpu.memory_space<vmem>>
        %dma_start3A_228 = arith.constant 0 : i32
        %dma_start3A_229 = arith.constant 0 : i32
        %dma_start3A_230 = tpu.memref_slice %arg17[%dma_start3A_228, %dma_start3A_229] : memref<5120x128xf32, #tpu.memory_space<vmem_shared>> -> memref<5120x128xf32, #tpu.memory_space<vmem_shared>>
        tpu.enqueue_indirect_dma source(%arg15 : memref<128x128xf32, #tpu.memory_space<vmem>>) target(%dma_start3A_230 : memref<5120x128xf32, #tpu.memory_space<vmem_shared>>) offsets(%dma_start3A_227 : memref<128xi32, #tpu.memory_space<vmem>>) semaphore(%run_scoped3A : memref<!tpu.dma_semaphore, #tpu.memory_space<semaphore_mem>>) {add = true}
        %dma_wait3A_231 = tpu.memref_slice %arg10[%mul3A_198] : memref<10384xi32, #tpu.memory_space<vmem>> -> memref<128xi32, #tpu.memory_space<vmem>>
        %dma_wait3A_232 = arith.constant 0 : i32
        %dma_wait3A_233 = arith.constant 0 : i32
        %dma_wait3A_234 = tpu.memref_slice %arg17[%dma_wait3A_232, %dma_wait3A_233] : memref<5120x128xf32, #tpu.memory_space<vmem_shared>> -> memref<5120x128xf32, #tpu.memory_space<vmem_shared>>
        tpu.wait_indirect_dma semaphore(%run_scoped3A : memref<!tpu.dma_semaphore, #tpu.memory_space<semaphore_mem>>) src(%arg15 : memref<128x128xf32, #tpu.memory_space<vmem>>) dst(%dma_wait3A_234 : memref<5120x128xf32, #tpu.memory_space<vmem_shared>>)
        tpu.yield
      }) : () -> ()
      %add3A_199 = arith.constant 2 : i32
      %add3A_200 = arith.addi %mul3A_190, %add3A_199 : i32
      %mul3A_201 = arith.constant 128 : i32
      %mul3A_202 = arith.muli %add3A_200, %mul3A_201 : i32
      %dma_start3A_203 = tpu.memref_slice %arg11[%mul3A_202] : memref<10384xi32, #tpu.memory_space<vmem>> -> memref<128xi32, #tpu.memory_space<vmem>>
      %dma_start3A_204 = arith.constant 0 : i32
      %dma_start3A_205 = arith.constant 0 : i32
      %dma_start3A_206 = tpu.memref_slice %arg2[%dma_start3A_204, %dma_start3A_205] : memref<10240x128xf32, #tpu.memory_space<hbm>> -> memref<10240x128xf32, #tpu.memory_space<hbm>>
      tpu.enqueue_indirect_dma source(%dma_start3A_206 : memref<10240x128xf32, #tpu.memory_space<hbm>>) target(%arg15 : memref<128x128xf32, #tpu.memory_space<vmem>>) offsets(%dma_start3A_203 : memref<128xi32, #tpu.memory_space<vmem>>) semaphore(%arg18 : memref<!tpu.dma_semaphore, #tpu.memory_space<semaphore_mem>>)
      %add3A_207 = arith.constant 1 : i32
      %add3A_208 = arith.addi %mul3A_190, %add3A_207 : i32
      %mul3A_209 = arith.constant 128 : i32
      %mul3A_210 = arith.muli %add3A_208, %mul3A_209 : i32
      %dma_wait3A_211 = tpu.memref_slice %arg11[%mul3A_210] : memref<10384xi32, #tpu.memory_space<vmem>> -> memref<128xi32, #tpu.memory_space<vmem>>
      %dma_wait3A_212 = arith.constant 0 : i32
      %dma_wait3A_213 = arith.constant 0 : i32
      %dma_wait3A_214 = tpu.memref_slice %arg2[%dma_wait3A_212, %dma_wait3A_213] : memref<10240x128xf32, #tpu.memory_space<hbm>> -> memref<10240x128xf32, #tpu.memory_space<hbm>>
      tpu.wait_indirect_dma semaphore(%arg19 : memref<!tpu.dma_semaphore, #tpu.memory_space<semaphore_mem>>) src(%dma_wait3A_214 : memref<10240x128xf32, #tpu.memory_space<hbm>>) dst(%arg16 : memref<128x128xf32, #tpu.memory_space<vmem>>)
      %add3A_215 = arith.constant 1 : i32
      %add3A_216 = arith.addi %mul3A_190, %add3A_215 : i32
      %mul3A_217 = arith.constant 128 : i32
      %mul3A_218 = arith.muli %add3A_216, %mul3A_217 : i32
      "tpu.region"() ({
        %run_scoped3A = tpu.sem_alloc : memref<!tpu.dma_semaphore, #tpu.memory_space<semaphore_mem>>
        %dma_start3A_227 = tpu.memref_slice %arg10[%mul3A_218] : memref<10384xi32, #tpu.memory_space<vmem>> -> memref<128xi32, #tpu.memory_space<vmem>>
        %dma_start3A_228 = arith.constant 0 : i32
        %dma_start3A_229 = arith.constant 0 : i32
        %dma_start3A_230 = tpu.memref_slice %arg17[%dma_start3A_228, %dma_start3A_229] : memref<5120x128xf32, #tpu.memory_space<vmem_shared>> -> memref<5120x128xf32, #tpu.memory_space<vmem_shared>>
        tpu.enqueue_indirect_dma source(%arg16 : memref<128x128xf32, #tpu.memory_space<vmem>>) target(%dma_start3A_230 : memref<5120x128xf32, #tpu.memory_space<vmem_shared>>) offsets(%dma_start3A_227 : memref<128xi32, #tpu.memory_space<vmem>>) semaphore(%run_scoped3A : memref<!tpu.dma_semaphore, #tpu.memory_space<semaphore_mem>>) {add = true}
        %dma_wait3A_231 = tpu.memref_slice %arg10[%mul3A_218] : memref<10384xi32, #tpu.memory_space<vmem>> -> memref<128xi32, #tpu.memory_space<vmem>>
        %dma_wait3A_232 = arith.constant 0 : i32
        %dma_wait3A_233 = arith.constant 0 : i32
        %dma_wait3A_234 = tpu.memref_slice %arg17[%dma_wait3A_232, %dma_wait3A_233] : memref<5120x128xf32, #tpu.memory_space<vmem_shared>> -> memref<5120x128xf32, #tpu.memory_space<vmem_shared>>
        tpu.wait_indirect_dma semaphore(%run_scoped3A : memref<!tpu.dma_semaphore, #tpu.memory_space<semaphore_mem>>) src(%arg16 : memref<128x128xf32, #tpu.memory_space<vmem>>) dst(%dma_wait3A_234 : memref<5120x128xf32, #tpu.memory_space<vmem_shared>>)
        tpu.yield
      }) : () -> ()
      %add3A_219 = arith.constant 3 : i32
      %add3A_220 = arith.addi %mul3A_190, %add3A_219 : i32
      %mul3A_221 = arith.constant 128 : i32
      %mul3A_222 = arith.muli %add3A_220, %mul3A_221 : i32
      %dma_start3A_223 = tpu.memref_slice %arg11[%mul3A_222] : memref<10384xi32, #tpu.memory_space<vmem>> -> memref<128xi32, #tpu.memory_space<vmem>>
      %dma_start3A_224 = arith.constant 0 : i32
      %dma_start3A_225 = arith.constant 0 : i32
      %dma_start3A_226 = tpu.memref_slice %arg2[%dma_start3A_224, %dma_start3A_225] : memref<10240x128xf32, #tpu.memory_space<hbm>> -> memref<10240x128xf32, #tpu.memory_space<hbm>>
      tpu.enqueue_indirect_dma source(%dma_start3A_226 : memref<10240x128xf32, #tpu.memory_space<hbm>>) target(%arg16 : memref<128x128xf32, #tpu.memory_space<vmem>>) offsets(%dma_start3A_223 : memref<128xi32, #tpu.memory_space<vmem>>) semaphore(%arg19 : memref<!tpu.dma_semaphore, #tpu.memory_space<semaphore_mem>>)
    }
    %while3A_118 = arith.constant 1 : i32
    scf.for %while3A_188 = %while3A_116 to %while3A_112 step %while3A_118  : i32 {
      %mul3A_189 = arith.constant 2 : i32
      %mul3A_190 = arith.muli %while3A_188, %mul3A_189 : i32
      %mul3A_191 = arith.constant 128 : i32
      %mul3A_192 = arith.muli %mul3A_190, %mul3A_191 : i32
      %dma_wait3A_193 = tpu.memref_slice %arg11[%mul3A_192] : memref<10384xi32, #tpu.memory_space<vmem>> -> memref<128xi32, #tpu.memory_space<vmem>>
      %dma_wait3A_194 = arith.constant 0 : i32
      %dma_wait3A_195 = arith.constant 0 : i32
      %dma_wait3A_196 = tpu.memref_slice %arg2[%dma_wait3A_194, %dma_wait3A_195] : memref<10240x128xf32, #tpu.memory_space<hbm>> -> memref<10240x128xf32, #tpu.memory_space<hbm>>
      tpu.wait_indirect_dma semaphore(%arg18 : memref<!tpu.dma_semaphore, #tpu.memory_space<semaphore_mem>>) src(%dma_wait3A_196 : memref<10240x128xf32, #tpu.memory_space<hbm>>) dst(%arg15 : memref<128x128xf32, #tpu.memory_space<vmem>>)
      %mul3A_197 = arith.constant 128 : i32
      %mul3A_198 = arith.muli %mul3A_190, %mul3A_197 : i32
      "tpu.region"() ({
        %run_scoped3A = tpu.sem_alloc : memref<!tpu.dma_semaphore, #tpu.memory_space<semaphore_mem>>
        %dma_start3A_227 = tpu.memref_slice %arg10[%mul3A_198] : memref<10384xi32, #tpu.memory_space<vmem>> -> memref<128xi32, #tpu.memory_space<vmem>>
        %dma_start3A_228 = arith.constant 0 : i32
        %dma_start3A_229 = arith.constant 0 : i32
        %dma_start3A_230 = tpu.memref_slice %arg17[%dma_start3A_228, %dma_start3A_229] : memref<5120x128xf32, #tpu.memory_space<vmem_shared>> -> memref<5120x128xf32, #tpu.memory_space<vmem_shared>>
        tpu.enqueue_indirect_dma source(%arg15 : memref<128x128xf32, #tpu.memory_space<vmem>>) target(%dma_start3A_230 : memref<5120x128xf32, #tpu.memory_space<vmem_shared>>) offsets(%dma_start3A_227 : memref<128xi32, #tpu.memory_space<vmem>>) semaphore(%run_scoped3A : memref<!tpu.dma_semaphore, #tpu.memory_space<semaphore_mem>>) {add = true}
        %dma_wait3A_231 = tpu.memref_slice %arg10[%mul3A_198] : memref<10384xi32, #tpu.memory_space<vmem>> -> memref<128xi32, #tpu.memory_space<vmem>>
        %dma_wait3A_232 = arith.constant 0 : i32
        %dma_wait3A_233 = arith.constant 0 : i32
        %dma_wait3A_234 = tpu.memref_slice %arg17[%dma_wait3A_232, %dma_wait3A_233] : memref<5120x128xf32, #tpu.memory_space<vmem_shared>> -> memref<5120x128xf32, #tpu.memory_space<vmem_shared>>
        tpu.wait_indirect_dma semaphore(%run_scoped3A : memref<!tpu.dma_semaphore, #tpu.memory_space<semaphore_mem>>) src(%arg15 : memref<128x128xf32, #tpu.memory_space<vmem>>) dst(%dma_wait3A_234 : memref<5120x128xf32, #tpu.memory_space<vmem_shared>>)
        tpu.yield
      }) : () -> ()
      %add3A_199 = arith.constant 2 : i32
      %add3A_200 = arith.addi %mul3A_190, %add3A_199 : i32
      %mul3A_201 = arith.constant 128 : i32
      %mul3A_202 = arith.muli %add3A_200, %mul3A_201 : i32
      %dma_start3A_203 = tpu.memref_slice %arg11[%mul3A_202] : memref<10384xi32, #tpu.memory_space<vmem>> -> memref<128xi32, #tpu.memory_space<vmem>>
      %dma_start3A_204 = arith.constant 0 : i32
      %dma_start3A_205 = arith.constant 0 : i32
      %dma_start3A_206 = tpu.memref_slice %arg2[%dma_start3A_204, %dma_start3A_205] : memref<10240x128xf32, #tpu.memory_space<hbm>> -> memref<10240x128xf32, #tpu.memory_space<hbm>>
      tpu.enqueue_indirect_dma source(%dma_start3A_206 : memref<10240x128xf32, #tpu.memory_space<hbm>>) target(%arg15 : memref<128x128xf32, #tpu.memory_space<vmem>>) offsets(%dma_start3A_203 : memref<128xi32, #tpu.memory_space<vmem>>) semaphore(%arg18 : memref<!tpu.dma_semaphore, #tpu.memory_space<semaphore_mem>>)
      %add3A_207 = arith.constant 1 : i32
      %add3A_208 = arith.addi %mul3A_190, %add3A_207 : i32
      %mul3A_209 = arith.constant 128 : i32
      %mul3A_210 = arith.muli %add3A_208, %mul3A_209 : i32
      %dma_wait3A_211 = tpu.memref_slice %arg11[%mul3A_210] : memref<10384xi32, #tpu.memory_space<vmem>> -> memref<128xi32, #tpu.memory_space<vmem>>
      %dma_wait3A_212 = arith.constant 0 : i32
      %dma_wait3A_213 = arith.constant 0 : i32
      %dma_wait3A_214 = tpu.memref_slice %arg2[%dma_wait3A_212, %dma_wait3A_213] : memref<10240x128xf32, #tpu.memory_space<hbm>> -> memref<10240x128xf32, #tpu.memory_space<hbm>>
      tpu.wait_indirect_dma semaphore(%arg19 : memref<!tpu.dma_semaphore, #tpu.memory_space<semaphore_mem>>) src(%dma_wait3A_214 : memref<10240x128xf32, #tpu.memory_space<hbm>>) dst(%arg16 : memref<128x128xf32, #tpu.memory_space<vmem>>)
      %add3A_215 = arith.constant 1 : i32
      %add3A_216 = arith.addi %mul3A_190, %add3A_215 : i32
      %mul3A_217 = arith.constant 128 : i32
      %mul3A_218 = arith.muli %add3A_216, %mul3A_217 : i32
      "tpu.region"() ({
        %run_scoped3A = tpu.sem_alloc : memref<!tpu.dma_semaphore, #tpu.memory_space<semaphore_mem>>
        %dma_start3A_227 = tpu.memref_slice %arg10[%mul3A_218] : memref<10384xi32, #tpu.memory_space<vmem>> -> memref<128xi32, #tpu.memory_space<vmem>>
        %dma_start3A_228 = arith.constant 0 : i32
        %dma_start3A_229 = arith.constant 0 : i32
        %dma_start3A_230 = tpu.memref_slice %arg17[%dma_start3A_228, %dma_start3A_229] : memref<5120x128xf32, #tpu.memory_space<vmem_shared>> -> memref<5120x128xf32, #tpu.memory_space<vmem_shared>>
        tpu.enqueue_indirect_dma source(%arg16 : memref<128x128xf32, #tpu.memory_space<vmem>>) target(%dma_start3A_230 : memref<5120x128xf32, #tpu.memory_space<vmem_shared>>) offsets(%dma_start3A_227 : memref<128xi32, #tpu.memory_space<vmem>>) semaphore(%run_scoped3A : memref<!tpu.dma_semaphore, #tpu.memory_space<semaphore_mem>>) {add = true}
        %dma_wait3A_231 = tpu.memref_slice %arg10[%mul3A_218] : memref<10384xi32, #tpu.memory_space<vmem>> -> memref<128xi32, #tpu.memory_space<vmem>>
        %dma_wait3A_232 = arith.constant 0 : i32
        %dma_wait3A_233 = arith.constant 0 : i32
        %dma_wait3A_234 = tpu.memref_slice %arg17[%dma_wait3A_232, %dma_wait3A_233] : memref<5120x128xf32, #tpu.memory_space<vmem_shared>> -> memref<5120x128xf32, #tpu.memory_space<vmem_shared>>
        tpu.wait_indirect_dma semaphore(%run_scoped3A : memref<!tpu.dma_semaphore, #tpu.memory_space<semaphore_mem>>) src(%arg16 : memref<128x128xf32, #tpu.memory_space<vmem>>) dst(%dma_wait3A_234 : memref<5120x128xf32, #tpu.memory_space<vmem_shared>>)
        tpu.yield
      }) : () -> ()
      %add3A_219 = arith.constant 3 : i32
      %add3A_220 = arith.addi %mul3A_190, %add3A_219 : i32
      %mul3A_221 = arith.constant 128 : i32
      %mul3A_222 = arith.muli %add3A_220, %mul3A_221 : i32
      %dma_start3A_223 = tpu.memref_slice %arg11[%mul3A_222] : memref<10384xi32, #tpu.memory_space<vmem>> -> memref<128xi32, #tpu.memory_space<vmem>>
      %dma_start3A_224 = arith.constant 0 : i32
      %dma_start3A_225 = arith.constant 0 : i32
      %dma_start3A_226 = tpu.memref_slice %arg2[%dma_start3A_224, %dma_start3A_225] : memref<10240x128xf32, #tpu.memory_space<hbm>> -> memref<10240x128xf32, #tpu.memory_space<hbm>>
      tpu.enqueue_indirect_dma source(%dma_start3A_226 : memref<10240x128xf32, #tpu.memory_space<hbm>>) target(%arg16 : memref<128x128xf32, #tpu.memory_space<vmem>>) offsets(%dma_start3A_223 : memref<128xi32, #tpu.memory_space<vmem>>) semaphore(%arg19 : memref<!tpu.dma_semaphore, #tpu.memory_space<semaphore_mem>>)
    }
    %sub3A_119 = arith.constant 2 : i32
    %sub3A_120 = arith.subi %squeeze3A_72, %sub3A_119 : i32
    %mul3A_121 = arith.constant 128 : i32
    %mul3A_122 = arith.muli %sub3A_120, %mul3A_121 : i32
    %dma_wait3A_123 = tpu.memref_slice %arg11[%mul3A_122] : memref<10384xi32, #tpu.memory_space<vmem>> -> memref<128xi32, #tpu.memory_space<vmem>>
    %dma_wait3A_124 = arith.constant 0 : i32
    %dma_wait3A_125 = arith.constant 0 : i32
    %dma_wait3A_126 = tpu.memref_slice %arg2[%dma_wait3A_124, %dma_wait3A_125] : memref<10240x128xf32, #tpu.memory_space<hbm>> -> memref<10240x128xf32, #tpu.memory_space<hbm>>
    tpu.wait_indirect_dma semaphore(%arg18 : memref<!tpu.dma_semaphore, #tpu.memory_space<semaphore_mem>>) src(%dma_wait3A_126 : memref<10240x128xf32, #tpu.memory_space<hbm>>) dst(%arg15 : memref<128x128xf32, #tpu.memory_space<vmem>>)
    %sub3A_127 = arith.constant 2 : i32
    %sub3A_128 = arith.subi %squeeze3A_72, %sub3A_127 : i32
    %mul3A_129 = arith.constant 128 : i32
    %mul3A_130 = arith.muli %sub3A_128, %mul3A_129 : i32
    "tpu.region"() ({
      %run_scoped3A = tpu.sem_alloc : memref<!tpu.dma_semaphore, #tpu.memory_space<semaphore_mem>>
      %dma_start3A_188 = tpu.memref_slice %arg10[%mul3A_130] : memref<10384xi32, #tpu.memory_space<vmem>> -> memref<128xi32, #tpu.memory_space<vmem>>
      %dma_start3A_189 = arith.constant 0 : i32
      %dma_start3A_190 = arith.constant 0 : i32
      %dma_start3A_191 = tpu.memref_slice %arg17[%dma_start3A_189, %dma_start3A_190] : memref<5120x128xf32, #tpu.memory_space<vmem_shared>> -> memref<5120x128xf32, #tpu.memory_space<vmem_shared>>
      tpu.enqueue_indirect_dma source(%arg15 : memref<128x128xf32, #tpu.memory_space<vmem>>) target(%dma_start3A_191 : memref<5120x128xf32, #tpu.memory_space<vmem_shared>>) offsets(%dma_start3A_188 : memref<128xi32, #tpu.memory_space<vmem>>) semaphore(%run_scoped3A : memref<!tpu.dma_semaphore, #tpu.memory_space<semaphore_mem>>) {add = true}
      %dma_wait3A_192 = tpu.memref_slice %arg10[%mul3A_130] : memref<10384xi32, #tpu.memory_space<vmem>> -> memref<128xi32, #tpu.memory_space<vmem>>
      %dma_wait3A_193 = arith.constant 0 : i32
      %dma_wait3A_194 = arith.constant 0 : i32
      %dma_wait3A_195 = tpu.memref_slice %arg17[%dma_wait3A_193, %dma_wait3A_194] : memref<5120x128xf32, #tpu.memory_space<vmem_shared>> -> memref<5120x128xf32, #tpu.memory_space<vmem_shared>>
      tpu.wait_indirect_dma semaphore(%run_scoped3A : memref<!tpu.dma_semaphore, #tpu.memory_space<semaphore_mem>>) src(%arg15 : memref<128x128xf32, #tpu.memory_space<vmem>>) dst(%dma_wait3A_195 : memref<5120x128xf32, #tpu.memory_space<vmem_shared>>)
      tpu.yield
    }) : () -> ()
    %sub3A_131 = arith.constant 1 : i32
    %sub3A_132 = arith.subi %squeeze3A_72, %sub3A_131 : i32
    %mul3A_133 = arith.constant 128 : i32
    %mul3A_134 = arith.muli %sub3A_132, %mul3A_133 : i32
    %dma_wait3A_135 = tpu.memref_slice %arg11[%mul3A_134] : memref<10384xi32, #tpu.memory_space<vmem>> -> memref<128xi32, #tpu.memory_space<vmem>>
    %dma_wait3A_136 = arith.constant 0 : i32
    %dma_wait3A_137 = arith.constant 0 : i32
    %dma_wait3A_138 = tpu.memref_slice %arg2[%dma_wait3A_136, %dma_wait3A_137] : memref<10240x128xf32, #tpu.memory_space<hbm>> -> memref<10240x128xf32, #tpu.memory_space<hbm>>
    tpu.wait_indirect_dma semaphore(%arg19 : memref<!tpu.dma_semaphore, #tpu.memory_space<semaphore_mem>>) src(%dma_wait3A_138 : memref<10240x128xf32, #tpu.memory_space<hbm>>) dst(%arg16 : memref<128x128xf32, #tpu.memory_space<vmem>>)
    %sub3A_139 = arith.constant 1 : i32
    %sub3A_140 = arith.subi %squeeze3A_72, %sub3A_139 : i32
    %mul3A_141 = arith.constant 128 : i32
    %mul3A_142 = arith.muli %sub3A_140, %mul3A_141 : i32
    "tpu.region"() ({
      %run_scoped3A = tpu.sem_alloc : memref<!tpu.dma_semaphore, #tpu.memory_space<semaphore_mem>>
      %dma_start3A_188 = tpu.memref_slice %arg10[%mul3A_142] : memref<10384xi32, #tpu.memory_space<vmem>> -> memref<128xi32, #tpu.memory_space<vmem>>
      %dma_start3A_189 = arith.constant 0 : i32
      %dma_start3A_190 = arith.constant 0 : i32
      %dma_start3A_191 = tpu.memref_slice %arg17[%dma_start3A_189, %dma_start3A_190] : memref<5120x128xf32, #tpu.memory_space<vmem_shared>> -> memref<5120x128xf32, #tpu.memory_space<vmem_shared>>
      tpu.enqueue_indirect_dma source(%arg16 : memref<128x128xf32, #tpu.memory_space<vmem>>) target(%dma_start3A_191 : memref<5120x128xf32, #tpu.memory_space<vmem_shared>>) offsets(%dma_start3A_188 : memref<128xi32, #tpu.memory_space<vmem>>) semaphore(%run_scoped3A : memref<!tpu.dma_semaphore, #tpu.memory_space<semaphore_mem>>) {add = true}
      %dma_wait3A_192 = tpu.memref_slice %arg10[%mul3A_142] : memref<10384xi32, #tpu.memory_space<vmem>> -> memref<128xi32, #tpu.memory_space<vmem>>
      %dma_wait3A_193 = arith.constant 0 : i32
      %dma_wait3A_194 = arith.constant 0 : i32
      %dma_wait3A_195 = tpu.memref_slice %arg17[%dma_wait3A_193, %dma_wait3A_194] : memref<5120x128xf32, #tpu.memory_space<vmem_shared>> -> memref<5120x128xf32, #tpu.memory_space<vmem_shared>>
      tpu.wait_indirect_dma semaphore(%run_scoped3A : memref<!tpu.dma_semaphore, #tpu.memory_space<semaphore_mem>>) src(%arg16 : memref<128x128xf32, #tpu.memory_space<vmem>>) dst(%dma_wait3A_195 : memref<5120x128xf32, #tpu.memory_space<vmem_shared>>)
      tpu.yield
    }) : () -> ()
    %barrier3A_143 = arith.constant 0 : index
    tpu.barrier barrier_id(%barrier3A_143)
    "tpu.region"() ({
      %run_scoped3A = tpu.sem_alloc : memref<!tpu.dma_semaphore, #tpu.memory_space<semaphore_mem>>
      %dma_start3A_188 = arith.constant 0 : i32
      %dma_start3A_189 = tpu.memref_slice %arg6[%add3A, %dma_start3A_188] : memref<10240x16xf32, #tpu.memory_space<hbm>> -> memref<320x16xf32, #tpu.memory_space<hbm>>
      %dma_start3A_190 = arith.constant 0 : i32
      %dma_start3A_191 = tpu.memref_slice %arg6[%add3A, %dma_start3A_190] : memref<10240x16xf32, #tpu.memory_space<hbm>> -> memref<320x16xf32, #tpu.memory_space<hbm>>
      tpu.enqueue_dma source(%dma_start3A_191 : memref<320x16xf32, #tpu.memory_space<hbm>>) target(%arg14 : memref<320x16xf32, #tpu.memory_space<vmem>>) target_semaphore(%run_scoped3A : memref<!tpu.dma_semaphore, #tpu.memory_space<semaphore_mem>>)
      %dma_wait3A_192 = arith.constant 0 : i32
      %dma_wait3A_193 = tpu.memref_slice %arg6[%add3A, %dma_wait3A_192] : memref<10240x16xf32, #tpu.memory_space<hbm>> -> memref<320x16xf32, #tpu.memory_space<hbm>>
      %dma_wait3A_194 = arith.constant 0 : i32
      %dma_wait3A_195 = tpu.memref_slice %arg6[%add3A, %dma_wait3A_194] : memref<10240x16xf32, #tpu.memory_space<hbm>> -> memref<320x16xf32, #tpu.memory_space<hbm>>
      tpu.wait_dma2 semaphore(%run_scoped3A : memref<!tpu.dma_semaphore, #tpu.memory_space<semaphore_mem>>) src(%dma_wait3A_195 : memref<320x16xf32, #tpu.memory_space<hbm>>) dst(%arg14 : memref<320x16xf32, #tpu.memory_space<vmem>>)
      tpu.yield
    }) : () -> ()
    %mul3A_144 = arith.constant 320 : i32
    %mul3A_145 = arith.muli %arg1, %mul3A_144 : i32
    %add3A_146 = arith.constant 0 : i32
    %add3A_147 = arith.addi %mul3A_145, %add3A_146 : i32
    "tpu.region"() ({
      %run_scoped3A = tpu.sem_alloc : memref<!tpu.dma_semaphore, #tpu.memory_space<semaphore_mem>>
      %dma_start3A_188 = arith.constant 0 : i32
      %dma_start3A_189 = arith.constant 0 : i32
      %dma_start3A_190 = tpu.memref_slice %arg15[%dma_start3A_188, %dma_start3A_189] : memref<128x128xf32, #tpu.memory_space<vmem>> -> memref<128x128xf32, #tpu.memory_space<vmem>>
      %dma_start3A_191 = arith.constant 0 : i32
      %dma_start3A_192 = tpu.memref_slice %arg17[%add3A_147, %dma_start3A_191] : memref<5120x128xf32, #tpu.memory_space<vmem_shared>> -> memref<128x128xf32, #tpu.memory_space<vmem_shared>>
      %dma_start3A_193 = arith.constant 0 : i32
      %dma_start3A_194 = arith.constant 0 : i32
      %dma_start3A_195 = tpu.memref_slice %arg15[%dma_start3A_193, %dma_start3A_194] : memref<128x128xf32, #tpu.memory_space<vmem>> -> memref<128x128xf32, #tpu.memory_space<vmem>>
      %dma_start3A_196 = arith.constant 0 : i32
      %dma_start3A_197 = tpu.memref_slice %arg17[%add3A_147, %dma_start3A_196] : memref<5120x128xf32, #tpu.memory_space<vmem_shared>> -> memref<128x128xf32, #tpu.memory_space<vmem_shared>>
      tpu.enqueue_dma source(%dma_start3A_197 : memref<128x128xf32, #tpu.memory_space<vmem_shared>>) target(%dma_start3A_195 : memref<128x128xf32, #tpu.memory_space<vmem>>) target_semaphore(%run_scoped3A : memref<!tpu.dma_semaphore, #tpu.memory_space<semaphore_mem>>)
      %dma_wait3A_198 = arith.constant 0 : i32
      %dma_wait3A_199 = arith.constant 0 : i32
      %dma_wait3A_200 = tpu.memref_slice %arg15[%dma_wait3A_198, %dma_wait3A_199] : memref<128x128xf32, #tpu.memory_space<vmem>> -> memref<128x128xf32, #tpu.memory_space<vmem>>
      %dma_wait3A_201 = arith.constant 0 : i32
      %dma_wait3A_202 = tpu.memref_slice %arg17[%add3A_147, %dma_wait3A_201] : memref<5120x128xf32, #tpu.memory_space<vmem_shared>> -> memref<128x128xf32, #tpu.memory_space<vmem_shared>>
      %dma_wait3A_203 = arith.constant 0 : i32
      %dma_wait3A_204 = arith.constant 0 : i32
      %dma_wait3A_205 = tpu.memref_slice %arg15[%dma_wait3A_203, %dma_wait3A_204] : memref<128x128xf32, #tpu.memory_space<vmem>> -> memref<128x128xf32, #tpu.memory_space<vmem>>
      %dma_wait3A_206 = arith.constant 0 : i32
      %dma_wait3A_207 = tpu.memref_slice %arg17[%add3A_147, %dma_wait3A_206] : memref<5120x128xf32, #tpu.memory_space<vmem_shared>> -> memref<128x128xf32, #tpu.memory_space<vmem_shared>>
      tpu.wait_dma2 semaphore(%run_scoped3A : memref<!tpu.dma_semaphore, #tpu.memory_space<semaphore_mem>>) src(%dma_wait3A_207 : memref<128x128xf32, #tpu.memory_space<vmem_shared>>) dst(%dma_wait3A_205 : memref<128x128xf32, #tpu.memory_space<vmem>>)
      tpu.yield
    }) : () -> ()
    %scan3A = arith.constant 0 : i32
    %scan3A_148 = arith.constant 0 : i32
    %scan3A_149 = arith.constant 128 : i32
    %scan3A_150 = arith.addi %scan3A_148, %scan3A_149 : i32
    %scan3A_151 = arith.constant 1 : i32
    scf.for %scan3A_188 = %scan3A_148 to %scan3A_150 step %scan3A_151  : i32 {
      %add3A_189 = arith.constant 0 : i32
      %add3A_190 = arith.addi %add3A_189, %scan3A_188 : i32
      %get3A_191 = arith.index_cast %add3A_190 : i32 to index
      %get3A_192 = arith.constant 0 : index
      %get3A_193 = tpu.vector_load %arg14[%get3A_191, %get3A_192] {strides = array<i32>} : memref<320x16xf32, #tpu.memory_space<vmem>>, vector<1x16xf32>,
      %get3A_194 = vector.shape_cast %get3A_193 : vector<1x16xf32> to vector<16xf32>
      %get3A_195 = arith.index_cast %scan3A_188 : i32 to index
      %get3A_196 = arith.constant 0 : index
      %get3A_197 = tpu.vector_load %arg15[%get3A_195, %get3A_196] {strides = array<i32>} : memref<128x128xf32, #tpu.memory_space<vmem>>, vector<1x16xf32>,
      %get3A_198 = vector.shape_cast %get3A_197 : vector<1x16xf32> to vector<16xf32>
      %mul3A_199 = arith.mulf %get3A_198, %get3A_194 : vector<16xf32>
      %swap3A = arith.index_cast %scan3A_188 : i32 to index
      %swap3A_200 = arith.constant 0 : index
      %swap3A_201 = tpu.vector_load %arg15[%swap3A, %swap3A_200] {strides = array<i32>} : memref<128x128xf32, #tpu.memory_space<vmem>>, vector<1x16xf32>,
      %swap3A_202 = vector.shape_cast %swap3A_201 : vector<1x16xf32> to vector<16xf32>
      %swap3A_203 = vector.shape_cast %mul3A_199 : vector<16xf32> to vector<1x16xf32>
      tpu.vector_store %arg15[%swap3A, %swap3A_200], %swap3A_203 {strides = array<i32>} : memref<128x128xf32, #tpu.memory_space<vmem>>, vector<1x16xf32>,
      %get3A_204 = arith.index_cast %scan3A_188 : i32 to index
      %get3A_205 = arith.constant 16 : index
      %get3A_206 = tpu.vector_load %arg15[%get3A_204, %get3A_205] {strides = array<i32>} : memref<128x128xf32, #tpu.memory_space<vmem>>, vector<1x16xf32>,
      %get3A_207 = vector.shape_cast %get3A_206 : vector<1x16xf32> to vector<16xf32>
      %mul3A_208 = arith.mulf %get3A_207, %get3A_194 : vector<16xf32>
      %swap3A_209 = arith.index_cast %scan3A_188 : i32 to index
      %swap3A_210 = arith.constant 16 : index
      %swap3A_211 = tpu.vector_load %arg15[%swap3A_209, %swap3A_210] {strides = array<i32>} : memref<128x128xf32, #tpu.memory_space<vmem>>, vector<1x16xf32>,
      %swap3A_212 = vector.shape_cast %swap3A_211 : vector<1x16xf32> to vector<16xf32>
      %swap3A_213 = vector.shape_cast %mul3A_208 : vector<16xf32> to vector<1x16xf32>
      tpu.vector_store %arg15[%swap3A_209, %swap3A_210], %swap3A_213 {strides = array<i32>} : memref<128x128xf32, #tpu.memory_space<vmem>>, vector<1x16xf32>,
      %get3A_214 = arith.index_cast %scan3A_188 : i32 to index
      %get3A_215 = arith.constant 32 : index
      %get3A_216 = tpu.vector_load %arg15[%get3A_214, %get3A_215] {strides = array<i32>} : memref<128x128xf32, #tpu.memory_space<vmem>>, vector<1x16xf32>,
      %get3A_217 = vector.shape_cast %get3A_216 : vector<1x16xf32> to vector<16xf32>
      %mul3A_218 = arith.mulf %get3A_217, %get3A_194 : vector<16xf32>
      %swap3A_219 = arith.index_cast %scan3A_188 : i32 to index
      %swap3A_220 = arith.constant 32 : index
      %swap3A_221 = tpu.vector_load %arg15[%swap3A_219, %swap3A_220] {strides = array<i32>} : memref<128x128xf32, #tpu.memory_space<vmem>>, vector<1x16xf32>,
      %swap3A_222 = vector.shape_cast %swap3A_221 : vector<1x16xf32> to vector<16xf32>
      %swap3A_223 = vector.shape_cast %mul3A_218 : vector<16xf32> to vector<1x16xf32>
      tpu.vector_store %arg15[%swap3A_219, %swap3A_220], %swap3A_223 {strides = array<i32>} : memref<128x128xf32, #tpu.memory_space<vmem>>, vector<1x16xf32>,
      %get3A_224 = arith.index_cast %scan3A_188 : i32 to index
      %get3A_225 = arith.constant 48 : index
      %get3A_226 = tpu.vector_load %arg15[%get3A_224, %get3A_225] {strides = array<i32>} : memref<128x128xf32, #tpu.memory_space<vmem>>, vector<1x16xf32>,
      %get3A_227 = vector.shape_cast %get3A_226 : vector<1x16xf32> to vector<16xf32>
      %mul3A_228 = arith.mulf %get3A_227, %get3A_194 : vector<16xf32>
      %swap3A_229 = arith.index_cast %scan3A_188 : i32 to index
      %swap3A_230 = arith.constant 48 : index
      %swap3A_231 = tpu.vector_load %arg15[%swap3A_229, %swap3A_230] {strides = array<i32>} : memref<128x128xf32, #tpu.memory_space<vmem>>, vector<1x16xf32>,
      %swap3A_232 = vector.shape_cast %swap3A_231 : vector<1x16xf32> to vector<16xf32>
      %swap3A_233 = vector.shape_cast %mul3A_228 : vector<16xf32> to vector<1x16xf32>
      tpu.vector_store %arg15[%swap3A_229, %swap3A_230], %swap3A_233 {strides = array<i32>} : memref<128x128xf32, #tpu.memory_space<vmem>>, vector<1x16xf32>,
      %get3A_234 = arith.index_cast %scan3A_188 : i32 to index
      %get3A_235 = arith.constant 64 : index
      %get3A_236 = tpu.vector_load %arg15[%get3A_234, %get3A_235] {strides = array<i32>} : memref<128x128xf32, #tpu.memory_space<vmem>>, vector<1x16xf32>,
      %get3A_237 = vector.shape_cast %get3A_236 : vector<1x16xf32> to vector<16xf32>
      %mul3A_238 = arith.mulf %get3A_237, %get3A_194 : vector<16xf32>
      %swap3A_239 = arith.index_cast %scan3A_188 : i32 to index
      %swap3A_240 = arith.constant 64 : index
      %swap3A_241 = tpu.vector_load %arg15[%swap3A_239, %swap3A_240] {strides = array<i32>} : memref<128x128xf32, #tpu.memory_space<vmem>>, vector<1x16xf32>,
      %swap3A_242 = vector.shape_cast %swap3A_241 : vector<1x16xf32> to vector<16xf32>
      %swap3A_243 = vector.shape_cast %mul3A_238 : vector<16xf32> to vector<1x16xf32>
      tpu.vector_store %arg15[%swap3A_239, %swap3A_240], %swap3A_243 {strides = array<i32>} : memref<128x128xf32, #tpu.memory_space<vmem>>, vector<1x16xf32>,
      %get3A_244 = arith.index_cast %scan3A_188 : i32 to index
      %get3A_245 = arith.constant 80 : index
      %get3A_246 = tpu.vector_load %arg15[%get3A_244, %get3A_245] {strides = array<i32>} : memref<128x128xf32, #tpu.memory_space<vmem>>, vector<1x16xf32>,
      %get3A_247 = vector.shape_cast %get3A_246 : vector<1x16xf32> to vector<16xf32>
      %mul3A_248 = arith.mulf %get3A_247, %get3A_194 : vector<16xf32>
      %swap3A_249 = arith.index_cast %scan3A_188 : i32 to index
      %swap3A_250 = arith.constant 80 : index
      %swap3A_251 = tpu.vector_load %arg15[%swap3A_249, %swap3A_250] {strides = array<i32>} : memref<128x128xf32, #tpu.memory_space<vmem>>, vector<1x16xf32>,
      %swap3A_252 = vector.shape_cast %swap3A_251 : vector<1x16xf32> to vector<16xf32>
      %swap3A_253 = vector.shape_cast %mul3A_248 : vector<16xf32> to vector<1x16xf32>
      tpu.vector_store %arg15[%swap3A_249, %swap3A_250], %swap3A_253 {strides = array<i32>} : memref<128x128xf32, #tpu.memory_space<vmem>>, vector<1x16xf32>,
      %get3A_254 = arith.index_cast %scan3A_188 : i32 to index
      %get3A_255 = arith.constant 96 : index
      %get3A_256 = tpu.vector_load %arg15[%get3A_254, %get3A_255] {strides = array<i32>} : memref<128x128xf32, #tpu.memory_space<vmem>>, vector<1x16xf32>,
      %get3A_257 = vector.shape_cast %get3A_256 : vector<1x16xf32> to vector<16xf32>
      %mul3A_258 = arith.mulf %get3A_257, %get3A_194 : vector<16xf32>
      %swap3A_259 = arith.index_cast %scan3A_188 : i32 to index
      %swap3A_260 = arith.constant 96 : index
      %swap3A_261 = tpu.vector_load %arg15[%swap3A_259, %swap3A_260] {strides = array<i32>} : memref<128x128xf32, #tpu.memory_space<vmem>>, vector<1x16xf32>,
      %swap3A_262 = vector.shape_cast %swap3A_261 : vector<1x16xf32> to vector<16xf32>
      %swap3A_263 = vector.shape_cast %mul3A_258 : vector<16xf32> to vector<1x16xf32>
      tpu.vector_store %arg15[%swap3A_259, %swap3A_260], %swap3A_263 {strides = array<i32>} : memref<128x128xf32, #tpu.memory_space<vmem>>, vector<1x16xf32>,
      %get3A_264 = arith.index_cast %scan3A_188 : i32 to index
      %get3A_265 = arith.constant 112 : index
      %get3A_266 = tpu.vector_load %arg15[%get3A_264, %get3A_265] {strides = array<i32>} : memref<128x128xf32, #tpu.memory_space<vmem>>, vector<1x16xf32>,
      %get3A_267 = vector.shape_cast %get3A_266 : vector<1x16xf32> to vector<16xf32>
      %mul3A_268 = arith.mulf %get3A_267, %get3A_194 : vector<16xf32>
      %swap3A_269 = arith.index_cast %scan3A_188 : i32 to index
      %swap3A_270 = arith.constant 112 : index
      %swap3A_271 = tpu.vector_load %arg15[%swap3A_269, %swap3A_270] {strides = array<i32>} : memref<128x128xf32, #tpu.memory_space<vmem>>, vector<1x16xf32>,
      %swap3A_272 = vector.shape_cast %swap3A_271 : vector<1x16xf32> to vector<16xf32>
      %swap3A_273 = vector.shape_cast %mul3A_268 : vector<16xf32> to vector<1x16xf32>
      tpu.vector_store %arg15[%swap3A_269, %swap3A_270], %swap3A_273 {strides = array<i32>} : memref<128x128xf32, #tpu.memory_space<vmem>>, vector<1x16xf32>,
    }
    %scan3A_152 = arith.constant 128 : i32
    %mul3A_153 = arith.constant 320 : i32
    %mul3A_154 = arith.muli %arg1, %mul3A_153 : i32
    %add3A_155 = arith.addi %mul3A_0, %mul3A_154 : i32
    %add3A_156 = arith.constant 0 : i32
    %add3A_157 = arith.addi %add3A_155, %add3A_156 : i32
    "tpu.region"() ({
      %run_scoped3A = tpu.sem_alloc : memref<!tpu.dma_semaphore, #tpu.memory_space<semaphore_mem>>
      %dma_start3A_188 = arith.constant 0 : i32
      %dma_start3A_189 = arith.constant 0 : i32
      %dma_start3A_190 = tpu.memref_slice %arg15[%dma_start3A_188, %dma_start3A_189] : memref<128x128xf32, #tpu.memory_space<vmem>> -> memref<128x128xf32, #tpu.memory_space<vmem>>
      %dma_start3A_191 = arith.constant 0 : i32
      %dma_start3A_192 = tpu.memref_slice %arg7[%add3A_157, %dma_start3A_191] : memref<10240x128xf32, #tpu.memory_space<hbm>> -> memref<128x128xf32, #tpu.memory_space<hbm>>
      %dma_start3A_193 = arith.constant 0 : i32
      %dma_start3A_194 = tpu.memref_slice %arg7[%add3A_157, %dma_start3A_193] : memref<10240x128xf32, #tpu.memory_space<hbm>> -> memref<128x128xf32, #tpu.memory_space<hbm>>
      %dma_start3A_195 = arith.constant 0 : i32
      %dma_start3A_196 = arith.constant 0 : i32
      %dma_start3A_197 = tpu.memref_slice %arg15[%dma_start3A_195, %dma_start3A_196] : memref<128x128xf32, #tpu.memory_space<vmem>> -> memref<128x128xf32, #tpu.memory_space<vmem>>
      tpu.enqueue_dma source(%dma_start3A_197 : memref<128x128xf32, #tpu.memory_space<vmem>>) target(%dma_start3A_194 : memref<128x128xf32, #tpu.memory_space<hbm>>) target_semaphore(%run_scoped3A : memref<!tpu.dma_semaphore, #tpu.memory_space<semaphore_mem>>)
      %dma_wait3A_198 = arith.constant 0 : i32
      %dma_wait3A_199 = arith.constant 0 : i32
      %dma_wait3A_200 = tpu.memref_slice %arg15[%dma_wait3A_198, %dma_wait3A_199] : memref<128x128xf32, #tpu.memory_space<vmem>> -> memref<128x128xf32, #tpu.memory_space<vmem>>
      %dma_wait3A_201 = arith.constant 0 : i32
      %dma_wait3A_202 = tpu.memref_slice %arg7[%add3A_157, %dma_wait3A_201] : memref<10240x128xf32, #tpu.memory_space<hbm>> -> memref<128x128xf32, #tpu.memory_space<hbm>>
      %dma_wait3A_203 = arith.constant 0 : i32
      %dma_wait3A_204 = tpu.memref_slice %arg7[%add3A_157, %dma_wait3A_203] : memref<10240x128xf32, #tpu.memory_space<hbm>> -> memref<128x128xf32, #tpu.memory_space<hbm>>
      %dma_wait3A_205 = arith.constant 0 : i32
      %dma_wait3A_206 = arith.constant 0 : i32
      %dma_wait3A_207 = tpu.memref_slice %arg15[%dma_wait3A_205, %dma_wait3A_206] : memref<128x128xf32, #tpu.memory_space<vmem>> -> memref<128x128xf32, #tpu.memory_space<vmem>>
      tpu.wait_dma2 semaphore(%run_scoped3A : memref<!tpu.dma_semaphore, #tpu.memory_space<semaphore_mem>>) src(%dma_wait3A_207 : memref<128x128xf32, #tpu.memory_space<vmem>>) dst(%dma_wait3A_204 : memref<128x128xf32, #tpu.memory_space<hbm>>)
      tpu.yield
    }) : () -> ()
    %mul3A_158 = arith.constant 320 : i32
    %mul3A_159 = arith.muli %arg1, %mul3A_158 : i32
    %add3A_160 = arith.constant 128 : i32
    %add3A_161 = arith.addi %mul3A_159, %add3A_160 : i32
    "tpu.region"() ({
      %run_scoped3A = tpu.sem_alloc : memref<!tpu.dma_semaphore, #tpu.memory_space<semaphore_mem>>
      %dma_start3A_188 = arith.constant 0 : i32
      %dma_start3A_189 = arith.constant 0 : i32
      %dma_start3A_190 = tpu.memref_slice %arg15[%dma_start3A_188, %dma_start3A_189] : memref<128x128xf32, #tpu.memory_space<vmem>> -> memref<128x128xf32, #tpu.memory_space<vmem>>
      %dma_start3A_191 = arith.constant 0 : i32
      %dma_start3A_192 = tpu.memref_slice %arg17[%add3A_161, %dma_start3A_191] : memref<5120x128xf32, #tpu.memory_space<vmem_shared>> -> memref<128x128xf32, #tpu.memory_space<vmem_shared>>
      %dma_start3A_193 = arith.constant 0 : i32
      %dma_start3A_194 = arith.constant 0 : i32
      %dma_start3A_195 = tpu.memref_slice %arg15[%dma_start3A_193, %dma_start3A_194] : memref<128x128xf32, #tpu.memory_space<vmem>> -> memref<128x128xf32, #tpu.memory_space<vmem>>
      %dma_start3A_196 = arith.constant 0 : i32
      %dma_start3A_197 = tpu.memref_slice %arg17[%add3A_161, %dma_start3A_196] : memref<5120x128xf32, #tpu.memory_space<vmem_shared>> -> memref<128x128xf32, #tpu.memory_space<vmem_shared>>
      tpu.enqueue_dma source(%dma_start3A_197 : memref<128x128xf32, #tpu.memory_space<vmem_shared>>) target(%dma_start3A_195 : memref<128x128xf32, #tpu.memory_space<vmem>>) target_semaphore(%run_scoped3A : memref<!tpu.dma_semaphore, #tpu.memory_space<semaphore_mem>>)
      %dma_wait3A_198 = arith.constant 0 : i32
      %dma_wait3A_199 = arith.constant 0 : i32
      %dma_wait3A_200 = tpu.memref_slice %arg15[%dma_wait3A_198, %dma_wait3A_199] : memref<128x128xf32, #tpu.memory_space<vmem>> -> memref<128x128xf32, #tpu.memory_space<vmem>>
      %dma_wait3A_201 = arith.constant 0 : i32
      %dma_wait3A_202 = tpu.memref_slice %arg17[%add3A_161, %dma_wait3A_201] : memref<5120x128xf32, #tpu.memory_space<vmem_shared>> -> memref<128x128xf32, #tpu.memory_space<vmem_shared>>
      %dma_wait3A_203 = arith.constant 0 : i32
      %dma_wait3A_204 = arith.constant 0 : i32
      %dma_wait3A_205 = tpu.memref_slice %arg15[%dma_wait3A_203, %dma_wait3A_204] : memref<128x128xf32, #tpu.memory_space<vmem>> -> memref<128x128xf32, #tpu.memory_space<vmem>>
      %dma_wait3A_206 = arith.constant 0 : i32
      %dma_wait3A_207 = tpu.memref_slice %arg17[%add3A_161, %dma_wait3A_206] : memref<5120x128xf32, #tpu.memory_space<vmem_shared>> -> memref<128x128xf32, #tpu.memory_space<vmem_shared>>
      tpu.wait_dma2 semaphore(%run_scoped3A : memref<!tpu.dma_semaphore, #tpu.memory_space<semaphore_mem>>) src(%dma_wait3A_207 : memref<128x128xf32, #tpu.memory_space<vmem_shared>>) dst(%dma_wait3A_205 : memref<128x128xf32, #tpu.memory_space<vmem>>)
      tpu.yield
    }) : () -> ()
    %scan3A_162 = arith.constant 0 : i32
    %scan3A_163 = arith.constant 0 : i32
    %scan3A_164 = arith.constant 128 : i32
    %scan3A_165 = arith.addi %scan3A_163, %scan3A_164 : i32
    %scan3A_166 = arith.constant 1 : i32
    scf.for %scan3A_188 = %scan3A_163 to %scan3A_165 step %scan3A_166  : i32 {
      %add3A_189 = arith.constant 128 : i32
      %add3A_190 = arith.addi %add3A_189, %scan3A_188 : i32
      %get3A_191 = arith.index_cast %add3A_190 : i32 to index
      %get3A_192 = arith.constant 0 : index
      %get3A_193 = tpu.vector_load %arg14[%get3A_191, %get3A_192] {strides = array<i32>} : memref<320x16xf32, #tpu.memory_space<vmem>>, vector<1x16xf32>,
      %get3A_194 = vector.shape_cast %get3A_193 : vector<1x16xf32> to vector<16xf32>
      %get3A_195 = arith.index_cast %scan3A_188 : i32 to index
      %get3A_196 = arith.constant 0 : index
      %get3A_197 = tpu.vector_load %arg15[%get3A_195, %get3A_196] {strides = array<i32>} : memref<128x128xf32, #tpu.memory_space<vmem>>, vector<1x16xf32>,
      %get3A_198 = vector.shape_cast %get3A_197 : vector<1x16xf32> to vector<16xf32>
      %mul3A_199 = arith.mulf %get3A_198, %get3A_194 : vector<16xf32>
      %swap3A = arith.index_cast %scan3A_188 : i32 to index
      %swap3A_200 = arith.constant 0 : index
      %swap3A_201 = tpu.vector_load %arg15[%swap3A, %swap3A_200] {strides = array<i32>} : memref<128x128xf32, #tpu.memory_space<vmem>>, vector<1x16xf32>,
      %swap3A_202 = vector.shape_cast %swap3A_201 : vector<1x16xf32> to vector<16xf32>
      %swap3A_203 = vector.shape_cast %mul3A_199 : vector<16xf32> to vector<1x16xf32>
      tpu.vector_store %arg15[%swap3A, %swap3A_200], %swap3A_203 {strides = array<i32>} : memref<128x128xf32, #tpu.memory_space<vmem>>, vector<1x16xf32>,
      %get3A_204 = arith.index_cast %scan3A_188 : i32 to index
      %get3A_205 = arith.constant 16 : index
      %get3A_206 = tpu.vector_load %arg15[%get3A_204, %get3A_205] {strides = array<i32>} : memref<128x128xf32, #tpu.memory_space<vmem>>, vector<1x16xf32>,
      %get3A_207 = vector.shape_cast %get3A_206 : vector<1x16xf32> to vector<16xf32>
      %mul3A_208 = arith.mulf %get3A_207, %get3A_194 : vector<16xf32>
      %swap3A_209 = arith.index_cast %scan3A_188 : i32 to index
      %swap3A_210 = arith.constant 16 : index
      %swap3A_211 = tpu.vector_load %arg15[%swap3A_209, %swap3A_210] {strides = array<i32>} : memref<128x128xf32, #tpu.memory_space<vmem>>, vector<1x16xf32>,
      %swap3A_212 = vector.shape_cast %swap3A_211 : vector<1x16xf32> to vector<16xf32>
      %swap3A_213 = vector.shape_cast %mul3A_208 : vector<16xf32> to vector<1x16xf32>
      tpu.vector_store %arg15[%swap3A_209, %swap3A_210], %swap3A_213 {strides = array<i32>} : memref<128x128xf32, #tpu.memory_space<vmem>>, vector<1x16xf32>,
      %get3A_214 = arith.index_cast %scan3A_188 : i32 to index
      %get3A_215 = arith.constant 32 : index
      %get3A_216 = tpu.vector_load %arg15[%get3A_214, %get3A_215] {strides = array<i32>} : memref<128x128xf32, #tpu.memory_space<vmem>>, vector<1x16xf32>,
      %get3A_217 = vector.shape_cast %get3A_216 : vector<1x16xf32> to vector<16xf32>
      %mul3A_218 = arith.mulf %get3A_217, %get3A_194 : vector<16xf32>
      %swap3A_219 = arith.index_cast %scan3A_188 : i32 to index
      %swap3A_220 = arith.constant 32 : index
      %swap3A_221 = tpu.vector_load %arg15[%swap3A_219, %swap3A_220] {strides = array<i32>} : memref<128x128xf32, #tpu.memory_space<vmem>>, vector<1x16xf32>,
      %swap3A_222 = vector.shape_cast %swap3A_221 : vector<1x16xf32> to vector<16xf32>
      %swap3A_223 = vector.shape_cast %mul3A_218 : vector<16xf32> to vector<1x16xf32>
      tpu.vector_store %arg15[%swap3A_219, %swap3A_220], %swap3A_223 {strides = array<i32>} : memref<128x128xf32, #tpu.memory_space<vmem>>, vector<1x16xf32>,
      %get3A_224 = arith.index_cast %scan3A_188 : i32 to index
      %get3A_225 = arith.constant 48 : index
      %get3A_226 = tpu.vector_load %arg15[%get3A_224, %get3A_225] {strides = array<i32>} : memref<128x128xf32, #tpu.memory_space<vmem>>, vector<1x16xf32>,
      %get3A_227 = vector.shape_cast %get3A_226 : vector<1x16xf32> to vector<16xf32>
      %mul3A_228 = arith.mulf %get3A_227, %get3A_194 : vector<16xf32>
      %swap3A_229 = arith.index_cast %scan3A_188 : i32 to index
      %swap3A_230 = arith.constant 48 : index
      %swap3A_231 = tpu.vector_load %arg15[%swap3A_229, %swap3A_230] {strides = array<i32>} : memref<128x128xf32, #tpu.memory_space<vmem>>, vector<1x16xf32>,
      %swap3A_232 = vector.shape_cast %swap3A_231 : vector<1x16xf32> to vector<16xf32>
      %swap3A_233 = vector.shape_cast %mul3A_228 : vector<16xf32> to vector<1x16xf32>
      tpu.vector_store %arg15[%swap3A_229, %swap3A_230], %swap3A_233 {strides = array<i32>} : memref<128x128xf32, #tpu.memory_space<vmem>>, vector<1x16xf32>,
      %get3A_234 = arith.index_cast %scan3A_188 : i32 to index
      %get3A_235 = arith.constant 64 : index
      %get3A_236 = tpu.vector_load %arg15[%get3A_234, %get3A_235] {strides = array<i32>} : memref<128x128xf32, #tpu.memory_space<vmem>>, vector<1x16xf32>,
      %get3A_237 = vector.shape_cast %get3A_236 : vector<1x16xf32> to vector<16xf32>
      %mul3A_238 = arith.mulf %get3A_237, %get3A_194 : vector<16xf32>
      %swap3A_239 = arith.index_cast %scan3A_188 : i32 to index
      %swap3A_240 = arith.constant 64 : index
      %swap3A_241 = tpu.vector_load %arg15[%swap3A_239, %swap3A_240] {strides = array<i32>} : memref<128x128xf32, #tpu.memory_space<vmem>>, vector<1x16xf32>,
      %swap3A_242 = vector.shape_cast %swap3A_241 : vector<1x16xf32> to vector<16xf32>
      %swap3A_243 = vector.shape_cast %mul3A_238 : vector<16xf32> to vector<1x16xf32>
      tpu.vector_store %arg15[%swap3A_239, %swap3A_240], %swap3A_243 {strides = array<i32>} : memref<128x128xf32, #tpu.memory_space<vmem>>, vector<1x16xf32>,
      %get3A_244 = arith.index_cast %scan3A_188 : i32 to index
      %get3A_245 = arith.constant 80 : index
      %get3A_246 = tpu.vector_load %arg15[%get3A_244, %get3A_245] {strides = array<i32>} : memref<128x128xf32, #tpu.memory_space<vmem>>, vector<1x16xf32>,
      %get3A_247 = vector.shape_cast %get3A_246 : vector<1x16xf32> to vector<16xf32>
      %mul3A_248 = arith.mulf %get3A_247, %get3A_194 : vector<16xf32>
      %swap3A_249 = arith.index_cast %scan3A_188 : i32 to index
      %swap3A_250 = arith.constant 80 : index
      %swap3A_251 = tpu.vector_load %arg15[%swap3A_249, %swap3A_250] {strides = array<i32>} : memref<128x128xf32, #tpu.memory_space<vmem>>, vector<1x16xf32>,
      %swap3A_252 = vector.shape_cast %swap3A_251 : vector<1x16xf32> to vector<16xf32>
      %swap3A_253 = vector.shape_cast %mul3A_248 : vector<16xf32> to vector<1x16xf32>
      tpu.vector_store %arg15[%swap3A_249, %swap3A_250], %swap3A_253 {strides = array<i32>} : memref<128x128xf32, #tpu.memory_space<vmem>>, vector<1x16xf32>,
      %get3A_254 = arith.index_cast %scan3A_188 : i32 to index
      %get3A_255 = arith.constant 96 : index
      %get3A_256 = tpu.vector_load %arg15[%get3A_254, %get3A_255] {strides = array<i32>} : memref<128x128xf32, #tpu.memory_space<vmem>>, vector<1x16xf32>,
      %get3A_257 = vector.shape_cast %get3A_256 : vector<1x16xf32> to vector<16xf32>
      %mul3A_258 = arith.mulf %get3A_257, %get3A_194 : vector<16xf32>
      %swap3A_259 = arith.index_cast %scan3A_188 : i32 to index
      %swap3A_260 = arith.constant 96 : index
      %swap3A_261 = tpu.vector_load %arg15[%swap3A_259, %swap3A_260] {strides = array<i32>} : memref<128x128xf32, #tpu.memory_space<vmem>>, vector<1x16xf32>,
      %swap3A_262 = vector.shape_cast %swap3A_261 : vector<1x16xf32> to vector<16xf32>
      %swap3A_263 = vector.shape_cast %mul3A_258 : vector<16xf32> to vector<1x16xf32>
      tpu.vector_store %arg15[%swap3A_259, %swap3A_260], %swap3A_263 {strides = array<i32>} : memref<128x128xf32, #tpu.memory_space<vmem>>, vector<1x16xf32>,
      %get3A_264 = arith.index_cast %scan3A_188 : i32 to index
      %get3A_265 = arith.constant 112 : index
      %get3A_266 = tpu.vector_load %arg15[%get3A_264, %get3A_265] {strides = array<i32>} : memref<128x128xf32, #tpu.memory_space<vmem>>, vector<1x16xf32>,
      %get3A_267 = vector.shape_cast %get3A_266 : vector<1x16xf32> to vector<16xf32>
      %mul3A_268 = arith.mulf %get3A_267, %get3A_194 : vector<16xf32>
      %swap3A_269 = arith.index_cast %scan3A_188 : i32 to index
      %swap3A_270 = arith.constant 112 : index
      %swap3A_271 = tpu.vector_load %arg15[%swap3A_269, %swap3A_270] {strides = array<i32>} : memref<128x128xf32, #tpu.memory_space<vmem>>, vector<1x16xf32>,
      %swap3A_272 = vector.shape_cast %swap3A_271 : vector<1x16xf32> to vector<16xf32>
      %swap3A_273 = vector.shape_cast %mul3A_268 : vector<16xf32> to vector<1x16xf32>
      tpu.vector_store %arg15[%swap3A_269, %swap3A_270], %swap3A_273 {strides = array<i32>} : memref<128x128xf32, #tpu.memory_space<vmem>>, vector<1x16xf32>,
    }
    %scan3A_167 = arith.constant 128 : i32
    %mul3A_168 = arith.constant 320 : i32
    %mul3A_169 = arith.muli %arg1, %mul3A_168 : i32
    %add3A_170 = arith.addi %mul3A_0, %mul3A_169 : i32
    %add3A_171 = arith.constant 128 : i32
    %add3A_172 = arith.addi %add3A_170, %add3A_171 : i32
    "tpu.region"() ({
      %run_scoped3A = tpu.sem_alloc : memref<!tpu.dma_semaphore, #tpu.memory_space<semaphore_mem>>
      %dma_start3A_188 = arith.constant 0 : i32
      %dma_start3A_189 = arith.constant 0 : i32
      %dma_start3A_190 = tpu.memref_slice %arg15[%dma_start3A_188, %dma_start3A_189] : memref<128x128xf32, #tpu.memory_space<vmem>> -> memref<128x128xf32, #tpu.memory_space<vmem>>
      %dma_start3A_191 = arith.constant 0 : i32
      %dma_start3A_192 = tpu.memref_slice %arg7[%add3A_172, %dma_start3A_191] : memref<10240x128xf32, #tpu.memory_space<hbm>> -> memref<128x128xf32, #tpu.memory_space<hbm>>
      %dma_start3A_193 = arith.constant 0 : i32
      %dma_start3A_194 = tpu.memref_slice %arg7[%add3A_172, %dma_start3A_193] : memref<10240x128xf32, #tpu.memory_space<hbm>> -> memref<128x128xf32, #tpu.memory_space<hbm>>
      %dma_start3A_195 = arith.constant 0 : i32
      %dma_start3A_196 = arith.constant 0 : i32
      %dma_start3A_197 = tpu.memref_slice %arg15[%dma_start3A_195, %dma_start3A_196] : memref<128x128xf32, #tpu.memory_space<vmem>> -> memref<128x128xf32, #tpu.memory_space<vmem>>
      tpu.enqueue_dma source(%dma_start3A_197 : memref<128x128xf32, #tpu.memory_space<vmem>>) target(%dma_start3A_194 : memref<128x128xf32, #tpu.memory_space<hbm>>) target_semaphore(%run_scoped3A : memref<!tpu.dma_semaphore, #tpu.memory_space<semaphore_mem>>)
      %dma_wait3A_198 = arith.constant 0 : i32
      %dma_wait3A_199 = arith.constant 0 : i32
      %dma_wait3A_200 = tpu.memref_slice %arg15[%dma_wait3A_198, %dma_wait3A_199] : memref<128x128xf32, #tpu.memory_space<vmem>> -> memref<128x128xf32, #tpu.memory_space<vmem>>
      %dma_wait3A_201 = arith.constant 0 : i32
      %dma_wait3A_202 = tpu.memref_slice %arg7[%add3A_172, %dma_wait3A_201] : memref<10240x128xf32, #tpu.memory_space<hbm>> -> memref<128x128xf32, #tpu.memory_space<hbm>>
      %dma_wait3A_203 = arith.constant 0 : i32
      %dma_wait3A_204 = tpu.memref_slice %arg7[%add3A_172, %dma_wait3A_203] : memref<10240x128xf32, #tpu.memory_space<hbm>> -> memref<128x128xf32, #tpu.memory_space<hbm>>
      %dma_wait3A_205 = arith.constant 0 : i32
      %dma_wait3A_206 = arith.constant 0 : i32
      %dma_wait3A_207 = tpu.memref_slice %arg15[%dma_wait3A_205, %dma_wait3A_206] : memref<128x128xf32, #tpu.memory_space<vmem>> -> memref<128x128xf32, #tpu.memory_space<vmem>>
      tpu.wait_dma2 semaphore(%run_scoped3A : memref<!tpu.dma_semaphore, #tpu.memory_space<semaphore_mem>>) src(%dma_wait3A_207 : memref<128x128xf32, #tpu.memory_space<vmem>>) dst(%dma_wait3A_204 : memref<128x128xf32, #tpu.memory_space<hbm>>)
      tpu.yield
    }) : () -> ()
    %mul3A_173 = arith.constant 320 : i32
    %mul3A_174 = arith.muli %arg1, %mul3A_173 : i32
    %add3A_175 = arith.constant 256 : i32
    %add3A_176 = arith.addi %mul3A_174, %add3A_175 : i32
    "tpu.region"() ({
      %run_scoped3A = tpu.sem_alloc : memref<!tpu.dma_semaphore, #tpu.memory_space<semaphore_mem>>
      %dma_start3A_188 = arith.constant 0 : i32
      %dma_start3A_189 = arith.constant 0 : i32
      %dma_start3A_190 = tpu.memref_slice %arg15[%dma_start3A_188, %dma_start3A_189] : memref<128x128xf32, #tpu.memory_space<vmem>> -> memref<64x128xf32, #tpu.memory_space<vmem>>
      %dma_start3A_191 = arith.constant 0 : i32
      %dma_start3A_192 = tpu.memref_slice %arg17[%add3A_176, %dma_start3A_191] : memref<5120x128xf32, #tpu.memory_space<vmem_shared>> -> memref<64x128xf32, #tpu.memory_space<vmem_shared>>
      %dma_start3A_193 = arith.constant 0 : i32
      %dma_start3A_194 = arith.constant 0 : i32
      %dma_start3A_195 = tpu.memref_slice %arg15[%dma_start3A_193, %dma_start3A_194] : memref<128x128xf32, #tpu.memory_space<vmem>> -> memref<64x128xf32, #tpu.memory_space<vmem>>
      %dma_start3A_196 = arith.constant 0 : i32
      %dma_start3A_197 = tpu.memref_slice %arg17[%add3A_176, %dma_start3A_196] : memref<5120x128xf32, #tpu.memory_space<vmem_shared>> -> memref<64x128xf32, #tpu.memory_space<vmem_shared>>
      tpu.enqueue_dma source(%dma_start3A_197 : memref<64x128xf32, #tpu.memory_space<vmem_shared>>) target(%dma_start3A_195 : memref<64x128xf32, #tpu.memory_space<vmem>>) target_semaphore(%run_scoped3A : memref<!tpu.dma_semaphore, #tpu.memory_space<semaphore_mem>>)
      %dma_wait3A_198 = arith.constant 0 : i32
      %dma_wait3A_199 = arith.constant 0 : i32
      %dma_wait3A_200 = tpu.memref_slice %arg15[%dma_wait3A_198, %dma_wait3A_199] : memref<128x128xf32, #tpu.memory_space<vmem>> -> memref<64x128xf32, #tpu.memory_space<vmem>>
      %dma_wait3A_201 = arith.constant 0 : i32
      %dma_wait3A_202 = tpu.memref_slice %arg17[%add3A_176, %dma_wait3A_201] : memref<5120x128xf32, #tpu.memory_space<vmem_shared>> -> memref<64x128xf32, #tpu.memory_space<vmem_shared>>
      %dma_wait3A_203 = arith.constant 0 : i32
      %dma_wait3A_204 = arith.constant 0 : i32
      %dma_wait3A_205 = tpu.memref_slice %arg15[%dma_wait3A_203, %dma_wait3A_204] : memref<128x128xf32, #tpu.memory_space<vmem>> -> memref<64x128xf32, #tpu.memory_space<vmem>>
      %dma_wait3A_206 = arith.constant 0 : i32
      %dma_wait3A_207 = tpu.memref_slice %arg17[%add3A_176, %dma_wait3A_206] : memref<5120x128xf32, #tpu.memory_space<vmem_shared>> -> memref<64x128xf32, #tpu.memory_space<vmem_shared>>
      tpu.wait_dma2 semaphore(%run_scoped3A : memref<!tpu.dma_semaphore, #tpu.memory_space<semaphore_mem>>) src(%dma_wait3A_207 : memref<64x128xf32, #tpu.memory_space<vmem_shared>>) dst(%dma_wait3A_205 : memref<64x128xf32, #tpu.memory_space<vmem>>)
      tpu.yield
    }) : () -> ()
    %scan3A_177 = arith.constant 0 : i32
    %scan3A_178 = arith.constant 0 : i32
    %scan3A_179 = arith.constant 64 : i32
    %scan3A_180 = arith.addi %scan3A_178, %scan3A_179 : i32
    %scan3A_181 = arith.constant 1 : i32
    scf.for %scan3A_188 = %scan3A_178 to %scan3A_180 step %scan3A_181  : i32 {
      %add3A_189 = arith.constant 256 : i32
      %add3A_190 = arith.addi %add3A_189, %scan3A_188 : i32
      %get3A_191 = arith.index_cast %add3A_190 : i32 to index
      %get3A_192 = arith.constant 0 : index
      %get3A_193 = tpu.vector_load %arg14[%get3A_191, %get3A_192] {strides = array<i32>} : memref<320x16xf32, #tpu.memory_space<vmem>>, vector<1x16xf32>,
      %get3A_194 = vector.shape_cast %get3A_193 : vector<1x16xf32> to vector<16xf32>
      %get3A_195 = arith.index_cast %scan3A_188 : i32 to index
      %get3A_196 = arith.constant 0 : index
      %get3A_197 = tpu.vector_load %arg15[%get3A_195, %get3A_196] {strides = array<i32>} : memref<128x128xf32, #tpu.memory_space<vmem>>, vector<1x16xf32>,
      %get3A_198 = vector.shape_cast %get3A_197 : vector<1x16xf32> to vector<16xf32>
      %mul3A_199 = arith.mulf %get3A_198, %get3A_194 : vector<16xf32>
      %swap3A = arith.index_cast %scan3A_188 : i32 to index
      %swap3A_200 = arith.constant 0 : index
      %swap3A_201 = tpu.vector_load %arg15[%swap3A, %swap3A_200] {strides = array<i32>} : memref<128x128xf32, #tpu.memory_space<vmem>>, vector<1x16xf32>,
      %swap3A_202 = vector.shape_cast %swap3A_201 : vector<1x16xf32> to vector<16xf32>
      %swap3A_203 = vector.shape_cast %mul3A_199 : vector<16xf32> to vector<1x16xf32>
      tpu.vector_store %arg15[%swap3A, %swap3A_200], %swap3A_203 {strides = array<i32>} : memref<128x128xf32, #tpu.memory_space<vmem>>, vector<1x16xf32>,
      %get3A_204 = arith.index_cast %scan3A_188 : i32 to index
      %get3A_205 = arith.constant 16 : index
      %get3A_206 = tpu.vector_load %arg15[%get3A_204, %get3A_205] {strides = array<i32>} : memref<128x128xf32, #tpu.memory_space<vmem>>, vector<1x16xf32>,
      %get3A_207 = vector.shape_cast %get3A_206 : vector<1x16xf32> to vector<16xf32>
      %mul3A_208 = arith.mulf %get3A_207, %get3A_194 : vector<16xf32>
      %swap3A_209 = arith.index_cast %scan3A_188 : i32 to index
      %swap3A_210 = arith.constant 16 : index
      %swap3A_211 = tpu.vector_load %arg15[%swap3A_209, %swap3A_210] {strides = array<i32>} : memref<128x128xf32, #tpu.memory_space<vmem>>, vector<1x16xf32>,
      %swap3A_212 = vector.shape_cast %swap3A_211 : vector<1x16xf32> to vector<16xf32>
      %swap3A_213 = vector.shape_cast %mul3A_208 : vector<16xf32> to vector<1x16xf32>
      tpu.vector_store %arg15[%swap3A_209, %swap3A_210], %swap3A_213 {strides = array<i32>} : memref<128x128xf32, #tpu.memory_space<vmem>>, vector<1x16xf32>,
      %get3A_214 = arith.index_cast %scan3A_188 : i32 to index
      %get3A_215 = arith.constant 32 : index
      %get3A_216 = tpu.vector_load %arg15[%get3A_214, %get3A_215] {strides = array<i32>} : memref<128x128xf32, #tpu.memory_space<vmem>>, vector<1x16xf32>,
      %get3A_217 = vector.shape_cast %get3A_216 : vector<1x16xf32> to vector<16xf32>
      %mul3A_218 = arith.mulf %get3A_217, %get3A_194 : vector<16xf32>
      %swap3A_219 = arith.index_cast %scan3A_188 : i32 to index
      %swap3A_220 = arith.constant 32 : index
      %swap3A_221 = tpu.vector_load %arg15[%swap3A_219, %swap3A_220] {strides = array<i32>} : memref<128x128xf32, #tpu.memory_space<vmem>>, vector<1x16xf32>,
      %swap3A_222 = vector.shape_cast %swap3A_221 : vector<1x16xf32> to vector<16xf32>
      %swap3A_223 = vector.shape_cast %mul3A_218 : vector<16xf32> to vector<1x16xf32>
      tpu.vector_store %arg15[%swap3A_219, %swap3A_220], %swap3A_223 {strides = array<i32>} : memref<128x128xf32, #tpu.memory_space<vmem>>, vector<1x16xf32>,
      %get3A_224 = arith.index_cast %scan3A_188 : i32 to index
      %get3A_225 = arith.constant 48 : index
      %get3A_226 = tpu.vector_load %arg15[%get3A_224, %get3A_225] {strides = array<i32>} : memref<128x128xf32, #tpu.memory_space<vmem>>, vector<1x16xf32>,
      %get3A_227 = vector.shape_cast %get3A_226 : vector<1x16xf32> to vector<16xf32>
      %mul3A_228 = arith.mulf %get3A_227, %get3A_194 : vector<16xf32>
      %swap3A_229 = arith.index_cast %scan3A_188 : i32 to index
      %swap3A_230 = arith.constant 48 : index
      %swap3A_231 = tpu.vector_load %arg15[%swap3A_229, %swap3A_230] {strides = array<i32>} : memref<128x128xf32, #tpu.memory_space<vmem>>, vector<1x16xf32>,
      %swap3A_232 = vector.shape_cast %swap3A_231 : vector<1x16xf32> to vector<16xf32>
      %swap3A_233 = vector.shape_cast %mul3A_228 : vector<16xf32> to vector<1x16xf32>
      tpu.vector_store %arg15[%swap3A_229, %swap3A_230], %swap3A_233 {strides = array<i32>} : memref<128x128xf32, #tpu.memory_space<vmem>>, vector<1x16xf32>,
      %get3A_234 = arith.index_cast %scan3A_188 : i32 to index
      %get3A_235 = arith.constant 64 : index
      %get3A_236 = tpu.vector_load %arg15[%get3A_234, %get3A_235] {strides = array<i32>} : memref<128x128xf32, #tpu.memory_space<vmem>>, vector<1x16xf32>,
      %get3A_237 = vector.shape_cast %get3A_236 : vector<1x16xf32> to vector<16xf32>
      %mul3A_238 = arith.mulf %get3A_237, %get3A_194 : vector<16xf32>
      %swap3A_239 = arith.index_cast %scan3A_188 : i32 to index
      %swap3A_240 = arith.constant 64 : index
      %swap3A_241 = tpu.vector_load %arg15[%swap3A_239, %swap3A_240] {strides = array<i32>} : memref<128x128xf32, #tpu.memory_space<vmem>>, vector<1x16xf32>,
      %swap3A_242 = vector.shape_cast %swap3A_241 : vector<1x16xf32> to vector<16xf32>
      %swap3A_243 = vector.shape_cast %mul3A_238 : vector<16xf32> to vector<1x16xf32>
      tpu.vector_store %arg15[%swap3A_239, %swap3A_240], %swap3A_243 {strides = array<i32>} : memref<128x128xf32, #tpu.memory_space<vmem>>, vector<1x16xf32>,
      %get3A_244 = arith.index_cast %scan3A_188 : i32 to index
      %get3A_245 = arith.constant 80 : index
      %get3A_246 = tpu.vector_load %arg15[%get3A_244, %get3A_245] {strides = array<i32>} : memref<128x128xf32, #tpu.memory_space<vmem>>, vector<1x16xf32>,
      %get3A_247 = vector.shape_cast %get3A_246 : vector<1x16xf32> to vector<16xf32>
      %mul3A_248 = arith.mulf %get3A_247, %get3A_194 : vector<16xf32>
      %swap3A_249 = arith.index_cast %scan3A_188 : i32 to index
      %swap3A_250 = arith.constant 80 : index
      %swap3A_251 = tpu.vector_load %arg15[%swap3A_249, %swap3A_250] {strides = array<i32>} : memref<128x128xf32, #tpu.memory_space<vmem>>, vector<1x16xf32>,
      %swap3A_252 = vector.shape_cast %swap3A_251 : vector<1x16xf32> to vector<16xf32>
      %swap3A_253 = vector.shape_cast %mul3A_248 : vector<16xf32> to vector<1x16xf32>
      tpu.vector_store %arg15[%swap3A_249, %swap3A_250], %swap3A_253 {strides = array<i32>} : memref<128x128xf32, #tpu.memory_space<vmem>>, vector<1x16xf32>,
      %get3A_254 = arith.index_cast %scan3A_188 : i32 to index
      %get3A_255 = arith.constant 96 : index
      %get3A_256 = tpu.vector_load %arg15[%get3A_254, %get3A_255] {strides = array<i32>} : memref<128x128xf32, #tpu.memory_space<vmem>>, vector<1x16xf32>,
      %get3A_257 = vector.shape_cast %get3A_256 : vector<1x16xf32> to vector<16xf32>
      %mul3A_258 = arith.mulf %get3A_257, %get3A_194 : vector<16xf32>
      %swap3A_259 = arith.index_cast %scan3A_188 : i32 to index
      %swap3A_260 = arith.constant 96 : index
      %swap3A_261 = tpu.vector_load %arg15[%swap3A_259, %swap3A_260] {strides = array<i32>} : memref<128x128xf32, #tpu.memory_space<vmem>>, vector<1x16xf32>,
      %swap3A_262 = vector.shape_cast %swap3A_261 : vector<1x16xf32> to vector<16xf32>
      %swap3A_263 = vector.shape_cast %mul3A_258 : vector<16xf32> to vector<1x16xf32>
      tpu.vector_store %arg15[%swap3A_259, %swap3A_260], %swap3A_263 {strides = array<i32>} : memref<128x128xf32, #tpu.memory_space<vmem>>, vector<1x16xf32>,
      %get3A_264 = arith.index_cast %scan3A_188 : i32 to index
      %get3A_265 = arith.constant 112 : index
      %get3A_266 = tpu.vector_load %arg15[%get3A_264, %get3A_265] {strides = array<i32>} : memref<128x128xf32, #tpu.memory_space<vmem>>, vector<1x16xf32>,
      %get3A_267 = vector.shape_cast %get3A_266 : vector<1x16xf32> to vector<16xf32>
      %mul3A_268 = arith.mulf %get3A_267, %get3A_194 : vector<16xf32>
      %swap3A_269 = arith.index_cast %scan3A_188 : i32 to index
      %swap3A_270 = arith.constant 112 : index
      %swap3A_271 = tpu.vector_load %arg15[%swap3A_269, %swap3A_270] {strides = array<i32>} : memref<128x128xf32, #tpu.memory_space<vmem>>, vector<1x16xf32>,
      %swap3A_272 = vector.shape_cast %swap3A_271 : vector<1x16xf32> to vector<16xf32>
      %swap3A_273 = vector.shape_cast %mul3A_268 : vector<16xf32> to vector<1x16xf32>
      tpu.vector_store %arg15[%swap3A_269, %swap3A_270], %swap3A_273 {strides = array<i32>} : memref<128x128xf32, #tpu.memory_space<vmem>>, vector<1x16xf32>,
    }
    %scan3A_182 = arith.constant 64 : i32
    %mul3A_183 = arith.constant 320 : i32
    %mul3A_184 = arith.muli %arg1, %mul3A_183 : i32
    %add3A_185 = arith.addi %mul3A_0, %mul3A_184 : i32
    %add3A_186 = arith.constant 256 : i32
    %add3A_187 = arith.addi %add3A_185, %add3A_186 : i32
    "tpu.region"() ({
      %run_scoped3A = tpu.sem_alloc : memref<!tpu.dma_semaphore, #tpu.memory_space<semaphore_mem>>
      %dma_start3A_188 = arith.constant 0 : i32
      %dma_start3A_189 = arith.constant 0 : i32
      %dma_start3A_190 = tpu.memref_slice %arg15[%dma_start3A_188, %dma_start3A_189] : memref<128x128xf32, #tpu.memory_space<vmem>> -> memref<64x128xf32, #tpu.memory_space<vmem>>
      %dma_start3A_191 = arith.constant 0 : i32
      %dma_start3A_192 = tpu.memref_slice %arg7[%add3A_187, %dma_start3A_191] : memref<10240x128xf32, #tpu.memory_space<hbm>> -> memref<64x128xf32, #tpu.memory_space<hbm>>
      %dma_start3A_193 = arith.constant 0 : i32
      %dma_start3A_194 = tpu.memref_slice %arg7[%add3A_187, %dma_start3A_193] : memref<10240x128xf32, #tpu.memory_space<hbm>> -> memref<64x128xf32, #tpu.memory_space<hbm>>
      %dma_start3A_195 = arith.constant 0 : i32
      %dma_start3A_196 = arith.constant 0 : i32
      %dma_start3A_197 = tpu.memref_slice %arg15[%dma_start3A_195, %dma_start3A_196] : memref<128x128xf32, #tpu.memory_space<vmem>> -> memref<64x128xf32, #tpu.memory_space<vmem>>
      tpu.enqueue_dma source(%dma_start3A_197 : memref<64x128xf32, #tpu.memory_space<vmem>>) target(%dma_start3A_194 : memref<64x128xf32, #tpu.memory_space<hbm>>) target_semaphore(%run_scoped3A : memref<!tpu.dma_semaphore, #tpu.memory_space<semaphore_mem>>)
      %dma_wait3A_198 = arith.constant 0 : i32
      %dma_wait3A_199 = arith.constant 0 : i32
      %dma_wait3A_200 = tpu.memref_slice %arg15[%dma_wait3A_198, %dma_wait3A_199] : memref<128x128xf32, #tpu.memory_space<vmem>> -> memref<64x128xf32, #tpu.memory_space<vmem>>
      %dma_wait3A_201 = arith.constant 0 : i32
      %dma_wait3A_202 = tpu.memref_slice %arg7[%add3A_187, %dma_wait3A_201] : memref<10240x128xf32, #tpu.memory_space<hbm>> -> memref<64x128xf32, #tpu.memory_space<hbm>>
      %dma_wait3A_203 = arith.constant 0 : i32
      %dma_wait3A_204 = tpu.memref_slice %arg7[%add3A_187, %dma_wait3A_203] : memref<10240x128xf32, #tpu.memory_space<hbm>> -> memref<64x128xf32, #tpu.memory_space<hbm>>
      %dma_wait3A_205 = arith.constant 0 : i32
      %dma_wait3A_206 = arith.constant 0 : i32
      %dma_wait3A_207 = tpu.memref_slice %arg15[%dma_wait3A_205, %dma_wait3A_206] : memref<128x128xf32, #tpu.memory_space<vmem>> -> memref<64x128xf32, #tpu.memory_space<vmem>>
      tpu.wait_dma2 semaphore(%run_scoped3A : memref<!tpu.dma_semaphore, #tpu.memory_space<semaphore_mem>>) src(%dma_wait3A_207 : memref<64x128xf32, #tpu.memory_space<vmem>>) dst(%dma_wait3A_204 : memref<64x128xf32, #tpu.memory_space<hbm>>)
      tpu.yield
    }) : () -> ()
    return
  }
}

</mosaic_0001>

<sc_bundles>
// kernel: kernel.12.cloned.1.call-start
scs
__scs_entry_jumppad:
0x0: {  	(pc) =	sbr.rel $0x88, $3  }
0x1: {  	(tag) =	ssettag $0x0;
	lr =	simm.s32 $0x1  }
0x2: {  	[smem:$0x3F9F] =	sst lr;
	_ =	strace $0xD0000000  }
0x3: {  	_ = 	snop  }
0x4: {  	_ = 	snop  }
0x5: {  	_ = 	snop  }
0x6: {  	_ = 	snop  }
0x7: {  	_ = 	snop  }
__scs_overlays_trampoline_lowered:
0x8: {  	[smem:$0x3FAE] =	sst s0  }
0x9: {  	[smem:$0x3FAF] =	sst s1  }
0xa: {  	[smem:$0x3FB0] =	sst s2  }
0xb: {  	[smem:$0x3FB1] =	sst s3  }
0xc: {  	[smem:$0x3FB2] =	sst s4  }
0xd: {  	[smem:$0x3FB3] =	sst s5  }
0xe: {  	[smem:$0x3FB4] =	sst s6  }
0xf: {  	[smem:$0x3FB5] =	sst s7  }
0x10: {  	[smem:$0x3FB6] =	sst s8  }
0x11: {  	[smem:$0x3FB7] =	sst s9;
	s0 =	simm.s32 @!p0 $0x0  }
0x12: {  	s1 =	sld [smem:$0x3F9D];
	s0 =	simm.s32 @p0 $0x1  }
0x13: {  	[smem:$0x3FB8] =	sst s0;
	s0 =	simm.s32 @!p1 $0x0  }
0x14: {  	s2 =	sld [smem:$0x3F9C];
	s0 =	simm.s32 @p1 $0x1  }
0x15: {  	[smem:$0x3FB9] =	sst s0;
	s0 =	simm.s32 @!p2 $0x0  }
0x16: {  	s3 =	sld [smem:$0x3FDB];
	s0 =	simm.s32 @p2 $0x1  }
0x17: {  	s4 =	simm.s32 $0x1BF5;
	[smem:$0x3FBB] =	sst s0  }
0x18: {  	s0 =	sld [smem:$0x3F9E];
	_ =	swait.ge [sflag:s4], $0x0  }
0x19: {  	s7 =	sld [smem:$0x3F9F]  }
0x1a: {  	s8 =	sadd.s32 $0xFFFFE003, lr  }
0x1b: {  	s9 =	sadd.s32 $0xFFFFFEF7, lr;
	s5 =	simm.s32 $0xFFFFFFFF;
	p2 =	slt.u32 s8, $0xFFFFF086  }
0x1c: {  	p1 =	slt.u32 s9, $0xF7A;
	s5 =	simm.s32 @!p2 $0x0  }
0x1d: {  	s5 =	simm.s32 @p1 $0x1;
	p0 =	seq.s32 s7, s2  }
0x1e: {  	s7 =	smul.u32 @!p0 $0xF7A, s2;
	p2 =	seq.s32 @!p0 s5, $0x0  }
0x1f: {  	s9 =	smul.u32 $0xF7A, s1;
	s8 =	simm.s32 @!p0 $0x1BF5;
	p2 =	por !p2, p0  }
0x20: {  	[sflag:s8] =	ssyncset.s32 @!p0 $0xFFFFF086;
	s6 =	sadd.s32 @!p0 s3, s7;
	s7 =	simm.s32 @!p0 $0x108  }
0x21: {  	s3 =	sadd.s32 s3, s9;
	s6 =	sadd.s32 @!p0 $0x88, s6;
	s7 =	simm.s32 @p2 $0x1082  }
0x22: {  	[simem:s7], [sflag:s8] =	dma.local @!p0 [hbm:s6], $0xF7A  }
0x23: {  	s9 =	sor.u32 $0xD0000000, s2;
	s6 =	simm.s32 $0x108;
	_ =	swait.ge @!p0 [sflag:s8], $0x0  }
0x24: {  	s3 =	sadd.s32 $0x88, s3;
	s6 =	simm.s32 @!p1 $0x1082;
	[sflag:s4] =	ssyncset.s32 $0xFFFFF086  }
0x25: {  	[simem:s6], [sflag:s4] =	dma.local [hbm:s3], $0xF7A  }
0x26: {  	[smem:$0x3F9F] =	sst s1;
	(tag) =	ssettag s2;
	_ =	strace s9  }
0x27: {  	s1 =	sld [smem:$0x3FAF]  }
0x28: {  	s2 =	sld [smem:$0x3FB0]  }
0x29: {  	s4 =	sld [smem:$0x3FB2]  }
0x2a: {  	p0 =	seq.s32 s5, $0x0;
	s5 =	sld [smem:$0x3FB3]  }
0x2b: {  	s6 =	sld [smem:$0x3FB4]  }
0x2c: {  	s7 =	sld [smem:$0x3FB5]  }
0x2d: {  	s3 =	simm.s32 $0x108;
	s8 =	sld [smem:$0x3FB6]  }
0x2e: {  	s3 =	simm.s32 @!p0 $0x1082;
	s9 =	sld [smem:$0x3FB7]  }
0x2f: {  	lr =	sadd.s32 s0, s3;
	s0 =	sld [smem:$0x3FAE]  }
0x30: {  	s3 =	sld [smem:$0x3FB1]  }
0x31: {  	[smem:$0x3FBA] =	sst s10  }
0x32: {  	s10 =	sld [smem:$0x3FB8];
	_ =	sdelay $0x3  }
0x33: {  	p0 =	seq.s32 s10, $0x1;
	s10 =	sld [smem:$0x3FBA];
	_ =	sdelay $0x3  }
0x34: {  	[smem:$0x3FBA] =	sst s10  }
0x35: {  	s10 =	sld [smem:$0x3FB9];
	_ =	sdelay $0x3  }
0x36: {  	p1 =	seq.s32 s10, $0x1;
	s10 =	sld [smem:$0x3FBA];
	_ =	sdelay $0x3  }
0x37: {  	[smem:$0x3FBA] =	sst s10  }
0x38: {  	s10 =	sld [smem:$0x3FBB]  }
0x39: {  	_ = 	snop;
	(pc) =	sbr.ind lr, $3  }
0x3a: {  	_ = 	snop  }
0x3b: {  	_ = 	snop  }
0x3c: {  	p2 =	seq.s32 s10, $0x1;
	s10 =	sld [smem:$0x3FBA]  }
0x3d: {  	_ =	shalt  }
0x3e: {  	_ =	shalt  }
0x3f: {  	_ =	shalt  }
0x40: {  	_ =	shalt  }
0x41: {  	_ =	shalt  }
0x42: {  	_ =	shalt  }
0x43: {  	_ =	shalt  }
0x44: {  	_ =	shalt  }
0x45: {  	_ =	shalt  }
0x46: {  	_ =	shalt  }
0x47: {  	_ =	shalt  }
0x48: {  	_ =	shalt  }
0x49: {  	_ =	shalt  }
0x4a: {  	_ =	shalt  }
0x4b: {  	_ =	shalt  }
0x4c: {  	_ =	shalt  }
0x4d: {  	_ =	shalt  }
0x4e: {  	_ =	shalt  }
0x4f: {  	_ =	shalt  }
0x50: {  	_ =	shalt  }
0x51: {  	_ =	shalt  }
0x52: {  	_ =	shalt  }
0x53: {  	_ =	shalt  }
0x54: {  	_ =	shalt  }
0x55: {  	_ =	shalt  }
0x56: {  	_ =	shalt  }
0x57: {  	_ =	shalt  }
0x58: {  	_ =	shalt  }
0x59: {  	_ =	shalt  }
0x5a: {  	_ =	shalt  }
0x5b: {  	_ =	shalt  }
0x5c: {  	_ =	shalt  }
0x5d: {  	_ =	shalt  }
0x5e: {  	_ =	shalt  }
0x5f: {  	_ =	shalt  }
0x60: {  	_ =	shalt  }
0x61: {  	_ =	shalt  }
0x62: {  	_ =	shalt  }
0x63: {  	_ =	shalt  }
0x64: {  	_ =	shalt  }
0x65: {  	_ =	shalt  }
0x66: {  	_ =	shalt  }
0x67: {  	_ =	shalt  }
0x68: {  	_ =	shalt  }
0x69: {  	_ =	shalt  }
0x6a: {  	_ =	shalt  }
0x6b: {  	_ =	shalt  }
0x6c: {  	_ =	shalt  }
0x6d: {  	_ =	shalt  }
0x6e: {  	_ =	shalt  }
0x6f: {  	_ =	shalt  }
0x70: {  	_ =	shalt  }
0x71: {  	_ =	shalt  }
0x72: {  	_ =	shalt  }
0x73: {  	_ =	shalt  }
0x74: {  	_ =	shalt  }
0x75: {  	_ =	shalt  }
0x76: {  	_ =	shalt  }
0x77: {  	_ =	shalt  }
0x78: {  	_ =	shalt  }
0x79: {  	_ =	shalt  }
0x7a: {  	_ =	shalt  }
0x7b: {  	_ =	shalt  }
0x7c: {  	_ =	shalt  }
0x7d: {  	_ =	shalt  }
0x7e: {  	_ =	shalt  }
0x7f: {  	_ =	shalt  }
0x80: {  	_ =	shalt  }
0x81: {  	_ =	shalt  }
0x82: {  	_ =	shalt  }
0x83: {  	_ =	shalt  }
0x84: {  	_ =	shalt  }
0x85: {  	_ =	shalt  }
0x86: {  	_ =	shalt  }
0x87: {  	_ =	shalt  }
.Lfunc_end0:
.L_simem_size_0:
called_computation.2_lowered:
.L_overlay_start_0:
0x88: {  	s2 =	sld [smem:$0x3FD9]  }
0x89: {  	s3 =	sld [smem:$0x3FFE];
	_ =	sdelay $0x1  }
0x8a: {  	s1 =	srdreg.scid  }
0x8b: {  	s0 =	sand.u32 $0x1, s1  }
0x8c: {  	s17 =	sshll.u32 s0, $0xA;
	s2 =	sadd.s32 s3, s2  }
0x8d: {  	s2 =	sadd.s32 s2, s17  }
0x8e: {  	[smem:$0x3FC6] =	sst s2  }
0x8f: {  	_ = 	snop  }
0x90: {  	s2 =	sld [smem:$0x3FD0];
	(tm) =	ssettm $0x1  }
0x91: {  	s18 =	sld [smem:$0x3FFB];
	_ =	sdelay $0x3  }
0x92: {  	_ =	strace s18  }
0x93: {  	s3 =	sld [smem:$0x3FFC];
	_ =	sdelay $0x3  }
0x94: {  	_ =	strace s3  }
0x95: {  	s3 =	sld [smem:$0x3FFD];
	_ =	sdelay $0x3  }
0x96: {  	_ =	strace s3  }
0x97: {  	_ =	strace $0x8FFFFFFF  }
0x98: {  	s19 =	sld [smem:$0x3FDB];
	_ =	sdelay $0x1  }
0x99: {  	s4 =	simm.s32 $_scs_section_size  }
0x9a: {  	s5 =	simm.s32 $_size__tile_overlayer_lowered;
	s6 =	simm.s32 $_tile_overlayer_lowered  }
0x9b: {  	s22 =	simm.s32 $0x1BFF;
	s21 =	sshll.u32 s6, $0x1;
	s3 =	sadd.s32 s4, s19  }
0x9c: {  	s7 =	simm.s32 $0x0;
	s20 =	sshll.u32 s5, $0x1;
	s5 =	sadd.s32 s21, s3  }
0x9d: {  	[timem:s7], [sflag:s22] =	dma.local [hbm:s5], s20  }
0x9e: {  	_ =	swait.ge [sflag:s22], s20  }
0x9f: {  	s4 =	ssub.s32 $0x0, s20;
	[sflag:s22] =	ssyncset.done $0x0  }
0xa0: {  	[sflag:s22] =	ssyncadd.s32 s4;
	_ =	sdelay $0x1  }
0xa1: {  	s23 =	simm.s32 $0x1B8B  }
0xa2: {  	_ =	swait.ge [sflag:s23], $0x1  }
0xa3: {  	[sflag:s23] =	ssyncset.done $0x0  }
0xa4: {  	s25 =	simm.s32 $0x1B8E;
	s24 =	sld [smem:$0x3FFE];
	[sflag:s23] =	ssyncadd.s32 $0xFFFFFFFF  }
0xa5: {  	s26 =	simm.s32 $execute0_lowered;
	[smem:$0x3FD2] =	sst s25  }
0xa6: {  	s5 =	sshll.u32 s26, $0x1;
	_ =	strace $0x8000004C;
	[dreg:$0x1] =	wrdreg $0xFFFFFFFF  }
0xa7: {  	s28 =	simm.s32 $_size_execute0_lowered;
	s3 =	sadd.s32 s3, s5;
	[dreg:$0x0] =	wrdreg $0x0  }
0xa8: {  	s5 =	sshll.u32 s28, $0x1;
	[dreg:$0x2] =	wrdreg s3  }
0xa9: {  	[dreg:$0x3] =	wrdreg s5  }
0xaa: {  	[dreg:$0x4] =	wrdreg $0xC0  }
0xab: {  	_ =	task [dreg:s7], $0x5FFFF  }
0xac: {  	[dreg:$0x1] =	wrdreg $0xFFFFFFFF  }
0xad: {  	[dreg:$0x0] =	wrdreg $0x60  }
0xae: {  	[dreg:$0x2] =	wrdreg s24  }
0xaf: {  	[dreg:$0x3] =	wrdreg s2  }
0xb0: {  	[dreg:$0x4] =	wrdreg $0x136600  }
0xb1: {  	[dreg:$0x5] =	wrdreg $0x9  }
0xb2: {  	_ =	task.clear_ibuf [dreg:s7], $0x6FFFF;
	_ =	strace $0x9000004C  }
0xb3: {  	s29 =	simm.s32 $0x9;
	_ =	strace $0x8000004E  }
0xb4: {  	_ =	swait.ge [sflag:s29], $0x1  }
0xb5: {  	[sflag:s29] =	ssyncadd.s32 $0xFFFFFFFF  }
0xb6: {  	_ =	strace $0x9000004E  }
0xb7: {  	_ =	sfence  }
0xb8: {  	s30 =	sld [smem:$0x0];
	_ =	sdelay $0x2  }
0xb9: {  	s31 =	sshll.u32 s1, $0xD;
	s1 =	sshrl.u32 s1, $0x2  }
0xba: {  	s3 =	sand.u32 $0x4000, s31;
	s1 =	sadd.s32 s1, s30  }
0xbb: {  	s0 =	sor.u32 s3, s0;
	s1 =	sshll.u32 s1, $0x11  }
0xbc: {  	s0 =	sor.u32 s1, s0  }
0xbd: {  	s0 =	sadd.s32 $0x8F2B, s0  }
0xbe: {  	[sflag:s0] =	ssyncadd.remote.s32 $0x1  }
0xbf: {  	_ =	sfence.sel $0xFFFF  }
0xc0: {  	[dreg:$0x0] =	wrdreg $0xFFFFFFFF;
	(pc) =	sbr.abs _section_cstart, $3  }
0xc1: {  	[dreg:$0x1] =	wrdreg $0xFFFFFFFF  }
0xc2: {  	_ =	task.clear_ibuf [dreg:s7], $0x2FFFF;
	_ =	strace $0x9FFFFFFF  }
0xc3: {  	(tm) =	ssettm $0x7FFFFFFF  }
tec
execute0_lowered:
.L_overlay_start_1:
0x0: {  	(tag) =	ssettag $0x1  }
0x1: {  	s0 =	rddreg [dreg:$0x0]  }
0x2: {  	s1 =	srdreg.scid;
	s6 =	rddreg [dreg:$0x1]  }
0x3: {  	s16 =	stileid.u32;
	s2 =	rddreg [dreg:$0x2]  }
0x4: {  	s3 =	simm.s32 $0x0;
	s28 =	simm.s32 $0xB660;
	s30 =	simm.s32 $0xF660  }
0x5: {  	s31 =	simm.s32 $0x1;
	s1 =	sand.u32 $0x1, s1;
	s5 =	smul.u32 $0x140, s16  }
0x6: {  	[smem:$0x7FF] =	sst s3;
	s11 =	sadd.s32 $0x20200, s0;
	s9 =	smul.u32 $0x28000, s16  }
0x7: {  	s13 =	sadd.s32 $0x34800, s0;
	s14 =	sor.u32 $0x10, s16;
	s15 =	smul.u32 $0x2890, s16  }
0x8: {  	s23 =	sshll.u32 s16, $0x6;
	s26 =	sshll.u32 s16, $0x4;
	s4 =	smul.u32 $0x1400, s1  }
0x9: {  	_ =	strace $0x8000004D;
	s21 =	ssub.s32 $0x2, s1;
	s12 =	smul.u32 $0x51200, s1  }
0xa: {  	s22 =	smul.u32 $0x2890, s14;
	s1 =	sshll.u32 s1, $0x9;
	s14 =	sshll.u32 s14, $0x4  }
0xb: {  	s10 =	sshrl.u32 s21, $0x1;
	s9 =	sshrl.u32 s9, $0x2;
	s29 =	sor.u32 s26, s1  }
0xc: {  	s1 =	sor.u32 s1, s14;
	s26 =	simm.s32 $0x0;
	s5 =	sadd.s32 s5, s4  }
0xd: {  	s4 =	sadd.s32 $0x5CA00, s0;
	s20 =	ssub.s32 s21, s10;
	s24 =	sadd.s32 s15, s12  }
0xe: {  	s12 =	sadd.s32 s12, s22;
	s1 =	sshrl.u32 s1, $0x3;
	s21 =	simm.s32 $0x3  }
0xf: {  	s22 =	simm.s32 $0x2890;
	s7 =	sshll.u32 s5, $0x1;
	s8 =	sshll.u32 s5, $0x4  }
0x10: {  	s5 =	sadd.s32 s9, s2;
	s10 =	sshrl.u32 s24, $0x3;
	s12 =	sshrl.u32 s12, $0x3  }
0x11: {  	s20 =	smax.u32 s20, $0x1;
	s24 =	simm.s32 $0x79B0;
	s7 =	sadd.s32 s7, s0  }
0x12: {  	s0 =	sadd.s32 s8, s0;
	s8 =	sadd.s32 s4, s8;
	s25 =	sadd.s32 s6, s10  }
0x13: {  	s9 =	sadd.s32 s11, s10;
	s10 =	sadd.s32 s6, s12;
	s11 =	sadd.s32 s11, s12  }
0x14: {  	s6 =	sshrl.u32 s29, $0x3;
	s16 =	sadd.s32 $0x4000, s5;
	[dreg:$0x4] =	wrdreg s8  }
0x15: {  	s18 =	sadd.s32 $0x8000, s5;
	s8 =	sor.u32 $0x1C03, s23;
	[dreg:$0x6] =	wrdreg s25  }
0x16: {  	s12 =	sadd.s32 s13, s6;
	s13 =	sadd.s32 s13, s1;
	s14 =	sadd.s32 $0x2000, s7  }
0x17: {  	s15 =	sadd.s32 $0x34A00, s0;
	s17 =	sadd.s32 $0x35200, s0;
	s19 =	sadd.s32 $0x35A00, s0  }
0x18: {  	s1 =	simm.s32 $0x80;
	s0 =	simm.s32 $0x2;
	[dreg:$0x5] =	wrdreg s8  }
.LBB2_1:
0x19: {  	s7 =	rddreg [dreg:$0x4]  }
0x1a: {  	s6 =	sshrl.u32 s5, $0x3;
	s8 =	rddreg [dreg:$0x5]  }
0x1b: {  	[spmem:s6], [sflag:s8] =	dma.local [hbm:s7], $0x1400  }
0x1c: {  	_ =	swait.ge [sflag:s21], $0x1400  }
0x1d: {  	[sflag:s21] =	ssyncset.done $0x0  }
0x1e: {  	s8 =	rddreg [dreg:$0x6];
	[sflag:s21] =	ssyncadd.s32 $0xFFFFEC00  }
0x1f: {  	[tilespmem:s3], [sflag:$0x3] =	stream.linear.gather [hbm4b:s8+s3], $0x2890, $0x38;
	[tilespmem:$0x1D660] =	vst v63  }
0x20: {  	_ =	swait.ge [sflag:s21], $0x2890  }
0x21: {  	[sflag:s21] =	ssyncset.done $0x0  }
0x22: {  	[sflag:s21] =	ssyncadd.s32 $0xFFFFD770  }
0x23: {  	[tilespmem:s22], [sflag:$0x3] =	stream.linear.gather [hbm4b:s9+s3], $0x2890, $0x38;
	[tilespmem:$0x1D660] =	vst v63  }
0x24: {  	_ =	swait.ge [sflag:s21], $0x2890  }
0x25: {  	[sflag:s21] =	ssyncset.done $0x0  }
0x26: {  	s23 =	simm.s32 $0x5120;
	[sflag:s21] =	ssyncadd.s32 $0xFFFFD770  }
0x27: {  	[tilespmem:s23], [sflag:$0x3] =	stream.linear.gather [hbm4b:s10+s3], $0x2890, $0x38;
	[tilespmem:$0x1D660] =	vst v63  }
0x28: {  	_ =	swait.ge [sflag:s21], $0x2890  }
0x29: {  	[sflag:s21] =	ssyncset.done $0x0  }
0x2a: {  	[sflag:s21] =	ssyncadd.s32 $0xFFFFD770  }
0x2b: {  	[tilespmem:s24], [sflag:$0x3] =	stream.linear.gather [hbm4b:s11+s3], $0x2890, $0x38;
	[tilespmem:$0x1D660] =	vst v63  }
0x2c: {  	_ =	swait.ge [sflag:s21], $0x2890  }
0x2d: {  	[sflag:s21] =	ssyncset.done $0x0  }
0x2e: {  	s25 =	simm.s32 $0xA240;
	[sflag:s21] =	ssyncadd.s32 $0xFFFFD770  }
0x2f: {  	[tilespmem:s25], [sflag:$0x3] =	stream.linear.gather [hbm4b:s12+s3], $0x10, $0x38;
	[tilespmem:$0x1D660] =	vst v63  }
0x30: {  	_ =	swait.ge [sflag:s21], $0x10  }
0x31: {  	[sflag:s21] =	ssyncset.done $0x0  }
0x32: {  	s7 =	simm.s32 $0xA250;
	[sflag:s21] =	ssyncadd.s32 $0xFFFFFFF0  }
0x33: {  	[tilespmem:s7], [sflag:$0x3] =	stream.linear.gather [hbm4b:s13+s3], $0x10, $0x38;
	[tilespmem:$0x1D660] =	vst v63  }
0x34: {  	_ =	swait.ge [sflag:s21], $0x10  }
0x35: {  	[sflag:s21] =	ssyncset.done $0x0  }
0x36: {  	[sflag:s21] =	ssyncadd.s32 $0xFFFFFFF0  }
0x37: {  	[bflag:$0x0] =	sbarrier.arrive $0xFFFF  }
0x38: {  	v0 =	vld [tilespmem:$0xA240];
	_ =	sdelay $0x4  }
0x39: {  	(v2sf) =	vpush v0, $0x0;
	_ =	sdelay $0xe  }
0x3a: {  	s29 =	spop (v2sf)  }
0x3b: {  	s23 =	sand.u32 $0x1, s29  }
0x3c: {  	p0 =	slt.s32 s29, $0x1;
	p1 =	seq.s32 s23, $0x1  }
0x3d: {  	p0 =	por !p0, !p1  }
0x3e: {  	s7 =	simm.s32 $0x1;
	s25 =	sshrl.u32 s29, $0x1F;
	p0 =	por !p0, !p0  }
0x3f: {  	s6 =	sadd.s32 s25, s29;
	s7 =	simm.s32 @!p0 $0x0  }
0x40: {  	s6 =	sshra.s32 s6, $0x1;
	s7 =	sxor.u32 $0xFFFFFFFF, s7  }
0x41: {  	s6 =	sadd.s32 s6, s7  }
0x42: {  	p0 =	slt.s32 s6, $0x1  }
.Ltmp0:
0x43: {  	_ = 	snop;
	(pc) =	sbr.rel @p0 .LBB2_5-.Ltmp0, $4  }
0x44: {  	[tilespmem:s28], [sflag:$0x1] =	stream.indirect.gather [hbm4b:s4+s1], $0x80, s22, s1, $0xb8;
	[tilespmem:$0x1D660] =	vst v63  }
0x45: {  	s8 =	simm.s32 $0x2910  }
0x46: {  	[tilespmem:s30], [sflag:$0x2] =	stream.indirect.gather [hbm4b:s4+s1], $0x80, s8, s1, $0xb8;
	[tilespmem:$0x1D660] =	vst v63  }
0x47: {  	s23 =	simm.s32 $0x2A10  }
0x48: {  	_ =	swait.ge [sflag:s31], $0x4000  }
0x49: {  	[sflag:s31] =	ssyncset.done $0x0  }
0x4a: {  	s7 =	simm.s32 $0x0;
	[sflag:s31] =	ssyncadd.s32 $0xFFFFC000  }
0x4b: {  	[spmem:s2] =	stream.indirect.scatter.add.f32 [tilespmem:s28], [sflag:$0x3], $0x80, s7, s1, $0xb8;
	[tilespmem:$0x1D660] =	vst v63  }
0x4c: {  	_ =	swait.ge [sflag:s21], $0x4000  }
0x4d: {  	[sflag:s21] =	ssyncset.done $0x0  }
0x4e: {  	s25 =	simm.s32 $0x2990;
	[sflag:s21] =	ssyncadd.s32 $0xFFFFC000  }
0x4f: {  	[tilespmem:s28], [sflag:$0x1] =	stream.indirect.gather [hbm4b:s4+s1], $0x80, s25, s1, $0xb8;
	[tilespmem:$0x1D660] =	vst v63  }
0x50: {  	_ =	swait.ge [sflag:s0], $0x4000  }
0x51: {  	p0 =	sne.s32 s6, $0x1;
	[sflag:s0] =	ssyncset.done $0x0  }
.Ltmp1:
0x52: {  	[sflag:s0] =	ssyncadd.s32 $0xFFFFC000;
	(pc) =	sbr.rel @!p0 .LBB2_4-.Ltmp1, $4  }
0x53: {  	[spmem:s2] =	stream.indirect.scatter.add.f32 [tilespmem:s30], [sflag:$0x3], $0x80, s1, s1, $0xb8;
	[tilespmem:$0x1D660] =	vst v63  }
0x54: {  	_ =	swait.ge [sflag:s21], $0x4000  }
0x55: {  	s7 =	simm.s32 $0x180;
	[sflag:s21] =	ssyncset.done $0x0  }
0x56: {  	s25 =	sadd.s32 $0xFFFFFFFF, s6;
	s6 =	simm.s32 $0x2B10;
	[sflag:s21] =	ssyncadd.s32 $0xFFFFC000  }
.LBB2_3:
0x57: {  	[tilespmem:s30], [sflag:$0x2] =	stream.indirect.gather [hbm4b:s4+s1], $0x80, s23, s1, $0xb8;
	[tilespmem:$0x1D660] =	vst v63  }
0x58: {  	p0 =	sne.s32 s25, $0x1;
	s25 =	sadd.s32 $0xFFFFFFFF, s25;
	_ =	swait.ge [sflag:s31], $0x4000  }
0x59: {  	s23 =	smov.u32 s6;
	[sflag:s31] =	ssyncset.done $0x0  }
0x5a: {  	s8 =	sadd.s32 $0xFFFFFF80, s7;
	[sflag:s31] =	ssyncadd.s32 $0xFFFFC000  }
0x5b: {  	[spmem:s2] =	stream.indirect.scatter.add.f32 [tilespmem:s28], [sflag:$0x3], $0x80, s8, s1, $0xb8;
	[tilespmem:$0x1D660] =	vst v63  }
0x5c: {  	_ =	swait.ge [sflag:s21], $0x4000  }
0x5d: {  	[sflag:s21] =	ssyncset.done $0x0  }
0x5e: {  	s8 =	sadd.s32 $0xFFFFFF80, s6;
	[sflag:s21] =	ssyncadd.s32 $0xFFFFC000  }
0x5f: {  	[tilespmem:s28], [sflag:$0x1] =	stream.indirect.gather [hbm4b:s4+s1], $0x80, s8, s1, $0xb8;
	[tilespmem:$0x1D660] =	vst v63  }
0x60: {  	_ =	swait.ge [sflag:s0], $0x4000  }
0x61: {  	[sflag:s0] =	ssyncset.done $0x0  }
.Ltmp2:
0x62: {  	[sflag:s0] =	ssyncadd.s32 $0xFFFFC000;
	(pc) =	sbr.rel @p0 .LBB2_3-.Ltmp2, $4  }
0x63: {  	[spmem:s2] =	stream.indirect.scatter.add.f32 [tilespmem:s30], [sflag:$0x3], $0x80, s7, s1, $0xb8;
	[tilespmem:$0x1D660] =	vst v63  }
0x64: {  	_ =	swait.ge [sflag:s21], $0x4000  }
0x65: {  	[sflag:s21] =	ssyncset.done $0x0  }
0x66: {  	s6 =	sadd.s32 $0x100, s6;
	s7 =	sadd.s32 $0x100, s7;
	[sflag:s21] =	ssyncadd.s32 $0xFFFFC000  }
.LBB2_4:
0x67: {  	[tilespmem:s30], [sflag:$0x2] =	stream.indirect.gather [hbm4b:s4+s1], $0x80, s23, s1, $0xb8;
	[tilespmem:$0x1D660] =	vst v63  }
.LBB2_5:
0x68: {  	_ =	swait.ge [sflag:s31], $0x4000;
	s6 =	sshll.u32 s29, $0x9  }
0x69: {  	[sflag:s31] =	ssyncset.done $0x0;
	s6 =	sshra.s32 s6, $0x2  }
0x6a: {  	[sflag:s31] =	ssyncadd.s32 $0xFFFFC000;
	s7 =	sadd.s32 $0xFFFFFF00, s6  }
0x6b: {  	[spmem:s2] =	stream.indirect.scatter.add.f32 [tilespmem:s28], [sflag:$0x3], $0x80, s7, s1, $0xb8;
	[tilespmem:$0x1D660] =	vst v63  }
0x6c: {  	_ =	swait.ge [sflag:s21], $0x4000  }
0x6d: {  	[sflag:s21] =	ssyncset.done $0x0  }
0x6e: {  	[sflag:s21] =	ssyncadd.s32 $0xFFFFC000  }
0x6f: {  	_ =	swait.ge [sflag:s0], $0x4000  }
0x70: {  	[sflag:s0] =	ssyncset.done $0x0  }
0x71: {  	s6 =	sadd.s32 $0xFFFFFF80, s6;
	[sflag:s0] =	ssyncadd.s32 $0xFFFFC000  }
0x72: {  	[spmem:s2] =	stream.indirect.scatter.add.f32 [tilespmem:s30], [sflag:$0x3], $0x80, s6, s1, $0xb8;
	[tilespmem:$0x1D660] =	vst v63  }
0x73: {  	_ =	swait.ge [sflag:s21], $0x4000  }
0x74: {  	[sflag:s21] =	ssyncset.done $0x0  }
0x75: {  	[sflag:s21] =	ssyncadd.s32 $0xFFFFC000  }
0x76: {  	v0 =	vld [tilespmem:$0xA250];
	_ =	sdelay $0x4  }
0x77: {  	(v2sf) =	vpush v0, $0x0;
	_ =	sdelay $0xe  }
0x78: {  	s29 =	spop (v2sf)  }
0x79: {  	s23 =	sand.u32 $0x1, s29  }
0x7a: {  	p0 =	slt.s32 s29, $0x1;
	p1 =	seq.s32 s23, $0x1  }
0x7b: {  	p0 =	por !p0, !p1  }
0x7c: {  	s7 =	simm.s32 $0x1;
	s25 =	sshrl.u32 s29, $0x1F;
	p0 =	por !p0, !p0  }
0x7d: {  	s6 =	sadd.s32 s25, s29;
	s7 =	simm.s32 @!p0 $0x0  }
0x7e: {  	s6 =	sshra.s32 s6, $0x1;
	s7 =	sxor.u32 $0xFFFFFFFF, s7  }
0x7f: {  	s6 =	sadd.s32 s6, s7  }
0x80: {  	p0 =	slt.s32 s6, $0x1  }
.Ltmp3:
0x81: {  	_ = 	snop;
	(pc) =	sbr.rel @p0 .LBB2_9-.Ltmp3, $4  }
0x82: {  	_ = 	snop  }
0x83: {  	[tilespmem:s28], [sflag:$0x1] =	stream.indirect.gather [hbm4b:s4+s1], $0x80, s24, s1, $0xb8;
	[tilespmem:$0x1D660] =	vst v63  }
0x84: {  	s8 =	simm.s32 $0x7A30  }
0x85: {  	[tilespmem:s30], [sflag:$0x2] =	stream.indirect.gather [hbm4b:s4+s1], $0x80, s8, s1, $0xb8;
	[tilespmem:$0x1D660] =	vst v63  }
0x86: {  	_ =	swait.ge [sflag:s31], $0x4000  }
0x87: {  	[sflag:s31] =	ssyncset.done $0x0  }
0x88: {  	s7 =	simm.s32 $0x5120;
	[sflag:s31] =	ssyncadd.s32 $0xFFFFC000  }
0x89: {  	[spmem:s2] =	stream.indirect.scatter.add.f32 [tilespmem:s28], [sflag:$0x3], $0x80, s7, s1, $0xb8;
	[tilespmem:$0x1D660] =	vst v63  }
0x8a: {  	_ =	swait.ge [sflag:s21], $0x4000  }
0x8b: {  	[sflag:s21] =	ssyncset.done $0x0  }
0x8c: {  	s23 =	simm.s32 $0x7AB0;
	[sflag:s21] =	ssyncadd.s32 $0xFFFFC000  }
0x8d: {  	[tilespmem:s28], [sflag:$0x1] =	stream.indirect.gather [hbm4b:s4+s1], $0x80, s23, s1, $0xb8;
	[tilespmem:$0x1D660] =	vst v63  }
0x8e: {  	_ =	swait.ge [sflag:s0], $0x4000  }
0x8f: {  	p0 =	sne.s32 s6, $0x1;
	[sflag:s0] =	ssyncset.done $0x0  }
.Ltmp4:
0x90: {  	s25 =	simm.s32 $0x51A0;
	[sflag:s0] =	ssyncadd.s32 $0xFFFFC000;
	(pc) =	sbr.rel @!p0 .LBB2_8-.Ltmp4, $4  }
0x91: {  	[spmem:s2] =	stream.indirect.scatter.add.f32 [tilespmem:s30], [sflag:$0x3], $0x80, s25, s1, $0xb8;
	[tilespmem:$0x1D660] =	vst v63  }
0x92: {  	_ =	swait.ge [sflag:s21], $0x4000  }
0x93: {  	s7 =	simm.s32 $0x52A0;
	s23 =	sadd.s32 $0xFFFFFFFF, s6;
	[sflag:s21] =	ssyncset.done $0x0  }
0x94: {  	s6 =	simm.s32 $0x7C30;
	s25 =	simm.s32 $0x7B30;
	[sflag:s21] =	ssyncadd.s32 $0xFFFFC000  }
.LBB2_7:
0x95: {  	[tilespmem:s30], [sflag:$0x2] =	stream.indirect.gather [hbm4b:s4+s1], $0x80, s25, s1, $0xb8;
	[tilespmem:$0x1D660] =	vst v63  }
0x96: {  	p0 =	sne.s32 s23, $0x1;
	s23 =	sadd.s32 $0xFFFFFFFF, s23;
	_ =	swait.ge [sflag:s31], $0x4000  }
0x97: {  	s25 =	smov.u32 s6;
	[sflag:s31] =	ssyncset.done $0x0  }
0x98: {  	s8 =	sadd.s32 $0xFFFFFF80, s7;
	[sflag:s31] =	ssyncadd.s32 $0xFFFFC000  }
0x99: {  	[spmem:s2] =	stream.indirect.scatter.add.f32 [tilespmem:s28], [sflag:$0x3], $0x80, s8, s1, $0xb8;
	[tilespmem:$0x1D660] =	vst v63  }
0x9a: {  	_ =	swait.ge [sflag:s21], $0x4000  }
0x9b: {  	[sflag:s21] =	ssyncset.done $0x0  }
0x9c: {  	s8 =	sadd.s32 $0xFFFFFF80, s6;
	[sflag:s21] =	ssyncadd.s32 $0xFFFFC000  }
0x9d: {  	[tilespmem:s28], [sflag:$0x1] =	stream.indirect.gather [hbm4b:s4+s1], $0x80, s8, s1, $0xb8;
	[tilespmem:$0x1D660] =	vst v63  }
0x9e: {  	_ =	swait.ge [sflag:s0], $0x4000  }
0x9f: {  	[sflag:s0] =	ssyncset.done $0x0  }
.Ltmp5:
0xa0: {  	[sflag:s0] =	ssyncadd.s32 $0xFFFFC000;
	(pc) =	sbr.rel @p0 .LBB2_7-.Ltmp5, $4  }
0xa1: {  	[spmem:s2] =	stream.indirect.scatter.add.f32 [tilespmem:s30], [sflag:$0x3], $0x80, s7, s1, $0xb8;
	[tilespmem:$0x1D660] =	vst v63  }
0xa2: {  	_ =	swait.ge [sflag:s21], $0x4000  }
0xa3: {  	[sflag:s21] =	ssyncset.done $0x0  }
0xa4: {  	s6 =	sadd.s32 $0x100, s6;
	s7 =	sadd.s32 $0x100, s7;
	[sflag:s21] =	ssyncadd.s32 $0xFFFFC000  }
.LBB2_8:
0xa5: {  	[tilespmem:s30], [sflag:$0x2] =	stream.indirect.gather [hbm4b:s4+s1], $0x80, s25, s1, $0xb8;
	[tilespmem:$0x1D660] =	vst v63  }
.LBB2_9:
0xa6: {  	_ =	swait.ge [sflag:s31], $0x4000;
	s6 =	sshll.u32 s29, $0x9  }
0xa7: {  	[sflag:s31] =	ssyncset.done $0x0;
	s6 =	sshra.s32 s6, $0x2  }
0xa8: {  	[sflag:s31] =	ssyncadd.s32 $0xFFFFC000;
	s7 =	sadd.s32 $0x5020, s6  }
0xa9: {  	[spmem:s2] =	stream.indirect.scatter.add.f32 [tilespmem:s28], [sflag:$0x3], $0x80, s7, s1, $0xb8;
	[tilespmem:$0x1D660] =	vst v63  }
0xaa: {  	_ =	swait.ge [sflag:s21], $0x4000  }
0xab: {  	[sflag:s21] =	ssyncset.done $0x0  }
0xac: {  	[sflag:s21] =	ssyncadd.s32 $0xFFFFC000  }
0xad: {  	_ =	swait.ge [sflag:s0], $0x4000  }
0xae: {  	[sflag:s0] =	ssyncset.done $0x0  }
0xaf: {  	s6 =	sadd.s32 $0x50A0, s6;
	[sflag:s0] =	ssyncadd.s32 $0xFFFFC000  }
0xb0: {  	[spmem:s2] =	stream.indirect.scatter.add.f32 [tilespmem:s30], [sflag:$0x3], $0x80, s6, s1, $0xb8;
	[tilespmem:$0x1D660] =	vst v63  }
0xb1: {  	_ =	swait.ge [sflag:s21], $0x4000  }
0xb2: {  	[sflag:s21] =	ssyncset.done $0x0  }
0xb3: {  	[sflag:s21] =	ssyncadd.s32 $0xFFFFC000  }
0xb4: {  	s8 =	simm.s32 $0x0;
	s23 =	simm.s32 $0xA260;
	[bflag:$0x0] =	sbarrier.arrive $0xFFFF  }
0xb5: {  	[tilespmem:s23], [sflag:$0x3] =	stream.linear.gather [hbm4b:s14+s8], $0x1400, $0x38;
	[tilespmem:$0x1D660] =	vst v63  }
0xb6: {  	_ =	swait.ge [sflag:s21], $0x1400  }
0xb7: {  	[sflag:s21] =	ssyncset.done $0x0  }
0xb8: {  	[sflag:s21] =	ssyncadd.s32 $0xFFFFEC00  }
0xb9: {  	[tilespmem:s28], [sflag:$0x3] =	stream.linear.gather [spmem:s5], $0x4000, $0x38;
	[tilespmem:$0x1D660] =	vst v63  }
0xba: {  	_ =	swait.ge [sflag:s21], $0x4000  }
0xbb: {  	[sflag:s21] =	ssyncset.done $0x0  }
0xbc: {  	s29 =	simm.s32 $0xB6A0;
	[sflag:s21] =	ssyncadd.s32 $0xFFFFC000  }
0xbd: {  	v4 =	vld [tilespmem:s29+$0x30]  }
0xbe: {  	v7 =	vld [tilespmem:s29+$0x10]  }
0xbf: {  	s25 =	simm.s32 $0x0;
	v5 =	vld [tilespmem:s29+$0xFFFFFFC0]  }
0xc0: {  	v1 =	vld [tilespmem:s25+$0xA260]  }
0xc1: {  	v9 =	vld [tilespmem:s29+$0xFFFFFFE0]  }
0xc2: {  	v0 =	vld [tilespmem:s29+$0xFFFFFFF0]  }
0xc3: {  	v2 =	vld [tilespmem:s29+$0x20]  }
0xc4: {  	v3 =	vld [tilespmem:s29+$0xFFFFFFD0]  }
0xc5: {  	v8 =	vmul.f32 v4, v1;
	v4 =	vld [tilespmem:s29+$0x0]  }
0xc6: {  	v6 =	vmul.f32 v5, v1  }
0xc7: {  	s23 =	simm.s32 $0x40;
	s25 =	simm.s32 $0xB6A0;
	v5 =	vmul.f32 v9, v1;
	v7 =	vmul.f32 v7, v1  }
.LBB2_10:
0xc8: {  	p0 =	sne.s32 s23, $0x1FC0  }
0xc9: {  	v3 =	vmul.f32 v3, v1;
	v2 =	vmul.f32 v2, v1;
	[tilespmem:s29+$0x30] =	vst v8;
	s25 =	sadd.s32 $0x80, s25;
	s6 =	smov.u32 s23;
	s23 =	sadd.s32 $0x40, s23  }
0xca: {  	[tilespmem:s29+$0xFFFFFFC0] =	vst v6;
	v6 =	vmul.f32 v0, v1;
	v1 =	vmul.f32 v4, v1  }
0xcb: {  	[tilespmem:s29+$0x10] =	vst v7  }
0xcc: {  	v0 =	vld [tilespmem:s25+$0xFFFFFFF0];
	[tilespmem:s29+$0xFFFFFFE0] =	vst v5  }
0xcd: {  	v5 =	vld [tilespmem:s25+$0x30];
	[tilespmem:s29+$0xFFFFFFF0] =	vst v6  }
0xce: {  	v7 =	vld [tilespmem:s25+$0x10];
	[tilespmem:s29+$0x0] =	vst v1  }
0xcf: {  	v6 =	vld [tilespmem:s25+$0xFFFFFFC0];
	[tilespmem:s29+$0x20] =	vst v2  }
0xd0: {  	s6 =	sshra.s32 s6, $0x2;
	v9 =	vld [tilespmem:s25+$0xFFFFFFE0];
	[tilespmem:s29+$0xFFFFFFD0] =	vst v3;
	s29 =	smov.u32 s25  }
0xd1: {  	v1 =	vld [tilespmem:s6+$0xA260]  }
0xd2: {  	v2 =	vld [tilespmem:s25+$0x20]  }
.Ltmp6:
0xd3: {  	v3 =	vld [tilespmem:s25+$0xFFFFFFD0];
	(pc) =	sbr.rel @p0 .LBB2_10-.Ltmp6, $3  }
0xd4: {  	v4 =	vld [tilespmem:s25+$0x0];
	_ =	sdelay $0x1  }
0xd5: {  	v6 =	vmul.f32 v6, v1;
	v8 =	vmul.f32 v5, v1  }
0xd6: {  	v5 =	vmul.f32 v9, v1;
	v7 =	vmul.f32 v7, v1  }
0xd7: {  	[tilespmem:s29+$0x30] =	vst v8  }
0xd8: {  	[tilespmem:s29+$0xFFFFFFC0] =	vst v6  }
0xd9: {  	v0 =	vmul.f32 v0, v1;
	[tilespmem:s29+$0x10] =	vst v7  }
0xda: {  	v2 =	vmul.f32 v2, v1;
	[tilespmem:s29+$0xFFFFFFE0] =	vst v5  }
0xdb: {  	v4 =	vmul.f32 v4, v1;
	[tilespmem:s29+$0xFFFFFFF0] =	vst v0  }
0xdc: {  	v0 =	vmul.f32 v3, v1;
	[tilespmem:s29+$0x20] =	vst v2  }
0xdd: {  	[tilespmem:s29+$0x0] =	vst v4  }
0xde: {  	s6 =	simm.s32 $0x0;
	[tilespmem:s29+$0xFFFFFFD0] =	vst v0  }
0xdf: {  	[hbm4b:s15+s6] =	stream.linear.scatter [tilespmem:s28], [sflag:$0x3], $0x4000, $0x38;
	[tilespmem:$0x1D660] =	vst v63  }
0xe0: {  	_ =	swait.ge [sflag:s21], $0x4000  }
0xe1: {  	[sflag:s21] =	ssyncset.done $0x0  }
0xe2: {  	[sflag:s21] =	ssyncadd.s32 $0xFFFFC000  }
0xe3: {  	[tilespmem:s28], [sflag:$0x3] =	stream.linear.gather [spmem:s16], $0x4000, $0x38;
	[tilespmem:$0x1D660] =	vst v63  }
0xe4: {  	_ =	swait.ge [sflag:s21], $0x4000  }
0xe5: {  	[sflag:s21] =	ssyncset.done $0x0  }
0xe6: {  	s29 =	simm.s32 $0xB6A0;
	[sflag:s21] =	ssyncadd.s32 $0xFFFFC000  }
0xe7: {  	v4 =	vld [tilespmem:s29+$0x30]  }
0xe8: {  	v7 =	vld [tilespmem:s29+$0x10]  }
0xe9: {  	s25 =	simm.s32 $0x0;
	v5 =	vld [tilespmem:s29+$0xFFFFFFC0]  }
0xea: {  	v1 =	vld [tilespmem:s25+$0xAA60]  }
0xeb: {  	v9 =	vld [tilespmem:s29+$0xFFFFFFE0]  }
0xec: {  	v0 =	vld [tilespmem:s29+$0xFFFFFFF0]  }
0xed: {  	v2 =	vld [tilespmem:s29+$0x20]  }
0xee: {  	v3 =	vld [tilespmem:s29+$0xFFFFFFD0]  }
0xef: {  	v8 =	vmul.f32 v4, v1;
	v4 =	vld [tilespmem:s29+$0x0]  }
0xf0: {  	v6 =	vmul.f32 v5, v1  }
0xf1: {  	s23 =	simm.s32 $0x40;
	s25 =	simm.s32 $0xB6A0;
	v5 =	vmul.f32 v9, v1;
	v7 =	vmul.f32 v7, v1  }
.LBB2_12:
0xf2: {  	p0 =	sne.s32 s23, $0x1FC0  }
0xf3: {  	v3 =	vmul.f32 v3, v1;
	v2 =	vmul.f32 v2, v1;
	[tilespmem:s29+$0x30] =	vst v8;
	s25 =	sadd.s32 $0x80, s25;
	s6 =	smov.u32 s23;
	s23 =	sadd.s32 $0x40, s23  }
0xf4: {  	[tilespmem:s29+$0xFFFFFFC0] =	vst v6;
	v6 =	vmul.f32 v0, v1;
	v1 =	vmul.f32 v4, v1  }
0xf5: {  	[tilespmem:s29+$0x10] =	vst v7  }
0xf6: {  	v0 =	vld [tilespmem:s25+$0xFFFFFFF0];
	[tilespmem:s29+$0xFFFFFFE0] =	vst v5  }
0xf7: {  	v5 =	vld [tilespmem:s25+$0x30];
	[tilespmem:s29+$0xFFFFFFF0] =	vst v6  }
0xf8: {  	v7 =	vld [tilespmem:s25+$0x10];
	[tilespmem:s29+$0x0] =	vst v1  }
0xf9: {  	v6 =	vld [tilespmem:s25+$0xFFFFFFC0];
	[tilespmem:s29+$0x20] =	vst v2  }
0xfa: {  	s6 =	sshra.s32 s6, $0x2;
	v9 =	vld [tilespmem:s25+$0xFFFFFFE0];
	[tilespmem:s29+$0xFFFFFFD0] =	vst v3;
	s29 =	smov.u32 s25  }
0xfb: {  	v1 =	vld [tilespmem:s6+$0xAA60]  }
0xfc: {  	v2 =	vld [tilespmem:s25+$0x20]  }
.Ltmp7:
0xfd: {  	v3 =	vld [tilespmem:s25+$0xFFFFFFD0];
	(pc) =	sbr.rel @p0 .LBB2_12-.Ltmp7, $3  }
0xfe: {  	v4 =	vld [tilespmem:s25+$0x0];
	_ =	sdelay $0x1  }
0xff: {  	v6 =	vmul.f32 v6, v1;
	v8 =	vmul.f32 v5, v1  }
0x100: {  	v5 =	vmul.f32 v9, v1;
	v7 =	vmul.f32 v7, v1  }
0x101: {  	[tilespmem:s29+$0x30] =	vst v8  }
0x102: {  	[tilespmem:s29+$0xFFFFFFC0] =	vst v6  }
0x103: {  	v0 =	vmul.f32 v0, v1;
	[tilespmem:s29+$0x10] =	vst v7  }
0x104: {  	v2 =	vmul.f32 v2, v1;
	[tilespmem:s29+$0xFFFFFFE0] =	vst v5  }
0x105: {  	v4 =	vmul.f32 v4, v1;
	[tilespmem:s29+$0xFFFFFFF0] =	vst v0  }
0x106: {  	v0 =	vmul.f32 v3, v1;
	[tilespmem:s29+$0x20] =	vst v2  }
0x107: {  	[tilespmem:s29+$0x0] =	vst v4  }
0x108: {  	s6 =	simm.s32 $0x0;
	[tilespmem:s29+$0xFFFFFFD0] =	vst v0  }
0x109: {  	[hbm4b:s17+s6] =	stream.linear.scatter [tilespmem:s28], [sflag:$0x3], $0x4000, $0x38;
	[tilespmem:$0x1D660] =	vst v63  }
0x10a: {  	_ =	swait.ge [sflag:s21], $0x4000  }
0x10b: {  	[sflag:s21] =	ssyncset.done $0x0  }
0x10c: {  	[sflag:s21] =	ssyncadd.s32 $0xFFFFC000  }
0x10d: {  	[tilespmem:s28], [sflag:$0x3] =	stream.linear.gather [spmem:s18], $0x2000, $0x38;
	[tilespmem:$0x1D660] =	vst v63  }
0x10e: {  	_ =	swait.ge [sflag:s21], $0x2000  }
0x10f: {  	[sflag:s21] =	ssyncset.done $0x0  }
0x110: {  	s29 =	simm.s32 $0xB6A0;
	[sflag:s21] =	ssyncadd.s32 $0xFFFFE000  }
0x111: {  	v4 =	vld [tilespmem:s29+$0x30]  }
0x112: {  	v7 =	vld [tilespmem:s29+$0x10]  }
0x113: {  	s25 =	simm.s32 $0x0;
	v5 =	vld [tilespmem:s29+$0xFFFFFFC0]  }
0x114: {  	v1 =	vld [tilespmem:s25+$0xB260]  }
0x115: {  	v9 =	vld [tilespmem:s29+$0xFFFFFFE0]  }
0x116: {  	v0 =	vld [tilespmem:s29+$0xFFFFFFF0]  }
0x117: {  	v2 =	vld [tilespmem:s29+$0x20]  }
0x118: {  	v3 =	vld [tilespmem:s29+$0xFFFFFFD0]  }
0x119: {  	v8 =	vmul.f32 v4, v1;
	v4 =	vld [tilespmem:s29+$0x0]  }
0x11a: {  	v6 =	vmul.f32 v5, v1  }
0x11b: {  	s23 =	simm.s32 $0x40;
	s25 =	simm.s32 $0xB6A0;
	v5 =	vmul.f32 v9, v1;
	v7 =	vmul.f32 v7, v1  }
.LBB2_14:
0x11c: {  	p0 =	sne.s32 s23, $0xFC0  }
0x11d: {  	v3 =	vmul.f32 v3, v1;
	v2 =	vmul.f32 v2, v1;
	[tilespmem:s29+$0x30] =	vst v8;
	s25 =	sadd.s32 $0x80, s25;
	s6 =	smov.u32 s23;
	s23 =	sadd.s32 $0x40, s23  }
0x11e: {  	[tilespmem:s29+$0xFFFFFFC0] =	vst v6;
	v6 =	vmul.f32 v0, v1;
	v1 =	vmul.f32 v4, v1  }
0x11f: {  	[tilespmem:s29+$0x10] =	vst v7  }
0x120: {  	v0 =	vld [tilespmem:s25+$0xFFFFFFF0];
	[tilespmem:s29+$0xFFFFFFE0] =	vst v5  }
0x121: {  	v5 =	vld [tilespmem:s25+$0x30];
	[tilespmem:s29+$0xFFFFFFF0] =	vst v6  }
0x122: {  	v7 =	vld [tilespmem:s25+$0x10];
	[tilespmem:s29+$0x0] =	vst v1  }
0x123: {  	v6 =	vld [tilespmem:s25+$0xFFFFFFC0];
	[tilespmem:s29+$0x20] =	vst v2  }
0x124: {  	s6 =	sshra.s32 s6, $0x2;
	v9 =	vld [tilespmem:s25+$0xFFFFFFE0];
	[tilespmem:s29+$0xFFFFFFD0] =	vst v3;
	s29 =	smov.u32 s25  }
0x125: {  	v1 =	vld [tilespmem:s6+$0xB260]  }
0x126: {  	v2 =	vld [tilespmem:s25+$0x20]  }
.Ltmp8:
0x127: {  	v3 =	vld [tilespmem:s25+$0xFFFFFFD0];
	(pc) =	sbr.rel @p0 .LBB2_14-.Ltmp8, $3  }
0x128: {  	v4 =	vld [tilespmem:s25+$0x0];
	_ =	sdelay $0x1  }
0x129: {  	v6 =	vmul.f32 v6, v1;
	v8 =	vmul.f32 v5, v1  }
0x12a: {  	v5 =	vmul.f32 v9, v1;
	v7 =	vmul.f32 v7, v1  }
0x12b: {  	[tilespmem:s29+$0x30] =	vst v8  }
0x12c: {  	[tilespmem:s29+$0xFFFFFFC0] =	vst v6  }
0x12d: {  	v0 =	vmul.f32 v0, v1;
	[tilespmem:s29+$0x10] =	vst v7  }
0x12e: {  	v2 =	vmul.f32 v2, v1;
	[tilespmem:s29+$0xFFFFFFE0] =	vst v5  }
0x12f: {  	v63 =	vmul.f32 v3, v1;
	[tilespmem:s29+$0xFFFFFFF0] =	vst v0  }
0x130: {  	s26 =	sadd.s32 $0x1, s26;
	v4 =	vmul.f32 v4, v1;
	[tilespmem:s29+$0x20] =	vst v2  }
0x131: {  	p0 =	sne.s32 s26, s20;
	[tilespmem:s29+$0xFFFFFFD0] =	vst v63  }
.Ltmp9:
0x132: {  	[tilespmem:s29+$0x0] =	vst v4;
	(pc) =	sbr.rel @p0 .LBB2_1-.Ltmp9, $4  }
0x133: {  	[hbm4b:s19+s3] =	stream.linear.scatter [tilespmem:s28], [sflag:$0x3], $0x2000, $0x38;
	[tilespmem:$0x1D660] =	vst v63  }
0x134: {  	_ =	swait.ge [sflag:s21], $0x2000  }
0x135: {  	[sflag:s21] =	ssyncset.done $0x0  }
0x136: {  	[sflag:s21] =	ssyncadd.s32 $0xFFFFE000  }
0x137: {  	_ =	sfence.sel $0x180000  }
0x138: {  	[bflag:$0x0] =	sbarrier.arrive $0xFFFF  }
0x139: {  	_ =	strace $0x9000004D  }
0x13a: {  	s0 =	stileid.u32;
	[bflag:$0x2] =	sbarrier.arrive $0xFFFF  }
0x13b: {  	p0 =	sne.s32 s0, $0x0;
	s0 =	rddreg [dreg:$0x3]  }
0x13c: {  	s0 =	sadd.s32 @!p0 $0x100000, s0  }
0x13d: {  	[sflag:s0] =	ssyncadd.tile.s32 @!p0 $0x1;
	_ =	shalt  }
.Lfunc_end2:
_tile_overlayer_lowered:
.L_overlay_start_2:
0x13e: {  	(tag) =	ssettag $0x2  }
0x13f: {  	s0 =	rddreg [dreg:$0x0];
	s2 =	stileid.u32  }
0x140: {  	s1 =	rddreg [dreg:$0x1];
	p0 =	sne.s32 s2, $0x0  }
0x141: {  	s3 =	rddreg [dreg:$0x2];
	[bflag:$0x3] =	sbarrier.arrive $0xFFFF;
	s2 =	simm.s32 @!p0 $0x1C03  }
0x142: {  	[timem:s3], [sflag:s2] =	dma.local @!p0 [hbm:s0], s1  }
0x143: {  	s0 =	simm.s32 @!p0 $0x3  }
0x144: {  	_ =	swait.ge @!p0 [sflag:s0], s1  }
0x145: {  	s1 =	ssub.s32 @!p0 $0x0, s1;
	[sflag:s0] =	ssyncset.done @!p0 $0x0  }
0x146: {  	[sflag:s0] =	ssyncadd.s32 @!p0 s1  }
0x147: {  	[bflag:$0x3] =	sbarrier.arrive $0xFFFF  }
0x148: {  	_ =	shalt  }

// kernel: kernel.15.cloned.1.call-start
scs
__scs_entry_jumppad:
0x0: {  	(pc) =	sbr.rel $0x88, $3  }
0x1: {  	(tag) =	ssettag $0x0;
	lr =	simm.s32 $0x1  }
0x2: {  	[smem:$0x3F9F] =	sst lr;
	_ =	strace $0xD0000000  }
0x3: {  	_ = 	snop  }
0x4: {  	_ = 	snop  }
0x5: {  	_ = 	snop  }
0x6: {  	_ = 	snop  }
0x7: {  	_ = 	snop  }
__scs_overlays_trampoline_lowered:
0x8: {  	[smem:$0x3FAE] =	sst s0  }
0x9: {  	[smem:$0x3FAF] =	sst s1  }
0xa: {  	[smem:$0x3FB0] =	sst s2  }
0xb: {  	[smem:$0x3FB1] =	sst s3  }
0xc: {  	[smem:$0x3FB2] =	sst s4  }
0xd: {  	[smem:$0x3FB3] =	sst s5  }
0xe: {  	[smem:$0x3FB4] =	sst s6  }
0xf: {  	[smem:$0x3FB5] =	sst s7  }
0x10: {  	[smem:$0x3FB6] =	sst s8  }
0x11: {  	[smem:$0x3FB7] =	sst s9;
	s0 =	simm.s32 @!p0 $0x0  }
0x12: {  	s1 =	sld [smem:$0x3F9D];
	s0 =	simm.s32 @p0 $0x1  }
0x13: {  	[smem:$0x3FB8] =	sst s0;
	s0 =	simm.s32 @!p1 $0x0  }
0x14: {  	s2 =	sld [smem:$0x3F9C];
	s0 =	simm.s32 @p1 $0x1  }
0x15: {  	[smem:$0x3FB9] =	sst s0;
	s0 =	simm.s32 @!p2 $0x0  }
0x16: {  	s3 =	sld [smem:$0x3FDB];
	s0 =	simm.s32 @p2 $0x1  }
0x17: {  	s4 =	simm.s32 $0x1BF5;
	[smem:$0x3FBB] =	sst s0  }
0x18: {  	s0 =	sld [smem:$0x3F9E];
	_ =	swait.ge [sflag:s4], $0x0  }
0x19: {  	s7 =	sld [smem:$0x3F9F]  }
0x1a: {  	s8 =	sadd.s32 $0xFFFFE003, lr  }
0x1b: {  	s9 =	sadd.s32 $0xFFFFFEF7, lr;
	s5 =	simm.s32 $0xFFFFFFFF;
	p2 =	slt.u32 s8, $0xFFFFF086  }
0x1c: {  	p1 =	slt.u32 s9, $0xF7A;
	s5 =	simm.s32 @!p2 $0x0  }
0x1d: {  	s5 =	simm.s32 @p1 $0x1;
	p0 =	seq.s32 s7, s2  }
0x1e: {  	s7 =	smul.u32 @!p0 $0xF7A, s2;
	p2 =	seq.s32 @!p0 s5, $0x0  }
0x1f: {  	s9 =	smul.u32 $0xF7A, s1;
	s8 =	simm.s32 @!p0 $0x1BF5;
	p2 =	por !p2, p0  }
0x20: {  	[sflag:s8] =	ssyncset.s32 @!p0 $0xFFFFF086;
	s6 =	sadd.s32 @!p0 s3, s7;
	s7 =	simm.s32 @!p0 $0x108  }
0x21: {  	s3 =	sadd.s32 s3, s9;
	s6 =	sadd.s32 @!p0 $0x88, s6;
	s7 =	simm.s32 @p2 $0x1082  }
0x22: {  	[simem:s7], [sflag:s8] =	dma.local @!p0 [hbm:s6], $0xF7A  }
0x23: {  	s9 =	sor.u32 $0xD0000000, s2;
	s6 =	simm.s32 $0x108;
	_ =	swait.ge @!p0 [sflag:s8], $0x0  }
0x24: {  	s3 =	sadd.s32 $0x88, s3;
	s6 =	simm.s32 @!p1 $0x1082;
	[sflag:s4] =	ssyncset.s32 $0xFFFFF086  }
0x25: {  	[simem:s6], [sflag:s4] =	dma.local [hbm:s3], $0xF7A  }
0x26: {  	[smem:$0x3F9F] =	sst s1;
	(tag) =	ssettag s2;
	_ =	strace s9  }
0x27: {  	s1 =	sld [smem:$0x3FAF]  }
0x28: {  	s2 =	sld [smem:$0x3FB0]  }
0x29: {  	s4 =	sld [smem:$0x3FB2]  }
0x2a: {  	p0 =	seq.s32 s5, $0x0;
	s5 =	sld [smem:$0x3FB3]  }
0x2b: {  	s6 =	sld [smem:$0x3FB4]  }
0x2c: {  	s7 =	sld [smem:$0x3FB5]  }
0x2d: {  	s3 =	simm.s32 $0x108;
	s8 =	sld [smem:$0x3FB6]  }
0x2e: {  	s3 =	simm.s32 @!p0 $0x1082;
	s9 =	sld [smem:$0x3FB7]  }
0x2f: {  	lr =	sadd.s32 s0, s3;
	s0 =	sld [smem:$0x3FAE]  }
0x30: {  	s3 =	sld [smem:$0x3FB1]  }
0x31: {  	[smem:$0x3FBA] =	sst s10  }
0x32: {  	s10 =	sld [smem:$0x3FB8];
	_ =	sdelay $0x3  }
0x33: {  	p0 =	seq.s32 s10, $0x1;
	s10 =	sld [smem:$0x3FBA];
	_ =	sdelay $0x3  }
0x34: {  	[smem:$0x3FBA] =	sst s10  }
0x35: {  	s10 =	sld [smem:$0x3FB9];
	_ =	sdelay $0x3  }
0x36: {  	p1 =	seq.s32 s10, $0x1;
	s10 =	sld [smem:$0x3FBA];
	_ =	sdelay $0x3  }
0x37: {  	[smem:$0x3FBA] =	sst s10  }
0x38: {  	s10 =	sld [smem:$0x3FBB]  }
0x39: {  	_ = 	snop;
	(pc) =	sbr.ind lr, $3  }
0x3a: {  	_ = 	snop  }
0x3b: {  	_ = 	snop  }
0x3c: {  	p2 =	seq.s32 s10, $0x1;
	s10 =	sld [smem:$0x3FBA]  }
0x3d: {  	_ =	shalt  }
0x3e: {  	_ =	shalt  }
0x3f: {  	_ =	shalt  }
0x40: {  	_ =	shalt  }
0x41: {  	_ =	shalt  }
0x42: {  	_ =	shalt  }
0x43: {  	_ =	shalt  }
0x44: {  	_ =	shalt  }
0x45: {  	_ =	shalt  }
0x46: {  	_ =	shalt  }
0x47: {  	_ =	shalt  }
0x48: {  	_ =	shalt  }
0x49: {  	_ =	shalt  }
0x4a: {  	_ =	shalt  }
0x4b: {  	_ =	shalt  }
0x4c: {  	_ =	shalt  }
0x4d: {  	_ =	shalt  }
0x4e: {  	_ =	shalt  }
0x4f: {  	_ =	shalt  }
0x50: {  	_ =	shalt  }
0x51: {  	_ =	shalt  }
0x52: {  	_ =	shalt  }
0x53: {  	_ =	shalt  }
0x54: {  	_ =	shalt  }
0x55: {  	_ =	shalt  }
0x56: {  	_ =	shalt  }
0x57: {  	_ =	shalt  }
0x58: {  	_ =	shalt  }
0x59: {  	_ =	shalt  }
0x5a: {  	_ =	shalt  }
0x5b: {  	_ =	shalt  }
0x5c: {  	_ =	shalt  }
0x5d: {  	_ =	shalt  }
0x5e: {  	_ =	shalt  }
0x5f: {  	_ =	shalt  }
0x60: {  	_ =	shalt  }
0x61: {  	_ =	shalt  }
0x62: {  	_ =	shalt  }
0x63: {  	_ =	shalt  }
0x64: {  	_ =	shalt  }
0x65: {  	_ =	shalt  }
0x66: {  	_ =	shalt  }
0x67: {  	_ =	shalt  }
0x68: {  	_ =	shalt  }
0x69: {  	_ =	shalt  }
0x6a: {  	_ =	shalt  }
0x6b: {  	_ =	shalt  }
0x6c: {  	_ =	shalt  }
0x6d: {  	_ =	shalt  }
0x6e: {  	_ =	shalt  }
0x6f: {  	_ =	shalt  }
0x70: {  	_ =	shalt  }
0x71: {  	_ =	shalt  }
0x72: {  	_ =	shalt  }
0x73: {  	_ =	shalt  }
0x74: {  	_ =	shalt  }
0x75: {  	_ =	shalt  }
0x76: {  	_ =	shalt  }
0x77: {  	_ =	shalt  }
0x78: {  	_ =	shalt  }
0x79: {  	_ =	shalt  }
0x7a: {  	_ =	shalt  }
0x7b: {  	_ =	shalt  }
0x7c: {  	_ =	shalt  }
0x7d: {  	_ =	shalt  }
0x7e: {  	_ =	shalt  }
0x7f: {  	_ =	shalt  }
0x80: {  	_ =	shalt  }
0x81: {  	_ =	shalt  }
0x82: {  	_ =	shalt  }
0x83: {  	_ =	shalt  }
0x84: {  	_ =	shalt  }
0x85: {  	_ =	shalt  }
0x86: {  	_ =	shalt  }
0x87: {  	_ =	shalt  }
.Lfunc_end0:
.L_simem_size_0:
called_computation.3_lowered:
.L_overlay_start_0:
0x88: {  	s2 =	sld [smem:$0x3FD9]  }
0x89: {  	s3 =	sld [smem:$0x3FFE];
	_ =	sdelay $0x1  }
0x8a: {  	s1 =	srdreg.scid  }
0x8b: {  	s0 =	sand.u32 $0x1, s1  }
0x8c: {  	s17 =	sshll.u32 s0, $0xA;
	s2 =	sadd.s32 s3, s2  }
0x8d: {  	s2 =	sadd.s32 s2, s17  }
0x8e: {  	[smem:$0x3FC6] =	sst s2  }
0x8f: {  	_ = 	snop  }
0x90: {  	s2 =	sld [smem:$0x3FD0];
	(tm) =	ssettm $0x1  }
0x91: {  	s18 =	sld [smem:$0x3FFB];
	_ =	sdelay $0x3  }
0x92: {  	_ =	strace s18  }
0x93: {  	s3 =	sld [smem:$0x3FFC];
	_ =	sdelay $0x3  }
0x94: {  	_ =	strace s3  }
0x95: {  	s3 =	sld [smem:$0x3FFD];
	_ =	sdelay $0x3  }
0x96: {  	_ =	strace s3  }
0x97: {  	_ =	strace $0x8FFFFFFF  }
0x98: {  	s19 =	sld [smem:$0x3FDB];
	_ =	sdelay $0x1  }
0x99: {  	s4 =	simm.s32 $_scs_section_size  }
0x9a: {  	s5 =	simm.s32 $_size__tile_overlayer_lowered;
	s6 =	simm.s32 $_tile_overlayer_lowered  }
0x9b: {  	s22 =	simm.s32 $0x1BFF;
	s21 =	sshll.u32 s6, $0x1;
	s3 =	sadd.s32 s4, s19  }
0x9c: {  	s7 =	simm.s32 $0x0;
	s20 =	sshll.u32 s5, $0x1;
	s5 =	sadd.s32 s21, s3  }
0x9d: {  	[timem:s7], [sflag:s22] =	dma.local [hbm:s5], s20  }
0x9e: {  	_ =	swait.ge [sflag:s22], s20  }
0x9f: {  	s4 =	ssub.s32 $0x0, s20;
	[sflag:s22] =	ssyncset.done $0x0  }
0xa0: {  	[sflag:s22] =	ssyncadd.s32 s4;
	_ =	sdelay $0x1  }
0xa1: {  	s23 =	simm.s32 $0x1B8B  }
0xa2: {  	_ =	swait.ge [sflag:s23], $0x1  }
0xa3: {  	[sflag:s23] =	ssyncset.done $0x0  }
0xa4: {  	s25 =	simm.s32 $0x1B8E;
	s24 =	sld [smem:$0x3FFE];
	[sflag:s23] =	ssyncadd.s32 $0xFFFFFFFF  }
0xa5: {  	s26 =	simm.s32 $execute0_lowered;
	[smem:$0x3FD2] =	sst s25  }
0xa6: {  	s5 =	sshll.u32 s26, $0x1;
	_ =	strace $0x8000004F;
	[dreg:$0x1] =	wrdreg $0xFFFFFFFF  }
0xa7: {  	s28 =	simm.s32 $_size_execute0_lowered;
	s3 =	sadd.s32 s3, s5;
	[dreg:$0x0] =	wrdreg $0x0  }
0xa8: {  	s5 =	sshll.u32 s28, $0x1;
	[dreg:$0x2] =	wrdreg s3  }
0xa9: {  	[dreg:$0x3] =	wrdreg s5  }
0xaa: {  	[dreg:$0x4] =	wrdreg $0xC0  }
0xab: {  	_ =	task [dreg:s7], $0x5FFFF  }
0xac: {  	[dreg:$0x1] =	wrdreg $0xFFFFFFFF  }
0xad: {  	[dreg:$0x0] =	wrdreg $0x60  }
0xae: {  	[dreg:$0x2] =	wrdreg s24  }
0xaf: {  	[dreg:$0x3] =	wrdreg s2  }
0xb0: {  	[dreg:$0x4] =	wrdreg $0x122600  }
0xb1: {  	[dreg:$0x5] =	wrdreg $0x9  }
0xb2: {  	_ =	task.clear_ibuf [dreg:s7], $0x6FFFF;
	_ =	strace $0x9000004F  }
0xb3: {  	s29 =	simm.s32 $0x9;
	_ =	strace $0x80000051  }
0xb4: {  	_ =	swait.ge [sflag:s29], $0x1  }
0xb5: {  	[sflag:s29] =	ssyncadd.s32 $0xFFFFFFFF  }
0xb6: {  	_ =	strace $0x90000051  }
0xb7: {  	_ =	sfence  }
0xb8: {  	s30 =	sld [smem:$0x0];
	_ =	sdelay $0x2  }
0xb9: {  	s31 =	sshll.u32 s1, $0xD;
	s1 =	sshrl.u32 s1, $0x2  }
0xba: {  	s3 =	sand.u32 $0x4000, s31;
	s1 =	sadd.s32 s1, s30  }
0xbb: {  	s0 =	sor.u32 s3, s0;
	s1 =	sshll.u32 s1, $0x11  }
0xbc: {  	s0 =	sor.u32 s1, s0  }
0xbd: {  	s0 =	sadd.s32 $0x8F2B, s0  }
0xbe: {  	[sflag:s0] =	ssyncadd.remote.s32 $0x1  }
0xbf: {  	_ =	sfence.sel $0xFFFF  }
0xc0: {  	[dreg:$0x0] =	wrdreg $0xFFFFFFFF;
	(pc) =	sbr.abs _section_cstart, $3  }
0xc1: {  	[dreg:$0x1] =	wrdreg $0xFFFFFFFF  }
0xc2: {  	_ =	task.clear_ibuf [dreg:s7], $0x2FFFF;
	_ =	strace $0x9FFFFFFF  }
0xc3: {  	(tm) =	ssettm $0x7FFFFFFF  }
tec
execute0_lowered:
.L_overlay_start_1:
0x0: {  	(tag) =	ssettag $0x1  }
0x1: {  	s0 =	rddreg [dreg:$0x0]  }
0x2: {  	s2 =	rddreg [dreg:$0x1]  }
0x3: {  	s1 =	rddreg [dreg:$0x2]  }
0x4: {  	s3 =	srdreg.scid;
	s17 =	stileid.u32  }
0x5: {  	s28 =	simm.s32 $0x2;
	s29 =	simm.s32 $0x7A30;
	s30 =	simm.s32 $0x0  }
0x6: {  	s9 =	sand.u32 $0x1, s3;
	s3 =	simm.s32 $0x0;
	s6 =	smul.u32 $0x140, s17  }
0x7: {  	s4 =	sadd.s32 $0x34A00, s0;
	s10 =	sadd.s32 $0x20200, s0;
	s19 =	smul.u32 $0x28000, s17  }
0x8: {  	s12 =	sadd.s32 $0x34800, s0;
	s13 =	smul.u32 $0x2890, s17;
	s16 =	sor.u32 $0x10, s17  }
0x9: {  	s21 =	sshll.u32 s17, $0x6;
	s25 =	sshll.u32 s17, $0x4;
	s5 =	smul.u32 $0x1400, s9  }
0xa: {  	[smem:$0x7FF] =	sst s3;
	s7 =	ssub.s32 $0x2, s9;
	s11 =	smul.u32 $0x51200, s9  }
0xb: {  	s23 =	smul.u32 $0x2890, s16;
	s24 =	sshll.u32 s9, $0x9;
	s16 =	sshll.u32 s16, $0x4  }
0xc: {  	_ =	strace $0x80000050;
	s8 =	sshrl.u32 s7, $0x1;
	s17 =	sor.u32 s25, s24  }
0xd: {  	s25 =	simm.s32 $0x1;
	s5 =	sadd.s32 s6, s5;
	s6 =	sshrl.u32 s19, $0x2  }
0xe: {  	s14 =	ssub.s32 s7, s8;
	s20 =	sadd.s32 s13, s11;
	s11 =	sadd.s32 s11, s23  }
0xf: {  	s26 =	sshrl.u32 s17, $0x3;
	s13 =	sor.u32 s24, s16;
	s16 =	simm.s32 $0x3  }
0x10: {  	s17 =	simm.s32 $0x2890;
	s19 =	simm.s32 $0x79B0;
	s23 =	simm.s32 $0x2910  }
0x11: {  	s24 =	simm.s32 $0xE260;
	s5 =	sshll.u32 s5, $0x4;
	s15 =	sadd.s32 s6, s1  }
0x12: {  	s22 =	sshrl.u32 s20, $0x3;
	s6 =	sor.u32 $0x1C03, s21;
	s11 =	sshrl.u32 s11, $0x3  }
.Ltmp0:
0x13: {  	s31 =	sshrl.u32 s13, $0x3;
	s14 =	smax.u32 s14, $0x1;
	(pc) =	sbr.rel .LBB2_1-.Ltmp0, $4  }
0x14: {  	s0 =	sadd.s32 s5, s0;
	s5 =	sadd.s32 s4, s5;
	s7 =	sadd.s32 s2, s22  }
0x15: {  	s8 =	sadd.s32 s10, s22;
	s9 =	sadd.s32 s2, s11;
	s10 =	sadd.s32 s10, s11  }
0x16: {  	s11 =	sadd.s32 s12, s26;
	s12 =	sadd.s32 s12, s31;
	s15 =	sshrl.u32 s15, $0x3  }
0x17: {  	s22 =	simm.s32 $0xA260;
	s26 =	simm.s32 $0x80;
	s13 =	sadd.s32 $0x5CA00, s0  }
.LBB2_8:
0x18: {  	[tilespmem:s24], [sflag:$0x2] =	stream.indirect.gather [hbm4b:s4+s26], $0x80, s2, s26, $0xb8;
	[tilespmem:$0x1C260] =	vst v63  }
.LBB2_9:
0x19: {  	_ =	swait.ge [sflag:s25], $0x4000;
	s0 =	sshll.u32 s31, $0x9  }
0x1a: {  	[sflag:s25] =	ssyncset.done $0x0;
	s0 =	sshra.s32 s0, $0x2  }
0x1b: {  	[sflag:s25] =	ssyncadd.s32 $0xFFFFC000;
	s2 =	sadd.s32 $0x5020, s0  }
0x1c: {  	[spmem:s1] =	stream.indirect.scatter.add.f32 [tilespmem:s22], [sflag:$0x3], $0x80, s2, s26, $0xb8;
	[tilespmem:$0x1C260] =	vst v63  }
0x1d: {  	_ =	swait.ge [sflag:s16], $0x4000  }
0x1e: {  	[sflag:s16] =	ssyncset.done $0x0  }
0x1f: {  	[sflag:s16] =	ssyncadd.s32 $0xFFFFC000  }
0x20: {  	_ =	swait.ge [sflag:s28], $0x4000  }
0x21: {  	[sflag:s28] =	ssyncset.done $0x0  }
0x22: {  	s0 =	sadd.s32 $0x50A0, s0;
	[sflag:s28] =	ssyncadd.s32 $0xFFFFC000  }
0x23: {  	[spmem:s1] =	stream.indirect.scatter.add.f32 [tilespmem:s24], [sflag:$0x3], $0x80, s0, s26, $0xb8;
	[tilespmem:$0x1C260] =	vst v63  }
0x24: {  	_ =	swait.ge [sflag:s16], $0x4000  }
0x25: {  	s30 =	sadd.s32 $0x1, s30;
	[sflag:s16] =	ssyncset.done $0x0  }
0x26: {  	p0 =	sne.s32 s30, s14;
	[sflag:s16] =	ssyncadd.s32 $0xFFFFC000  }
.Ltmp1:
0x27: {  	[bflag:$0x0] =	sbarrier.arrive $0xFFFF;
	(pc) =	sbr.rel @!p0 .LBB2_10-.Ltmp1, $4  }
0x28: {  	[hbm:s13], [sflag:s6] =	dma.local [spmem:s15], $0x1400  }
0x29: {  	_ =	swait.ge [sflag:s16], $0x1400  }
0x2a: {  	[sflag:s16] =	ssyncset.done $0x0  }
0x2b: {  	[sflag:s16] =	ssyncadd.s32 $0xFFFFEC00  }
.LBB2_1:
0x2c: {  	[spmem:s15], [sflag:s6] =	dma.local [hbm:s5], $0x1400  }
0x2d: {  	_ =	swait.ge [sflag:s16], $0x1400  }
0x2e: {  	[sflag:s16] =	ssyncset.done $0x0  }
0x2f: {  	[sflag:s16] =	ssyncadd.s32 $0xFFFFEC00  }
0x30: {  	[tilespmem:s3], [sflag:$0x3] =	stream.linear.gather [hbm4b:s7+s3], $0x2890, $0x38;
	[tilespmem:$0x1C260] =	vst v63  }
0x31: {  	_ =	swait.ge [sflag:s16], $0x2890  }
0x32: {  	[sflag:s16] =	ssyncset.done $0x0  }
0x33: {  	[sflag:s16] =	ssyncadd.s32 $0xFFFFD770  }
0x34: {  	[tilespmem:s17], [sflag:$0x3] =	stream.linear.gather [hbm4b:s8+s3], $0x2890, $0x38;
	[tilespmem:$0x1C260] =	vst v63  }
0x35: {  	_ =	swait.ge [sflag:s16], $0x2890  }
0x36: {  	[sflag:s16] =	ssyncset.done $0x0  }
0x37: {  	s0 =	simm.s32 $0x5120;
	[sflag:s16] =	ssyncadd.s32 $0xFFFFD770  }
0x38: {  	[tilespmem:s0], [sflag:$0x3] =	stream.linear.gather [hbm4b:s9+s3], $0x2890, $0x38;
	[tilespmem:$0x1C260] =	vst v63  }
0x39: {  	_ =	swait.ge [sflag:s16], $0x2890  }
0x3a: {  	[sflag:s16] =	ssyncset.done $0x0  }
0x3b: {  	[sflag:s16] =	ssyncadd.s32 $0xFFFFD770  }
0x3c: {  	[tilespmem:s19], [sflag:$0x3] =	stream.linear.gather [hbm4b:s10+s3], $0x2890, $0x38;
	[tilespmem:$0x1C260] =	vst v63  }
0x3d: {  	_ =	swait.ge [sflag:s16], $0x2890  }
0x3e: {  	[sflag:s16] =	ssyncset.done $0x0  }
0x3f: {  	s2 =	simm.s32 $0xA240;
	[sflag:s16] =	ssyncadd.s32 $0xFFFFD770  }
0x40: {  	[tilespmem:s2], [sflag:$0x3] =	stream.linear.gather [hbm4b:s11+s3], $0x10, $0x38;
	[tilespmem:$0x1C260] =	vst v63  }
0x41: {  	_ =	swait.ge [sflag:s16], $0x10  }
0x42: {  	[sflag:s16] =	ssyncset.done $0x0  }
0x43: {  	s18 =	simm.s32 $0xA250;
	[sflag:s16] =	ssyncadd.s32 $0xFFFFFFF0  }
0x44: {  	[tilespmem:s18], [sflag:$0x3] =	stream.linear.gather [hbm4b:s12+s3], $0x10, $0x38;
	[tilespmem:$0x1C260] =	vst v63  }
0x45: {  	_ =	swait.ge [sflag:s16], $0x10  }
0x46: {  	[sflag:s16] =	ssyncset.done $0x0  }
0x47: {  	[sflag:s16] =	ssyncadd.s32 $0xFFFFFFF0  }
0x48: {  	[bflag:$0x0] =	sbarrier.arrive $0xFFFF  }
0x49: {  	v0 =	vld [tilespmem:$0xA240];
	_ =	sdelay $0x4  }
0x4a: {  	(v2sf) =	vpush v0, $0x0;
	_ =	sdelay $0xe  }
0x4b: {  	s31 =	spop (v2sf)  }
0x4c: {  	s20 =	sand.u32 $0x1, s31  }
0x4d: {  	p0 =	slt.s32 s31, $0x1;
	p1 =	seq.s32 s20, $0x1  }
0x4e: {  	p0 =	por !p0, !p1  }
0x4f: {  	s2 =	simm.s32 $0x1;
	s21 =	sshrl.u32 s31, $0x1F;
	p0 =	por !p0, !p0  }
0x50: {  	s0 =	sadd.s32 s21, s31;
	s2 =	simm.s32 @!p0 $0x0  }
0x51: {  	s0 =	sshra.s32 s0, $0x1;
	s2 =	sxor.u32 $0xFFFFFFFF, s2  }
0x52: {  	s2 =	sadd.s32 s0, s2  }
0x53: {  	p0 =	slt.s32 s2, $0x1  }
.Ltmp2:
0x54: {  	_ = 	snop;
	(pc) =	sbr.rel @p0 .LBB2_5-.Ltmp2, $4  }
0x55: {  	[tilespmem:s22], [sflag:$0x1] =	stream.indirect.gather [hbm4b:s4+s26], $0x80, s17, s26, $0xb8;
	[tilespmem:$0x1C260] =	vst v63  }
0x56: {  	_ = 	snop  }
0x57: {  	[tilespmem:s24], [sflag:$0x2] =	stream.indirect.gather [hbm4b:s4+s26], $0x80, s23, s26, $0xb8;
	[tilespmem:$0x1C260] =	vst v63  }
0x58: {  	s0 =	simm.s32 $0x2A10  }
0x59: {  	_ =	swait.ge [sflag:s25], $0x4000  }
0x5a: {  	[sflag:s25] =	ssyncset.done $0x0  }
0x5b: {  	s18 =	simm.s32 $0x0;
	[sflag:s25] =	ssyncadd.s32 $0xFFFFC000  }
0x5c: {  	[spmem:s1] =	stream.indirect.scatter.add.f32 [tilespmem:s22], [sflag:$0x3], $0x80, s18, s26, $0xb8;
	[tilespmem:$0x1C260] =	vst v63  }
0x5d: {  	_ =	swait.ge [sflag:s16], $0x4000  }
0x5e: {  	[sflag:s16] =	ssyncset.done $0x0  }
0x5f: {  	s21 =	simm.s32 $0x2990;
	[sflag:s16] =	ssyncadd.s32 $0xFFFFC000  }
0x60: {  	[tilespmem:s22], [sflag:$0x1] =	stream.indirect.gather [hbm4b:s4+s26], $0x80, s21, s26, $0xb8;
	[tilespmem:$0x1C260] =	vst v63  }
0x61: {  	_ =	swait.ge [sflag:s28], $0x4000  }
0x62: {  	p0 =	sne.s32 s2, $0x1;
	[sflag:s28] =	ssyncset.done $0x0  }
.Ltmp3:
0x63: {  	[sflag:s28] =	ssyncadd.s32 $0xFFFFC000;
	(pc) =	sbr.rel @!p0 .LBB2_4-.Ltmp3, $4  }
0x64: {  	[spmem:s1] =	stream.indirect.scatter.add.f32 [tilespmem:s24], [sflag:$0x3], $0x80, s26, s26, $0xb8;
	[tilespmem:$0x1C260] =	vst v63  }
0x65: {  	_ =	swait.ge [sflag:s16], $0x4000  }
0x66: {  	s2 =	sadd.s32 $0xFFFFFFFF, s2;
	[sflag:s16] =	ssyncset.done $0x0  }
0x67: {  	s20 =	simm.s32 $0x180;
	s18 =	simm.s32 $0x2B10;
	[sflag:s16] =	ssyncadd.s32 $0xFFFFC000  }
.LBB2_3:
0x68: {  	[tilespmem:s24], [sflag:$0x2] =	stream.indirect.gather [hbm4b:s4+s26], $0x80, s0, s26, $0xb8;
	[tilespmem:$0x1C260] =	vst v63  }
0x69: {  	p0 =	sne.s32 s2, $0x1;
	s2 =	sadd.s32 $0xFFFFFFFF, s2;
	_ =	swait.ge [sflag:s25], $0x4000  }
0x6a: {  	s0 =	smov.u32 s18;
	[sflag:s25] =	ssyncset.done $0x0  }
0x6b: {  	s21 =	sadd.s32 $0xFFFFFF80, s20;
	[sflag:s25] =	ssyncadd.s32 $0xFFFFC000  }
0x6c: {  	[spmem:s1] =	stream.indirect.scatter.add.f32 [tilespmem:s22], [sflag:$0x3], $0x80, s21, s26, $0xb8;
	[tilespmem:$0x1C260] =	vst v63  }
0x6d: {  	_ =	swait.ge [sflag:s16], $0x4000  }
0x6e: {  	[sflag:s16] =	ssyncset.done $0x0  }
0x6f: {  	s21 =	sadd.s32 $0xFFFFFF80, s18;
	[sflag:s16] =	ssyncadd.s32 $0xFFFFC000  }
0x70: {  	[tilespmem:s22], [sflag:$0x1] =	stream.indirect.gather [hbm4b:s4+s26], $0x80, s21, s26, $0xb8;
	[tilespmem:$0x1C260] =	vst v63  }
0x71: {  	_ =	swait.ge [sflag:s28], $0x4000  }
0x72: {  	[sflag:s28] =	ssyncset.done $0x0  }
.Ltmp4:
0x73: {  	[sflag:s28] =	ssyncadd.s32 $0xFFFFC000;
	(pc) =	sbr.rel @p0 .LBB2_3-.Ltmp4, $4  }
0x74: {  	[spmem:s1] =	stream.indirect.scatter.add.f32 [tilespmem:s24], [sflag:$0x3], $0x80, s20, s26, $0xb8;
	[tilespmem:$0x1C260] =	vst v63  }
0x75: {  	_ =	swait.ge [sflag:s16], $0x4000  }
0x76: {  	[sflag:s16] =	ssyncset.done $0x0  }
0x77: {  	s18 =	sadd.s32 $0x100, s18;
	s20 =	sadd.s32 $0x100, s20;
	[sflag:s16] =	ssyncadd.s32 $0xFFFFC000  }
.LBB2_4:
0x78: {  	[tilespmem:s24], [sflag:$0x2] =	stream.indirect.gather [hbm4b:s4+s26], $0x80, s0, s26, $0xb8;
	[tilespmem:$0x1C260] =	vst v63  }
.LBB2_5:
0x79: {  	_ =	swait.ge [sflag:s25], $0x4000;
	s0 =	sshll.u32 s31, $0x9  }
0x7a: {  	[sflag:s25] =	ssyncset.done $0x0;
	s0 =	sshra.s32 s0, $0x2  }
0x7b: {  	[sflag:s25] =	ssyncadd.s32 $0xFFFFC000;
	s2 =	sadd.s32 $0xFFFFFF00, s0  }
0x7c: {  	[spmem:s1] =	stream.indirect.scatter.add.f32 [tilespmem:s22], [sflag:$0x3], $0x80, s2, s26, $0xb8;
	[tilespmem:$0x1C260] =	vst v63  }
0x7d: {  	_ =	swait.ge [sflag:s16], $0x4000  }
0x7e: {  	[sflag:s16] =	ssyncset.done $0x0  }
0x7f: {  	[sflag:s16] =	ssyncadd.s32 $0xFFFFC000  }
0x80: {  	_ =	swait.ge [sflag:s28], $0x4000  }
0x81: {  	[sflag:s28] =	ssyncset.done $0x0  }
0x82: {  	s0 =	sadd.s32 $0xFFFFFF80, s0;
	[sflag:s28] =	ssyncadd.s32 $0xFFFFC000  }
0x83: {  	[spmem:s1] =	stream.indirect.scatter.add.f32 [tilespmem:s24], [sflag:$0x3], $0x80, s0, s26, $0xb8;
	[tilespmem:$0x1C260] =	vst v63  }
0x84: {  	_ =	swait.ge [sflag:s16], $0x4000  }
0x85: {  	[sflag:s16] =	ssyncset.done $0x0  }
0x86: {  	[sflag:s16] =	ssyncadd.s32 $0xFFFFC000  }
0x87: {  	v0 =	vld [tilespmem:$0xA250];
	_ =	sdelay $0x4  }
0x88: {  	(v2sf) =	vpush v0, $0x0;
	_ =	sdelay $0xe  }
0x89: {  	s31 =	spop (v2sf)  }
0x8a: {  	s20 =	sand.u32 $0x1, s31  }
0x8b: {  	p0 =	slt.s32 s31, $0x1;
	p1 =	seq.s32 s20, $0x1  }
0x8c: {  	p0 =	por !p0, !p1  }
0x8d: {  	s2 =	simm.s32 $0x1;
	s21 =	sshrl.u32 s31, $0x1F;
	p0 =	por !p0, !p0  }
0x8e: {  	s0 =	sadd.s32 s21, s31;
	s2 =	simm.s32 @!p0 $0x0  }
0x8f: {  	s0 =	sshra.s32 s0, $0x1;
	s2 =	sxor.u32 $0xFFFFFFFF, s2  }
0x90: {  	s0 =	sadd.s32 s0, s2  }
0x91: {  	p0 =	slt.s32 s0, $0x1  }
.Ltmp5:
0x92: {  	_ = 	snop;
	(pc) =	sbr.rel @p0 .LBB2_9-.Ltmp5, $4  }
0x93: {  	_ = 	snop  }
0x94: {  	[tilespmem:s22], [sflag:$0x1] =	stream.indirect.gather [hbm4b:s4+s26], $0x80, s19, s26, $0xb8;
	[tilespmem:$0x1C260] =	vst v63  }
0x95: {  	_ = 	snop  }
0x96: {  	[tilespmem:s24], [sflag:$0x2] =	stream.indirect.gather [hbm4b:s4+s26], $0x80, s29, s26, $0xb8;
	[tilespmem:$0x1C260] =	vst v63  }
0x97: {  	_ =	swait.ge [sflag:s25], $0x4000  }
0x98: {  	[sflag:s25] =	ssyncset.done $0x0  }
0x99: {  	s2 =	simm.s32 $0x5120;
	[sflag:s25] =	ssyncadd.s32 $0xFFFFC000  }
0x9a: {  	[spmem:s1] =	stream.indirect.scatter.add.f32 [tilespmem:s22], [sflag:$0x3], $0x80, s2, s26, $0xb8;
	[tilespmem:$0x1C260] =	vst v63  }
0x9b: {  	_ =	swait.ge [sflag:s16], $0x4000  }
0x9c: {  	[sflag:s16] =	ssyncset.done $0x0  }
0x9d: {  	s20 =	simm.s32 $0x7AB0;
	[sflag:s16] =	ssyncadd.s32 $0xFFFFC000  }
0x9e: {  	[tilespmem:s22], [sflag:$0x1] =	stream.indirect.gather [hbm4b:s4+s26], $0x80, s20, s26, $0xb8;
	[tilespmem:$0x1C260] =	vst v63  }
0x9f: {  	_ =	swait.ge [sflag:s28], $0x4000  }
0xa0: {  	p0 =	sne.s32 s0, $0x1;
	[sflag:s28] =	ssyncset.done $0x0  }
.Ltmp6:
0xa1: {  	s21 =	simm.s32 $0x51A0;
	[sflag:s28] =	ssyncadd.s32 $0xFFFFC000;
	(pc) =	sbr.rel @!p0 .LBB2_8-.Ltmp6, $4  }
0xa2: {  	[spmem:s1] =	stream.indirect.scatter.add.f32 [tilespmem:s24], [sflag:$0x3], $0x80, s21, s26, $0xb8;
	[tilespmem:$0x1C260] =	vst v63  }
0xa3: {  	_ =	swait.ge [sflag:s16], $0x4000  }
0xa4: {  	s0 =	sadd.s32 $0xFFFFFFFF, s0;
	s18 =	simm.s32 $0x7C30;
	[sflag:s16] =	ssyncset.done $0x0  }
0xa5: {  	s2 =	simm.s32 $0x7B30;
	s20 =	simm.s32 $0x52A0;
	[sflag:s16] =	ssyncadd.s32 $0xFFFFC000  }
.LBB2_7:
0xa6: {  	[tilespmem:s24], [sflag:$0x2] =	stream.indirect.gather [hbm4b:s4+s26], $0x80, s2, s26, $0xb8;
	[tilespmem:$0x1C260] =	vst v63  }
0xa7: {  	p0 =	sne.s32 s0, $0x1;
	s0 =	sadd.s32 $0xFFFFFFFF, s0;
	_ =	swait.ge [sflag:s25], $0x4000  }
0xa8: {  	s2 =	smov.u32 s18;
	[sflag:s25] =	ssyncset.done $0x0  }
0xa9: {  	s21 =	sadd.s32 $0xFFFFFF80, s20;
	[sflag:s25] =	ssyncadd.s32 $0xFFFFC000  }
0xaa: {  	[spmem:s1] =	stream.indirect.scatter.add.f32 [tilespmem:s22], [sflag:$0x3], $0x80, s21, s26, $0xb8;
	[tilespmem:$0x1C260] =	vst v63  }
0xab: {  	_ =	swait.ge [sflag:s16], $0x4000  }
0xac: {  	[sflag:s16] =	ssyncset.done $0x0  }
0xad: {  	s21 =	sadd.s32 $0xFFFFFF80, s18;
	[sflag:s16] =	ssyncadd.s32 $0xFFFFC000  }
0xae: {  	[tilespmem:s22], [sflag:$0x1] =	stream.indirect.gather [hbm4b:s4+s26], $0x80, s21, s26, $0xb8;
	[tilespmem:$0x1C260] =	vst v63  }
0xaf: {  	_ =	swait.ge [sflag:s28], $0x4000  }
0xb0: {  	[sflag:s28] =	ssyncset.done $0x0  }
.Ltmp7:
0xb1: {  	[sflag:s28] =	ssyncadd.s32 $0xFFFFC000;
	(pc) =	sbr.rel @p0 .LBB2_7-.Ltmp7, $4  }
0xb2: {  	[spmem:s1] =	stream.indirect.scatter.add.f32 [tilespmem:s24], [sflag:$0x3], $0x80, s20, s26, $0xb8;
	[tilespmem:$0x1C260] =	vst v63  }
0xb3: {  	_ =	swait.ge [sflag:s16], $0x4000  }
0xb4: {  	[sflag:s16] =	ssyncset.done $0x0  }
0xb5: {  	s18 =	sadd.s32 $0x100, s18;
	s20 =	sadd.s32 $0x100, s20;
	[sflag:s16] =	ssyncadd.s32 $0xFFFFC000  }
.Ltmp8:
0xb6: {  	_ = 	snop;
	(pc) =	sbr.rel .LBB2_8-.Ltmp8, $1  }
0xb7: {  	_ =	sdelay $0x3  }
.LBB2_10:
0xb8: {  	_ =	sfence.sel $0x180000  }
0xb9: {  	[bflag:$0x0] =	sbarrier.arrive $0xFFFF  }
0xba: {  	_ =	strace $0x90000050  }
0xbb: {  	s0 =	stileid.u32;
	[bflag:$0x2] =	sbarrier.arrive $0xFFFF  }
0xbc: {  	p0 =	sne.s32 s0, $0x0;
	s0 =	rddreg [dreg:$0x3]  }
0xbd: {  	s0 =	sadd.s32 @!p0 $0x100000, s0  }
0xbe: {  	[sflag:s0] =	ssyncadd.tile.s32 @!p0 $0x1;
	_ =	shalt  }
.Lfunc_end2:
_tile_overlayer_lowered:
.L_overlay_start_2:
0xbf: {  	(tag) =	ssettag $0x2  }
0xc0: {  	s0 =	rddreg [dreg:$0x0];
	s2 =	stileid.u32  }
0xc1: {  	s1 =	rddreg [dreg:$0x1];
	p0 =	sne.s32 s2, $0x0  }
0xc2: {  	s3 =	rddreg [dreg:$0x2];
	[bflag:$0x3] =	sbarrier.arrive $0xFFFF;
	s2 =	simm.s32 @!p0 $0x1C03  }
0xc3: {  	[timem:s3], [sflag:s2] =	dma.local @!p0 [hbm:s0], s1  }
0xc4: {  	s0 =	simm.s32 @!p0 $0x3  }
0xc5: {  	_ =	swait.ge @!p0 [sflag:s0], s1  }
0xc6: {  	s1 =	ssub.s32 @!p0 $0x0, s1;
	[sflag:s0] =	ssyncset.done @!p0 $0x0  }
0xc7: {  	[sflag:s0] =	ssyncadd.s32 @!p0 s1  }
0xc8: {  	[bflag:$0x3] =	sbarrier.arrive $0xFFFF  }
0xc9: {  	_ =	shalt  }

// kernel: kernel.6.cloned.1.call-start
scs
__scs_entry_jumppad:
0x0: {  	(pc) =	sbr.rel $0x88, $3  }
0x1: {  	(tag) =	ssettag $0x0;
	lr =	simm.s32 $0x1  }
0x2: {  	[smem:$0x3F9F] =	sst lr;
	_ =	strace $0xD0000000  }
0x3: {  	_ = 	snop  }
0x4: {  	_ = 	snop  }
0x5: {  	_ = 	snop  }
0x6: {  	_ = 	snop  }
0x7: {  	_ = 	snop  }
__scs_overlays_trampoline_lowered:
0x8: {  	[smem:$0x3FAE] =	sst s0  }
0x9: {  	[smem:$0x3FAF] =	sst s1  }
0xa: {  	[smem:$0x3FB0] =	sst s2  }
0xb: {  	[smem:$0x3FB1] =	sst s3  }
0xc: {  	[smem:$0x3FB2] =	sst s4  }
0xd: {  	[smem:$0x3FB3] =	sst s5  }
0xe: {  	[smem:$0x3FB4] =	sst s6  }
0xf: {  	[smem:$0x3FB5] =	sst s7  }
0x10: {  	[smem:$0x3FB6] =	sst s8  }
0x11: {  	[smem:$0x3FB7] =	sst s9;
	s0 =	simm.s32 @!p0 $0x0  }
0x12: {  	s1 =	sld [smem:$0x3F9D];
	s0 =	simm.s32 @p0 $0x1  }
0x13: {  	[smem:$0x3FB8] =	sst s0;
	s0 =	simm.s32 @!p1 $0x0  }
0x14: {  	s2 =	sld [smem:$0x3F9C];
	s0 =	simm.s32 @p1 $0x1  }
0x15: {  	[smem:$0x3FB9] =	sst s0;
	s0 =	simm.s32 @!p2 $0x0  }
0x16: {  	s3 =	sld [smem:$0x3FDB];
	s0 =	simm.s32 @p2 $0x1  }
0x17: {  	s4 =	simm.s32 $0x1BF5;
	[smem:$0x3FBB] =	sst s0  }
0x18: {  	s0 =	sld [smem:$0x3F9E];
	_ =	swait.ge [sflag:s4], $0x0  }
0x19: {  	s7 =	sld [smem:$0x3F9F]  }
0x1a: {  	s8 =	sadd.s32 $0xFFFFE003, lr  }
0x1b: {  	s9 =	sadd.s32 $0xFFFFFEF7, lr;
	s5 =	simm.s32 $0xFFFFFFFF;
	p2 =	slt.u32 s8, $0xFFFFF086  }
0x1c: {  	p1 =	slt.u32 s9, $0xF7A;
	s5 =	simm.s32 @!p2 $0x0  }
0x1d: {  	s5 =	simm.s32 @p1 $0x1;
	p0 =	seq.s32 s7, s2  }
0x1e: {  	s7 =	smul.u32 @!p0 $0xF7A, s2;
	p2 =	seq.s32 @!p0 s5, $0x0  }
0x1f: {  	s9 =	smul.u32 $0xF7A, s1;
	s8 =	simm.s32 @!p0 $0x1BF5;
	p2 =	por !p2, p0  }
0x20: {  	[sflag:s8] =	ssyncset.s32 @!p0 $0xFFFFF086;
	s6 =	sadd.s32 @!p0 s3, s7;
	s7 =	simm.s32 @!p0 $0x108  }
0x21: {  	s3 =	sadd.s32 s3, s9;
	s6 =	sadd.s32 @!p0 $0x88, s6;
	s7 =	simm.s32 @p2 $0x1082  }
0x22: {  	[simem:s7], [sflag:s8] =	dma.local @!p0 [hbm:s6], $0xF7A  }
0x23: {  	s9 =	sor.u32 $0xD0000000, s2;
	s6 =	simm.s32 $0x108;
	_ =	swait.ge @!p0 [sflag:s8], $0x0  }
0x24: {  	s3 =	sadd.s32 $0x88, s3;
	s6 =	simm.s32 @!p1 $0x1082;
	[sflag:s4] =	ssyncset.s32 $0xFFFFF086  }
0x25: {  	[simem:s6], [sflag:s4] =	dma.local [hbm:s3], $0xF7A  }
0x26: {  	[smem:$0x3F9F] =	sst s1;
	(tag) =	ssettag s2;
	_ =	strace s9  }
0x27: {  	s1 =	sld [smem:$0x3FAF]  }
0x28: {  	s2 =	sld [smem:$0x3FB0]  }
0x29: {  	s4 =	sld [smem:$0x3FB2]  }
0x2a: {  	p0 =	seq.s32 s5, $0x0;
	s5 =	sld [smem:$0x3FB3]  }
0x2b: {  	s6 =	sld [smem:$0x3FB4]  }
0x2c: {  	s7 =	sld [smem:$0x3FB5]  }
0x2d: {  	s3 =	simm.s32 $0x108;
	s8 =	sld [smem:$0x3FB6]  }
0x2e: {  	s3 =	simm.s32 @!p0 $0x1082;
	s9 =	sld [smem:$0x3FB7]  }
0x2f: {  	lr =	sadd.s32 s0, s3;
	s0 =	sld [smem:$0x3FAE]  }
0x30: {  	s3 =	sld [smem:$0x3FB1]  }
0x31: {  	[smem:$0x3FBA] =	sst s10  }
0x32: {  	s10 =	sld [smem:$0x3FB8];
	_ =	sdelay $0x3  }
0x33: {  	p0 =	seq.s32 s10, $0x1;
	s10 =	sld [smem:$0x3FBA];
	_ =	sdelay $0x3  }
0x34: {  	[smem:$0x3FBA] =	sst s10  }
0x35: {  	s10 =	sld [smem:$0x3FB9];
	_ =	sdelay $0x3  }
0x36: {  	p1 =	seq.s32 s10, $0x1;
	s10 =	sld [smem:$0x3FBA];
	_ =	sdelay $0x3  }
0x37: {  	[smem:$0x3FBA] =	sst s10  }
0x38: {  	s10 =	sld [smem:$0x3FBB]  }
0x39: {  	_ = 	snop;
	(pc) =	sbr.ind lr, $3  }
0x3a: {  	_ = 	snop  }
0x3b: {  	_ = 	snop  }
0x3c: {  	p2 =	seq.s32 s10, $0x1;
	s10 =	sld [smem:$0x3FBA]  }
0x3d: {  	_ =	shalt  }
0x3e: {  	_ =	shalt  }
0x3f: {  	_ =	shalt  }
0x40: {  	_ =	shalt  }
0x41: {  	_ =	shalt  }
0x42: {  	_ =	shalt  }
0x43: {  	_ =	shalt  }
0x44: {  	_ =	shalt  }
0x45: {  	_ =	shalt  }
0x46: {  	_ =	shalt  }
0x47: {  	_ =	shalt  }
0x48: {  	_ =	shalt  }
0x49: {  	_ =	shalt  }
0x4a: {  	_ =	shalt  }
0x4b: {  	_ =	shalt  }
0x4c: {  	_ =	shalt  }
0x4d: {  	_ =	shalt  }
0x4e: {  	_ =	shalt  }
0x4f: {  	_ =	shalt  }
0x50: {  	_ =	shalt  }
0x51: {  	_ =	shalt  }
0x52: {  	_ =	shalt  }
0x53: {  	_ =	shalt  }
0x54: {  	_ =	shalt  }
0x55: {  	_ =	shalt  }
0x56: {  	_ =	shalt  }
0x57: {  	_ =	shalt  }
0x58: {  	_ =	shalt  }
0x59: {  	_ =	shalt  }
0x5a: {  	_ =	shalt  }
0x5b: {  	_ =	shalt  }
0x5c: {  	_ =	shalt  }
0x5d: {  	_ =	shalt  }
0x5e: {  	_ =	shalt  }
0x5f: {  	_ =	shalt  }
0x60: {  	_ =	shalt  }
0x61: {  	_ =	shalt  }
0x62: {  	_ =	shalt  }
0x63: {  	_ =	shalt  }
0x64: {  	_ =	shalt  }
0x65: {  	_ =	shalt  }
0x66: {  	_ =	shalt  }
0x67: {  	_ =	shalt  }
0x68: {  	_ =	shalt  }
0x69: {  	_ =	shalt  }
0x6a: {  	_ =	shalt  }
0x6b: {  	_ =	shalt  }
0x6c: {  	_ =	shalt  }
0x6d: {  	_ =	shalt  }
0x6e: {  	_ =	shalt  }
0x6f: {  	_ =	shalt  }
0x70: {  	_ =	shalt  }
0x71: {  	_ =	shalt  }
0x72: {  	_ =	shalt  }
0x73: {  	_ =	shalt  }
0x74: {  	_ =	shalt  }
0x75: {  	_ =	shalt  }
0x76: {  	_ =	shalt  }
0x77: {  	_ =	shalt  }
0x78: {  	_ =	shalt  }
0x79: {  	_ =	shalt  }
0x7a: {  	_ =	shalt  }
0x7b: {  	_ =	shalt  }
0x7c: {  	_ =	shalt  }
0x7d: {  	_ =	shalt  }
0x7e: {  	_ =	shalt  }
0x7f: {  	_ =	shalt  }
0x80: {  	_ =	shalt  }
0x81: {  	_ =	shalt  }
0x82: {  	_ =	shalt  }
0x83: {  	_ =	shalt  }
0x84: {  	_ =	shalt  }
0x85: {  	_ =	shalt  }
0x86: {  	_ =	shalt  }
0x87: {  	_ =	shalt  }
.Lfunc_end0:
.L_simem_size_0:
called_computation_lowered:
.L_overlay_start_0:
0x88: {  	s2 =	sld [smem:$0x3FD9]  }
0x89: {  	s3 =	sld [smem:$0x3FFE];
	_ =	sdelay $0x1  }
0x8a: {  	s1 =	srdreg.scid  }
0x8b: {  	s0 =	sand.u32 $0x1, s1  }
0x8c: {  	s17 =	sshll.u32 s0, $0xA;
	s2 =	sadd.s32 s3, s2  }
0x8d: {  	s2 =	sadd.s32 s2, s17  }
0x8e: {  	[smem:$0x3FC6] =	sst s2  }
0x8f: {  	_ = 	snop  }
0x90: {  	s2 =	sld [smem:$0x3FD0];
	(tm) =	ssettm $0x1  }
0x91: {  	s18 =	sld [smem:$0x3FFB];
	_ =	sdelay $0x3  }
0x92: {  	_ =	strace s18  }
0x93: {  	s3 =	sld [smem:$0x3FFC];
	_ =	sdelay $0x3  }
0x94: {  	_ =	strace s3  }
0x95: {  	s3 =	sld [smem:$0x3FFD];
	_ =	sdelay $0x3  }
0x96: {  	_ =	strace s3  }
0x97: {  	_ =	strace $0x8FFFFFFF  }
0x98: {  	s19 =	sld [smem:$0x3FDB];
	_ =	sdelay $0x1  }
0x99: {  	s4 =	simm.s32 $_scs_section_size  }
0x9a: {  	s5 =	simm.s32 $_size__tile_overlayer_lowered;
	s6 =	simm.s32 $_tile_overlayer_lowered  }
0x9b: {  	s22 =	simm.s32 $0x1BFF;
	s21 =	sshll.u32 s6, $0x1;
	s3 =	sadd.s32 s4, s19  }
0x9c: {  	s7 =	simm.s32 $0x0;
	s20 =	sshll.u32 s5, $0x1;
	s5 =	sadd.s32 s21, s3  }
0x9d: {  	[timem:s7], [sflag:s22] =	dma.local [hbm:s5], s20  }
0x9e: {  	_ =	swait.ge [sflag:s22], s20  }
0x9f: {  	s4 =	ssub.s32 $0x0, s20;
	[sflag:s22] =	ssyncset.done $0x0  }
0xa0: {  	[sflag:s22] =	ssyncadd.s32 s4;
	_ =	sdelay $0x1  }
0xa1: {  	s23 =	simm.s32 $0x1B8B  }
0xa2: {  	_ =	swait.ge [sflag:s23], $0x1  }
0xa3: {  	[sflag:s23] =	ssyncset.done $0x0  }
0xa4: {  	s25 =	simm.s32 $0x1B8E;
	s24 =	sld [smem:$0x3FFE];
	[sflag:s23] =	ssyncadd.s32 $0xFFFFFFFF  }
0xa5: {  	s26 =	simm.s32 $execute0_lowered;
	[smem:$0x3FD2] =	sst s25  }
0xa6: {  	s5 =	sshll.u32 s26, $0x1;
	_ =	strace $0x80000046;
	[dreg:$0x1] =	wrdreg $0xFFFFFFFF  }
0xa7: {  	s28 =	simm.s32 $_size_execute0_lowered;
	s3 =	sadd.s32 s3, s5;
	[dreg:$0x0] =	wrdreg $0x0  }
0xa8: {  	s5 =	sshll.u32 s28, $0x1;
	[dreg:$0x2] =	wrdreg s3  }
0xa9: {  	[dreg:$0x3] =	wrdreg s5  }
0xaa: {  	[dreg:$0x4] =	wrdreg $0xC0  }
0xab: {  	_ =	task [dreg:s7], $0x5FFFF  }
0xac: {  	[dreg:$0x1] =	wrdreg $0xFFFFFFFF  }
0xad: {  	[dreg:$0x0] =	wrdreg $0x60  }
0xae: {  	[dreg:$0x2] =	wrdreg s24  }
0xaf: {  	[dreg:$0x3] =	wrdreg s2  }
0xb0: {  	[dreg:$0x4] =	wrdreg $0xF8700  }
0xb1: {  	[dreg:$0x5] =	wrdreg $0x9  }
0xb2: {  	_ =	task.clear_ibuf [dreg:s7], $0x6FFFF;
	_ =	strace $0x90000046  }
0xb3: {  	s29 =	simm.s32 $0x9;
	_ =	strace $0x80000048  }
0xb4: {  	_ =	swait.ge [sflag:s29], $0x1  }
0xb5: {  	[sflag:s29] =	ssyncadd.s32 $0xFFFFFFFF  }
0xb6: {  	_ =	strace $0x90000048  }
0xb7: {  	_ =	sfence  }
0xb8: {  	s30 =	sld [smem:$0x0];
	_ =	sdelay $0x2  }
0xb9: {  	s31 =	sshll.u32 s1, $0xD;
	s1 =	sshrl.u32 s1, $0x2  }
0xba: {  	s3 =	sand.u32 $0x4000, s31;
	s1 =	sadd.s32 s1, s30  }
0xbb: {  	s0 =	sor.u32 s3, s0;
	s1 =	sshll.u32 s1, $0x11  }
0xbc: {  	s0 =	sor.u32 s1, s0  }
0xbd: {  	s0 =	sadd.s32 $0x8F2B, s0  }
0xbe: {  	[sflag:s0] =	ssyncadd.remote.s32 $0x1  }
0xbf: {  	_ =	sfence.sel $0xFFFF  }
0xc0: {  	[dreg:$0x0] =	wrdreg $0xFFFFFFFF;
	(pc) =	sbr.abs _section_cstart, $3  }
0xc1: {  	[dreg:$0x1] =	wrdreg $0xFFFFFFFF  }
0xc2: {  	_ =	task.clear_ibuf [dreg:s7], $0x2FFFF;
	_ =	strace $0x9FFFFFFF  }
0xc3: {  	(tm) =	ssettm $0x7FFFFFFF  }
tec
execute0_lowered:
.L_overlay_start_1:
0x0: {  	(tag) =	ssettag $0x1  }
0x1: {  	v0 =	vlaneseq.u32;
	v2 =	vimm.s32 $0x0;
	v16 =	vimm.s32 $0x5  }
0x2: {  	vm14 =	vcmask $0x300;
	vm13 =	vcmask $0x704;
	vm12 =	vcmask $0xB08  }
0x3: {  	vm11 =	vcmask $0xF0C;
	vm10 =	vcmask $0x1310;
	vm9 =	vcmask $0x1714  }
0x4: {  	vm8 =	vcmask $0x1B18;
	vm7 =	vcmask $0x1F1C;
	vm4 =	vcmask $0x2320  }
0x5: {  	v23 =	vimm.s32 $0x15;
	v24 =	vimm.s32 $0x25;
	vm0 =	vcmask $0x2724  }
0x6: {  	vm1 =	vcmask $0x2B28;
	vm2 =	vcmask $0x2F2C;
	vm3 =	vcmask $0x3330  }
0x7: {  	vm5 =	vcmask $0x3734;
	vm6 =	vcmask $0x3B38;
	v27 =	vimm.s32 $0x35  }
0x8: {  	v29 =	vimm.s32 $0x45;
	v30 =	vimm.s32 $0x55;
	v33 =	vimm.s32 $0x65  }
0x9: {  	v35 =	vimm.s32 $0x75;
	v36 =	vimm.s32 $0x85;
	v40 =	vimm.s32 $0x95  }
0xa: {  	v42 =	vimm.s32 $0xA5;
	v43 =	vimm.s32 $0x2715;
	v44 =	vimm.s32 $0xB5  }
0xb: {  	v45 =	vimm.s32 $0x271C;
	v46 =	vimm.s32 $0xC5;
	v47 =	vimm.s32 $0x2723  }
0xc: {  	v48 =	vimm.s32 $0xD5;
	v49 =	vimm.s32 $0x272A;
	v1 =	vmul.u32 $0x14B, v0  }
0xd: {  	v41 =	vmul.u32 $0x7, v0;
	v17 =	vsel vm14, $0xA0, v16;
	v23 =	vsel vm14, $0xB0, v23  }
0xe: {  	v24 =	vsel vm14, $0xC0, v24;
	v28 =	vsel vm14, $0xD0, v27;
	v29 =	vsel vm14, $0xE0, v29  }
0xf: {  	v30 =	vsel vm14, $0xF0, v30;
	v34 =	vsel vm14, $0x100, v33;
	v35 =	vsel vm14, $0x110, v35  }
0x10: {  	v36 =	vsel vm14, $0x120, v36;
	v40 =	vsel vm14, $0x130, v40;
	v42 =	vsel vm14, $0x140, v42  }
0x11: {  	v43 =	vsel vm14, $0x279C, v43;
	v44 =	vsel vm14, $0x150, v44;
	v45 =	vsel vm14, $0x27A3, v45  }
0x12: {  	v46 =	vsel vm14, $0x160, v46;
	v47 =	vsel vm14, $0x27AA, v47;
	v48 =	vsel vm14, $0x170, v48  }
0x13: {  	v49 =	vsel vm14, $0x27B1, v49;
	v18 =	vsel vm13, $0x1EB, v17;
	v23 =	vsel vm13, $0x1FB, v23  }
0x14: {  	v24 =	vsel vm13, $0x20B, v24;
	v28 =	vsel vm13, $0x21B, v28;
	v29 =	vsel vm13, $0x22B, v29  }
0x15: {  	v30 =	vsel vm13, $0x23B, v30;
	v34 =	vsel vm13, $0x24B, v34;
	v35 =	vsel vm13, $0x25B, v35  }
0x16: {  	v36 =	vsel vm13, $0x26B, v36;
	v40 =	vsel vm13, $0x27B, v40;
	v42 =	vsel vm13, $0x28B, v42  }
0x17: {  	v43 =	vsel vm13, $0x27A3, v43;
	v44 =	vsel vm13, $0x29B, v44;
	v45 =	vsel vm13, $0x27AA, v45  }
0x18: {  	v46 =	vsel vm13, $0x2AB, v46;
	v47 =	vsel vm13, $0x27B1, v47;
	v48 =	vsel vm13, $0x2BB, v48  }
0x19: {  	v49 =	vsel vm13, $0x27B8, v49;
	v3 =	vadd.s32 $0x2710, v41;
	v4 =	vadd.s32 $0x10, v1  }
0x1a: {  	v5 =	vadd.s32 $0x2717, v41;
	v6 =	vadd.s32 $0x20, v1;
	v7 =	vadd.s32 $0x271E, v41  }
0x1b: {  	v8 =	vadd.s32 $0x30, v1;
	v9 =	vadd.s32 $0x2725, v41;
	v10 =	vadd.s32 $0x40, v1  }
0x1c: {  	v11 =	vadd.s32 $0x272C, v41;
	v12 =	vadd.s32 $0x50, v1;
	v13 =	vadd.s32 $0x2733, v41  }
0x1d: {  	v14 =	vadd.s32 $0x60, v1;
	v15 =	vadd.s32 $0x273A, v41;
	v16 =	vadd.s32 $0x70, v1  }
0x1e: {  	v17 =	vadd.s32 $0x2741, v41;
	v19 =	vsel vm12, $0x336, v18;
	v18 =	vadd.s32 $0x80, v1  }
0x1f: {  	v23 =	vsel vm12, $0x346, v23;
	v24 =	vsel vm12, $0x356, v24;
	v27 =	vadd.s32 $0x2764, v41  }
0x20: {  	v28 =	vsel vm12, $0x366, v28;
	v29 =	vsel vm12, $0x376, v29;
	v30 =	vsel vm12, $0x386, v30  }
0x21: {  	v33 =	vadd.s32 $0x2779, v41;
	v34 =	vsel vm12, $0x396, v34;
	v35 =	vsel vm12, $0x3A6, v35  }
0x22: {  	v36 =	vsel vm12, $0x3B6, v36;
	v39 =	vadd.s32 $0x278E, v41;
	v40 =	vsel vm12, $0x3C6, v40  }
0x23: {  	v42 =	vsel vm12, $0x3D6, v42;
	v43 =	vsel vm12, $0x27AA, v43;
	v44 =	vsel vm12, $0x3E6, v44  }
0x24: {  	v45 =	vsel vm12, $0x27B1, v45;
	v46 =	vsel vm12, $0x3F6, v46;
	v47 =	vsel vm12, $0x27B8, v47  }
0x25: {  	v48 =	vsel vm12, $0x406, v48;
	v49 =	vsel vm12, $0x27BF, v49;
	v20 =	vsel vm11, $0x481, v19  }
0x26: {  	v19 =	vadd.s32 $0x2748, v41;
	v23 =	vsel vm11, $0x491, v23;
	v24 =	vsel vm11, $0x4A1, v24  }
0x27: {  	v28 =	vsel vm11, $0x4B1, v28;
	v29 =	vsel vm11, $0x4C1, v29;
	v30 =	vsel vm11, $0x4D1, v30  }
0x28: {  	v34 =	vsel vm11, $0x4E1, v34;
	v35 =	vsel vm11, $0x4F1, v35;
	v36 =	vsel vm11, $0x501, v36  }
0x29: {  	v40 =	vsel vm11, $0x511, v40;
	v42 =	vsel vm11, $0x521, v42;
	v43 =	vsel vm11, $0x27B1, v43  }
0x2a: {  	v44 =	vsel vm11, $0x531, v44;
	v45 =	vsel vm11, $0x27B8, v45;
	v46 =	vsel vm11, $0x541, v46  }
0x2b: {  	v47 =	vsel vm11, $0x27BF, v47;
	v48 =	vsel vm11, $0x551, v48;
	v49 =	vsel vm11, $0x27C6, v49  }
0x2c: {  	v21 =	vsel vm10, $0x5CC, v20;
	v20 =	vadd.s32 $0x90, v1;
	v23 =	vsel vm10, $0x5DC, v23  }
0x2d: {  	v24 =	vsel vm10, $0x5EC, v24;
	v28 =	vsel vm10, $0x5FC, v28;
	v29 =	vsel vm10, $0x60C, v29  }
0x2e: {  	v30 =	vsel vm10, $0x61C, v30;
	v34 =	vsel vm10, $0x62C, v34;
	v35 =	vsel vm10, $0x63C, v35  }
0x2f: {  	v36 =	vsel vm10, $0x64C, v36;
	v40 =	vsel vm10, $0x65C, v40;
	v42 =	vsel vm10, $0x66C, v42  }
0x30: {  	v43 =	vsel vm10, $0x27B8, v43;
	v44 =	vsel vm10, $0x67C, v44;
	v45 =	vsel vm10, $0x27BF, v45  }
0x31: {  	v46 =	vsel vm10, $0x68C, v46;
	v47 =	vsel vm10, $0x27C6, v47;
	v48 =	vsel vm10, $0x69C, v48  }
0x32: {  	v49 =	vsel vm10, $0x27CD, v49;
	v22 =	vsel vm9, $0x717, v21;
	v21 =	vadd.s32 $0x274F, v41  }
0x33: {  	v23 =	vsel vm9, $0x727, v23;
	v24 =	vsel vm9, $0x737, v24;
	v28 =	vsel vm9, $0x747, v28  }
0x34: {  	v29 =	vsel vm9, $0x757, v29;
	v30 =	vsel vm9, $0x767, v30;
	v34 =	vsel vm9, $0x777, v34  }
0x35: {  	v35 =	vsel vm9, $0x787, v35;
	v36 =	vsel vm9, $0x797, v36;
	v40 =	vsel vm9, $0x7A7, v40  }
0x36: {  	v42 =	vsel vm9, $0x7B7, v42;
	v43 =	vsel vm9, $0x27BF, v43;
	v44 =	vsel vm9, $0x7C7, v44  }
0x37: {  	v45 =	vsel vm9, $0x27C6, v45;
	v46 =	vsel vm9, $0x7D7, v46;
	v47 =	vsel vm9, $0x27CD, v47  }
0x38: {  	v48 =	vsel vm9, $0x7E7, v48;
	v49 =	vsel vm9, $0x27D4, v49;
	v22 =	vsel vm8, $0x862, v22  }
0x39: {  	v23 =	vsel vm8, $0x872, v23;
	v24 =	vsel vm8, $0x882, v24;
	v28 =	vsel vm8, $0x892, v28  }
0x3a: {  	v29 =	vsel vm8, $0x8A2, v29;
	v30 =	vsel vm8, $0x8B2, v30;
	v34 =	vsel vm8, $0x8C2, v34  }
0x3b: {  	v35 =	vsel vm8, $0x8D2, v35;
	v36 =	vsel vm8, $0x8E2, v36;
	v40 =	vsel vm8, $0x8F2, v40  }
0x3c: {  	v42 =	vsel vm8, $0x902, v42;
	v43 =	vsel vm8, $0x27C6, v43;
	v44 =	vsel vm8, $0x912, v44  }
0x3d: {  	v45 =	vsel vm8, $0x27CD, v45;
	v46 =	vsel vm8, $0x922, v46;
	v47 =	vsel vm8, $0x27D4, v47  }
0x3e: {  	v48 =	vsel vm8, $0x932, v48;
	v49 =	vsel vm8, $0x27DB, v49;
	v22 =	vsel vm7, $0x9AD, v22  }
0x3f: {  	v23 =	vsel vm7, $0x9BD, v23;
	v24 =	vsel vm7, $0x9CD, v24;
	v28 =	vsel vm7, $0x9DD, v28  }
0x40: {  	v29 =	vsel vm7, $0x9ED, v29;
	v30 =	vsel vm7, $0x9FD, v30;
	v34 =	vsel vm7, $0xA0D, v34  }
0x41: {  	v35 =	vsel vm7, $0xA1D, v35;
	v36 =	vsel vm7, $0xA2D, v36;
	v40 =	vsel vm7, $0xA3D, v40  }
0x42: {  	v42 =	vsel vm7, $0xA4D, v42;
	v43 =	vsel vm7, $0x27CD, v43;
	v44 =	vsel vm7, $0xA5D, v44  }
0x43: {  	v45 =	vsel vm7, $0x27D4, v45;
	v46 =	vsel vm7, $0xA6D, v46;
	v47 =	vsel vm7, $0x27DB, v47  }
0x44: {  	v48 =	vsel vm7, $0xA7D, v48;
	v49 =	vsel vm7, $0x27E2, v49;
	v22 =	vsel vm4, $0xAF8, v22  }
0x45: {  	v23 =	vsel vm4, $0xB08, v23;
	v24 =	vsel vm4, $0xB18, v24;
	v28 =	vsel vm4, $0xB28, v28  }
0x46: {  	v29 =	vsel vm4, $0xB38, v29;
	v30 =	vsel vm4, $0xB48, v30;
	v34 =	vsel vm4, $0xB58, v34  }
0x47: {  	v35 =	vsel vm4, $0xB68, v35;
	v36 =	vsel vm4, $0xB78, v36;
	v40 =	vsel vm4, $0xB88, v40  }
0x48: {  	v42 =	vsel vm4, $0xB98, v42;
	v43 =	vsel vm4, $0x27D4, v43;
	v44 =	vsel vm4, $0xBA8, v44  }
0x49: {  	v45 =	vsel vm4, $0x27DB, v45;
	v46 =	vsel vm4, $0xBB8, v46;
	v47 =	vsel vm4, $0x27E2, v47  }
0x4a: {  	v48 =	vsel vm4, $0xBC8, v48;
	v49 =	vsel vm4, $0x27E9, v49;
	v22 =	vsel vm0, $0xC43, v22  }
0x4b: {  	v23 =	vsel vm0, $0xC53, v23;
	v24 =	vsel vm0, $0xC63, v24;
	v28 =	vsel vm0, $0xC73, v28  }
0x4c: {  	v29 =	vsel vm0, $0xC83, v29;
	v30 =	vsel vm0, $0xC93, v30;
	v34 =	vsel vm0, $0xCA3, v34  }
0x4d: {  	v35 =	vsel vm0, $0xCB3, v35;
	v36 =	vsel vm0, $0xCC3, v36;
	v40 =	vsel vm0, $0xCD3, v40  }
0x4e: {  	v42 =	vsel vm0, $0xCE3, v42;
	v43 =	vsel vm0, $0x27DB, v43;
	v44 =	vsel vm0, $0xCF3, v44  }
0x4f: {  	v45 =	vsel vm0, $0x27E2, v45;
	v46 =	vsel vm0, $0xD03, v46;
	v47 =	vsel vm0, $0x27E9, v47  }
0x50: {  	v48 =	vsel vm0, $0xD13, v48;
	v49 =	vsel vm0, $0x27F0, v49;
	v22 =	vsel vm1, $0xD8E, v22  }
0x51: {  	v23 =	vsel vm1, $0xD9E, v23;
	v24 =	vsel vm1, $0xDAE, v24;
	v28 =	vsel vm1, $0xDBE, v28  }
0x52: {  	v29 =	vsel vm1, $0xDCE, v29;
	v30 =	vsel vm1, $0xDDE, v30;
	v34 =	vsel vm1, $0xDEE, v34  }
0x53: {  	v35 =	vsel vm1, $0xDFE, v35;
	v36 =	vsel vm1, $0xE0E, v36;
	v40 =	vsel vm1, $0xE1E, v40  }
0x54: {  	v42 =	vsel vm1, $0xE2E, v42;
	v43 =	vsel vm1, $0x27E2, v43;
	v44 =	vsel vm1, $0xE3E, v44  }
0x55: {  	v45 =	vsel vm1, $0x27E9, v45;
	v46 =	vsel vm1, $0xE4E, v46;
	v47 =	vsel vm1, $0x27F0, v47  }
0x56: {  	v48 =	vsel vm1, $0xE5E, v48;
	v49 =	vsel vm1, $0x27F7, v49;
	v22 =	vsel vm2, $0xED9, v22  }
0x57: {  	v23 =	vsel vm2, $0xEE9, v23;
	v24 =	vsel vm2, $0xEF9, v24;
	v28 =	vsel vm2, $0xF09, v28  }
0x58: {  	v29 =	vsel vm2, $0xF19, v29;
	v30 =	vsel vm2, $0xF29, v30;
	v34 =	vsel vm2, $0xF39, v34  }
0x59: {  	v35 =	vsel vm2, $0xF49, v35;
	v36 =	vsel vm2, $0xF59, v36;
	v40 =	vsel vm2, $0xF69, v40  }
0x5a: {  	v42 =	vsel vm2, $0xF79, v42;
	v43 =	vsel vm2, $0x27E9, v43;
	v44 =	vsel vm2, $0xF89, v44  }
0x5b: {  	v45 =	vsel vm2, $0x27F0, v45;
	v46 =	vsel vm2, $0xF99, v46;
	v47 =	vsel vm2, $0x27F7, v47  }
0x5c: {  	v48 =	vsel vm2, $0xFA9, v48;
	v49 =	vsel vm2, $0x27FE, v49;
	v22 =	vsel vm3, $0x1024, v22  }
0x5d: {  	v25 =	vsel vm3, $0x1034, v23;
	v23 =	vadd.s32 $0x2756, v41;
	v26 =	vsel vm3, $0x1044, v24  }
0x5e: {  	s0 =	srdreg.scid;
	s4 =	rddreg [dreg:$0x0];
	v28 =	vsel vm3, $0x1054, v28;
	v31 =	vsel vm3, $0x1064, v29;
	v29 =	vadd.s32 $0x276B, v41  }
0x5f: {  	s7 =	stileid.u32;
	s21 =	rddreg [dreg:$0x1];
	v32 =	vsel vm3, $0x1074, v30;
	v34 =	vsel vm3, $0x1084, v34;
	v37 =	vsel vm3, $0x1094, v35  }
0x60: {  	s3 =	simm.s32 $0x0;
	s17 =	simm.s32 $0x2;
	s18 =	simm.s32 $0x2710;
	v35 =	vor.u32 $0x2780, v41;
	v38 =	vsel vm3, $0x10A4, v36;
	v40 =	vsel vm3, $0x10B4, v40  }
0x61: {  	s19 =	simm.s32 $0xF060;
	s20 =	simm.s32 $0x80;
	s28 =	simm.s32 $0x9F40;
	v42 =	vsel vm3, $0x10C4, v42;
	v43 =	vsel vm3, $0x27F0, v43;
	v44 =	vsel vm3, $0x10D4, v44  }
0x62: {  	s29 =	simm.s32 $0xC7D0;
	s30 =	simm.s32 $0xF860;
	s31 =	simm.s32 $0x0;
	v45 =	vsel vm3, $0x27F7, v45;
	v46 =	vsel vm3, $0x10E4, v46;
	v47 =	vsel vm3, $0x27FE, v47  }
0x63: {  	s1 =	sand.u32 $0x1, s0;
	[smem:$0x7FF] =	sst s3;
	s8 =	smul.u32 $0x2800, s7;
	v48 =	vsel vm3, $0x10F4, v48;
	v49 =	vsel vm3, $0x2715, v49;
	v22 =	vsel vm5, $0x116F, v22  }
0x64: {  	s23 =	sadd.s32 $0x15A00, s4;
	s24 =	sadd.s32 $0x15C00, s4;
	s2 =	sshll.u32 s1, $0x4;
	v25 =	vsel vm5, $0x117F, v25;
	v26 =	vsel vm5, $0x118F, v26;
	v28 =	vsel vm5, $0x119F, v28  }
0x65: {  	s9 =	smul.u32 $0x28000, s1;
	s6 =	sor.u32 s7, s2;
	s2 =	rddreg [dreg:$0x2];
	v31 =	vsel vm5, $0x11AF, v31;
	v32 =	vsel vm5, $0x11BF, v32;
	v34 =	vsel vm5, $0x11CF, v34  }
0x66: {  	s1 =	ssub.s32 $0x2, s1;
	_ =	strace $0x80000047;
	[dreg:$0x4] =	wrdreg s23;
	v37 =	vsel vm5, $0x11DF, v37;
	v38 =	vsel vm5, $0x11EF, v38;
	v40 =	vsel vm5, $0x11FF, v40  }
0x67: {  	s14 =	sadd.s32 $0x20200, s4;
	[dreg:$0x5] =	wrdreg s24;
	s11 =	sshrl.u32 s1, $0x1;
	v42 =	vsel vm5, $0x120F, v42;
	v43 =	vsel vm5, $0x27F7, v43;
	v44 =	vsel vm5, $0x121F, v44  }
0x68: {  	s5 =	smul.u32 $0x2710, s6;
	s10 =	sshll.u32 s6, $0x1;
	s9 =	sadd.s32 s8, s9;
	v45 =	vsel vm5, $0x27FE, v45;
	v46 =	vsel vm5, $0x122F, v46;
	v47 =	vsel vm5, $0x2715, v47  }
0x69: {  	s1 =	ssub.s32 s1, s11;
	s25 =	smul.u32 $0x2890, s6;
	s8 =	sadd.s32 s8, s2;
	v48 =	vsel vm5, $0x123F, v48;
	v49 =	vsel vm5, $0x271C, v49;
	v22 =	vsel vm6, $0x12BA, v22  }
0x6a: {  	s10 =	sadd.s32 s10, s4;
	s9 =	sshrl.u32 s9, $0x3;
	s16 =	smax.u32 s1, $0x1;
	v24 =	vsel vm6, $0x12CA, v25;
	v25 =	vadd.s32 $0x275D, v41;
	v26 =	vsel vm6, $0x12DA, v26  }
0x6b: {  	s5 =	sshrl.u32 s5, $0x3;
	s13 =	sshrl.u32 s25, $0x3;
	s25 =	simm.s32 $0x4E20;
	v28 =	vsel vm6, $0x12EA, v28;
	v30 =	vsel vm6, $0x12FA, v31;
	v31 =	vadd.s32 $0x2772, v41  }
0x6c: {  	s22 =	sadd.s32 s5, s4;
	s4 =	sadd.s32 s9, s4;
	s9 =	sadd.s32 $0x34800, s10;
	v32 =	vsel vm6, $0x130A, v32;
	v34 =	vsel vm6, $0x131A, v34;
	v36 =	vsel vm6, $0x132A, v37  }
0x6d: {  	s10 =	sadd.s32 $0x34840, s10;
	s11 =	sadd.s32 s21, s13;
	s12 =	sadd.s32 s14, s13;
	v37 =	vadd.s32 $0x2787, v41;
	v38 =	vsel vm6, $0x133A, v38;
	v40 =	vsel vm6, $0x134A, v40  }
0x6e: {  	s15 =	sadd.s32 $0xA240, s13;
	s26 =	sadd.s32 $0x2000, s22;
	s7 =	sadd.s32 $0xBC40, s22;
	v41 =	vadd.s32 $0x2795, v41;
	v42 =	vsel vm6, $0x135A, v42;
	v43 =	vsel vm6, $0x27FE, v43  }
0x6f: {  	s13 =	sadd.s32 s21, s15;
	s14 =	sadd.s32 s14, s15;
	s15 =	sadd.s32 $0x16200, s4;
	v44 =	vsel vm6, $0x136A, v44;
	v45 =	vsel vm6, $0x2715, v45;
	v46 =	vsel vm6, $0x137A, v46  }
0x70: {  	s22 =	simm.s32 $0x1;
	[dreg:$0x6] =	wrdreg s26;
	s26 =	simm.s32 $0x76B0;
	v47 =	vsel vm6, $0x271C, v47;
	v48 =	vsel vm6, $0x138A, v48;
	v49 =	vsel vm6, $0x2723, v49  }
.LBB2_1:
0x71: {  	s0 =	rddreg [dreg:$0x6]  }
0x72: {  	[tilespmem:s3], [sflag:$0x2] =	stream.linear.gather [hbm4b:s0+s3], $0x2710, $0x38;
	[tilespmem:$0x12070] =	vst v63  }
0x73: {  	_ =	swait.ge [sflag:s17], $0x2710  }
0x74: {  	[sflag:s17] =	ssyncset.done $0x0  }
0x75: {  	[sflag:s17] =	ssyncadd.s32 $0xFFFFD8F0  }
0x76: {  	[tilespmem:s18], [sflag:$0x2] =	stream.linear.gather [hbm4b:s7+s3], $0x2710, $0x38;
	[tilespmem:$0x12070] =	vst v63  }
0x77: {  	_ =	swait.ge [sflag:s17], $0x2710  }
0x78: {  	[sflag:s17] =	ssyncset.done $0x0  }
0x79: {  	s21 =	stileid.u32;
	s6 =	rddreg [dreg:$0x4];
	[sflag:s17] =	ssyncadd.s32 $0xFFFFD8F0  }
0x7a: {  	[tilespmem:s19], [sflag:$0x2] =	stream.linear.gather [hbm4b:s6+s3], $0x800, $0x38;
	[tilespmem:$0x12070] =	vst v63  }
0x7b: {  	s0 =	sshll.u32 s21, $0x6;
	_ =	swait.ge [sflag:s17], $0x800  }
0x7c: {  	s1 =	sor.u32 $0x1C02, s0;
	[sflag:s17] =	ssyncset.done $0x0  }
0x7d: {  	s0 =	sshrl.u32 s8, $0x3;
	s4 =	rddreg [dreg:$0x5];
	[sflag:s17] =	ssyncadd.s32 $0xFFFFF800  }
0x7e: {  	[spmem:s0], [sflag:s1] =	dma.local [hbm:s4], $0x500  }
0x7f: {  	_ =	swait.ge [sflag:s17], $0x500  }
0x80: {  	[sflag:s17] =	ssyncset.done $0x0  }
0x81: {  	[sflag:s17] =	ssyncadd.s32 $0xFFFFFB00  }
0x82: {  	[bflag:$0x0] =	sbarrier.arrive $0xFFFF  }
0x83: {  	[spmem:s2] =	stream.indirect.scatter.add.f32 [tilespmem:s19], [sflag:$0x1], $0x10, s18, s20, $0xb8;
	[tilespmem:$0x12070] =	vst v63  }
0x84: {  	s23 =	simm.s32 $0x2790  }
0x85: {  	[spmem:s2] =	stream.indirect.scatter.add.f32 [tilespmem:s19], [sflag:$0x1], $0x10, s23, s20, $0xb8;
	[tilespmem:$0x12070] =	vst v63  }
0x86: {  	s24 =	simm.s32 $0x2810  }
0x87: {  	[spmem:s2] =	stream.indirect.scatter.add.f32 [tilespmem:s19], [sflag:$0x1], $0x10, s24, s20, $0xb8;
	[tilespmem:$0x12070] =	vst v63  }
0x88: {  	s21 =	simm.s32 $0x600;
	_ =	swait.ge [sflag:s22], $0x800  }
.LBB2_2:
0x89: {  	s4 =	sshra.s32 s21, $0x2;
	[sflag:s22] =	ssyncset.done $0x0;
	p0 =	sne.s32 s21, $0x9A00  }
.Ltmp0:
0x8a: {  	s4 =	sadd.s32 $0x2710, s4;
	[sflag:s22] =	ssyncadd.s32 $0xFFFFF800;
	(pc) =	sbr.rel @p0 .LBB2_2-.Ltmp0, $3  }
0x8b: {  	[spmem:s2] =	stream.indirect.scatter.add.f32 [tilespmem:s19], [sflag:$0x1], $0x10, s4, s20, $0xb8;
	[tilespmem:$0x12070] =	vst v63  }
0x8c: {  	s21 =	sadd.s32 $0x200, s21;
	_ =	sdelay $0x1  }
0x8d: {  	_ =	swait.ge [sflag:s22], $0x800  }
0x8e: {  	[sflag:s22] =	ssyncset.done $0x0  }
0x8f: {  	s4 =	simm.s32 $0x10;
	s5 =	simm.s32 $0x4E10;
	[sflag:s22] =	ssyncadd.s32 $0xFFFFF800  }
0x90: {  	[spmem:s2] =	stream.indirect.scatter.add.f32 [tilespmem:s19], [sflag:$0x1], $0x10, s5, s4, $0xb8;
	[tilespmem:$0x12070] =	vst v63  }
0x91: {  	s5 =	simm.s32 $0x0  }
0x92: {  	v50 =	vld [tilespmem:s5+$0x0];
	_ =	sdelay $0x4  }
0x93: {  	vm0 =	vlt.s32 v50, $0x1400  }
0x94: {  	v51 =	vsel vm0, $0x1, v2  }
0x95: {  	(xrf0) =	vadd.scan.msk.s32 $0xffff, v51;
	_ =	sdelay $0x5  }
0x96: {  	s21 =	simm.s32 $0xFFFFFFFF;
	v51, _, _ =	vpop (xrf0)  }
0x97: {  	s23 =	simm.s32 $0x0;
	v52 =	vadd.s32 s21, v51;
	(v2sf) =	vpush v51, $0xF  }
0x98: {  	v53 =	vld [tilespmem:s5+$0x2710];
	vm1 =	vge.s32 v50, $0x1400;
	v51 =	vsub.s32 s23, v51  }
0x99: {  	v51 =	vadd.s32 v0, v51;
	_ =	sdelay $0x2  }
0x9a: {  	[tilespmem:v52+s25+$0x0] =	vst.idx.msk vm0, v50  }
0x9b: {  	v50 =	vadd.s32 $0xFFFFEC00, v50;
	[tilespmem:v52+s26+$0x0] =	vst.idx.msk vm0, v53  }
0x9c: {  	[tilespmem:v51+s28+$0x0] =	vst.idx.msk vm1, v50  }
0x9d: {  	s24 =	simm.s32 $0x10;
	[tilespmem:v51+s29+$0x0] =	vst.idx.msk vm1, v53  }
0x9e: {  	v50 =	vld [tilespmem:s24+$0x0];
	_ =	sdelay $0x4  }
0x9f: {  	vm0 =	vlt.s32 v50, $0x1400  }
0xa0: {  	v63 =	vsel vm0, $0x1, v2;
	s6 =	spop (v2sf)  }
0xa1: {  	s23 =	simm.s32 $0x80;
	(xrf0) =	vadd.scan.msk.s32 $0xffff, v63;
	s21 =	sadd.s32 $0x0, s6;
	s4 =	ssub.s32 $0x0, s6  }
.LBB2_4:
0xa2: {  	p0 =	sne.s32 s23, $0x9C00  }
0xa3: {  	s4 =	sadd.s32 $0x10, s4;
	s5 =	smov.u32 s23;
	s23 =	sadd.s32 $0x40, s23  }
0xa4: {  	_ =	sdelay $0x3  }
0xa5: {  	s6 =	sadd.s32 $0xFFFFFFFF, s21;
	v51, _, _ =	vpop (xrf0)  }
0xa6: {  	v52 =	vadd.s32 s6, v51;
	v53 =	vsub.s32 s4, v51;
	(v2sf) =	vpush v51, $0xF  }
0xa7: {  	vm1 =	vge.s32 v50, $0x1400;
	v51 =	vld [tilespmem:s24+$0x2710]  }
0xa8: {  	v53 =	vadd.s32 v0, v53;
	_ =	sdelay $0x2  }
0xa9: {  	[tilespmem:v52+s25+$0x0] =	vst.idx.msk vm0, v50  }
0xaa: {  	v50 =	vadd.s32 $0xFFFFEC00, v50;
	[tilespmem:v52+s26+$0x0] =	vst.idx.msk vm0, v51  }
0xab: {  	[tilespmem:v53+s28+$0x0] =	vst.idx.msk vm1, v50  }
0xac: {  	s24 =	sshra.s32 s5, $0x2;
	[tilespmem:v53+s29+$0x0] =	vst.idx.msk vm1, v51  }
0xad: {  	v50 =	vld [tilespmem:s24+$0x0];
	_ =	sdelay $0x2  }
.Ltmp1:
0xae: {  	(pc) =	sbr.rel @p0 .LBB2_4-.Ltmp1, $4  }
0xaf: {  	_ = 	snop  }
0xb0: {  	vm0 =	vlt.s32 v50, $0x1400  }
0xb1: {  	v51 =	vsel vm0, $0x1, v2;
	s5 =	spop (v2sf)  }
0xb2: {  	(xrf0) =	vadd.scan.msk.s32 $0xffff, v51;
	s21 =	sadd.s32 s21, s5;
	s4 =	ssub.s32 s4, s5  }
0xb3: {  	_ =	sdelay $0x4  }
0xb4: {  	v51, _, _ =	vpop (xrf0)  }
0xb5: {  	(v2sf) =	vpush v51, $0xF;
	_ =	sdelay $0x5  }
0xb6: {  	s5 =	sadd.s32 $0xFFFFFFFF, s21  }
0xb7: {  	s4 =	sadd.s32 $0x10, s4;
	v52 =	vadd.s32 s5, v51  }
0xb8: {  	v53 =	vld [tilespmem:s24+$0x2710];
	vm1 =	vge.s32 v50, $0x1400;
	v51 =	vsub.s32 s4, v51  }
0xb9: {  	v51 =	vadd.s32 v0, v51;
	_ =	sdelay $0x2  }
0xba: {  	[tilespmem:v52+s25+$0x0] =	vst.idx.msk vm0, v50  }
0xbb: {  	v61 =	vadd.s32 $0xFFFFEC00, v50;
	[tilespmem:v52+s26+$0x0] =	vst.idx.msk vm0, v53  }
0xbc: {  	[tilespmem:v51+s28+$0x0] =	vst.idx.msk vm1, v61  }
0xbd: {  	[tilespmem:v51+s29+$0x0] =	vst.idx.msk vm1, v53;
	s6 =	spop (v2sf)  }
0xbe: {  	_ =	swait.ge [sflag:s22], $0x800  }
0xbf: {  	[sflag:s22] =	ssyncset.done $0x0  }
0xc0: {  	[sflag:s22] =	ssyncadd.s32 $0xFFFFF800  }
0xc1: {  	_ =	swait.ge [sflag:s22], $0x800  }
0xc2: {  	[sflag:s22] =	ssyncset.done $0x0  }
0xc3: {  	[sflag:s22] =	ssyncadd.s32 $0xFFFFF800  }
0xc4: {  	_ =	swait.ge [sflag:s22], $0x100  }
0xc5: {  	[sflag:s22] =	ssyncset.done $0x0  }
0xc6: {  	s23 =	sadd.s32 s21, s6;
	[sflag:s22] =	ssyncadd.s32 $0xFFFFFF00  }
0xc7: {  	s4 =	ssub.s32 s4, s6;
	[tilespmem:s23+$0x4E20] =	vst v1  }
0xc8: {  	s21 =	sadd.s32 $0x10, s4;
	[tilespmem:s23+$0x76B0] =	vst v3  }
0xc9: {  	[tilespmem:s21+$0x9F40] =	vst v1  }
0xca: {  	[tilespmem:s21+$0xC7D0] =	vst v3  }
0xcb: {  	[tilespmem:s23+$0x4E30] =	vst v4  }
0xcc: {  	[tilespmem:s23+$0x76C0] =	vst v5  }
0xcd: {  	[tilespmem:s21+$0x9F50] =	vst v4  }
0xce: {  	[tilespmem:s21+$0xC7E0] =	vst v5  }
0xcf: {  	[tilespmem:s23+$0x4E40] =	vst v6  }
0xd0: {  	[tilespmem:s23+$0x76D0] =	vst v7  }
0xd1: {  	[tilespmem:s21+$0x9F60] =	vst v6  }
0xd2: {  	[tilespmem:s21+$0xC7F0] =	vst v7  }
0xd3: {  	[tilespmem:s23+$0x4E50] =	vst v8  }
0xd4: {  	[tilespmem:s23+$0x76E0] =	vst v9  }
0xd5: {  	[tilespmem:s21+$0x9F70] =	vst v8  }
0xd6: {  	[tilespmem:s21+$0xC800] =	vst v9  }
0xd7: {  	[tilespmem:s23+$0x4E60] =	vst v10  }
0xd8: {  	[tilespmem:s23+$0x76F0] =	vst v11  }
0xd9: {  	[tilespmem:s21+$0x9F80] =	vst v10  }
0xda: {  	[tilespmem:s21+$0xC810] =	vst v11  }
0xdb: {  	[tilespmem:s23+$0x4E70] =	vst v12  }
0xdc: {  	[tilespmem:s23+$0x7700] =	vst v13  }
0xdd: {  	[tilespmem:s21+$0x9F90] =	vst v12  }
0xde: {  	[tilespmem:s21+$0xC820] =	vst v13  }
0xdf: {  	[tilespmem:s23+$0x4E80] =	vst v14  }
0xe0: {  	[tilespmem:s23+$0x7710] =	vst v15  }
0xe1: {  	[tilespmem:s21+$0x9FA0] =	vst v14  }
0xe2: {  	[tilespmem:s21+$0xC830] =	vst v15  }
0xe3: {  	[tilespmem:s23+$0x4E90] =	vst v16  }
0xe4: {  	[tilespmem:s23+$0x7720] =	vst v17  }
0xe5: {  	[tilespmem:s21+$0x9FB0] =	vst v16  }
0xe6: {  	[tilespmem:s21+$0xC840] =	vst v17  }
0xe7: {  	[tilespmem:s23+$0x4EA0] =	vst v18  }
0xe8: {  	[tilespmem:s23+$0x7730] =	vst v19  }
0xe9: {  	[tilespmem:s21+$0x9FC0] =	vst v18  }
0xea: {  	[tilespmem:s21+$0xC850] =	vst v19  }
0xeb: {  	[tilespmem:s23+$0x4EB0] =	vst v20  }
0xec: {  	[tilespmem:s23+$0x7740] =	vst v21  }
0xed: {  	[tilespmem:s21+$0x9FD0] =	vst v20  }
0xee: {  	[tilespmem:s21+$0xC860] =	vst v21  }
0xef: {  	[tilespmem:s23+$0x4EC0] =	vst v22  }
0xf0: {  	[tilespmem:s23+$0x7750] =	vst v23  }
0xf1: {  	[tilespmem:s21+$0x9FE0] =	vst v22  }
0xf2: {  	[tilespmem:s21+$0xC870] =	vst v23  }
0xf3: {  	[tilespmem:s23+$0x4ED0] =	vst v24  }
0xf4: {  	[tilespmem:s23+$0x7760] =	vst v25  }
0xf5: {  	[tilespmem:s21+$0x9FF0] =	vst v24  }
0xf6: {  	[tilespmem:s21+$0xC880] =	vst v25  }
0xf7: {  	[tilespmem:s23+$0x4EE0] =	vst v26  }
0xf8: {  	[tilespmem:s23+$0x7770] =	vst v27  }
0xf9: {  	[tilespmem:s21+$0xA000] =	vst v26  }
0xfa: {  	[tilespmem:s21+$0xC890] =	vst v27  }
0xfb: {  	[tilespmem:s23+$0x4EF0] =	vst v28  }
0xfc: {  	[tilespmem:s23+$0x7780] =	vst v29  }
0xfd: {  	[tilespmem:s21+$0xA010] =	vst v28  }
0xfe: {  	[tilespmem:s21+$0xC8A0] =	vst v29  }
0xff: {  	[tilespmem:s23+$0x4F00] =	vst v30  }
0x100: {  	[tilespmem:s23+$0x7790] =	vst v31  }
0x101: {  	[tilespmem:s21+$0xA020] =	vst v30  }
0x102: {  	[tilespmem:s21+$0xC8B0] =	vst v31  }
0x103: {  	[tilespmem:s23+$0x4F10] =	vst v32  }
0x104: {  	[tilespmem:s23+$0x77A0] =	vst v33  }
0x105: {  	[tilespmem:s21+$0xA030] =	vst v32  }
0x106: {  	[tilespmem:s21+$0xC8C0] =	vst v33  }
0x107: {  	[tilespmem:s23+$0x4F20] =	vst v34  }
0x108: {  	[tilespmem:s23+$0x77B0] =	vst v35  }
0x109: {  	[tilespmem:s21+$0xA040] =	vst v34  }
0x10a: {  	[tilespmem:s21+$0xC8D0] =	vst v35  }
0x10b: {  	[tilespmem:s23+$0x4F30] =	vst v36  }
0x10c: {  	[tilespmem:s23+$0x77C0] =	vst v37  }
0x10d: {  	[tilespmem:s21+$0xA050] =	vst v36  }
0x10e: {  	[tilespmem:s21+$0xC8E0] =	vst v37  }
0x10f: {  	[tilespmem:s23+$0x4F40] =	vst v38  }
0x110: {  	[tilespmem:s23+$0x77D0] =	vst v39  }
0x111: {  	[tilespmem:s21+$0xA060] =	vst v38  }
0x112: {  	[tilespmem:s21+$0xC8F0] =	vst v39  }
0x113: {  	[tilespmem:s23+$0x4F50] =	vst v40  }
0x114: {  	[tilespmem:s23+$0x77E0] =	vst v41  }
0x115: {  	[tilespmem:s21+$0xA070] =	vst v40  }
0x116: {  	[tilespmem:s21+$0xC900] =	vst v41  }
0x117: {  	[tilespmem:s23+$0x4F60] =	vst v42  }
0x118: {  	[tilespmem:s23+$0x77F0] =	vst v43  }
0x119: {  	[tilespmem:s21+$0xA080] =	vst v42  }
0x11a: {  	[tilespmem:s21+$0xC910] =	vst v43  }
0x11b: {  	s4 =	sadd.s32 $0x7F, s23;
	[tilespmem:s23+$0x4F70] =	vst v44  }
0x11c: {  	s24 =	sand.u32 $0x7F, s4;
	[tilespmem:s23+$0x7800] =	vst v45  }
0x11d: {  	s6 =	sshra.s32 s4, $0x1F;
	p1 =	slt.s32 s4, $0x1;
	p0 =	sne.s32 s24, $0x0;
	[tilespmem:s21+$0xA090] =	vst v44  }
0x11e: {  	s5 =	sshrl.u32 s6, $0x19;
	p0 =	por !p1, !p0;
	[tilespmem:s21+$0xC920] =	vst v45  }
0x11f: {  	s4 =	sadd.s32 s5, s4;
	s5 =	simm.s32 $0x1;
	p0 =	por !p0, !p0;
	[tilespmem:s23+$0x4F80] =	vst v46  }
0x120: {  	s4 =	sshra.s32 s4, $0x7;
	s5 =	simm.s32 @!p0 $0x0;
	[tilespmem:s23+$0x7810] =	vst v47  }
0x121: {  	s4 =	ssub.s32 s4, s5;
	[tilespmem:s21+$0xA0A0] =	vst v46  }
0x122: {  	s5 =	sand.u32 $0x1, s4;
	[tilespmem:s21+$0xC930] =	vst v47  }
0x123: {  	s4 =	sadd.s32 s4, s5;
	[tilespmem:s23+$0x4F90] =	vst v48  }
0x124: {  	p0 =	sgt.s32 s4, $0x2;
	[tilespmem:s23+$0x7820] =	vst v49  }
0x125: {  	s4 =	simm.s32 @!p0 $0x2;
	[tilespmem:s21+$0xA0B0] =	vst v48  }
0x126: {  	v62 =	vmov s4;
	[tilespmem:s21+$0xC940] =	vst v49;
	s21 =	sadd.s32 $0x7F, s21  }
0x127: {  	[tilespmem:$0xF860] =	vst v62;
	s23 =	sand.u32 $0x7F, s21  }
0x128: {  	[hbm4b:s9+s3] =	stream.linear.scatter [tilespmem:s30], [sflag:$0x2], $0x10, $0x38;
	[tilespmem:$0x12070] =	vst v63  }
0x129: {  	s6 =	sshra.s32 s21, $0x1F;
	p5 =	slt.s32 s21, $0x1;
	p6 =	sne.s32 s23, $0x0  }
0x12a: {  	s24 =	sshrl.u32 s6, $0x19;
	p0 =	por !p5, !p6  }
0x12b: {  	s5 =	simm.s32 $0x1;
	s4 =	sadd.s32 s24, s21;
	p0 =	por !p0, !p0  }
0x12c: {  	s4 =	sshra.s32 s4, $0x7;
	s5 =	simm.s32 @!p0 $0x0  }
0x12d: {  	s4 =	ssub.s32 s4, s5  }
0x12e: {  	s5 =	sand.u32 $0x1, s4  }
0x12f: {  	s4 =	sadd.s32 s4, s5  }
0x130: {  	_ =	swait.ge [sflag:s17], $0x10;
	p0 =	sgt.s32 s4, $0x2  }
0x131: {  	[sflag:s17] =	ssyncset.done $0x0;
	s4 =	simm.s32 @!p0 $0x2  }
0x132: {  	[sflag:s17] =	ssyncadd.s32 $0xFFFFFFF0;
	v63 =	vmov s4  }
0x133: {  	[tilespmem:$0xF860] =	vst v63  }
0x134: {  	[hbm4b:s10+s3] =	stream.linear.scatter [tilespmem:s30], [sflag:$0x2], $0x10, $0x38;
	[tilespmem:$0x12070] =	vst v63  }
0x135: {  	_ =	swait.ge [sflag:s17], $0x10  }
0x136: {  	[sflag:s17] =	ssyncset.done $0x0  }
0x137: {  	[sflag:s17] =	ssyncadd.s32 $0xFFFFFFF0  }
0x138: {  	[hbm4b:s11+s3] =	stream.linear.scatter [tilespmem:s25], [sflag:$0x2], $0x2890, $0x38;
	[tilespmem:$0x12070] =	vst v63  }
0x139: {  	_ =	swait.ge [sflag:s17], $0x2890  }
0x13a: {  	[sflag:s17] =	ssyncset.done $0x0  }
0x13b: {  	[sflag:s17] =	ssyncadd.s32 $0xFFFFD770  }
0x13c: {  	[hbm4b:s12+s3] =	stream.linear.scatter [tilespmem:s26], [sflag:$0x2], $0x2890, $0x38;
	[tilespmem:$0x12070] =	vst v63  }
0x13d: {  	_ =	swait.ge [sflag:s17], $0x2890  }
0x13e: {  	[sflag:s17] =	ssyncset.done $0x0  }
0x13f: {  	[sflag:s17] =	ssyncadd.s32 $0xFFFFD770  }
0x140: {  	[hbm4b:s13+s3] =	stream.linear.scatter [tilespmem:s28], [sflag:$0x2], $0x2890, $0x38;
	[tilespmem:$0x12070] =	vst v63  }
0x141: {  	_ =	swait.ge [sflag:s17], $0x2890  }
0x142: {  	[sflag:s17] =	ssyncset.done $0x0  }
0x143: {  	[sflag:s17] =	ssyncadd.s32 $0xFFFFD770  }
0x144: {  	[hbm4b:s14+s3] =	stream.linear.scatter [tilespmem:s29], [sflag:$0x2], $0x2890, $0x38;
	[tilespmem:$0x12070] =	vst v63  }
0x145: {  	_ =	swait.ge [sflag:s17], $0x2890  }
0x146: {  	s31 =	sadd.s32 $0x1, s31;
	[sflag:s17] =	ssyncset.done $0x0  }
0x147: {  	p0 =	sne.s32 s31, s16;
	[sflag:s17] =	ssyncadd.s32 $0xFFFFD770  }
.Ltmp2:
0x148: {  	[bflag:$0x0] =	sbarrier.arrive $0xFFFF;
	(pc) =	sbr.rel @p0 .LBB2_1-.Ltmp2, $4  }
0x149: {  	[hbm:s15], [sflag:s1] =	dma.local [spmem:s0], $0x500  }
0x14a: {  	_ =	swait.ge [sflag:s17], $0x500  }
0x14b: {  	[sflag:s17] =	ssyncset.done $0x0  }
0x14c: {  	[sflag:s17] =	ssyncadd.s32 $0xFFFFFB00  }
0x14d: {  	_ =	sfence.sel $0x180000  }
0x14e: {  	[bflag:$0x0] =	sbarrier.arrive $0xFFFF  }
0x14f: {  	_ =	strace $0x90000047  }
0x150: {  	s0 =	stileid.u32;
	[bflag:$0x2] =	sbarrier.arrive $0xFFFF  }
0x151: {  	p0 =	sne.s32 s0, $0x0;
	s0 =	rddreg [dreg:$0x3]  }
0x152: {  	s0 =	sadd.s32 @!p0 $0x100000, s0  }
0x153: {  	[sflag:s0] =	ssyncadd.tile.s32 @!p0 $0x1;
	_ =	shalt  }
.Lfunc_end2:
_tile_overlayer_lowered:
.L_overlay_start_2:
0x154: {  	(tag) =	ssettag $0x2  }
0x155: {  	s0 =	rddreg [dreg:$0x0];
	s2 =	stileid.u32  }
0x156: {  	s1 =	rddreg [dreg:$0x1];
	p0 =	sne.s32 s2, $0x0  }
0x157: {  	s3 =	rddreg [dreg:$0x2];
	[bflag:$0x3] =	sbarrier.arrive $0xFFFF;
	s2 =	simm.s32 @!p0 $0x1C02  }
0x158: {  	[timem:s3], [sflag:s2] =	dma.local @!p0 [hbm:s0], s1  }
0x159: {  	s0 =	simm.s32 @!p0 $0x2  }
0x15a: {  	_ =	swait.ge @!p0 [sflag:s0], s1  }
0x15b: {  	s1 =	ssub.s32 @!p0 $0x0, s1;
	[sflag:s0] =	ssyncset.done @!p0 $0x0  }
0x15c: {  	[sflag:s0] =	ssyncadd.s32 @!p0 s1  }
0x15d: {  	[bflag:$0x3] =	sbarrier.arrive $0xFFFF  }
0x15e: {  	_ =	shalt  }

// kernel: kernel.9.cloned.1.call-start
scs
__scs_entry_jumppad:
0x0: {  	(pc) =	sbr.rel $0x88, $3  }
0x1: {  	(tag) =	ssettag $0x0;
	lr =	simm.s32 $0x1  }
0x2: {  	[smem:$0x3F9F] =	sst lr;
	_ =	strace $0xD0000000  }
0x3: {  	_ = 	snop  }
0x4: {  	_ = 	snop  }
0x5: {  	_ = 	snop  }
0x6: {  	_ = 	snop  }
0x7: {  	_ = 	snop  }
__scs_overlays_trampoline_lowered:
0x8: {  	[smem:$0x3FAE] =	sst s0  }
0x9: {  	[smem:$0x3FAF] =	sst s1  }
0xa: {  	[smem:$0x3FB0] =	sst s2  }
0xb: {  	[smem:$0x3FB1] =	sst s3  }
0xc: {  	[smem:$0x3FB2] =	sst s4  }
0xd: {  	[smem:$0x3FB3] =	sst s5  }
0xe: {  	[smem:$0x3FB4] =	sst s6  }
0xf: {  	[smem:$0x3FB5] =	sst s7  }
0x10: {  	[smem:$0x3FB6] =	sst s8  }
0x11: {  	[smem:$0x3FB7] =	sst s9;
	s0 =	simm.s32 @!p0 $0x0  }
0x12: {  	s1 =	sld [smem:$0x3F9D];
	s0 =	simm.s32 @p0 $0x1  }
0x13: {  	[smem:$0x3FB8] =	sst s0;
	s0 =	simm.s32 @!p1 $0x0  }
0x14: {  	s2 =	sld [smem:$0x3F9C];
	s0 =	simm.s32 @p1 $0x1  }
0x15: {  	[smem:$0x3FB9] =	sst s0;
	s0 =	simm.s32 @!p2 $0x0  }
0x16: {  	s3 =	sld [smem:$0x3FDB];
	s0 =	simm.s32 @p2 $0x1  }
0x17: {  	s4 =	simm.s32 $0x1BF5;
	[smem:$0x3FBB] =	sst s0  }
0x18: {  	s0 =	sld [smem:$0x3F9E];
	_ =	swait.ge [sflag:s4], $0x0  }
0x19: {  	s7 =	sld [smem:$0x3F9F]  }
0x1a: {  	s8 =	sadd.s32 $0xFFFFE003, lr  }
0x1b: {  	s9 =	sadd.s32 $0xFFFFFEF7, lr;
	s5 =	simm.s32 $0xFFFFFFFF;
	p2 =	slt.u32 s8, $0xFFFFF086  }
0x1c: {  	p1 =	slt.u32 s9, $0xF7A;
	s5 =	simm.s32 @!p2 $0x0  }
0x1d: {  	s5 =	simm.s32 @p1 $0x1;
	p0 =	seq.s32 s7, s2  }
0x1e: {  	s7 =	smul.u32 @!p0 $0xF7A, s2;
	p2 =	seq.s32 @!p0 s5, $0x0  }
0x1f: {  	s9 =	smul.u32 $0xF7A, s1;
	s8 =	simm.s32 @!p0 $0x1BF5;
	p2 =	por !p2, p0  }
0x20: {  	[sflag:s8] =	ssyncset.s32 @!p0 $0xFFFFF086;
	s6 =	sadd.s32 @!p0 s3, s7;
	s7 =	simm.s32 @!p0 $0x108  }
0x21: {  	s3 =	sadd.s32 s3, s9;
	s6 =	sadd.s32 @!p0 $0x88, s6;
	s7 =	simm.s32 @p2 $0x1082  }
0x22: {  	[simem:s7], [sflag:s8] =	dma.local @!p0 [hbm:s6], $0xF7A  }
0x23: {  	s9 =	sor.u32 $0xD0000000, s2;
	s6 =	simm.s32 $0x108;
	_ =	swait.ge @!p0 [sflag:s8], $0x0  }
0x24: {  	s3 =	sadd.s32 $0x88, s3;
	s6 =	simm.s32 @!p1 $0x1082;
	[sflag:s4] =	ssyncset.s32 $0xFFFFF086  }
0x25: {  	[simem:s6], [sflag:s4] =	dma.local [hbm:s3], $0xF7A  }
0x26: {  	[smem:$0x3F9F] =	sst s1;
	(tag) =	ssettag s2;
	_ =	strace s9  }
0x27: {  	s1 =	sld [smem:$0x3FAF]  }
0x28: {  	s2 =	sld [smem:$0x3FB0]  }
0x29: {  	s4 =	sld [smem:$0x3FB2]  }
0x2a: {  	p0 =	seq.s32 s5, $0x0;
	s5 =	sld [smem:$0x3FB3]  }
0x2b: {  	s6 =	sld [smem:$0x3FB4]  }
0x2c: {  	s7 =	sld [smem:$0x3FB5]  }
0x2d: {  	s3 =	simm.s32 $0x108;
	s8 =	sld [smem:$0x3FB6]  }
0x2e: {  	s3 =	simm.s32 @!p0 $0x1082;
	s9 =	sld [smem:$0x3FB7]  }
0x2f: {  	lr =	sadd.s32 s0, s3;
	s0 =	sld [smem:$0x3FAE]  }
0x30: {  	s3 =	sld [smem:$0x3FB1]  }
0x31: {  	[smem:$0x3FBA] =	sst s10  }
0x32: {  	s10 =	sld [smem:$0x3FB8];
	_ =	sdelay $0x3  }
0x33: {  	p0 =	seq.s32 s10, $0x1;
	s10 =	sld [smem:$0x3FBA];
	_ =	sdelay $0x3  }
0x34: {  	[smem:$0x3FBA] =	sst s10  }
0x35: {  	s10 =	sld [smem:$0x3FB9];
	_ =	sdelay $0x3  }
0x36: {  	p1 =	seq.s32 s10, $0x1;
	s10 =	sld [smem:$0x3FBA];
	_ =	sdelay $0x3  }
0x37: {  	[smem:$0x3FBA] =	sst s10  }
0x38: {  	s10 =	sld [smem:$0x3FBB]  }
0x39: {  	_ = 	snop;
	(pc) =	sbr.ind lr, $3  }
0x3a: {  	_ = 	snop  }
0x3b: {  	_ = 	snop  }
0x3c: {  	p2 =	seq.s32 s10, $0x1;
	s10 =	sld [smem:$0x3FBA]  }
0x3d: {  	_ =	shalt  }
0x3e: {  	_ =	shalt  }
0x3f: {  	_ =	shalt  }
0x40: {  	_ =	shalt  }
0x41: {  	_ =	shalt  }
0x42: {  	_ =	shalt  }
0x43: {  	_ =	shalt  }
0x44: {  	_ =	shalt  }
0x45: {  	_ =	shalt  }
0x46: {  	_ =	shalt  }
0x47: {  	_ =	shalt  }
0x48: {  	_ =	shalt  }
0x49: {  	_ =	shalt  }
0x4a: {  	_ =	shalt  }
0x4b: {  	_ =	shalt  }
0x4c: {  	_ =	shalt  }
0x4d: {  	_ =	shalt  }
0x4e: {  	_ =	shalt  }
0x4f: {  	_ =	shalt  }
0x50: {  	_ =	shalt  }
0x51: {  	_ =	shalt  }
0x52: {  	_ =	shalt  }
0x53: {  	_ =	shalt  }
0x54: {  	_ =	shalt  }
0x55: {  	_ =	shalt  }
0x56: {  	_ =	shalt  }
0x57: {  	_ =	shalt  }
0x58: {  	_ =	shalt  }
0x59: {  	_ =	shalt  }
0x5a: {  	_ =	shalt  }
0x5b: {  	_ =	shalt  }
0x5c: {  	_ =	shalt  }
0x5d: {  	_ =	shalt  }
0x5e: {  	_ =	shalt  }
0x5f: {  	_ =	shalt  }
0x60: {  	_ =	shalt  }
0x61: {  	_ =	shalt  }
0x62: {  	_ =	shalt  }
0x63: {  	_ =	shalt  }
0x64: {  	_ =	shalt  }
0x65: {  	_ =	shalt  }
0x66: {  	_ =	shalt  }
0x67: {  	_ =	shalt  }
0x68: {  	_ =	shalt  }
0x69: {  	_ =	shalt  }
0x6a: {  	_ =	shalt  }
0x6b: {  	_ =	shalt  }
0x6c: {  	_ =	shalt  }
0x6d: {  	_ =	shalt  }
0x6e: {  	_ =	shalt  }
0x6f: {  	_ =	shalt  }
0x70: {  	_ =	shalt  }
0x71: {  	_ =	shalt  }
0x72: {  	_ =	shalt  }
0x73: {  	_ =	shalt  }
0x74: {  	_ =	shalt  }
0x75: {  	_ =	shalt  }
0x76: {  	_ =	shalt  }
0x77: {  	_ =	shalt  }
0x78: {  	_ =	shalt  }
0x79: {  	_ =	shalt  }
0x7a: {  	_ =	shalt  }
0x7b: {  	_ =	shalt  }
0x7c: {  	_ =	shalt  }
0x7d: {  	_ =	shalt  }
0x7e: {  	_ =	shalt  }
0x7f: {  	_ =	shalt  }
0x80: {  	_ =	shalt  }
0x81: {  	_ =	shalt  }
0x82: {  	_ =	shalt  }
0x83: {  	_ =	shalt  }
0x84: {  	_ =	shalt  }
0x85: {  	_ =	shalt  }
0x86: {  	_ =	shalt  }
0x87: {  	_ =	shalt  }
.Lfunc_end0:
.L_simem_size_0:
called_computation.1_lowered:
.L_overlay_start_0:
0x88: {  	s2 =	sld [smem:$0x3FD9]  }
0x89: {  	s3 =	sld [smem:$0x3FFE];
	_ =	sdelay $0x1  }
0x8a: {  	s1 =	srdreg.scid  }
0x8b: {  	s0 =	sand.u32 $0x1, s1  }
0x8c: {  	s16 =	sshll.u32 s0, $0xA;
	s2 =	sadd.s32 s3, s2  }
0x8d: {  	s2 =	sadd.s32 s2, s16  }
0x8e: {  	[smem:$0x3FC6] =	sst s2  }
0x8f: {  	_ = 	snop  }
0x90: {  	(tm) =	ssettm $0x1  }
0x91: {  	s17 =	sld [smem:$0x3FFB];
	_ =	sdelay $0x3  }
0x92: {  	_ =	strace s17  }
0x93: {  	s2 =	sld [smem:$0x3FFC];
	_ =	sdelay $0x3  }
0x94: {  	_ =	strace s2  }
0x95: {  	s2 =	sld [smem:$0x3FFD];
	_ =	sdelay $0x3  }
0x96: {  	_ =	strace s2  }
0x97: {  	_ =	strace $0x8FFFFFFF  }
0x98: {  	s18 =	sld [smem:$0x3FDB];
	_ =	sdelay $0x1  }
0x99: {  	s19 =	simm.s32 $_scs_section_size  }
0x9a: {  	s4 =	simm.s32 $_size__tile_overlayer_lowered;
	s5 =	simm.s32 $_tile_overlayer_lowered  }
0x9b: {  	s22 =	simm.s32 $0x1BFF;
	s21 =	sshll.u32 s5, $0x1;
	s2 =	sadd.s32 s19, s18  }
0x9c: {  	s6 =	simm.s32 $0x0;
	s20 =	sshll.u32 s4, $0x1;
	s4 =	sadd.s32 s21, s2  }
0x9d: {  	[timem:s6], [sflag:s22] =	dma.local [hbm:s4], s20  }
0x9e: {  	_ =	swait.ge [sflag:s22], s20  }
0x9f: {  	s3 =	ssub.s32 $0x0, s20;
	[sflag:s22] =	ssyncset.done $0x0  }
0xa0: {  	[sflag:s22] =	ssyncadd.s32 s3;
	_ =	sdelay $0x1  }
0xa1: {  	s23 =	simm.s32 $0x1B8B  }
0xa2: {  	_ =	swait.ge [sflag:s23], $0x1  }
0xa3: {  	[sflag:s23] =	ssyncset.done $0x0  }
0xa4: {  	s25 =	simm.s32 $0x1B8E;
	s24 =	sld [smem:$0x3FFE];
	[sflag:s23] =	ssyncadd.s32 $0xFFFFFFFF  }
0xa5: {  	s26 =	simm.s32 $execute0_lowered;
	[smem:$0x3FD2] =	sst s25  }
0xa6: {  	s4 =	sshll.u32 s26, $0x1;
	_ =	strace $0x80000049;
	[dreg:$0x1] =	wrdreg $0xFFFFFFFF  }
0xa7: {  	s28 =	simm.s32 $_size_execute0_lowered;
	s2 =	sadd.s32 s2, s4;
	[dreg:$0x0] =	wrdreg $0x0  }
0xa8: {  	s4 =	sshll.u32 s28, $0x1;
	[dreg:$0x2] =	wrdreg s2  }
0xa9: {  	[dreg:$0x3] =	wrdreg s4  }
0xaa: {  	[dreg:$0x4] =	wrdreg $0xC0  }
0xab: {  	_ =	task [dreg:s6], $0x5FFFF  }
0xac: {  	[dreg:$0x1] =	wrdreg $0xFFFFFFFF  }
0xad: {  	[dreg:$0x0] =	wrdreg $0x60  }
0xae: {  	[dreg:$0x2] =	wrdreg s24  }
0xaf: {  	[dreg:$0x3] =	wrdreg $0x9  }
0xb0: {  	_ =	task.clear_ibuf [dreg:s6], $0x4FFFF;
	_ =	strace $0x90000049  }
0xb1: {  	s29 =	simm.s32 $0x9;
	_ =	strace $0x8000004B  }
0xb2: {  	_ =	swait.ge [sflag:s29], $0x1  }
0xb3: {  	[sflag:s29] =	ssyncadd.s32 $0xFFFFFFFF  }
0xb4: {  	_ =	strace $0x9000004B  }
0xb5: {  	_ =	sfence  }
0xb6: {  	s30 =	sld [smem:$0x0];
	_ =	sdelay $0x2  }
0xb7: {  	s31 =	sshll.u32 s1, $0xD;
	s1 =	sshrl.u32 s1, $0x2  }
0xb8: {  	s3 =	sand.u32 $0x4000, s31;
	s1 =	sadd.s32 s1, s30  }
0xb9: {  	s0 =	sor.u32 s3, s0;
	s1 =	sshll.u32 s1, $0x11  }
0xba: {  	s0 =	sor.u32 s1, s0  }
0xbb: {  	s0 =	sadd.s32 $0x8F2B, s0  }
0xbc: {  	[sflag:s0] =	ssyncadd.remote.s32 $0x1  }
0xbd: {  	_ =	sfence.sel $0xFFFF  }
0xbe: {  	[dreg:$0x0] =	wrdreg $0xFFFFFFFF;
	(pc) =	sbr.abs _section_cstart, $3  }
0xbf: {  	[dreg:$0x1] =	wrdreg $0xFFFFFFFF  }
0xc0: {  	_ =	task.clear_ibuf [dreg:s6], $0x2FFFF;
	_ =	strace $0x9FFFFFFF  }
0xc1: {  	(tm) =	ssettm $0x7FFFFFFF  }
tec
execute0_lowered:
.L_overlay_start_1:
0x0: {  	(tag) =	ssettag $0x1  }
0x1: {  	s0 =	srdreg.scid;
	s4 =	rddreg [dreg:$0x0]  }
0x2: {  	s2 =	simm.s32 $0x0;
	s11 =	simm.s32 $0xB400;
	s3 =	sand.u32 $0x1, s0  }
0x3: {  	s12 =	simm.s32 $0xC800;
	s0 =	stileid.u32;
	s1 =	sshll.u32 s3, $0x4  }
0x4: {  	s13 =	simm.s32 $0x16800;
	s14 =	simm.s32 $0x0;
	s5 =	sor.u32 s0, s1  }
0x5: {  	[smem:$0x7FF] =	sst s2;
	s3 =	ssub.s32 $0x2, s3;
	s5 =	smul.u32 $0x1400, s5  }
0x6: {  	s1 =	rddreg [dreg:$0x1];
	_ =	strace $0x8000004A;
	s7 =	sshrl.u32 s3, $0x1  }
0x7: {  	s10 =	ssub.s32 s3, s7;
	s6 =	sshrl.u32 s5, $0x3;
	s8 =	sadd.s32 s5, s4  }
0x8: {  	s9 =	sadd.s32 s6, s4;
	s3 =	sadd.s32 $0x34A00, s8;
	s6 =	sadd.s32 $0x5CA00, s8  }
0x9: {  	s8 =	smax.u32 s10, $0x1;
	s10 =	simm.s32 $0xA000;
	s4 =	sadd.s32 $0x16200, s9  }
0xa: {  	s5 =	sadd.s32 $0x1B200, s9;
	s7 =	sadd.s32 $0x2000, s9;
	s9 =	simm.s32 $0x1  }
.LBB2_1:
0xb: {  	[tilespmem:s2], [sflag:$0x1] =	stream.linear.gather [hbm4b:s3+s2], $0xA000, $0x38;
	[tilespmem:$0x17C00] =	vst v63  }
0xc: {  	_ =	swait.ge [sflag:s9], $0xA000  }
0xd: {  	[sflag:s9] =	ssyncset.done $0x0  }
0xe: {  	[sflag:s9] =	ssyncadd.s32 $0xFFFF6000  }
0xf: {  	[tilespmem:s10], [sflag:$0x1] =	stream.linear.gather [hbm4b:s4+s2], $0x1400, $0x38;
	[tilespmem:$0x17C00] =	vst v63  }
0x10: {  	_ =	swait.ge [sflag:s9], $0x1400  }
0x11: {  	[sflag:s9] =	ssyncset.done $0x0  }
0x12: {  	[sflag:s9] =	ssyncadd.s32 $0xFFFFEC00  }
0x13: {  	[tilespmem:s11], [sflag:$0x1] =	stream.linear.gather [hbm4b:s5+s2], $0x1400, $0x38;
	[tilespmem:$0x17C00] =	vst v63  }
0x14: {  	_ =	swait.ge [sflag:s9], $0x1400  }
0x15: {  	[sflag:s9] =	ssyncset.done $0x0  }
0x16: {  	s16 =	simm.s32 $0x0;
	[sflag:s9] =	ssyncadd.s32 $0xFFFFEC00  }
0x17: {  	v0 =	vld [tilespmem:s16+$0xA000]  }
0x18: {  	v1 =	vld [tilespmem:s16+$0xB400];
	_ =	sdelay $0x4  }
0x19: {  	v0 =	vadd.f32 v1, v0;
	_ =	sdelay $0x1  }
0x1a: {  	v0 =	vadd.f32 $1.000000000e+00, v0;
	_ =	sdelay $0x1  }
0x1b: {  	(erf) = vrcp.f32 v0;
	_ =	sdelay $0x8  }
0x1c: {  	v0 =	vpop (erf)  }
0x1d: {  	s15 =	simm.s32 $0x40;
	[tilespmem:s16+$0x16800] =	vst v0  }
0x1e: {  	v1 =	vld [tilespmem:s15+$0xFFFFFFC0];
	_ =	sdelay $0x4  }
0x1f: {  	v1 =	vmul.f32 v0, v1  }
0x20: {  	s16 =	simm.s32 $0xC840  }
0x21: {  	[tilespmem:s16+$0xFFFFFFC0] =	vst v1  }
0x22: {  	v1 =	vld [tilespmem:s15+$0xFFFFFFD0];
	_ =	sdelay $0x4  }
0x23: {  	v1 =	vmul.f32 v1, v0;
	_ =	sdelay $0x1  }
0x24: {  	[tilespmem:s16+$0xFFFFFFD0] =	vst v1  }
0x25: {  	v1 =	vld [tilespmem:s15+$0xFFFFFFE0];
	_ =	sdelay $0x4  }
0x26: {  	v1 =	vmul.f32 v1, v0;
	_ =	sdelay $0x1  }
0x27: {  	[tilespmem:s16+$0xFFFFFFE0] =	vst v1  }
0x28: {  	v1 =	vld [tilespmem:s15+$0xFFFFFFF0];
	_ =	sdelay $0x4  }
0x29: {  	v1 =	vmul.f32 v1, v0;
	_ =	sdelay $0x1  }
0x2a: {  	[tilespmem:s16+$0xFFFFFFF0] =	vst v1  }
0x2b: {  	v1 =	vld [tilespmem:s15+$0x0];
	_ =	sdelay $0x4  }
0x2c: {  	v1 =	vmul.f32 v1, v0;
	_ =	sdelay $0x1  }
0x2d: {  	[tilespmem:s16+$0x0] =	vst v1  }
0x2e: {  	v1 =	vld [tilespmem:s15+$0x10];
	_ =	sdelay $0x4  }
0x2f: {  	v1 =	vmul.f32 v1, v0;
	_ =	sdelay $0x1  }
0x30: {  	[tilespmem:s16+$0x10] =	vst v1  }
0x31: {  	v1 =	vld [tilespmem:s15+$0x20];
	_ =	sdelay $0x4  }
0x32: {  	v1 =	vmul.f32 v1, v0;
	_ =	sdelay $0x1  }
0x33: {  	[tilespmem:s16+$0x20] =	vst v1  }
0x34: {  	v1 =	vld [tilespmem:s15+$0x30];
	_ =	sdelay $0x4  }
0x35: {  	v0 =	vmul.f32 v1, v0;
	_ =	sdelay $0x1  }
0x36: {  	s18 =	simm.s32 $0x10;
	[tilespmem:s16+$0x30] =	vst v0  }
0x37: {  	s17 =	simm.s32 $0x80;
	v0 =	vld [tilespmem:s18+$0xA000]  }
.LBB2_2:
0x38: {  	p0 =	sne.s32 s17, $0x4FC0;
	v1 =	vld [tilespmem:s18+$0xB400];
	_ =	sdelay $0x4  }
0x39: {  	v0 =	vadd.f32 v1, v0;
	_ =	sdelay $0x1  }
0x3a: {  	v0 =	vadd.f32 $1.000000000e+00, v0;
	_ =	sdelay $0x1  }
0x3b: {  	(erf) = vrcp.f32 v0;
	_ =	sdelay $0x8  }
0x3c: {  	v0 =	vpop (erf)  }
0x3d: {  	s15 =	sadd.s32 $0x80, s15;
	[tilespmem:s18+$0x16800] =	vst v0  }
0x3e: {  	v1 =	vld [tilespmem:s15+$0xFFFFFFC0];
	_ =	sdelay $0x4  }
0x3f: {  	v1 =	vmul.f32 v0, v1  }
0x40: {  	s16 =	sadd.s32 $0x80, s16  }
0x41: {  	[tilespmem:s16+$0xFFFFFFC0] =	vst v1  }
0x42: {  	v1 =	vld [tilespmem:s15+$0xFFFFFFD0];
	_ =	sdelay $0x4  }
0x43: {  	v1 =	vmul.f32 v1, v0;
	_ =	sdelay $0x1  }
0x44: {  	[tilespmem:s16+$0xFFFFFFD0] =	vst v1  }
0x45: {  	v1 =	vld [tilespmem:s15+$0xFFFFFFE0];
	_ =	sdelay $0x4  }
0x46: {  	v1 =	vmul.f32 v1, v0;
	_ =	sdelay $0x1  }
0x47: {  	[tilespmem:s16+$0xFFFFFFE0] =	vst v1  }
0x48: {  	v1 =	vld [tilespmem:s15+$0xFFFFFFF0];
	_ =	sdelay $0x4  }
0x49: {  	v1 =	vmul.f32 v1, v0;
	_ =	sdelay $0x1  }
0x4a: {  	[tilespmem:s16+$0xFFFFFFF0] =	vst v1  }
0x4b: {  	v1 =	vld [tilespmem:s15+$0x0];
	_ =	sdelay $0x4  }
0x4c: {  	v1 =	vmul.f32 v1, v0;
	_ =	sdelay $0x1  }
0x4d: {  	[tilespmem:s16+$0x0] =	vst v1  }
0x4e: {  	v1 =	vld [tilespmem:s15+$0x10];
	_ =	sdelay $0x4  }
0x4f: {  	v1 =	vmul.f32 v1, v0;
	_ =	sdelay $0x1  }
0x50: {  	[tilespmem:s16+$0x10] =	vst v1  }
0x51: {  	v1 =	vld [tilespmem:s15+$0x20];
	_ =	sdelay $0x4  }
0x52: {  	v1 =	vmul.f32 v1, v0;
	_ =	sdelay $0x1  }
0x53: {  	[tilespmem:s16+$0x20] =	vst v1  }
0x54: {  	v1 =	vld [tilespmem:s15+$0x30];
	_ =	sdelay $0x3  }
.Ltmp0:
0x55: {  	(pc) =	sbr.rel @p0 .LBB2_2-.Ltmp0, $3  }
0x56: {  	v0 =	vmul.f32 v1, v0;
	_ =	sdelay $0x1  }
0x57: {  	s18 =	sshra.s32 s17, $0x2;
	[tilespmem:s16+$0x30] =	vst v0  }
0x58: {  	s17 =	sadd.s32 $0x40, s17;
	v0 =	vld [tilespmem:s18+$0xA000]  }
0x59: {  	v1 =	vld [tilespmem:s18+$0xB400];
	_ =	sdelay $0x4  }
0x5a: {  	v0 =	vadd.f32 v1, v0;
	_ =	sdelay $0x1  }
0x5b: {  	v0 =	vadd.f32 $1.000000000e+00, v0;
	_ =	sdelay $0x1  }
0x5c: {  	(erf) = vrcp.f32 v0;
	_ =	sdelay $0x8  }
0x5d: {  	v0 =	vpop (erf)  }
0x5e: {  	s15 =	sadd.s32 $0x80, s15;
	[tilespmem:s18+$0x16800] =	vst v0  }
0x5f: {  	v63 =	vld [tilespmem:s15+$0xFFFFFFC0];
	_ =	sdelay $0x4  }
0x60: {  	v1 =	vmul.f32 v0, v63  }
0x61: {  	s16 =	sadd.s32 $0x80, s16  }
0x62: {  	[tilespmem:s16+$0xFFFFFFC0] =	vst v1  }
0x63: {  	v1 =	vld [tilespmem:s15+$0xFFFFFFD0];
	_ =	sdelay $0x4  }
0x64: {  	v1 =	vmul.f32 v1, v0;
	_ =	sdelay $0x1  }
0x65: {  	[tilespmem:s16+$0xFFFFFFD0] =	vst v1  }
0x66: {  	v1 =	vld [tilespmem:s15+$0xFFFFFFE0];
	_ =	sdelay $0x4  }
0x67: {  	v1 =	vmul.f32 v1, v0;
	_ =	sdelay $0x1  }
0x68: {  	[tilespmem:s16+$0xFFFFFFE0] =	vst v1  }
0x69: {  	v1 =	vld [tilespmem:s15+$0xFFFFFFF0];
	_ =	sdelay $0x4  }
0x6a: {  	v1 =	vmul.f32 v1, v0;
	_ =	sdelay $0x1  }
0x6b: {  	[tilespmem:s16+$0xFFFFFFF0] =	vst v1  }
0x6c: {  	v1 =	vld [tilespmem:s15+$0x0];
	_ =	sdelay $0x4  }
0x6d: {  	v1 =	vmul.f32 v1, v0;
	_ =	sdelay $0x1  }
0x6e: {  	[tilespmem:s16+$0x0] =	vst v1  }
0x6f: {  	v1 =	vld [tilespmem:s15+$0x10];
	_ =	sdelay $0x4  }
0x70: {  	v1 =	vmul.f32 v1, v0;
	_ =	sdelay $0x1  }
0x71: {  	[tilespmem:s16+$0x10] =	vst v1  }
0x72: {  	v1 =	vld [tilespmem:s15+$0x20];
	_ =	sdelay $0x4  }
0x73: {  	v1 =	vmul.f32 v1, v0;
	_ =	sdelay $0x1  }
0x74: {  	[tilespmem:s16+$0x20] =	vst v1  }
0x75: {  	v1 =	vld [tilespmem:s15+$0x30];
	_ =	sdelay $0x4  }
0x76: {  	v0 =	vmul.f32 v1, v0;
	_ =	sdelay $0x1  }
0x77: {  	[tilespmem:s16+$0x30] =	vst v0  }
0x78: {  	[hbm4b:s6+s2] =	stream.linear.scatter [tilespmem:s12], [sflag:$0x1], $0xA000, $0x38;
	[tilespmem:$0x17C00] =	vst v63  }
0x79: {  	s14 =	sadd.s32 $0x1, s14;
	_ =	swait.ge [sflag:s9], $0xA000  }
0x7a: {  	p0 =	sne.s32 s14, s8;
	[sflag:s9] =	ssyncset.done $0x0  }
.Ltmp1:
0x7b: {  	[sflag:s9] =	ssyncadd.s32 $0xFFFF6000;
	(pc) =	sbr.rel @p0 .LBB2_1-.Ltmp1, $4  }
0x7c: {  	[hbm4b:s7+s2] =	stream.linear.scatter [tilespmem:s13], [sflag:$0x1], $0x1400, $0x38;
	[tilespmem:$0x17C00] =	vst v63  }
0x7d: {  	_ =	swait.ge [sflag:s9], $0x1400  }
0x7e: {  	[sflag:s9] =	ssyncset.done $0x0  }
0x7f: {  	[sflag:s9] =	ssyncadd.s32 $0xFFFFEC00  }
0x80: {  	_ =	sfence.sel $0x180000  }
0x81: {  	[bflag:$0x0] =	sbarrier.arrive $0xFFFF  }
0x82: {  	p0 =	sne.s32 s0, $0x0;
	_ =	strace $0x9000004A  }
0x83: {  	s0 =	sadd.s32 @!p0 $0x100000, s1;
	[bflag:$0x2] =	sbarrier.arrive $0xFFFF  }
0x84: {  	[sflag:s0] =	ssyncadd.tile.s32 @!p0 $0x1;
	_ =	shalt  }
.Lfunc_end2:
_tile_overlayer_lowered:
.L_overlay_start_2:
0x85: {  	(tag) =	ssettag $0x2  }
0x86: {  	s0 =	rddreg [dreg:$0x0];
	s2 =	stileid.u32  }
0x87: {  	s1 =	rddreg [dreg:$0x1];
	p0 =	sne.s32 s2, $0x0  }
0x88: {  	s3 =	rddreg [dreg:$0x2];
	[bflag:$0x3] =	sbarrier.arrive $0xFFFF;
	s2 =	simm.s32 @!p0 $0x1C01  }
0x89: {  	[timem:s3], [sflag:s2] =	dma.local @!p0 [hbm:s0], s1  }
0x8a: {  	s0 =	simm.s32 @!p0 $0x1  }
0x8b: {  	_ =	swait.ge @!p0 [sflag:s0], s1  }
0x8c: {  	s1 =	ssub.s32 @!p0 $0x0, s1;
	[sflag:s0] =	ssyncset.done @!p0 $0x0  }
0x8d: {  	[sflag:s0] =	ssyncadd.s32 @!p0 s1  }
0x8e: {  	[bflag:$0x3] =	sbarrier.arrive $0xFFFF  }
0x8f: {  	_ =	shalt  }

</sc_bundles>
